<compile_context>
chip_gen: v7x
topology: tpu7x:2x2x1
jax: 0.10.2.dev20260603
libtpu: 0.0.44.dev20260713+nightly
codegen_flags: <defaults>
</compile_context>

<pallas_src>
import jax
import jax.numpy as jnp
from jax import lax
from jax.experimental import pallas as pl
from jax.experimental.pallas import tpu as pltpu
from jax.experimental.pallas import tpu_sc as plsc

N = 10000
N2 = 2 * N
E = 320000
D = 128
DH = D // 2
NC = 2
NS = 16
NW = NC * NS
EW = E // NW
G = 80
NG = EW // G
NP = 10240
NP2 = 2 * NP
RPT = NP2 // NS
LANES = 16
NBUF = 4
G2 = 80
NG2 = EW // G2
NB2 = 5


def _prep_body(x_ref, w_ref, al_ref, ar_ref,
               y_ref, el_ref, er_ref):
    i = pl.program_id(0)
    wh = jnp.dot(x_ref[...], w_ref[...], preferred_element_type=jnp.float32)
    el = jnp.dot(wh, al_ref[...], preferred_element_type=jnp.float32)
    er = jnp.dot(wh, ar_ref[...], preferred_element_type=jnp.float32)
    f = jnp.where(i < 10, jnp.exp(er), jnp.exp(0.2 * er))
    y_ref[0] = wh[:, :DH] * f
    y_ref[1] = wh[:, DH:] * f
    el_ref[...] = el
    er_ref[...] = er


def _prep(x, W, a_left, a_right):
    blk = N // 10
    return pl.pallas_call(
        _prep_body,
        grid=(20,),
        in_specs=[
            pl.BlockSpec((blk, D), lambda i: (i % 10, 0)),
            pl.BlockSpec((D, D), lambda i: (0, 0)),
            pl.BlockSpec((D, 1), lambda i: (0, 0)),
            pl.BlockSpec((D, 1), lambda i: (0, 0)),
        ],
        out_specs=[
            pl.BlockSpec((2, blk, DH), lambda i: (0, i, 0)),
            pl.BlockSpec((blk, 1), lambda i: (i % 10, 0)),
            pl.BlockSpec((blk, 1), lambda i: (i % 10, 0)),
        ],
        out_shape=[
            jax.ShapeDtypeStruct((2, N2, DH), jnp.float32),
            jax.ShapeDtypeStruct((N, 1), jnp.float32),
            jax.ShapeDtypeStruct((N, 1), jnp.float32),
        ],
    )(x, W, a_left, a_right)


def _sc1_body(ei_hbm, el_hbm, er_hbm,
              i2_hbm, i3_hbm, psum_hbm,
              src_v, dst_v, el_v, er_v,
              vb0, vb1, vb2, vb3, psh,
              semi, sp0, sp1, sp2, sp3):
    vbufs = [vb0, vb1, vb2, vb3]
    semp = [sp0, sp1, sp2, sp3]

    cid = lax.axis_index("c")
    sid = lax.axis_index("s")
    wid = cid * NS + sid

    cps = [
        pltpu.async_copy(ei_hbm.at[0, wid], src_v, semi),
        pltpu.async_copy(ei_hbm.at[1, wid], dst_v, semi),
        pltpu.async_copy(el_hbm, el_v, semi),
        pltpu.async_copy(er_hbm, er_v, semi),
    ]

    zf = jnp.zeros((LANES,), jnp.float32)

    def _zero_vbufs(g, _):
        for vb in vbufs:
            vb[g] = zf
        return 0

    lax.fori_loop(0, G, _zero_vbufs, 0)
    for k in range(RPT // G):
        pltpu.sync_copy(vb0, psh.at[pl.ds(sid * RPT + k * G, G)])
    for cp in cps:
        cp.wait()
    plsc.subcore_barrier()

    lane_iota = lax.iota(jnp.int32, LANES)
    zi = jnp.zeros((LANES,), jnp.int32)

    def _compute_group(gi, vb):
        for w in range(G // LANES):
            sl = pl.ds(w * LANES, LANES)
            isrc = src_v[gi, sl]
            idst = dst_v[gi, sl]
            elg = plsc.load_gather(el_v, [isrc])
            erg = plsc.load_gather(er_v, [idst])
            pos = (elg + erg) > 0
            v = jnp.exp(jnp.where(pos, erg, 0.2 * erg))
            src_v[gi, sl] = jnp.where(pos, isrc, isrc + NP)
            dst_v[gi, sl] = jnp.where(pos, idst, idst + N)
            plsc.store_scatter(vb, [w * LANES + lane_iota, zi], v)

    _compute_group(0, vb0)
    pltpu.sync_copy(vb0, psh.at[src_v.at[0]], add=True)

    def _p1_step(i, _):
        for j in range(NBUF):
            g = 1 + i * NBUF + j
            k = (1 + j) % NBUF

            @pl.when(g >= 5)
            def _():
                pltpu.make_async_copy(
                    vbufs[k], psh.at[src_v.at[0]], semp[k]).wait()

            _compute_group(g, vbufs[k])
            pltpu.async_copy(vbufs[k], psh.at[src_v.at[g]], semp[k], add=True)
        return 0

    lax.fori_loop(0, (NG - 1) // NBUF, _p1_step, 0)
    for k in range(NBUF):
        pltpu.make_async_copy(vbufs[k], psh.at[src_v.at[0]], semp[k]).wait()
    plsc.subcore_barrier()

    pltpu.sync_copy(psh.at[pl.ds(sid * RPT, RPT)],
                    psum_hbm.at[cid, pl.ds(sid * RPT, RPT)])
    pltpu.sync_copy(dst_v, i2_hbm.at[wid])
    pltpu.sync_copy(src_v, i3_hbm.at[wid])


_sc1_call = pl.kernel(
    _sc1_body,
    out_type=[
        jax.ShapeDtypeStruct((NW, NG, G), jnp.int32),
        jax.ShapeDtypeStruct((NW, NG, G), jnp.int32),
        jax.ShapeDtypeStruct((NC, NP2, LANES), jnp.float32),
    ],
    mesh=plsc.VectorSubcoreMesh(core_axis_name="c", subcore_axis_name="s"),
    compiler_params=pltpu.CompilerParams(
        needs_layout_passes=False, use_tc_tiling_on_sc=False),
    scratch_types=(
        [
            pltpu.VMEM((NG, G), jnp.int32),
            pltpu.VMEM((NG, G), jnp.int32),
            pltpu.VMEM((N,), jnp.float32),
            pltpu.VMEM((N,), jnp.float32),
        ]
        + [pltpu.VMEM((G, LANES), jnp.float32)] * NBUF
        + [pltpu.VMEM_SHARED((NP2, LANES), jnp.float32)]
        + [pltpu.SemaphoreType.DMA] * 5
    ),
)


def _sc2_body(i2_hbm, i3_hbm, ycat_hbm,
              pacc_hbm,
              i2_v, i3_v, r0, r1, r2, r3, r4, acc,
              semi, sg0, sg1, sg2, sg3, sg4, ss0, ss1, ss2, ss3, ss4):
    rows = [r0, r1, r2, r3, r4]
    semg = [sg0, sg1, sg2, sg3, sg4]
    sems = [ss0, ss1, ss2, ss3, ss4]

    cid = lax.axis_index("c")
    sid = lax.axis_index("s")
    y_hbm = ycat_hbm.at[cid]

    zf = jnp.zeros((LANES,), jnp.float32)

    def _zero_r0(g, _):
        for j in range(DH // LANES):
            r0[g, pl.ds(j * LANES, LANES)] = zf
        return 0

    def _grp(ref, g):
        return ref.at[pl.ds(g * G2, G2)]

    lax.fori_loop(0, G2, _zero_r0, 0)
    for k in range(RPT // G):
        pltpu.sync_copy(r0.at[pl.ds(0, G)],
                        acc.at[pl.ds(sid * RPT + k * G, G)])
    plsc.subcore_barrier()

    for chunk in range(2):
        wid = 2 * sid + chunk
        cps = [
            pltpu.async_copy(i2_hbm.at[wid], i2_v, semi),
            pltpu.async_copy(i3_hbm.at[wid], i3_v, semi),
        ]
        for cp in cps:
            cp.wait()

        pltpu.async_copy(y_hbm.at[_grp(i2_v, 0)], r0, semg[0]).wait()
        pltpu.sync_copy(r0, acc.at[_grp(i3_v, 0)], add=True)
        for g in range(1, NB2):
            pltpu.async_copy(y_hbm.at[_grp(i2_v, g)], rows[g % NB2], semg[g % NB2])

        def _p2_body(g, k, kn, gn):
            pltpu.make_async_copy(
                y_hbm.at[_grp(i2_v, 0)], rows[k], semg[k]).wait()
            pltpu.async_copy(rows[k], acc.at[_grp(i3_v, g)], sems[k],
                             add=True)

            @pl.when(gn <= NG2 - 1)
            def _():
                @pl.when(g >= 2)
                def _():
                    pltpu.make_async_copy(
                        rows[kn], acc.at[_grp(i3_v, 0)], sems[kn]).wait()

                pltpu.async_copy(y_hbm.at[_grp(i2_v, gn)], rows[kn],
                                 semg[kn])

        def _p2_step(i, _):
            for j in range(NB2):
                g = 1 + i * NB2 + j
                k = (1 + j) % NB2
                kn = (k + NB2 - 1) % NB2
                _p2_body(g, k, kn, g + NB2 - 1)
            return 0

        nfull = (NG2 - 1) // NB2
        lax.fori_loop(0, nfull, _p2_step, 0)
        for g in range(1 + nfull * NB2, NG2):
            k = g % NB2
            kn = (g + NB2 - 1) % NB2
            gn = g + NB2 - 1
            pltpu.make_async_copy(
                y_hbm.at[_grp(i2_v, 0)], rows[k], semg[k]).wait()
            pltpu.async_copy(rows[k], acc.at[_grp(i3_v, g)], sems[k],
                             add=True)
            if gn <= NG2 - 1:
                pltpu.make_async_copy(
                    rows[kn], acc.at[_grp(i3_v, 0)], sems[kn]).wait()
                pltpu.async_copy(y_hbm.at[_grp(i2_v, gn)], rows[kn],
                                 semg[kn])
        for k in range(NB2):
            pltpu.make_async_copy(
                rows[k], acc.at[_grp(i3_v, 0)], sems[k]).wait()

    plsc.subcore_barrier()
    pltpu.sync_copy(acc.at[pl.ds(sid * RPT, RPT)],
                    pacc_hbm.at[cid, pl.ds(sid * RPT, RPT)])


_sc2_call = pl.kernel(
    _sc2_body,
    out_type=[
        jax.ShapeDtypeStruct((NC, NP2, DH), jnp.float32),
    ],
    mesh=plsc.VectorSubcoreMesh(core_axis_name="c", subcore_axis_name="s"),
    compiler_params=pltpu.CompilerParams(
        needs_layout_passes=False, use_tc_tiling_on_sc=False),
    scratch_types=(
        [
            pltpu.VMEM((EW,), jnp.int32),
            pltpu.VMEM((EW,), jnp.int32),
        ]
        + [pltpu.VMEM((G2, DH), jnp.float32)] * NB2
        + [pltpu.VMEM_SHARED((NP2, DH), jnp.float32)]
        + [pltpu.SemaphoreType.DMA] * (1 + 2 * NB2)
    ),
)


def _fin_body(pacc_ref, ps_ref, el_ref, out_ref):
    el = el_ref[...]
    A = jnp.exp(el)
    A2 = jnp.exp(0.2 * el)
    ps = ps_ref[0] + ps_ref[1]
    SB = jnp.sum(ps[0], axis=1)
    SB2 = jnp.sum(ps[1], axis=1)
    Z = A[:, 0] * SB + A2[:, 0] * SB2
    inv = 1.0 / (Z + 1e-9)
    pa = pacc_ref[...]
    U0 = A * pa[0, 0] + A2 * pa[0, 1]
    U1 = A * pa[1, 0] + A2 * pa[1, 1]
    out_ref[:, :DH] = jnp.maximum(U0 * inv[:, None], 0.0)
    out_ref[:, DH:] = jnp.maximum(U1 * inv[:, None], 0.0)


def _finalize(pacc, psum, elp):
    blk = NP // 8
    return pl.pallas_call(
        _fin_body,
        grid=(8,),
        in_specs=[
            pl.BlockSpec((NC, 2, blk, DH), lambda i: (0, 0, i, 0)),
            pl.BlockSpec((NC, 2, blk, LANES), lambda i: (0, 0, i, 0)),
            pl.BlockSpec((blk, 1), lambda i: (i, 0)),
        ],
        out_specs=pl.BlockSpec((blk, D), lambda i: (i, 0)),
        out_shape=jax.ShapeDtypeStruct((NP, D), jnp.float32),
    )(pacc, psum, elp)


def kernel(x, edge_index, W, a_left, a_right):
    ycat, el, er = _prep(x, W, a_left, a_right)
    ei2 = edge_index.reshape(2, NW, NG, G)
    i2, i3, psum = _sc1_call(ei2, el.reshape(N), er.reshape(N))
    pacc, = _sc2_call(i2.reshape(NW, EW), i3.reshape(NW, EW), ycat)
    elp = jnp.pad(el, ((0, NP - N), (0, 0)))
    out = _finalize(pacc.reshape(NC, 2, NP, DH),
                    psum.reshape(NC, 2, NP, LANES), elp)
    return out[:N]

# --- scband reference (transcript-rebuilt; emitter-appended) ---
"""Pipeline reference for scband-graph-attention-88502096101456 (READ-ONLY COPY).

The authoritative reference and input builder live on the scoring server;
editing this copy changes nothing except your own understanding.
"""

import jax, jax.numpy as jnp
import numpy as np
import math

N_NODES = 10000
N_EDGES = 320000
D_FEAT = 128

def setup_inputs(seed: int = 0) -> dict:
    key = jax.random.key(seed)
    k1, k2, k3, k4, k5 = jax.random.split(key, 5)
    x = jax.random.normal(k1, (N_NODES, D_FEAT), dtype=jnp.float32)
    edge_index = jax.random.randint(k2, (2, N_EDGES), 0, N_NODES, dtype=jnp.int32)
    gain = 1.414
    lim_W = gain * math.sqrt(6.0 / (D_FEAT + D_FEAT))
    W = jax.random.uniform(k3, (D_FEAT, D_FEAT), minval=-lim_W, maxval=lim_W, dtype=jnp.float32)
    lim_a = gain * math.sqrt(6.0 / (D_FEAT + 1))
    a_left = jax.random.uniform(k4, (D_FEAT, 1), minval=-lim_a, maxval=lim_a, dtype=jnp.float32)
    a_right = jax.random.uniform(k5, (D_FEAT, 1), minval=-lim_a, maxval=lim_a, dtype=jnp.float32)
    return {"x": x, "edge_index": edge_index, "W": W, "a_left": a_left, "a_right": a_right}

def reference(x, edge_index, W, a_left, a_right):
    N = x.shape[0]
    alpha_slope = 0.2
    Wh = x @ W
    e_left = (Wh @ a_left)[:, 0]
    e_right = (Wh @ a_right)[:, 0]
    src = edge_index[0]
    dst = edge_index[1]
    e = e_left[src] + e_right[dst]
    e = jnp.where(e > 0, e, alpha_slope * e)  # LeakyReLU(0.2)
    e_max = jax.ops.segment_max(e, src, num_segments=N)
    # torch scatter_reduce amax with include_self=False leaves zeros for empty segments
    e_max = jnp.where(jnp.isfinite(e_max), e_max, 0.0)
    e_exp = jnp.exp(e - e_max[src])
    e_sum = jax.ops.segment_sum(e_exp, src, num_segments=N)
    att = e_exp / (e_sum[src] + 1e-09)
    messages = att[:, None] * Wh[dst]
    output = jax.ops.segment_sum(messages, src, num_segments=N)
    output = jax.nn.relu(output)
    return output

if __name__ == "__main__":
    import jax
    _d = setup_inputs()
    print(jax.jit(kernel)(*tuple(_d.values())))

</pallas_src>

<mosaic_0001>
#map = affine_map<(d0, d1) -> (0, 0, 0, 0)>
#map1 = affine_map<(d0, d1) -> (0)>
#map2 = affine_map<(d0, d1) -> (0, 0, 0)>
module attributes {stable_mosaic.version = 14 : i64} {
  func.func @_sc1_body(%arg0: i32, %arg1: i32, %arg2: memref<2x32x125x80xi32, #tpu.memory_space<hbm>>, %arg3: memref<10000xf32, #tpu.memory_space<hbm>>, %arg4: memref<10000xf32, #tpu.memory_space<hbm>>, %arg5: memref<32x125x80xi32, #tpu.memory_space<hbm>>, %arg6: memref<32x125x80xi32, #tpu.memory_space<hbm>>, %arg7: memref<2x20480x16xf32, #tpu.memory_space<hbm>>, %arg8: memref<125x80xi32, #tpu.memory_space<vmem>>, %arg9: memref<125x80xi32, #tpu.memory_space<vmem>>, %arg10: memref<10000xf32, #tpu.memory_space<vmem>>, %arg11: memref<10000xf32, #tpu.memory_space<vmem>>, %arg12: memref<80x16xf32, #tpu.memory_space<vmem>>, %arg13: memref<80x16xf32, #tpu.memory_space<vmem>>, %arg14: memref<80x16xf32, #tpu.memory_space<vmem>>, %arg15: memref<80x16xf32, #tpu.memory_space<vmem>>, %arg16: memref<20480x16xf32, #tpu.memory_space<vmem_shared>>, %arg17: memref<!tpu.dma_semaphore, #tpu.memory_space<semaphore_mem>>, %arg18: memref<!tpu.dma_semaphore, #tpu.memory_space<semaphore_mem>>, %arg19: memref<!tpu.dma_semaphore, #tpu.memory_space<semaphore_mem>>, %arg20: memref<!tpu.dma_semaphore, #tpu.memory_space<semaphore_mem>>, %arg21: memref<!tpu.dma_semaphore, #tpu.memory_space<semaphore_mem>>) attributes {dimension_semantics = [#tpu.dimension_semantics<core_parallel>, #tpu.dimension_semantics<subcore_parallel>], iteration_bounds = array<i64: 2, 16>, scalar_prefetch = 0 : i64, scratch_operands = 14 : i64, tpu.core_type = #tpu.core_type<sc_vector_subcore>, window_params = [{transform_indices = #map}, {transform_indices = #map1}, {transform_indices = #map1}, {transform_indices = #map2}, {transform_indices = #map2}, {transform_indices = #map2}]} {
    %mul3A = arith.constant 16 : i32
    %mul3A_0 = arith.muli %arg0, %mul3A : i32
    %add3A = arith.addi %mul3A_0, %arg1 : i32
    %dma_start3A = arith.constant 0 : i32
    %dma_start3A_1 = arith.constant 0 : i32
    %dma_start3A_2 = arith.constant 0 : i32
    %dma_start3A_3 = tpu.memref_slice %arg2[%dma_start3A, %add3A, %dma_start3A_1, %dma_start3A_2] : memref<2x32x125x80xi32, #tpu.memory_space<hbm>> -> memref<1x1x125x80xi32, #tpu.memory_space<hbm>>
    %dma_start3A_4 = tpu.memref_squeeze %dma_start3A_3 : memref<1x1x125x80xi32, #tpu.memory_space<hbm>> -> memref<125x80xi32, #tpu.memory_space<hbm>>
    %dma_start3A_5 = arith.constant 0 : i32
    %dma_start3A_6 = arith.constant 0 : i32
    %dma_start3A_7 = tpu.memref_slice %arg2[%dma_start3A, %add3A, %dma_start3A_5, %dma_start3A_6] : memref<2x32x125x80xi32, #tpu.memory_space<hbm>> -> memref<1x1x125x80xi32, #tpu.memory_space<hbm>>
    %dma_start3A_8 = tpu.memref_squeeze %dma_start3A_7 : memref<1x1x125x80xi32, #tpu.memory_space<hbm>> -> memref<125x80xi32, #tpu.memory_space<hbm>>
    tpu.enqueue_dma source(%dma_start3A_8 : memref<125x80xi32, #tpu.memory_space<hbm>>) target(%arg8 : memref<125x80xi32, #tpu.memory_space<vmem>>) target_semaphore(%arg17 : memref<!tpu.dma_semaphore, #tpu.memory_space<semaphore_mem>>)
    %dma_start3A_9 = arith.constant 1 : i32
    %dma_start3A_10 = arith.constant 0 : i32
    %dma_start3A_11 = arith.constant 0 : i32
    %dma_start3A_12 = tpu.memref_slice %arg2[%dma_start3A_9, %add3A, %dma_start3A_10, %dma_start3A_11] : memref<2x32x125x80xi32, #tpu.memory_space<hbm>> -> memref<1x1x125x80xi32, #tpu.memory_space<hbm>>
    %dma_start3A_13 = tpu.memref_squeeze %dma_start3A_12 : memref<1x1x125x80xi32, #tpu.memory_space<hbm>> -> memref<125x80xi32, #tpu.memory_space<hbm>>
    %dma_start3A_14 = arith.constant 0 : i32
    %dma_start3A_15 = arith.constant 0 : i32
    %dma_start3A_16 = tpu.memref_slice %arg2[%dma_start3A_9, %add3A, %dma_start3A_14, %dma_start3A_15] : memref<2x32x125x80xi32, #tpu.memory_space<hbm>> -> memref<1x1x125x80xi32, #tpu.memory_space<hbm>>
    %dma_start3A_17 = tpu.memref_squeeze %dma_start3A_16 : memref<1x1x125x80xi32, #tpu.memory_space<hbm>> -> memref<125x80xi32, #tpu.memory_space<hbm>>
    tpu.enqueue_dma source(%dma_start3A_17 : memref<125x80xi32, #tpu.memory_space<hbm>>) target(%arg9 : memref<125x80xi32, #tpu.memory_space<vmem>>) target_semaphore(%arg17 : memref<!tpu.dma_semaphore, #tpu.memory_space<semaphore_mem>>)
    tpu.enqueue_dma source(%arg3 : memref<10000xf32, #tpu.memory_space<hbm>>) target(%arg10 : memref<10000xf32, #tpu.memory_space<vmem>>) target_semaphore(%arg17 : memref<!tpu.dma_semaphore, #tpu.memory_space<semaphore_mem>>)
    tpu.enqueue_dma source(%arg4 : memref<10000xf32, #tpu.memory_space<hbm>>) target(%arg11 : memref<10000xf32, #tpu.memory_space<vmem>>) target_semaphore(%arg17 : memref<!tpu.dma_semaphore, #tpu.memory_space<semaphore_mem>>)
    %broadcast_in_dim3A = arith.constant 0.000000e+00 : f32
    %broadcast_in_dim3A_18 = vector.broadcast %broadcast_in_dim3A : f32 to vector<16xf32>
    %scan3A = arith.constant 0 : i32
    %scan3A_19 = arith.constant 0 : i32
    %scan3A_20 = arith.constant 80 : i32
    %scan3A_21 = arith.addi %scan3A_19, %scan3A_20 : i32
    %scan3A_22 = arith.constant 1 : i32
    %scan3A_23 = scf.for %scan3A_332 = %scan3A_19 to %scan3A_21 step %scan3A_22 iter_args(%scan3A_333 = %scan3A) -> (i32)  : i32 {
      %swap3A_334 = arith.index_cast %scan3A_332 : i32 to index
      %swap3A_335 = arith.constant 0 : index
      %swap3A_336 = tpu.vector_load %arg12[%swap3A_334, %swap3A_335] {strides = array<i32>} : memref<80x16xf32, #tpu.memory_space<vmem>>, vector<16xf32>,
      tpu.vector_store %arg12[%swap3A_334, %swap3A_335], %broadcast_in_dim3A_18 {strides = array<i32>} : memref<80x16xf32, #tpu.memory_space<vmem>>, vector<16xf32>,
      %swap3A_337 = arith.index_cast %scan3A_332 : i32 to index
      %swap3A_338 = arith.constant 0 : index
      %swap3A_339 = tpu.vector_load %arg13[%swap3A_337, %swap3A_338] {strides = array<i32>} : memref<80x16xf32, #tpu.memory_space<vmem>>, vector<16xf32>,
      tpu.vector_store %arg13[%swap3A_337, %swap3A_338], %broadcast_in_dim3A_18 {strides = array<i32>} : memref<80x16xf32, #tpu.memory_space<vmem>>, vector<16xf32>,
      %swap3A_340 = arith.index_cast %scan3A_332 : i32 to index
      %swap3A_341 = arith.constant 0 : index
      %swap3A_342 = tpu.vector_load %arg14[%swap3A_340, %swap3A_341] {strides = array<i32>} : memref<80x16xf32, #tpu.memory_space<vmem>>, vector<16xf32>,
      tpu.vector_store %arg14[%swap3A_340, %swap3A_341], %broadcast_in_dim3A_18 {strides = array<i32>} : memref<80x16xf32, #tpu.memory_space<vmem>>, vector<16xf32>,
      %swap3A_343 = arith.index_cast %scan3A_332 : i32 to index
      %swap3A_344 = arith.constant 0 : index
      %swap3A_345 = tpu.vector_load %arg15[%swap3A_343, %swap3A_344] {strides = array<i32>} : memref<80x16xf32, #tpu.memory_space<vmem>>, vector<16xf32>,
      tpu.vector_store %arg15[%swap3A_343, %swap3A_344], %broadcast_in_dim3A_18 {strides = array<i32>} : memref<80x16xf32, #tpu.memory_space<vmem>>, vector<16xf32>,
      %scan3A_346 = arith.constant 0 : i32
      scf.yield %scan3A_346 : i32
    }
    %scan3A_24 = arith.constant 80 : i32
    %mul3A_25 = arith.constant 1280 : i32
    %mul3A_26 = arith.muli %arg1, %mul3A_25 : i32
    %add3A_27 = arith.constant 0 : i32
    %add3A_28 = arith.addi %mul3A_26, %add3A_27 : i32
    "tpu.region"() ({
      %run_scoped3A_332 = tpu.sem_alloc : memref<!tpu.dma_semaphore, #tpu.memory_space<semaphore_mem>>
      %dma_start3A_333 = arith.constant 0 : i32
      %dma_start3A_334 = tpu.memref_slice %arg16[%add3A_28, %dma_start3A_333] : memref<20480x16xf32, #tpu.memory_space<vmem_shared>> -> memref<80x16xf32, #tpu.memory_space<vmem_shared>>
      %dma_start3A_335 = arith.constant 0 : i32
      %dma_start3A_336 = tpu.memref_slice %arg16[%add3A_28, %dma_start3A_335] : memref<20480x16xf32, #tpu.memory_space<vmem_shared>> -> memref<80x16xf32, #tpu.memory_space<vmem_shared>>
      tpu.enqueue_dma source(%arg12 : memref<80x16xf32, #tpu.memory_space<vmem>>) target(%dma_start3A_336 : memref<80x16xf32, #tpu.memory_space<vmem_shared>>) target_semaphore(%run_scoped3A_332 : memref<!tpu.dma_semaphore, #tpu.memory_space<semaphore_mem>>)
      %dma_wait3A_337 = arith.constant 0 : i32
      %dma_wait3A_338 = tpu.memref_slice %arg16[%add3A_28, %dma_wait3A_337] : memref<20480x16xf32, #tpu.memory_space<vmem_shared>> -> memref<80x16xf32, #tpu.memory_space<vmem_shared>>
      %dma_wait3A_339 = arith.constant 0 : i32
      %dma_wait3A_340 = tpu.memref_slice %arg16[%add3A_28, %dma_wait3A_339] : memref<20480x16xf32, #tpu.memory_space<vmem_shared>> -> memref<80x16xf32, #tpu.memory_space<vmem_shared>>
      tpu.wait_dma2 semaphore(%run_scoped3A_332 : memref<!tpu.dma_semaphore, #tpu.memory_space<semaphore_mem>>) src(%arg12 : memref<80x16xf32, #tpu.memory_space<vmem>>) dst(%dma_wait3A_340 : memref<80x16xf32, #tpu.memory_space<vmem_shared>>)
      tpu.yield
    }) : () -> ()
    %mul3A_29 = arith.constant 1280 : i32
    %mul3A_30 = arith.muli %arg1, %mul3A_29 : i32
    %add3A_31 = arith.constant 80 : i32
    %add3A_32 = arith.addi %mul3A_30, %add3A_31 : i32
    "tpu.region"() ({
      %run_scoped3A_332 = tpu.sem_alloc : memref<!tpu.dma_semaphore, #tpu.memory_space<semaphore_mem>>
      %dma_start3A_333 = arith.constant 0 : i32
      %dma_start3A_334 = tpu.memref_slice %arg16[%add3A_32, %dma_start3A_333] : memref<20480x16xf32, #tpu.memory_space<vmem_shared>> -> memref<80x16xf32, #tpu.memory_space<vmem_shared>>
      %dma_start3A_335 = arith.constant 0 : i32
      %dma_start3A_336 = tpu.memref_slice %arg16[%add3A_32, %dma_start3A_335] : memref<20480x16xf32, #tpu.memory_space<vmem_shared>> -> memref<80x16xf32, #tpu.memory_space<vmem_shared>>
      tpu.enqueue_dma source(%arg12 : memref<80x16xf32, #tpu.memory_space<vmem>>) target(%dma_start3A_336 : memref<80x16xf32, #tpu.memory_space<vmem_shared>>) target_semaphore(%run_scoped3A_332 : memref<!tpu.dma_semaphore, #tpu.memory_space<semaphore_mem>>)
      %dma_wait3A_337 = arith.constant 0 : i32
      %dma_wait3A_338 = tpu.memref_slice %arg16[%add3A_32, %dma_wait3A_337] : memref<20480x16xf32, #tpu.memory_space<vmem_shared>> -> memref<80x16xf32, #tpu.memory_space<vmem_shared>>
      %dma_wait3A_339 = arith.constant 0 : i32
      %dma_wait3A_340 = tpu.memref_slice %arg16[%add3A_32, %dma_wait3A_339] : memref<20480x16xf32, #tpu.memory_space<vmem_shared>> -> memref<80x16xf32, #tpu.memory_space<vmem_shared>>
      tpu.wait_dma2 semaphore(%run_scoped3A_332 : memref<!tpu.dma_semaphore, #tpu.memory_space<semaphore_mem>>) src(%arg12 : memref<80x16xf32, #tpu.memory_space<vmem>>) dst(%dma_wait3A_340 : memref<80x16xf32, #tpu.memory_space<vmem_shared>>)
      tpu.yield
    }) : () -> ()
    %mul3A_33 = arith.constant 1280 : i32
    %mul3A_34 = arith.muli %arg1, %mul3A_33 : i32
    %add3A_35 = arith.constant 160 : i32
    %add3A_36 = arith.addi %mul3A_34, %add3A_35 : i32
    "tpu.region"() ({
      %run_scoped3A_332 = tpu.sem_alloc : memref<!tpu.dma_semaphore, #tpu.memory_space<semaphore_mem>>
      %dma_start3A_333 = arith.constant 0 : i32
      %dma_start3A_334 = tpu.memref_slice %arg16[%add3A_36, %dma_start3A_333] : memref<20480x16xf32, #tpu.memory_space<vmem_shared>> -> memref<80x16xf32, #tpu.memory_space<vmem_shared>>
      %dma_start3A_335 = arith.constant 0 : i32
      %dma_start3A_336 = tpu.memref_slice %arg16[%add3A_36, %dma_start3A_335] : memref<20480x16xf32, #tpu.memory_space<vmem_shared>> -> memref<80x16xf32, #tpu.memory_space<vmem_shared>>
      tpu.enqueue_dma source(%arg12 : memref<80x16xf32, #tpu.memory_space<vmem>>) target(%dma_start3A_336 : memref<80x16xf32, #tpu.memory_space<vmem_shared>>) target_semaphore(%run_scoped3A_332 : memref<!tpu.dma_semaphore, #tpu.memory_space<semaphore_mem>>)
      %dma_wait3A_337 = arith.constant 0 : i32
      %dma_wait3A_338 = tpu.memref_slice %arg16[%add3A_36, %dma_wait3A_337] : memref<20480x16xf32, #tpu.memory_space<vmem_shared>> -> memref<80x16xf32, #tpu.memory_space<vmem_shared>>
      %dma_wait3A_339 = arith.constant 0 : i32
      %dma_wait3A_340 = tpu.memref_slice %arg16[%add3A_36, %dma_wait3A_339] : memref<20480x16xf32, #tpu.memory_space<vmem_shared>> -> memref<80x16xf32, #tpu.memory_space<vmem_shared>>
      tpu.wait_dma2 semaphore(%run_scoped3A_332 : memref<!tpu.dma_semaphore, #tpu.memory_space<semaphore_mem>>) src(%arg12 : memref<80x16xf32, #tpu.memory_space<vmem>>) dst(%dma_wait3A_340 : memref<80x16xf32, #tpu.memory_space<vmem_shared>>)
      tpu.yield
    }) : () -> ()
    %mul3A_37 = arith.constant 1280 : i32
    %mul3A_38 = arith.muli %arg1, %mul3A_37 : i32
    %add3A_39 = arith.constant 240 : i32
    %add3A_40 = arith.addi %mul3A_38, %add3A_39 : i32
    "tpu.region"() ({
      %run_scoped3A_332 = tpu.sem_alloc : memref<!tpu.dma_semaphore, #tpu.memory_space<semaphore_mem>>
      %dma_start3A_333 = arith.constant 0 : i32
      %dma_start3A_334 = tpu.memref_slice %arg16[%add3A_40, %dma_start3A_333] : memref<20480x16xf32, #tpu.memory_space<vmem_shared>> -> memref<80x16xf32, #tpu.memory_space<vmem_shared>>
      %dma_start3A_335 = arith.constant 0 : i32
      %dma_start3A_336 = tpu.memref_slice %arg16[%add3A_40, %dma_start3A_335] : memref<20480x16xf32, #tpu.memory_space<vmem_shared>> -> memref<80x16xf32, #tpu.memory_space<vmem_shared>>
      tpu.enqueue_dma source(%arg12 : memref<80x16xf32, #tpu.memory_space<vmem>>) target(%dma_start3A_336 : memref<80x16xf32, #tpu.memory_space<vmem_shared>>) target_semaphore(%run_scoped3A_332 : memref<!tpu.dma_semaphore, #tpu.memory_space<semaphore_mem>>)
      %dma_wait3A_337 = arith.constant 0 : i32
      %dma_wait3A_338 = tpu.memref_slice %arg16[%add3A_40, %dma_wait3A_337] : memref<20480x16xf32, #tpu.memory_space<vmem_shared>> -> memref<80x16xf32, #tpu.memory_space<vmem_shared>>
      %dma_wait3A_339 = arith.constant 0 : i32
      %dma_wait3A_340 = tpu.memref_slice %arg16[%add3A_40, %dma_wait3A_339] : memref<20480x16xf32, #tpu.memory_space<vmem_shared>> -> memref<80x16xf32, #tpu.memory_space<vmem_shared>>
      tpu.wait_dma2 semaphore(%run_scoped3A_332 : memref<!tpu.dma_semaphore, #tpu.memory_space<semaphore_mem>>) src(%arg12 : memref<80x16xf32, #tpu.memory_space<vmem>>) dst(%dma_wait3A_340 : memref<80x16xf32, #tpu.memory_space<vmem_shared>>)
      tpu.yield
    }) : () -> ()
    %mul3A_41 = arith.constant 1280 : i32
    %mul3A_42 = arith.muli %arg1, %mul3A_41 : i32
    %add3A_43 = arith.constant 320 : i32
    %add3A_44 = arith.addi %mul3A_42, %add3A_43 : i32
    "tpu.region"() ({
      %run_scoped3A_332 = tpu.sem_alloc : memref<!tpu.dma_semaphore, #tpu.memory_space<semaphore_mem>>
      %dma_start3A_333 = arith.constant 0 : i32
      %dma_start3A_334 = tpu.memref_slice %arg16[%add3A_44, %dma_start3A_333] : memref<20480x16xf32, #tpu.memory_space<vmem_shared>> -> memref<80x16xf32, #tpu.memory_space<vmem_shared>>
      %dma_start3A_335 = arith.constant 0 : i32
      %dma_start3A_336 = tpu.memref_slice %arg16[%add3A_44, %dma_start3A_335] : memref<20480x16xf32, #tpu.memory_space<vmem_shared>> -> memref<80x16xf32, #tpu.memory_space<vmem_shared>>
      tpu.enqueue_dma source(%arg12 : memref<80x16xf32, #tpu.memory_space<vmem>>) target(%dma_start3A_336 : memref<80x16xf32, #tpu.memory_space<vmem_shared>>) target_semaphore(%run_scoped3A_332 : memref<!tpu.dma_semaphore, #tpu.memory_space<semaphore_mem>>)
      %dma_wait3A_337 = arith.constant 0 : i32
      %dma_wait3A_338 = tpu.memref_slice %arg16[%add3A_44, %dma_wait3A_337] : memref<20480x16xf32, #tpu.memory_space<vmem_shared>> -> memref<80x16xf32, #tpu.memory_space<vmem_shared>>
      %dma_wait3A_339 = arith.constant 0 : i32
      %dma_wait3A_340 = tpu.memref_slice %arg16[%add3A_44, %dma_wait3A_339] : memref<20480x16xf32, #tpu.memory_space<vmem_shared>> -> memref<80x16xf32, #tpu.memory_space<vmem_shared>>
      tpu.wait_dma2 semaphore(%run_scoped3A_332 : memref<!tpu.dma_semaphore, #tpu.memory_space<semaphore_mem>>) src(%arg12 : memref<80x16xf32, #tpu.memory_space<vmem>>) dst(%dma_wait3A_340 : memref<80x16xf32, #tpu.memory_space<vmem_shared>>)
      tpu.yield
    }) : () -> ()
    %mul3A_45 = arith.constant 1280 : i32
    %mul3A_46 = arith.muli %arg1, %mul3A_45 : i32
    %add3A_47 = arith.constant 400 : i32
    %add3A_48 = arith.addi %mul3A_46, %add3A_47 : i32
    "tpu.region"() ({
      %run_scoped3A_332 = tpu.sem_alloc : memref<!tpu.dma_semaphore, #tpu.memory_space<semaphore_mem>>
      %dma_start3A_333 = arith.constant 0 : i32
      %dma_start3A_334 = tpu.memref_slice %arg16[%add3A_48, %dma_start3A_333] : memref<20480x16xf32, #tpu.memory_space<vmem_shared>> -> memref<80x16xf32, #tpu.memory_space<vmem_shared>>
      %dma_start3A_335 = arith.constant 0 : i32
      %dma_start3A_336 = tpu.memref_slice %arg16[%add3A_48, %dma_start3A_335] : memref<20480x16xf32, #tpu.memory_space<vmem_shared>> -> memref<80x16xf32, #tpu.memory_space<vmem_shared>>
      tpu.enqueue_dma source(%arg12 : memref<80x16xf32, #tpu.memory_space<vmem>>) target(%dma_start3A_336 : memref<80x16xf32, #tpu.memory_space<vmem_shared>>) target_semaphore(%run_scoped3A_332 : memref<!tpu.dma_semaphore, #tpu.memory_space<semaphore_mem>>)
      %dma_wait3A_337 = arith.constant 0 : i32
      %dma_wait3A_338 = tpu.memref_slice %arg16[%add3A_48, %dma_wait3A_337] : memref<20480x16xf32, #tpu.memory_space<vmem_shared>> -> memref<80x16xf32, #tpu.memory_space<vmem_shared>>
      %dma_wait3A_339 = arith.constant 0 : i32
      %dma_wait3A_340 = tpu.memref_slice %arg16[%add3A_48, %dma_wait3A_339] : memref<20480x16xf32, #tpu.memory_space<vmem_shared>> -> memref<80x16xf32, #tpu.memory_space<vmem_shared>>
      tpu.wait_dma2 semaphore(%run_scoped3A_332 : memref<!tpu.dma_semaphore, #tpu.memory_space<semaphore_mem>>) src(%arg12 : memref<80x16xf32, #tpu.memory_space<vmem>>) dst(%dma_wait3A_340 : memref<80x16xf32, #tpu.memory_space<vmem_shared>>)
      tpu.yield
    }) : () -> ()
    %mul3A_49 = arith.constant 1280 : i32
    %mul3A_50 = arith.muli %arg1, %mul3A_49 : i32
    %add3A_51 = arith.constant 480 : i32
    %add3A_52 = arith.addi %mul3A_50, %add3A_51 : i32
    "tpu.region"() ({
      %run_scoped3A_332 = tpu.sem_alloc : memref<!tpu.dma_semaphore, #tpu.memory_space<semaphore_mem>>
      %dma_start3A_333 = arith.constant 0 : i32
      %dma_start3A_334 = tpu.memref_slice %arg16[%add3A_52, %dma_start3A_333] : memref<20480x16xf32, #tpu.memory_space<vmem_shared>> -> memref<80x16xf32, #tpu.memory_space<vmem_shared>>
      %dma_start3A_335 = arith.constant 0 : i32
      %dma_start3A_336 = tpu.memref_slice %arg16[%add3A_52, %dma_start3A_335] : memref<20480x16xf32, #tpu.memory_space<vmem_shared>> -> memref<80x16xf32, #tpu.memory_space<vmem_shared>>
      tpu.enqueue_dma source(%arg12 : memref<80x16xf32, #tpu.memory_space<vmem>>) target(%dma_start3A_336 : memref<80x16xf32, #tpu.memory_space<vmem_shared>>) target_semaphore(%run_scoped3A_332 : memref<!tpu.dma_semaphore, #tpu.memory_space<semaphore_mem>>)
      %dma_wait3A_337 = arith.constant 0 : i32
      %dma_wait3A_338 = tpu.memref_slice %arg16[%add3A_52, %dma_wait3A_337] : memref<20480x16xf32, #tpu.memory_space<vmem_shared>> -> memref<80x16xf32, #tpu.memory_space<vmem_shared>>
      %dma_wait3A_339 = arith.constant 0 : i32
      %dma_wait3A_340 = tpu.memref_slice %arg16[%add3A_52, %dma_wait3A_339] : memref<20480x16xf32, #tpu.memory_space<vmem_shared>> -> memref<80x16xf32, #tpu.memory_space<vmem_shared>>
      tpu.wait_dma2 semaphore(%run_scoped3A_332 : memref<!tpu.dma_semaphore, #tpu.memory_space<semaphore_mem>>) src(%arg12 : memref<80x16xf32, #tpu.memory_space<vmem>>) dst(%dma_wait3A_340 : memref<80x16xf32, #tpu.memory_space<vmem_shared>>)
      tpu.yield
    }) : () -> ()
    %mul3A_53 = arith.constant 1280 : i32
    %mul3A_54 = arith.muli %arg1, %mul3A_53 : i32
    %add3A_55 = arith.constant 560 : i32
    %add3A_56 = arith.addi %mul3A_54, %add3A_55 : i32
    "tpu.region"() ({
      %run_scoped3A_332 = tpu.sem_alloc : memref<!tpu.dma_semaphore, #tpu.memory_space<semaphore_mem>>
      %dma_start3A_333 = arith.constant 0 : i32
      %dma_start3A_334 = tpu.memref_slice %arg16[%add3A_56, %dma_start3A_333] : memref<20480x16xf32, #tpu.memory_space<vmem_shared>> -> memref<80x16xf32, #tpu.memory_space<vmem_shared>>
      %dma_start3A_335 = arith.constant 0 : i32
      %dma_start3A_336 = tpu.memref_slice %arg16[%add3A_56, %dma_start3A_335] : memref<20480x16xf32, #tpu.memory_space<vmem_shared>> -> memref<80x16xf32, #tpu.memory_space<vmem_shared>>
      tpu.enqueue_dma source(%arg12 : memref<80x16xf32, #tpu.memory_space<vmem>>) target(%dma_start3A_336 : memref<80x16xf32, #tpu.memory_space<vmem_shared>>) target_semaphore(%run_scoped3A_332 : memref<!tpu.dma_semaphore, #tpu.memory_space<semaphore_mem>>)
      %dma_wait3A_337 = arith.constant 0 : i32
      %dma_wait3A_338 = tpu.memref_slice %arg16[%add3A_56, %dma_wait3A_337] : memref<20480x16xf32, #tpu.memory_space<vmem_shared>> -> memref<80x16xf32, #tpu.memory_space<vmem_shared>>
      %dma_wait3A_339 = arith.constant 0 : i32
      %dma_wait3A_340 = tpu.memref_slice %arg16[%add3A_56, %dma_wait3A_339] : memref<20480x16xf32, #tpu.memory_space<vmem_shared>> -> memref<80x16xf32, #tpu.memory_space<vmem_shared>>
      tpu.wait_dma2 semaphore(%run_scoped3A_332 : memref<!tpu.dma_semaphore, #tpu.memory_space<semaphore_mem>>) src(%arg12 : memref<80x16xf32, #tpu.memory_space<vmem>>) dst(%dma_wait3A_340 : memref<80x16xf32, #tpu.memory_space<vmem_shared>>)
      tpu.yield
    }) : () -> ()
    %mul3A_57 = arith.constant 1280 : i32
    %mul3A_58 = arith.muli %arg1, %mul3A_57 : i32
    %add3A_59 = arith.constant 640 : i32
    %add3A_60 = arith.addi %mul3A_58, %add3A_59 : i32
    "tpu.region"() ({
      %run_scoped3A_332 = tpu.sem_alloc : memref<!tpu.dma_semaphore, #tpu.memory_space<semaphore_mem>>
      %dma_start3A_333 = arith.constant 0 : i32
      %dma_start3A_334 = tpu.memref_slice %arg16[%add3A_60, %dma_start3A_333] : memref<20480x16xf32, #tpu.memory_space<vmem_shared>> -> memref<80x16xf32, #tpu.memory_space<vmem_shared>>
      %dma_start3A_335 = arith.constant 0 : i32
      %dma_start3A_336 = tpu.memref_slice %arg16[%add3A_60, %dma_start3A_335] : memref<20480x16xf32, #tpu.memory_space<vmem_shared>> -> memref<80x16xf32, #tpu.memory_space<vmem_shared>>
      tpu.enqueue_dma source(%arg12 : memref<80x16xf32, #tpu.memory_space<vmem>>) target(%dma_start3A_336 : memref<80x16xf32, #tpu.memory_space<vmem_shared>>) target_semaphore(%run_scoped3A_332 : memref<!tpu.dma_semaphore, #tpu.memory_space<semaphore_mem>>)
      %dma_wait3A_337 = arith.constant 0 : i32
      %dma_wait3A_338 = tpu.memref_slice %arg16[%add3A_60, %dma_wait3A_337] : memref<20480x16xf32, #tpu.memory_space<vmem_shared>> -> memref<80x16xf32, #tpu.memory_space<vmem_shared>>
      %dma_wait3A_339 = arith.constant 0 : i32
      %dma_wait3A_340 = tpu.memref_slice %arg16[%add3A_60, %dma_wait3A_339] : memref<20480x16xf32, #tpu.memory_space<vmem_shared>> -> memref<80x16xf32, #tpu.memory_space<vmem_shared>>
      tpu.wait_dma2 semaphore(%run_scoped3A_332 : memref<!tpu.dma_semaphore, #tpu.memory_space<semaphore_mem>>) src(%arg12 : memref<80x16xf32, #tpu.memory_space<vmem>>) dst(%dma_wait3A_340 : memref<80x16xf32, #tpu.memory_space<vmem_shared>>)
      tpu.yield
    }) : () -> ()
    %mul3A_61 = arith.constant 1280 : i32
    %mul3A_62 = arith.muli %arg1, %mul3A_61 : i32
    %add3A_63 = arith.constant 720 : i32
    %add3A_64 = arith.addi %mul3A_62, %add3A_63 : i32
    "tpu.region"() ({
      %run_scoped3A_332 = tpu.sem_alloc : memref<!tpu.dma_semaphore, #tpu.memory_space<semaphore_mem>>
      %dma_start3A_333 = arith.constant 0 : i32
      %dma_start3A_334 = tpu.memref_slice %arg16[%add3A_64, %dma_start3A_333] : memref<20480x16xf32, #tpu.memory_space<vmem_shared>> -> memref<80x16xf32, #tpu.memory_space<vmem_shared>>
      %dma_start3A_335 = arith.constant 0 : i32
      %dma_start3A_336 = tpu.memref_slice %arg16[%add3A_64, %dma_start3A_335] : memref<20480x16xf32, #tpu.memory_space<vmem_shared>> -> memref<80x16xf32, #tpu.memory_space<vmem_shared>>
      tpu.enqueue_dma source(%arg12 : memref<80x16xf32, #tpu.memory_space<vmem>>) target(%dma_start3A_336 : memref<80x16xf32, #tpu.memory_space<vmem_shared>>) target_semaphore(%run_scoped3A_332 : memref<!tpu.dma_semaphore, #tpu.memory_space<semaphore_mem>>)
      %dma_wait3A_337 = arith.constant 0 : i32
      %dma_wait3A_338 = tpu.memref_slice %arg16[%add3A_64, %dma_wait3A_337] : memref<20480x16xf32, #tpu.memory_space<vmem_shared>> -> memref<80x16xf32, #tpu.memory_space<vmem_shared>>
      %dma_wait3A_339 = arith.constant 0 : i32
      %dma_wait3A_340 = tpu.memref_slice %arg16[%add3A_64, %dma_wait3A_339] : memref<20480x16xf32, #tpu.memory_space<vmem_shared>> -> memref<80x16xf32, #tpu.memory_space<vmem_shared>>
      tpu.wait_dma2 semaphore(%run_scoped3A_332 : memref<!tpu.dma_semaphore, #tpu.memory_space<semaphore_mem>>) src(%arg12 : memref<80x16xf32, #tpu.memory_space<vmem>>) dst(%dma_wait3A_340 : memref<80x16xf32, #tpu.memory_space<vmem_shared>>)
      tpu.yield
    }) : () -> ()
    %mul3A_65 = arith.constant 1280 : i32
    %mul3A_66 = arith.muli %arg1, %mul3A_65 : i32
    %add3A_67 = arith.constant 800 : i32
    %add3A_68 = arith.addi %mul3A_66, %add3A_67 : i32
    "tpu.region"() ({
      %run_scoped3A_332 = tpu.sem_alloc : memref<!tpu.dma_semaphore, #tpu.memory_space<semaphore_mem>>
      %dma_start3A_333 = arith.constant 0 : i32
      %dma_start3A_334 = tpu.memref_slice %arg16[%add3A_68, %dma_start3A_333] : memref<20480x16xf32, #tpu.memory_space<vmem_shared>> -> memref<80x16xf32, #tpu.memory_space<vmem_shared>>
      %dma_start3A_335 = arith.constant 0 : i32
      %dma_start3A_336 = tpu.memref_slice %arg16[%add3A_68, %dma_start3A_335] : memref<20480x16xf32, #tpu.memory_space<vmem_shared>> -> memref<80x16xf32, #tpu.memory_space<vmem_shared>>
      tpu.enqueue_dma source(%arg12 : memref<80x16xf32, #tpu.memory_space<vmem>>) target(%dma_start3A_336 : memref<80x16xf32, #tpu.memory_space<vmem_shared>>) target_semaphore(%run_scoped3A_332 : memref<!tpu.dma_semaphore, #tpu.memory_space<semaphore_mem>>)
      %dma_wait3A_337 = arith.constant 0 : i32
      %dma_wait3A_338 = tpu.memref_slice %arg16[%add3A_68, %dma_wait3A_337] : memref<20480x16xf32, #tpu.memory_space<vmem_shared>> -> memref<80x16xf32, #tpu.memory_space<vmem_shared>>
      %dma_wait3A_339 = arith.constant 0 : i32
      %dma_wait3A_340 = tpu.memref_slice %arg16[%add3A_68, %dma_wait3A_339] : memref<20480x16xf32, #tpu.memory_space<vmem_shared>> -> memref<80x16xf32, #tpu.memory_space<vmem_shared>>
      tpu.wait_dma2 semaphore(%run_scoped3A_332 : memref<!tpu.dma_semaphore, #tpu.memory_space<semaphore_mem>>) src(%arg12 : memref<80x16xf32, #tpu.memory_space<vmem>>) dst(%dma_wait3A_340 : memref<80x16xf32, #tpu.memory_space<vmem_shared>>)
      tpu.yield
    }) : () -> ()
    %mul3A_69 = arith.constant 1280 : i32
    %mul3A_70 = arith.muli %arg1, %mul3A_69 : i32
    %add3A_71 = arith.constant 880 : i32
    %add3A_72 = arith.addi %mul3A_70, %add3A_71 : i32
    "tpu.region"() ({
      %run_scoped3A_332 = tpu.sem_alloc : memref<!tpu.dma_semaphore, #tpu.memory_space<semaphore_mem>>
      %dma_start3A_333 = arith.constant 0 : i32
      %dma_start3A_334 = tpu.memref_slice %arg16[%add3A_72, %dma_start3A_333] : memref<20480x16xf32, #tpu.memory_space<vmem_shared>> -> memref<80x16xf32, #tpu.memory_space<vmem_shared>>
      %dma_start3A_335 = arith.constant 0 : i32
      %dma_start3A_336 = tpu.memref_slice %arg16[%add3A_72, %dma_start3A_335] : memref<20480x16xf32, #tpu.memory_space<vmem_shared>> -> memref<80x16xf32, #tpu.memory_space<vmem_shared>>
      tpu.enqueue_dma source(%arg12 : memref<80x16xf32, #tpu.memory_space<vmem>>) target(%dma_start3A_336 : memref<80x16xf32, #tpu.memory_space<vmem_shared>>) target_semaphore(%run_scoped3A_332 : memref<!tpu.dma_semaphore, #tpu.memory_space<semaphore_mem>>)
      %dma_wait3A_337 = arith.constant 0 : i32
      %dma_wait3A_338 = tpu.memref_slice %arg16[%add3A_72, %dma_wait3A_337] : memref<20480x16xf32, #tpu.memory_space<vmem_shared>> -> memref<80x16xf32, #tpu.memory_space<vmem_shared>>
      %dma_wait3A_339 = arith.constant 0 : i32
      %dma_wait3A_340 = tpu.memref_slice %arg16[%add3A_72, %dma_wait3A_339] : memref<20480x16xf32, #tpu.memory_space<vmem_shared>> -> memref<80x16xf32, #tpu.memory_space<vmem_shared>>
      tpu.wait_dma2 semaphore(%run_scoped3A_332 : memref<!tpu.dma_semaphore, #tpu.memory_space<semaphore_mem>>) src(%arg12 : memref<80x16xf32, #tpu.memory_space<vmem>>) dst(%dma_wait3A_340 : memref<80x16xf32, #tpu.memory_space<vmem_shared>>)
      tpu.yield
    }) : () -> ()
    %mul3A_73 = arith.constant 1280 : i32
    %mul3A_74 = arith.muli %arg1, %mul3A_73 : i32
    %add3A_75 = arith.constant 960 : i32
    %add3A_76 = arith.addi %mul3A_74, %add3A_75 : i32
    "tpu.region"() ({
      %run_scoped3A_332 = tpu.sem_alloc : memref<!tpu.dma_semaphore, #tpu.memory_space<semaphore_mem>>
      %dma_start3A_333 = arith.constant 0 : i32
      %dma_start3A_334 = tpu.memref_slice %arg16[%add3A_76, %dma_start3A_333] : memref<20480x16xf32, #tpu.memory_space<vmem_shared>> -> memref<80x16xf32, #tpu.memory_space<vmem_shared>>
      %dma_start3A_335 = arith.constant 0 : i32
      %dma_start3A_336 = tpu.memref_slice %arg16[%add3A_76, %dma_start3A_335] : memref<20480x16xf32, #tpu.memory_space<vmem_shared>> -> memref<80x16xf32, #tpu.memory_space<vmem_shared>>
      tpu.enqueue_dma source(%arg12 : memref<80x16xf32, #tpu.memory_space<vmem>>) target(%dma_start3A_336 : memref<80x16xf32, #tpu.memory_space<vmem_shared>>) target_semaphore(%run_scoped3A_332 : memref<!tpu.dma_semaphore, #tpu.memory_space<semaphore_mem>>)
      %dma_wait3A_337 = arith.constant 0 : i32
      %dma_wait3A_338 = tpu.memref_slice %arg16[%add3A_76, %dma_wait3A_337] : memref<20480x16xf32, #tpu.memory_space<vmem_shared>> -> memref<80x16xf32, #tpu.memory_space<vmem_shared>>
      %dma_wait3A_339 = arith.constant 0 : i32
      %dma_wait3A_340 = tpu.memref_slice %arg16[%add3A_76, %dma_wait3A_339] : memref<20480x16xf32, #tpu.memory_space<vmem_shared>> -> memref<80x16xf32, #tpu.memory_space<vmem_shared>>
      tpu.wait_dma2 semaphore(%run_scoped3A_332 : memref<!tpu.dma_semaphore, #tpu.memory_space<semaphore_mem>>) src(%arg12 : memref<80x16xf32, #tpu.memory_space<vmem>>) dst(%dma_wait3A_340 : memref<80x16xf32, #tpu.memory_space<vmem_shared>>)
      tpu.yield
    }) : () -> ()
    %mul3A_77 = arith.constant 1280 : i32
    %mul3A_78 = arith.muli %arg1, %mul3A_77 : i32
    %add3A_79 = arith.constant 1040 : i32
    %add3A_80 = arith.addi %mul3A_78, %add3A_79 : i32
    "tpu.region"() ({
      %run_scoped3A_332 = tpu.sem_alloc : memref<!tpu.dma_semaphore, #tpu.memory_space<semaphore_mem>>
      %dma_start3A_333 = arith.constant 0 : i32
      %dma_start3A_334 = tpu.memref_slice %arg16[%add3A_80, %dma_start3A_333] : memref<20480x16xf32, #tpu.memory_space<vmem_shared>> -> memref<80x16xf32, #tpu.memory_space<vmem_shared>>
      %dma_start3A_335 = arith.constant 0 : i32
      %dma_start3A_336 = tpu.memref_slice %arg16[%add3A_80, %dma_start3A_335] : memref<20480x16xf32, #tpu.memory_space<vmem_shared>> -> memref<80x16xf32, #tpu.memory_space<vmem_shared>>
      tpu.enqueue_dma source(%arg12 : memref<80x16xf32, #tpu.memory_space<vmem>>) target(%dma_start3A_336 : memref<80x16xf32, #tpu.memory_space<vmem_shared>>) target_semaphore(%run_scoped3A_332 : memref<!tpu.dma_semaphore, #tpu.memory_space<semaphore_mem>>)
      %dma_wait3A_337 = arith.constant 0 : i32
      %dma_wait3A_338 = tpu.memref_slice %arg16[%add3A_80, %dma_wait3A_337] : memref<20480x16xf32, #tpu.memory_space<vmem_shared>> -> memref<80x16xf32, #tpu.memory_space<vmem_shared>>
      %dma_wait3A_339 = arith.constant 0 : i32
      %dma_wait3A_340 = tpu.memref_slice %arg16[%add3A_80, %dma_wait3A_339] : memref<20480x16xf32, #tpu.memory_space<vmem_shared>> -> memref<80x16xf32, #tpu.memory_space<vmem_shared>>
      tpu.wait_dma2 semaphore(%run_scoped3A_332 : memref<!tpu.dma_semaphore, #tpu.memory_space<semaphore_mem>>) src(%arg12 : memref<80x16xf32, #tpu.memory_space<vmem>>) dst(%dma_wait3A_340 : memref<80x16xf32, #tpu.memory_space<vmem_shared>>)
      tpu.yield
    }) : () -> ()
    %mul3A_81 = arith.constant 1280 : i32
    %mul3A_82 = arith.muli %arg1, %mul3A_81 : i32
    %add3A_83 = arith.constant 1120 : i32
    %add3A_84 = arith.addi %mul3A_82, %add3A_83 : i32
    "tpu.region"() ({
      %run_scoped3A_332 = tpu.sem_alloc : memref<!tpu.dma_semaphore, #tpu.memory_space<semaphore_mem>>
      %dma_start3A_333 = arith.constant 0 : i32
      %dma_start3A_334 = tpu.memref_slice %arg16[%add3A_84, %dma_start3A_333] : memref<20480x16xf32, #tpu.memory_space<vmem_shared>> -> memref<80x16xf32, #tpu.memory_space<vmem_shared>>
      %dma_start3A_335 = arith.constant 0 : i32
      %dma_start3A_336 = tpu.memref_slice %arg16[%add3A_84, %dma_start3A_335] : memref<20480x16xf32, #tpu.memory_space<vmem_shared>> -> memref<80x16xf32, #tpu.memory_space<vmem_shared>>
      tpu.enqueue_dma source(%arg12 : memref<80x16xf32, #tpu.memory_space<vmem>>) target(%dma_start3A_336 : memref<80x16xf32, #tpu.memory_space<vmem_shared>>) target_semaphore(%run_scoped3A_332 : memref<!tpu.dma_semaphore, #tpu.memory_space<semaphore_mem>>)
      %dma_wait3A_337 = arith.constant 0 : i32
      %dma_wait3A_338 = tpu.memref_slice %arg16[%add3A_84, %dma_wait3A_337] : memref<20480x16xf32, #tpu.memory_space<vmem_shared>> -> memref<80x16xf32, #tpu.memory_space<vmem_shared>>
      %dma_wait3A_339 = arith.constant 0 : i32
      %dma_wait3A_340 = tpu.memref_slice %arg16[%add3A_84, %dma_wait3A_339] : memref<20480x16xf32, #tpu.memory_space<vmem_shared>> -> memref<80x16xf32, #tpu.memory_space<vmem_shared>>
      tpu.wait_dma2 semaphore(%run_scoped3A_332 : memref<!tpu.dma_semaphore, #tpu.memory_space<semaphore_mem>>) src(%arg12 : memref<80x16xf32, #tpu.memory_space<vmem>>) dst(%dma_wait3A_340 : memref<80x16xf32, #tpu.memory_space<vmem_shared>>)
      tpu.yield
    }) : () -> ()
    %mul3A_85 = arith.constant 1280 : i32
    %mul3A_86 = arith.muli %arg1, %mul3A_85 : i32
    %add3A_87 = arith.constant 1200 : i32
    %add3A_88 = arith.addi %mul3A_86, %add3A_87 : i32
    "tpu.region"() ({
      %run_scoped3A_332 = tpu.sem_alloc : memref<!tpu.dma_semaphore, #tpu.memory_space<semaphore_mem>>
      %dma_start3A_333 = arith.constant 0 : i32
      %dma_start3A_334 = tpu.memref_slice %arg16[%add3A_88, %dma_start3A_333] : memref<20480x16xf32, #tpu.memory_space<vmem_shared>> -> memref<80x16xf32, #tpu.memory_space<vmem_shared>>
      %dma_start3A_335 = arith.constant 0 : i32
      %dma_start3A_336 = tpu.memref_slice %arg16[%add3A_88, %dma_start3A_335] : memref<20480x16xf32, #tpu.memory_space<vmem_shared>> -> memref<80x16xf32, #tpu.memory_space<vmem_shared>>
      tpu.enqueue_dma source(%arg12 : memref<80x16xf32, #tpu.memory_space<vmem>>) target(%dma_start3A_336 : memref<80x16xf32, #tpu.memory_space<vmem_shared>>) target_semaphore(%run_scoped3A_332 : memref<!tpu.dma_semaphore, #tpu.memory_space<semaphore_mem>>)
      %dma_wait3A_337 = arith.constant 0 : i32
      %dma_wait3A_338 = tpu.memref_slice %arg16[%add3A_88, %dma_wait3A_337] : memref<20480x16xf32, #tpu.memory_space<vmem_shared>> -> memref<80x16xf32, #tpu.memory_space<vmem_shared>>
      %dma_wait3A_339 = arith.constant 0 : i32
      %dma_wait3A_340 = tpu.memref_slice %arg16[%add3A_88, %dma_wait3A_339] : memref<20480x16xf32, #tpu.memory_space<vmem_shared>> -> memref<80x16xf32, #tpu.memory_space<vmem_shared>>
      tpu.wait_dma2 semaphore(%run_scoped3A_332 : memref<!tpu.dma_semaphore, #tpu.memory_space<semaphore_mem>>) src(%arg12 : memref<80x16xf32, #tpu.memory_space<vmem>>) dst(%dma_wait3A_340 : memref<80x16xf32, #tpu.memory_space<vmem_shared>>)
      tpu.yield
    }) : () -> ()
    %dma_wait3A = arith.constant 0 : i32
    %dma_wait3A_89 = arith.constant 0 : i32
    %dma_wait3A_90 = arith.constant 0 : i32
    %dma_wait3A_91 = tpu.memref_slice %arg2[%dma_wait3A, %add3A, %dma_wait3A_89, %dma_wait3A_90] : memref<2x32x125x80xi32, #tpu.memory_space<hbm>> -> memref<1x1x125x80xi32, #tpu.memory_space<hbm>>
    %dma_wait3A_92 = tpu.memref_squeeze %dma_wait3A_91 : memref<1x1x125x80xi32, #tpu.memory_space<hbm>> -> memref<125x80xi32, #tpu.memory_space<hbm>>
    %dma_wait3A_93 = arith.constant 0 : i32
    %dma_wait3A_94 = arith.constant 0 : i32
    %dma_wait3A_95 = tpu.memref_slice %arg2[%dma_wait3A, %add3A, %dma_wait3A_93, %dma_wait3A_94] : memref<2x32x125x80xi32, #tpu.memory_space<hbm>> -> memref<1x1x125x80xi32, #tpu.memory_space<hbm>>
    %dma_wait3A_96 = tpu.memref_squeeze %dma_wait3A_95 : memref<1x1x125x80xi32, #tpu.memory_space<hbm>> -> memref<125x80xi32, #tpu.memory_space<hbm>>
    tpu.wait_dma2 semaphore(%arg17 : memref<!tpu.dma_semaphore, #tpu.memory_space<semaphore_mem>>) src(%dma_wait3A_96 : memref<125x80xi32, #tpu.memory_space<hbm>>) dst(%arg8 : memref<125x80xi32, #tpu.memory_space<vmem>>)
    %dma_wait3A_97 = arith.constant 1 : i32
    %dma_wait3A_98 = arith.constant 0 : i32
    %dma_wait3A_99 = arith.constant 0 : i32
    %dma_wait3A_100 = tpu.memref_slice %arg2[%dma_wait3A_97, %add3A, %dma_wait3A_98, %dma_wait3A_99] : memref<2x32x125x80xi32, #tpu.memory_space<hbm>> -> memref<1x1x125x80xi32, #tpu.memory_space<hbm>>
    %dma_wait3A_101 = tpu.memref_squeeze %dma_wait3A_100 : memref<1x1x125x80xi32, #tpu.memory_space<hbm>> -> memref<125x80xi32, #tpu.memory_space<hbm>>
    %dma_wait3A_102 = arith.constant 0 : i32
    %dma_wait3A_103 = arith.constant 0 : i32
    %dma_wait3A_104 = tpu.memref_slice %arg2[%dma_wait3A_97, %add3A, %dma_wait3A_102, %dma_wait3A_103] : memref<2x32x125x80xi32, #tpu.memory_space<hbm>> -> memref<1x1x125x80xi32, #tpu.memory_space<hbm>>
    %dma_wait3A_105 = tpu.memref_squeeze %dma_wait3A_104 : memref<1x1x125x80xi32, #tpu.memory_space<hbm>> -> memref<125x80xi32, #tpu.memory_space<hbm>>
    tpu.wait_dma2 semaphore(%arg17 : memref<!tpu.dma_semaphore, #tpu.memory_space<semaphore_mem>>) src(%dma_wait3A_105 : memref<125x80xi32, #tpu.memory_space<hbm>>) dst(%arg9 : memref<125x80xi32, #tpu.memory_space<vmem>>)
    tpu.wait_dma2 semaphore(%arg17 : memref<!tpu.dma_semaphore, #tpu.memory_space<semaphore_mem>>) src(%arg3 : memref<10000xf32, #tpu.memory_space<hbm>>) dst(%arg10 : memref<10000xf32, #tpu.memory_space<vmem>>)
    tpu.wait_dma2 semaphore(%arg17 : memref<!tpu.dma_semaphore, #tpu.memory_space<semaphore_mem>>) src(%arg4 : memref<10000xf32, #tpu.memory_space<hbm>>) dst(%arg11 : memref<10000xf32, #tpu.memory_space<vmem>>)
    %barrier3A = arith.constant 0 : index
    tpu.barrier barrier_id(%barrier3A)
    %iota3A = tpu.iota {dimensions = array<i32: 0>} : vector<16xi32>
    %broadcast_in_dim3A_106 = arith.constant 0 : i32
    %broadcast_in_dim3A_107 = vector.broadcast %broadcast_in_dim3A_106 : i32 to vector<16xi32>
    %get3A = arith.constant 0 : i32
    %get3A_108 = arith.index_cast %get3A : i32 to index
    %get3A_109 = arith.constant 0 : index
    %get3A_110 = tpu.vector_load %arg8[%get3A_108, %get3A_109] {strides = array<i32>} : memref<125x80xi32, #tpu.memory_space<vmem>>, vector<16xi32>,
    %get3A_111 = arith.constant 0 : i32
    %get3A_112 = arith.index_cast %get3A_111 : i32 to index
    %get3A_113 = arith.constant 0 : index
    %get3A_114 = tpu.vector_load %arg9[%get3A_112, %get3A_113] {strides = array<i32>} : memref<125x80xi32, #tpu.memory_space<vmem>>, vector<16xi32>,
    %gather3A = tpu.vector_load_idx %arg10[%get3A_110] : memref<10000xf32, #tpu.memory_space<vmem>>[vector<16xi32>], vector<16xf32>,
    %gather3A_115 = tpu.vector_load_idx %arg11[%get3A_114] : memref<10000xf32, #tpu.memory_space<vmem>>[vector<16xi32>], vector<16xf32>,
    %add3A_116 = arith.addf %gather3A, %gather3A_115 : vector<16xf32>
    %gt3A = arith.constant 0.000000e+00 : f32
    %gt3A_117 = vector.broadcast %gt3A : f32 to vector<16xf32>
    %gt3A_118 = arith.cmpf ogt, %add3A_116, %gt3A_117 : vector<16xf32>
    %mul3A_119 = arith.constant 2.000000e-01 : f32
    %mul3A_120 = vector.broadcast %mul3A_119 : f32 to vector<16xf32>
    %mul3A_121 = arith.mulf %mul3A_120, %gather3A_115 : vector<16xf32>
    %select_n3A = arith.select %gt3A_118, %gather3A_115, %mul3A_121 : vector<16xi1>, vector<16xf32>
    %exp3A = math.exp %select_n3A : vector<16xf32>
    %add3A_122 = arith.constant 10240 : i32
    %add3A_123 = vector.broadcast %add3A_122 : i32 to vector<16xi32>
    %add3A_124 = arith.addi %get3A_110, %add3A_123 : vector<16xi32>
    %select_n3A_125 = arith.select %gt3A_118, %get3A_110, %add3A_124 : vector<16xi1>, vector<16xi32>
    %swap3A = arith.constant 0 : i32
    %swap3A_126 = arith.index_cast %swap3A : i32 to index
    %swap3A_127 = arith.constant 0 : index
    %swap3A_128 = tpu.vector_load %arg8[%swap3A_126, %swap3A_127] {strides = array<i32>} : memref<125x80xi32, #tpu.memory_space<vmem>>, vector<16xi32>,
    tpu.vector_store %arg8[%swap3A_126, %swap3A_127], %select_n3A_125 {strides = array<i32>} : memref<125x80xi32, #tpu.memory_space<vmem>>, vector<16xi32>,
    %add3A_129 = arith.constant 10000 : i32
    %add3A_130 = vector.broadcast %add3A_129 : i32 to vector<16xi32>
    %add3A_131 = arith.addi %get3A_114, %add3A_130 : vector<16xi32>
    %select_n3A_132 = arith.select %gt3A_118, %get3A_114, %add3A_131 : vector<16xi1>, vector<16xi32>
    %swap3A_133 = arith.constant 0 : i32
    %swap3A_134 = arith.index_cast %swap3A_133 : i32 to index
    %swap3A_135 = arith.constant 0 : index
    %swap3A_136 = tpu.vector_load %arg9[%swap3A_134, %swap3A_135] {strides = array<i32>} : memref<125x80xi32, #tpu.memory_space<vmem>>, vector<16xi32>,
    tpu.vector_store %arg9[%swap3A_134, %swap3A_135], %select_n3A_132 {strides = array<i32>} : memref<125x80xi32, #tpu.memory_space<vmem>>, vector<16xi32>,
    %add3A_137 = arith.constant 0 : i32
    %add3A_138 = vector.broadcast %add3A_137 : i32 to vector<16xi32>
    %add3A_139 = arith.addi %add3A_138, %iota3A : vector<16xi32>
    tpu.vector_store_idx %arg12[%add3A_139, %broadcast_in_dim3A_107], %exp3A : memref<80x16xf32, #tpu.memory_space<vmem>>[vector<16xi32>, vector<16xi32>], vector<16xf32>,
    %get3A_140 = arith.constant 0 : i32
    %get3A_141 = arith.index_cast %get3A_140 : i32 to index
    %get3A_142 = arith.constant 16 : index
    %get3A_143 = tpu.vector_load %arg8[%get3A_141, %get3A_142] {strides = array<i32>} : memref<125x80xi32, #tpu.memory_space<vmem>>, vector<16xi32>,
    %get3A_144 = arith.constant 0 : i32
    %get3A_145 = arith.index_cast %get3A_144 : i32 to index
    %get3A_146 = arith.constant 16 : index
    %get3A_147 = tpu.vector_load %arg9[%get3A_145, %get3A_146] {strides = array<i32>} : memref<125x80xi32, #tpu.memory_space<vmem>>, vector<16xi32>,
    %gather3A_148 = tpu.vector_load_idx %arg10[%get3A_143] : memref<10000xf32, #tpu.memory_space<vmem>>[vector<16xi32>], vector<16xf32>,
    %gather3A_149 = tpu.vector_load_idx %arg11[%get3A_147] : memref<10000xf32, #tpu.memory_space<vmem>>[vector<16xi32>], vector<16xf32>,
    %add3A_150 = arith.addf %gather3A_148, %gather3A_149 : vector<16xf32>
    %gt3A_151 = arith.constant 0.000000e+00 : f32
    %gt3A_152 = vector.broadcast %gt3A_151 : f32 to vector<16xf32>
    %gt3A_153 = arith.cmpf ogt, %add3A_150, %gt3A_152 : vector<16xf32>
    %mul3A_154 = arith.constant 2.000000e-01 : f32
    %mul3A_155 = vector.broadcast %mul3A_154 : f32 to vector<16xf32>
    %mul3A_156 = arith.mulf %mul3A_155, %gather3A_149 : vector<16xf32>
    %select_n3A_157 = arith.select %gt3A_153, %gather3A_149, %mul3A_156 : vector<16xi1>, vector<16xf32>
    %exp3A_158 = math.exp %select_n3A_157 : vector<16xf32>
    %add3A_159 = arith.constant 10240 : i32
    %add3A_160 = vector.broadcast %add3A_159 : i32 to vector<16xi32>
    %add3A_161 = arith.addi %get3A_143, %add3A_160 : vector<16xi32>
    %select_n3A_162 = arith.select %gt3A_153, %get3A_143, %add3A_161 : vector<16xi1>, vector<16xi32>
    %swap3A_163 = arith.constant 0 : i32
    %swap3A_164 = arith.index_cast %swap3A_163 : i32 to index
    %swap3A_165 = arith.constant 16 : index
    %swap3A_166 = tpu.vector_load %arg8[%swap3A_164, %swap3A_165] {strides = array<i32>} : memref<125x80xi32, #tpu.memory_space<vmem>>, vector<16xi32>,
    tpu.vector_store %arg8[%swap3A_164, %swap3A_165], %select_n3A_162 {strides = array<i32>} : memref<125x80xi32, #tpu.memory_space<vmem>>, vector<16xi32>,
    %add3A_167 = arith.constant 10000 : i32
    %add3A_168 = vector.broadcast %add3A_167 : i32 to vector<16xi32>
    %add3A_169 = arith.addi %get3A_147, %add3A_168 : vector<16xi32>
    %select_n3A_170 = arith.select %gt3A_153, %get3A_147, %add3A_169 : vector<16xi1>, vector<16xi32>
    %swap3A_171 = arith.constant 0 : i32
    %swap3A_172 = arith.index_cast %swap3A_171 : i32 to index
    %swap3A_173 = arith.constant 16 : index
    %swap3A_174 = tpu.vector_load %arg9[%swap3A_172, %swap3A_173] {strides = array<i32>} : memref<125x80xi32, #tpu.memory_space<vmem>>, vector<16xi32>,
    tpu.vector_store %arg9[%swap3A_172, %swap3A_173], %select_n3A_170 {strides = array<i32>} : memref<125x80xi32, #tpu.memory_space<vmem>>, vector<16xi32>,
    %add3A_175 = arith.constant 16 : i32
    %add3A_176 = vector.broadcast %add3A_175 : i32 to vector<16xi32>
    %add3A_177 = arith.addi %add3A_176, %iota3A : vector<16xi32>
    tpu.vector_store_idx %arg12[%add3A_177, %broadcast_in_dim3A_107], %exp3A_158 : memref<80x16xf32, #tpu.memory_space<vmem>>[vector<16xi32>, vector<16xi32>], vector<16xf32>,
    %get3A_178 = arith.constant 0 : i32
    %get3A_179 = arith.index_cast %get3A_178 : i32 to index
    %get3A_180 = arith.constant 32 : index
    %get3A_181 = tpu.vector_load %arg8[%get3A_179, %get3A_180] {strides = array<i32>} : memref<125x80xi32, #tpu.memory_space<vmem>>, vector<16xi32>,
    %get3A_182 = arith.constant 0 : i32
    %get3A_183 = arith.index_cast %get3A_182 : i32 to index
    %get3A_184 = arith.constant 32 : index
    %get3A_185 = tpu.vector_load %arg9[%get3A_183, %get3A_184] {strides = array<i32>} : memref<125x80xi32, #tpu.memory_space<vmem>>, vector<16xi32>,
    %gather3A_186 = tpu.vector_load_idx %arg10[%get3A_181] : memref<10000xf32, #tpu.memory_space<vmem>>[vector<16xi32>], vector<16xf32>,
    %gather3A_187 = tpu.vector_load_idx %arg11[%get3A_185] : memref<10000xf32, #tpu.memory_space<vmem>>[vector<16xi32>], vector<16xf32>,
    %add3A_188 = arith.addf %gather3A_186, %gather3A_187 : vector<16xf32>
    %gt3A_189 = arith.constant 0.000000e+00 : f32
    %gt3A_190 = vector.broadcast %gt3A_189 : f32 to vector<16xf32>
    %gt3A_191 = arith.cmpf ogt, %add3A_188, %gt3A_190 : vector<16xf32>
    %mul3A_192 = arith.constant 2.000000e-01 : f32
    %mul3A_193 = vector.broadcast %mul3A_192 : f32 to vector<16xf32>
    %mul3A_194 = arith.mulf %mul3A_193, %gather3A_187 : vector<16xf32>
    %select_n3A_195 = arith.select %gt3A_191, %gather3A_187, %mul3A_194 : vector<16xi1>, vector<16xf32>
    %exp3A_196 = math.exp %select_n3A_195 : vector<16xf32>
    %add3A_197 = arith.constant 10240 : i32
    %add3A_198 = vector.broadcast %add3A_197 : i32 to vector<16xi32>
    %add3A_199 = arith.addi %get3A_181, %add3A_198 : vector<16xi32>
    %select_n3A_200 = arith.select %gt3A_191, %get3A_181, %add3A_199 : vector<16xi1>, vector<16xi32>
    %swap3A_201 = arith.constant 0 : i32
    %swap3A_202 = arith.index_cast %swap3A_201 : i32 to index
    %swap3A_203 = arith.constant 32 : index
    %swap3A_204 = tpu.vector_load %arg8[%swap3A_202, %swap3A_203] {strides = array<i32>} : memref<125x80xi32, #tpu.memory_space<vmem>>, vector<16xi32>,
    tpu.vector_store %arg8[%swap3A_202, %swap3A_203], %select_n3A_200 {strides = array<i32>} : memref<125x80xi32, #tpu.memory_space<vmem>>, vector<16xi32>,
    %add3A_205 = arith.constant 10000 : i32
    %add3A_206 = vector.broadcast %add3A_205 : i32 to vector<16xi32>
    %add3A_207 = arith.addi %get3A_185, %add3A_206 : vector<16xi32>
    %select_n3A_208 = arith.select %gt3A_191, %get3A_185, %add3A_207 : vector<16xi1>, vector<16xi32>
    %swap3A_209 = arith.constant 0 : i32
    %swap3A_210 = arith.index_cast %swap3A_209 : i32 to index
    %swap3A_211 = arith.constant 32 : index
    %swap3A_212 = tpu.vector_load %arg9[%swap3A_210, %swap3A_211] {strides = array<i32>} : memref<125x80xi32, #tpu.memory_space<vmem>>, vector<16xi32>,
    tpu.vector_store %arg9[%swap3A_210, %swap3A_211], %select_n3A_208 {strides = array<i32>} : memref<125x80xi32, #tpu.memory_space<vmem>>, vector<16xi32>,
    %add3A_213 = arith.constant 32 : i32
    %add3A_214 = vector.broadcast %add3A_213 : i32 to vector<16xi32>
    %add3A_215 = arith.addi %add3A_214, %iota3A : vector<16xi32>
    tpu.vector_store_idx %arg12[%add3A_215, %broadcast_in_dim3A_107], %exp3A_196 : memref<80x16xf32, #tpu.memory_space<vmem>>[vector<16xi32>, vector<16xi32>], vector<16xf32>,
    %get3A_216 = arith.constant 0 : i32
    %get3A_217 = arith.index_cast %get3A_216 : i32 to index
    %get3A_218 = arith.constant 48 : index
    %get3A_219 = tpu.vector_load %arg8[%get3A_217, %get3A_218] {strides = array<i32>} : memref<125x80xi32, #tpu.memory_space<vmem>>, vector<16xi32>,
    %get3A_220 = arith.constant 0 : i32
    %get3A_221 = arith.index_cast %get3A_220 : i32 to index
    %get3A_222 = arith.constant 48 : index
    %get3A_223 = tpu.vector_load %arg9[%get3A_221, %get3A_222] {strides = array<i32>} : memref<125x80xi32, #tpu.memory_space<vmem>>, vector<16xi32>,
    %gather3A_224 = tpu.vector_load_idx %arg10[%get3A_219] : memref<10000xf32, #tpu.memory_space<vmem>>[vector<16xi32>], vector<16xf32>,
    %gather3A_225 = tpu.vector_load_idx %arg11[%get3A_223] : memref<10000xf32, #tpu.memory_space<vmem>>[vector<16xi32>], vector<16xf32>,
    %add3A_226 = arith.addf %gather3A_224, %gather3A_225 : vector<16xf32>
    %gt3A_227 = arith.constant 0.000000e+00 : f32
    %gt3A_228 = vector.broadcast %gt3A_227 : f32 to vector<16xf32>
    %gt3A_229 = arith.cmpf ogt, %add3A_226, %gt3A_228 : vector<16xf32>
    %mul3A_230 = arith.constant 2.000000e-01 : f32
    %mul3A_231 = vector.broadcast %mul3A_230 : f32 to vector<16xf32>
    %mul3A_232 = arith.mulf %mul3A_231, %gather3A_225 : vector<16xf32>
    %select_n3A_233 = arith.select %gt3A_229, %gather3A_225, %mul3A_232 : vector<16xi1>, vector<16xf32>
    %exp3A_234 = math.exp %select_n3A_233 : vector<16xf32>
    %add3A_235 = arith.constant 10240 : i32
    %add3A_236 = vector.broadcast %add3A_235 : i32 to vector<16xi32>
    %add3A_237 = arith.addi %get3A_219, %add3A_236 : vector<16xi32>
    %select_n3A_238 = arith.select %gt3A_229, %get3A_219, %add3A_237 : vector<16xi1>, vector<16xi32>
    %swap3A_239 = arith.constant 0 : i32
    %swap3A_240 = arith.index_cast %swap3A_239 : i32 to index
    %swap3A_241 = arith.constant 48 : index
    %swap3A_242 = tpu.vector_load %arg8[%swap3A_240, %swap3A_241] {strides = array<i32>} : memref<125x80xi32, #tpu.memory_space<vmem>>, vector<16xi32>,
    tpu.vector_store %arg8[%swap3A_240, %swap3A_241], %select_n3A_238 {strides = array<i32>} : memref<125x80xi32, #tpu.memory_space<vmem>>, vector<16xi32>,
    %add3A_243 = arith.constant 10000 : i32
    %add3A_244 = vector.broadcast %add3A_243 : i32 to vector<16xi32>
    %add3A_245 = arith.addi %get3A_223, %add3A_244 : vector<16xi32>
    %select_n3A_246 = arith.select %gt3A_229, %get3A_223, %add3A_245 : vector<16xi1>, vector<16xi32>
    %swap3A_247 = arith.constant 0 : i32
    %swap3A_248 = arith.index_cast %swap3A_247 : i32 to index
    %swap3A_249 = arith.constant 48 : index
    %swap3A_250 = tpu.vector_load %arg9[%swap3A_248, %swap3A_249] {strides = array<i32>} : memref<125x80xi32, #tpu.memory_space<vmem>>, vector<16xi32>,
    tpu.vector_store %arg9[%swap3A_248, %swap3A_249], %select_n3A_246 {strides = array<i32>} : memref<125x80xi32, #tpu.memory_space<vmem>>, vector<16xi32>,
    %add3A_251 = arith.constant 48 : i32
    %add3A_252 = vector.broadcast %add3A_251 : i32 to vector<16xi32>
    %add3A_253 = arith.addi %add3A_252, %iota3A : vector<16xi32>
    tpu.vector_store_idx %arg12[%add3A_253, %broadcast_in_dim3A_107], %exp3A_234 : memref<80x16xf32, #tpu.memory_space<vmem>>[vector<16xi32>, vector<16xi32>], vector<16xf32>,
    %get3A_254 = arith.constant 0 : i32
    %get3A_255 = arith.index_cast %get3A_254 : i32 to index
    %get3A_256 = arith.constant 64 : index
    %get3A_257 = tpu.vector_load %arg8[%get3A_255, %get3A_256] {strides = array<i32>} : memref<125x80xi32, #tpu.memory_space<vmem>>, vector<16xi32>,
    %get3A_258 = arith.constant 0 : i32
    %get3A_259 = arith.index_cast %get3A_258 : i32 to index
    %get3A_260 = arith.constant 64 : index
    %get3A_261 = tpu.vector_load %arg9[%get3A_259, %get3A_260] {strides = array<i32>} : memref<125x80xi32, #tpu.memory_space<vmem>>, vector<16xi32>,
    %gather3A_262 = tpu.vector_load_idx %arg10[%get3A_257] : memref<10000xf32, #tpu.memory_space<vmem>>[vector<16xi32>], vector<16xf32>,
    %gather3A_263 = tpu.vector_load_idx %arg11[%get3A_261] : memref<10000xf32, #tpu.memory_space<vmem>>[vector<16xi32>], vector<16xf32>,
    %add3A_264 = arith.addf %gather3A_262, %gather3A_263 : vector<16xf32>
    %gt3A_265 = arith.constant 0.000000e+00 : f32
    %gt3A_266 = vector.broadcast %gt3A_265 : f32 to vector<16xf32>
    %gt3A_267 = arith.cmpf ogt, %add3A_264, %gt3A_266 : vector<16xf32>
    %mul3A_268 = arith.constant 2.000000e-01 : f32
    %mul3A_269 = vector.broadcast %mul3A_268 : f32 to vector<16xf32>
    %mul3A_270 = arith.mulf %mul3A_269, %gather3A_263 : vector<16xf32>
    %select_n3A_271 = arith.select %gt3A_267, %gather3A_263, %mul3A_270 : vector<16xi1>, vector<16xf32>
    %exp3A_272 = math.exp %select_n3A_271 : vector<16xf32>
    %add3A_273 = arith.constant 10240 : i32
    %add3A_274 = vector.broadcast %add3A_273 : i32 to vector<16xi32>
    %add3A_275 = arith.addi %get3A_257, %add3A_274 : vector<16xi32>
    %select_n3A_276 = arith.select %gt3A_267, %get3A_257, %add3A_275 : vector<16xi1>, vector<16xi32>
    %swap3A_277 = arith.constant 0 : i32
    %swap3A_278 = arith.index_cast %swap3A_277 : i32 to index
    %swap3A_279 = arith.constant 64 : index
    %swap3A_280 = tpu.vector_load %arg8[%swap3A_278, %swap3A_279] {strides = array<i32>} : memref<125x80xi32, #tpu.memory_space<vmem>>, vector<16xi32>,
    tpu.vector_store %arg8[%swap3A_278, %swap3A_279], %select_n3A_276 {strides = array<i32>} : memref<125x80xi32, #tpu.memory_space<vmem>>, vector<16xi32>,
    %add3A_281 = arith.constant 10000 : i32
    %add3A_282 = vector.broadcast %add3A_281 : i32 to vector<16xi32>
    %add3A_283 = arith.addi %get3A_261, %add3A_282 : vector<16xi32>
    %select_n3A_284 = arith.select %gt3A_267, %get3A_261, %add3A_283 : vector<16xi1>, vector<16xi32>
    %swap3A_285 = arith.constant 0 : i32
    %swap3A_286 = arith.index_cast %swap3A_285 : i32 to index
    %swap3A_287 = arith.constant 64 : index
    %swap3A_288 = tpu.vector_load %arg9[%swap3A_286, %swap3A_287] {strides = array<i32>} : memref<125x80xi32, #tpu.memory_space<vmem>>, vector<16xi32>,
    tpu.vector_store %arg9[%swap3A_286, %swap3A_287], %select_n3A_284 {strides = array<i32>} : memref<125x80xi32, #tpu.memory_space<vmem>>, vector<16xi32>,
    %add3A_289 = arith.constant 64 : i32
    %add3A_290 = vector.broadcast %add3A_289 : i32 to vector<16xi32>
    %add3A_291 = arith.addi %add3A_290, %iota3A : vector<16xi32>
    tpu.vector_store_idx %arg12[%add3A_291, %broadcast_in_dim3A_107], %exp3A_272 : memref<80x16xf32, #tpu.memory_space<vmem>>[vector<16xi32>, vector<16xi32>], vector<16xf32>,
    %run_scoped3A = arith.constant 0 : i32
    "tpu.region"() ({
      %run_scoped3A_332 = tpu.sem_alloc : memref<!tpu.dma_semaphore, #tpu.memory_space<semaphore_mem>>
      %dma_start3A_333 = arith.constant 0 : i32
      %dma_start3A_334 = tpu.memref_slice %arg8[%run_scoped3A, %dma_start3A_333] : memref<125x80xi32, #tpu.memory_space<vmem>> -> memref<1x80xi32, #tpu.memory_space<vmem>>
      %dma_start3A_335 = tpu.memref_squeeze %dma_start3A_334 : memref<1x80xi32, #tpu.memory_space<vmem>> -> memref<80xi32, #tpu.memory_space<vmem>>
      %dma_start3A_336 = arith.constant 0 : i32
      %dma_start3A_337 = arith.constant 0 : i32
      %dma_start3A_338 = tpu.memref_slice %arg16[%dma_start3A_336, %dma_start3A_337] : memref<20480x16xf32, #tpu.memory_space<vmem_shared>> -> memref<20480x16xf32, #tpu.memory_space<vmem_shared>>
      tpu.enqueue_indirect_dma source(%arg12 : memref<80x16xf32, #tpu.memory_space<vmem>>) target(%dma_start3A_338 : memref<20480x16xf32, #tpu.memory_space<vmem_shared>>) offsets(%dma_start3A_335 : memref<80xi32, #tpu.memory_space<vmem>>) semaphore(%run_scoped3A_332 : memref<!tpu.dma_semaphore, #tpu.memory_space<semaphore_mem>>) {add = true}
      %dma_wait3A_339 = arith.constant 0 : i32
      %dma_wait3A_340 = tpu.memref_slice %arg8[%run_scoped3A, %dma_wait3A_339] : memref<125x80xi32, #tpu.memory_space<vmem>> -> memref<1x80xi32, #tpu.memory_space<vmem>>
      %dma_wait3A_341 = tpu.memref_squeeze %dma_wait3A_340 : memref<1x80xi32, #tpu.memory_space<vmem>> -> memref<80xi32, #tpu.memory_space<vmem>>
      %dma_wait3A_342 = arith.constant 0 : i32
      %dma_wait3A_343 = arith.constant 0 : i32
      %dma_wait3A_344 = tpu.memref_slice %arg16[%dma_wait3A_342, %dma_wait3A_343] : memref<20480x16xf32, #tpu.memory_space<vmem_shared>> -> memref<20480x16xf32, #tpu.memory_space<vmem_shared>>
      tpu.wait_indirect_dma semaphore(%run_scoped3A_332 : memref<!tpu.dma_semaphore, #tpu.memory_space<semaphore_mem>>) src(%arg12 : memref<80x16xf32, #tpu.memory_space<vmem>>) dst(%dma_wait3A_344 : memref<20480x16xf32, #tpu.memory_space<vmem_shared>>)
      tpu.yield
    }) : () -> ()
    %scan3A_292 = arith.constant 0 : i32
    %scan3A_293 = arith.constant 0 : i32
    %scan3A_294 = arith.constant 31 : i32
    %scan3A_295 = arith.addi %scan3A_293, %scan3A_294 : i32
    %scan3A_296 = arith.constant 1 : i32
    %scan3A_297 = scf.for %scan3A_332 = %scan3A_293 to %scan3A_295 step %scan3A_296 iter_args(%scan3A_333 = %scan3A_292) -> (i32)  : i32 {
      %mul3A_334 = arith.constant 4 : i32
      %mul3A_335 = arith.muli %scan3A_332, %mul3A_334 : i32
      %add3A_336 = arith.constant 1 : i32
      %add3A_337 = arith.addi %add3A_336, %mul3A_335 : i32
      %add3A_338 = arith.constant 0 : i32
      %add3A_339 = arith.addi %add3A_337, %add3A_338 : i32
      %ge3A = arith.constant 5 : i32
      %ge3A_340 = arith.cmpi sge, %add3A_339, %ge3A : i32
      %convert_element_type3A = arith.extui %ge3A_340 : i1 to i32
      %cond3A = arith.constant 0 : i32
      %cond3A_341 = arith.cmpi ne, %convert_element_type3A, %cond3A : i32
      scf.if %cond3A_341 {
        %dma_wait3A_1080 = arith.constant 0 : i32
        %dma_wait3A_1081 = arith.constant 0 : i32
        %dma_wait3A_1082 = tpu.memref_slice %arg8[%dma_wait3A_1080, %dma_wait3A_1081] : memref<125x80xi32, #tpu.memory_space<vmem>> -> memref<1x80xi32, #tpu.memory_space<vmem>>
        %dma_wait3A_1083 = tpu.memref_squeeze %dma_wait3A_1082 : memref<1x80xi32, #tpu.memory_space<vmem>> -> memref<80xi32, #tpu.memory_space<vmem>>
        %dma_wait3A_1084 = arith.constant 0 : i32
        %dma_wait3A_1085 = arith.constant 0 : i32
        %dma_wait3A_1086 = tpu.memref_slice %arg16[%dma_wait3A_1084, %dma_wait3A_1085] : memref<20480x16xf32, #tpu.memory_space<vmem_shared>> -> memref<20480x16xf32, #tpu.memory_space<vmem_shared>>
        tpu.wait_indirect_dma semaphore(%arg19 : memref<!tpu.dma_semaphore, #tpu.memory_space<semaphore_mem>>) src(%arg13 : memref<80x16xf32, #tpu.memory_space<vmem>>) dst(%dma_wait3A_1086 : memref<20480x16xf32, #tpu.memory_space<vmem_shared>>)
      } else {
      }
      %get3A_342 = arith.index_cast %add3A_339 : i32 to index
      %get3A_343 = arith.constant 0 : index
      %get3A_344 = tpu.vector_load %arg8[%get3A_342, %get3A_343] {strides = array<i32>} : memref<125x80xi32, #tpu.memory_space<vmem>>, vector<16xi32>,
      %get3A_345 = arith.index_cast %add3A_339 : i32 to index
      %get3A_346 = arith.constant 0 : index
      %get3A_347 = tpu.vector_load %arg9[%get3A_345, %get3A_346] {strides = array<i32>} : memref<125x80xi32, #tpu.memory_space<vmem>>, vector<16xi32>,
      %gather3A_348 = tpu.vector_load_idx %arg10[%get3A_344] : memref<10000xf32, #tpu.memory_space<vmem>>[vector<16xi32>], vector<16xf32>,
      %gather3A_349 = tpu.vector_load_idx %arg11[%get3A_347] : memref<10000xf32, #tpu.memory_space<vmem>>[vector<16xi32>], vector<16xf32>,
      %add3A_350 = arith.addf %gather3A_348, %gather3A_349 : vector<16xf32>
      %gt3A_351 = arith.constant 0.000000e+00 : f32
      %gt3A_352 = vector.broadcast %gt3A_351 : f32 to vector<16xf32>
      %gt3A_353 = arith.cmpf ogt, %add3A_350, %gt3A_352 : vector<16xf32>
      %mul3A_354 = arith.constant 2.000000e-01 : f32
      %mul3A_355 = vector.broadcast %mul3A_354 : f32 to vector<16xf32>
      %mul3A_356 = arith.mulf %mul3A_355, %gather3A_349 : vector<16xf32>
      %select_n3A_357 = arith.select %gt3A_353, %gather3A_349, %mul3A_356 : vector<16xi1>, vector<16xf32>
      %exp3A_358 = math.exp %select_n3A_357 : vector<16xf32>
      %add3A_359 = arith.constant 10240 : i32
      %add3A_360 = vector.broadcast %add3A_359 : i32 to vector<16xi32>
      %add3A_361 = arith.addi %get3A_344, %add3A_360 : vector<16xi32>
      %select_n3A_362 = arith.select %gt3A_353, %get3A_344, %add3A_361 : vector<16xi1>, vector<16xi32>
      %swap3A_363 = arith.index_cast %add3A_339 : i32 to index
      %swap3A_364 = arith.constant 0 : index
      %swap3A_365 = tpu.vector_load %arg8[%swap3A_363, %swap3A_364] {strides = array<i32>} : memref<125x80xi32, #tpu.memory_space<vmem>>, vector<16xi32>,
      tpu.vector_store %arg8[%swap3A_363, %swap3A_364], %select_n3A_362 {strides = array<i32>} : memref<125x80xi32, #tpu.memory_space<vmem>>, vector<16xi32>,
      %add3A_366 = arith.constant 10000 : i32
      %add3A_367 = vector.broadcast %add3A_366 : i32 to vector<16xi32>
      %add3A_368 = arith.addi %get3A_347, %add3A_367 : vector<16xi32>
      %select_n3A_369 = arith.select %gt3A_353, %get3A_347, %add3A_368 : vector<16xi1>, vector<16xi32>
      %swap3A_370 = arith.index_cast %add3A_339 : i32 to index
      %swap3A_371 = arith.constant 0 : index
      %swap3A_372 = tpu.vector_load %arg9[%swap3A_370, %swap3A_371] {strides = array<i32>} : memref<125x80xi32, #tpu.memory_space<vmem>>, vector<16xi32>,
      tpu.vector_store %arg9[%swap3A_370, %swap3A_371], %select_n3A_369 {strides = array<i32>} : memref<125x80xi32, #tpu.memory_space<vmem>>, vector<16xi32>,
      %add3A_373 = arith.constant 0 : i32
      %add3A_374 = vector.broadcast %add3A_373 : i32 to vector<16xi32>
      %add3A_375 = arith.addi %add3A_374, %iota3A : vector<16xi32>
      tpu.vector_store_idx %arg13[%add3A_375, %broadcast_in_dim3A_107], %exp3A_358 : memref<80x16xf32, #tpu.memory_space<vmem>>[vector<16xi32>, vector<16xi32>], vector<16xf32>,
      %get3A_376 = arith.index_cast %add3A_339 : i32 to index
      %get3A_377 = arith.constant 16 : index
      %get3A_378 = tpu.vector_load %arg8[%get3A_376, %get3A_377] {strides = array<i32>} : memref<125x80xi32, #tpu.memory_space<vmem>>, vector<16xi32>,
      %get3A_379 = arith.index_cast %add3A_339 : i32 to index
      %get3A_380 = arith.constant 16 : index
      %get3A_381 = tpu.vector_load %arg9[%get3A_379, %get3A_380] {strides = array<i32>} : memref<125x80xi32, #tpu.memory_space<vmem>>, vector<16xi32>,
      %gather3A_382 = tpu.vector_load_idx %arg10[%get3A_378] : memref<10000xf32, #tpu.memory_space<vmem>>[vector<16xi32>], vector<16xf32>,
      %gather3A_383 = tpu.vector_load_idx %arg11[%get3A_381] : memref<10000xf32, #tpu.memory_space<vmem>>[vector<16xi32>], vector<16xf32>,
      %add3A_384 = arith.addf %gather3A_382, %gather3A_383 : vector<16xf32>
      %gt3A_385 = arith.constant 0.000000e+00 : f32
      %gt3A_386 = vector.broadcast %gt3A_385 : f32 to vector<16xf32>
      %gt3A_387 = arith.cmpf ogt, %add3A_384, %gt3A_386 : vector<16xf32>
      %mul3A_388 = arith.constant 2.000000e-01 : f32
      %mul3A_389 = vector.broadcast %mul3A_388 : f32 to vector<16xf32>
      %mul3A_390 = arith.mulf %mul3A_389, %gather3A_383 : vector<16xf32>
      %select_n3A_391 = arith.select %gt3A_387, %gather3A_383, %mul3A_390 : vector<16xi1>, vector<16xf32>
      %exp3A_392 = math.exp %select_n3A_391 : vector<16xf32>
      %add3A_393 = arith.constant 10240 : i32
      %add3A_394 = vector.broadcast %add3A_393 : i32 to vector<16xi32>
      %add3A_395 = arith.addi %get3A_378, %add3A_394 : vector<16xi32>
      %select_n3A_396 = arith.select %gt3A_387, %get3A_378, %add3A_395 : vector<16xi1>, vector<16xi32>
      %swap3A_397 = arith.index_cast %add3A_339 : i32 to index
      %swap3A_398 = arith.constant 16 : index
      %swap3A_399 = tpu.vector_load %arg8[%swap3A_397, %swap3A_398] {strides = array<i32>} : memref<125x80xi32, #tpu.memory_space<vmem>>, vector<16xi32>,
      tpu.vector_store %arg8[%swap3A_397, %swap3A_398], %select_n3A_396 {strides = array<i32>} : memref<125x80xi32, #tpu.memory_space<vmem>>, vector<16xi32>,
      %add3A_400 = arith.constant 10000 : i32
      %add3A_401 = vector.broadcast %add3A_400 : i32 to vector<16xi32>
      %add3A_402 = arith.addi %get3A_381, %add3A_401 : vector<16xi32>
      %select_n3A_403 = arith.select %gt3A_387, %get3A_381, %add3A_402 : vector<16xi1>, vector<16xi32>
      %swap3A_404 = arith.index_cast %add3A_339 : i32 to index
      %swap3A_405 = arith.constant 16 : index
      %swap3A_406 = tpu.vector_load %arg9[%swap3A_404, %swap3A_405] {strides = array<i32>} : memref<125x80xi32, #tpu.memory_space<vmem>>, vector<16xi32>,
      tpu.vector_store %arg9[%swap3A_404, %swap3A_405], %select_n3A_403 {strides = array<i32>} : memref<125x80xi32, #tpu.memory_space<vmem>>, vector<16xi32>,
      %add3A_407 = arith.constant 16 : i32
      %add3A_408 = vector.broadcast %add3A_407 : i32 to vector<16xi32>
      %add3A_409 = arith.addi %add3A_408, %iota3A : vector<16xi32>
      tpu.vector_store_idx %arg13[%add3A_409, %broadcast_in_dim3A_107], %exp3A_392 : memref<80x16xf32, #tpu.memory_space<vmem>>[vector<16xi32>, vector<16xi32>], vector<16xf32>,
      %get3A_410 = arith.index_cast %add3A_339 : i32 to index
      %get3A_411 = arith.constant 32 : index
      %get3A_412 = tpu.vector_load %arg8[%get3A_410, %get3A_411] {strides = array<i32>} : memref<125x80xi32, #tpu.memory_space<vmem>>, vector<16xi32>,
      %get3A_413 = arith.index_cast %add3A_339 : i32 to index
      %get3A_414 = arith.constant 32 : index
      %get3A_415 = tpu.vector_load %arg9[%get3A_413, %get3A_414] {strides = array<i32>} : memref<125x80xi32, #tpu.memory_space<vmem>>, vector<16xi32>,
      %gather3A_416 = tpu.vector_load_idx %arg10[%get3A_412] : memref<10000xf32, #tpu.memory_space<vmem>>[vector<16xi32>], vector<16xf32>,
      %gather3A_417 = tpu.vector_load_idx %arg11[%get3A_415] : memref<10000xf32, #tpu.memory_space<vmem>>[vector<16xi32>], vector<16xf32>,
      %add3A_418 = arith.addf %gather3A_416, %gather3A_417 : vector<16xf32>
      %gt3A_419 = arith.constant 0.000000e+00 : f32
      %gt3A_420 = vector.broadcast %gt3A_419 : f32 to vector<16xf32>
      %gt3A_421 = arith.cmpf ogt, %add3A_418, %gt3A_420 : vector<16xf32>
      %mul3A_422 = arith.constant 2.000000e-01 : f32
      %mul3A_423 = vector.broadcast %mul3A_422 : f32 to vector<16xf32>
      %mul3A_424 = arith.mulf %mul3A_423, %gather3A_417 : vector<16xf32>
      %select_n3A_425 = arith.select %gt3A_421, %gather3A_417, %mul3A_424 : vector<16xi1>, vector<16xf32>
      %exp3A_426 = math.exp %select_n3A_425 : vector<16xf32>
      %add3A_427 = arith.constant 10240 : i32
      %add3A_428 = vector.broadcast %add3A_427 : i32 to vector<16xi32>
      %add3A_429 = arith.addi %get3A_412, %add3A_428 : vector<16xi32>
      %select_n3A_430 = arith.select %gt3A_421, %get3A_412, %add3A_429 : vector<16xi1>, vector<16xi32>
      %swap3A_431 = arith.index_cast %add3A_339 : i32 to index
      %swap3A_432 = arith.constant 32 : index
      %swap3A_433 = tpu.vector_load %arg8[%swap3A_431, %swap3A_432] {strides = array<i32>} : memref<125x80xi32, #tpu.memory_space<vmem>>, vector<16xi32>,
      tpu.vector_store %arg8[%swap3A_431, %swap3A_432], %select_n3A_430 {strides = array<i32>} : memref<125x80xi32, #tpu.memory_space<vmem>>, vector<16xi32>,
      %add3A_434 = arith.constant 10000 : i32
      %add3A_435 = vector.broadcast %add3A_434 : i32 to vector<16xi32>
      %add3A_436 = arith.addi %get3A_415, %add3A_435 : vector<16xi32>
      %select_n3A_437 = arith.select %gt3A_421, %get3A_415, %add3A_436 : vector<16xi1>, vector<16xi32>
      %swap3A_438 = arith.index_cast %add3A_339 : i32 to index
      %swap3A_439 = arith.constant 32 : index
      %swap3A_440 = tpu.vector_load %arg9[%swap3A_438, %swap3A_439] {strides = array<i32>} : memref<125x80xi32, #tpu.memory_space<vmem>>, vector<16xi32>,
      tpu.vector_store %arg9[%swap3A_438, %swap3A_439], %select_n3A_437 {strides = array<i32>} : memref<125x80xi32, #tpu.memory_space<vmem>>, vector<16xi32>,
      %add3A_441 = arith.constant 32 : i32
      %add3A_442 = vector.broadcast %add3A_441 : i32 to vector<16xi32>
      %add3A_443 = arith.addi %add3A_442, %iota3A : vector<16xi32>
      tpu.vector_store_idx %arg13[%add3A_443, %broadcast_in_dim3A_107], %exp3A_426 : memref<80x16xf32, #tpu.memory_space<vmem>>[vector<16xi32>, vector<16xi32>], vector<16xf32>,
      %get3A_444 = arith.index_cast %add3A_339 : i32 to index
      %get3A_445 = arith.constant 48 : index
      %get3A_446 = tpu.vector_load %arg8[%get3A_444, %get3A_445] {strides = array<i32>} : memref<125x80xi32, #tpu.memory_space<vmem>>, vector<16xi32>,
      %get3A_447 = arith.index_cast %add3A_339 : i32 to index
      %get3A_448 = arith.constant 48 : index
      %get3A_449 = tpu.vector_load %arg9[%get3A_447, %get3A_448] {strides = array<i32>} : memref<125x80xi32, #tpu.memory_space<vmem>>, vector<16xi32>,
      %gather3A_450 = tpu.vector_load_idx %arg10[%get3A_446] : memref<10000xf32, #tpu.memory_space<vmem>>[vector<16xi32>], vector<16xf32>,
      %gather3A_451 = tpu.vector_load_idx %arg11[%get3A_449] : memref<10000xf32, #tpu.memory_space<vmem>>[vector<16xi32>], vector<16xf32>,
      %add3A_452 = arith.addf %gather3A_450, %gather3A_451 : vector<16xf32>
      %gt3A_453 = arith.constant 0.000000e+00 : f32
      %gt3A_454 = vector.broadcast %gt3A_453 : f32 to vector<16xf32>
      %gt3A_455 = arith.cmpf ogt, %add3A_452, %gt3A_454 : vector<16xf32>
      %mul3A_456 = arith.constant 2.000000e-01 : f32
      %mul3A_457 = vector.broadcast %mul3A_456 : f32 to vector<16xf32>
      %mul3A_458 = arith.mulf %mul3A_457, %gather3A_451 : vector<16xf32>
      %select_n3A_459 = arith.select %gt3A_455, %gather3A_451, %mul3A_458 : vector<16xi1>, vector<16xf32>
      %exp3A_460 = math.exp %select_n3A_459 : vector<16xf32>
      %add3A_461 = arith.constant 10240 : i32
      %add3A_462 = vector.broadcast %add3A_461 : i32 to vector<16xi32>
      %add3A_463 = arith.addi %get3A_446, %add3A_462 : vector<16xi32>
      %select_n3A_464 = arith.select %gt3A_455, %get3A_446, %add3A_463 : vector<16xi1>, vector<16xi32>
      %swap3A_465 = arith.index_cast %add3A_339 : i32 to index
      %swap3A_466 = arith.constant 48 : index
      %swap3A_467 = tpu.vector_load %arg8[%swap3A_465, %swap3A_466] {strides = array<i32>} : memref<125x80xi32, #tpu.memory_space<vmem>>, vector<16xi32>,
      tpu.vector_store %arg8[%swap3A_465, %swap3A_466], %select_n3A_464 {strides = array<i32>} : memref<125x80xi32, #tpu.memory_space<vmem>>, vector<16xi32>,
      %add3A_468 = arith.constant 10000 : i32
      %add3A_469 = vector.broadcast %add3A_468 : i32 to vector<16xi32>
      %add3A_470 = arith.addi %get3A_449, %add3A_469 : vector<16xi32>
      %select_n3A_471 = arith.select %gt3A_455, %get3A_449, %add3A_470 : vector<16xi1>, vector<16xi32>
      %swap3A_472 = arith.index_cast %add3A_339 : i32 to index
      %swap3A_473 = arith.constant 48 : index
      %swap3A_474 = tpu.vector_load %arg9[%swap3A_472, %swap3A_473] {strides = array<i32>} : memref<125x80xi32, #tpu.memory_space<vmem>>, vector<16xi32>,
      tpu.vector_store %arg9[%swap3A_472, %swap3A_473], %select_n3A_471 {strides = array<i32>} : memref<125x80xi32, #tpu.memory_space<vmem>>, vector<16xi32>,
      %add3A_475 = arith.constant 48 : i32
      %add3A_476 = vector.broadcast %add3A_475 : i32 to vector<16xi32>
      %add3A_477 = arith.addi %add3A_476, %iota3A : vector<16xi32>
      tpu.vector_store_idx %arg13[%add3A_477, %broadcast_in_dim3A_107], %exp3A_460 : memref<80x16xf32, #tpu.memory_space<vmem>>[vector<16xi32>, vector<16xi32>], vector<16xf32>,
      %get3A_478 = arith.index_cast %add3A_339 : i32 to index
      %get3A_479 = arith.constant 64 : index
      %get3A_480 = tpu.vector_load %arg8[%get3A_478, %get3A_479] {strides = array<i32>} : memref<125x80xi32, #tpu.memory_space<vmem>>, vector<16xi32>,
      %get3A_481 = arith.index_cast %add3A_339 : i32 to index
      %get3A_482 = arith.constant 64 : index
      %get3A_483 = tpu.vector_load %arg9[%get3A_481, %get3A_482] {strides = array<i32>} : memref<125x80xi32, #tpu.memory_space<vmem>>, vector<16xi32>,
      %gather3A_484 = tpu.vector_load_idx %arg10[%get3A_480] : memref<10000xf32, #tpu.memory_space<vmem>>[vector<16xi32>], vector<16xf32>,
      %gather3A_485 = tpu.vector_load_idx %arg11[%get3A_483] : memref<10000xf32, #tpu.memory_space<vmem>>[vector<16xi32>], vector<16xf32>,
      %add3A_486 = arith.addf %gather3A_484, %gather3A_485 : vector<16xf32>
      %gt3A_487 = arith.constant 0.000000e+00 : f32
      %gt3A_488 = vector.broadcast %gt3A_487 : f32 to vector<16xf32>
      %gt3A_489 = arith.cmpf ogt, %add3A_486, %gt3A_488 : vector<16xf32>
      %mul3A_490 = arith.constant 2.000000e-01 : f32
      %mul3A_491 = vector.broadcast %mul3A_490 : f32 to vector<16xf32>
      %mul3A_492 = arith.mulf %mul3A_491, %gather3A_485 : vector<16xf32>
      %select_n3A_493 = arith.select %gt3A_489, %gather3A_485, %mul3A_492 : vector<16xi1>, vector<16xf32>
      %exp3A_494 = math.exp %select_n3A_493 : vector<16xf32>
      %add3A_495 = arith.constant 10240 : i32
      %add3A_496 = vector.broadcast %add3A_495 : i32 to vector<16xi32>
      %add3A_497 = arith.addi %get3A_480, %add3A_496 : vector<16xi32>
      %select_n3A_498 = arith.select %gt3A_489, %get3A_480, %add3A_497 : vector<16xi1>, vector<16xi32>
      %swap3A_499 = arith.index_cast %add3A_339 : i32 to index
      %swap3A_500 = arith.constant 64 : index
      %swap3A_501 = tpu.vector_load %arg8[%swap3A_499, %swap3A_500] {strides = array<i32>} : memref<125x80xi32, #tpu.memory_space<vmem>>, vector<16xi32>,
      tpu.vector_store %arg8[%swap3A_499, %swap3A_500], %select_n3A_498 {strides = array<i32>} : memref<125x80xi32, #tpu.memory_space<vmem>>, vector<16xi32>,
      %add3A_502 = arith.constant 10000 : i32
      %add3A_503 = vector.broadcast %add3A_502 : i32 to vector<16xi32>
      %add3A_504 = arith.addi %get3A_483, %add3A_503 : vector<16xi32>
      %select_n3A_505 = arith.select %gt3A_489, %get3A_483, %add3A_504 : vector<16xi1>, vector<16xi32>
      %swap3A_506 = arith.index_cast %add3A_339 : i32 to index
      %swap3A_507 = arith.constant 64 : index
      %swap3A_508 = tpu.vector_load %arg9[%swap3A_506, %swap3A_507] {strides = array<i32>} : memref<125x80xi32, #tpu.memory_space<vmem>>, vector<16xi32>,
      tpu.vector_store %arg9[%swap3A_506, %swap3A_507], %select_n3A_505 {strides = array<i32>} : memref<125x80xi32, #tpu.memory_space<vmem>>, vector<16xi32>,
      %add3A_509 = arith.constant 64 : i32
      %add3A_510 = vector.broadcast %add3A_509 : i32 to vector<16xi32>
      %add3A_511 = arith.addi %add3A_510, %iota3A : vector<16xi32>
      tpu.vector_store_idx %arg13[%add3A_511, %broadcast_in_dim3A_107], %exp3A_494 : memref<80x16xf32, #tpu.memory_space<vmem>>[vector<16xi32>, vector<16xi32>], vector<16xf32>,
      %dma_start3A_512 = arith.constant 0 : i32
      %dma_start3A_513 = tpu.memref_slice %arg8[%add3A_339, %dma_start3A_512] : memref<125x80xi32, #tpu.memory_space<vmem>> -> memref<1x80xi32, #tpu.memory_space<vmem>>
      %dma_start3A_514 = tpu.memref_squeeze %dma_start3A_513 : memref<1x80xi32, #tpu.memory_space<vmem>> -> memref<80xi32, #tpu.memory_space<vmem>>
      %dma_start3A_515 = arith.constant 0 : i32
      %dma_start3A_516 = arith.constant 0 : i32
      %dma_start3A_517 = tpu.memref_slice %arg16[%dma_start3A_515, %dma_start3A_516] : memref<20480x16xf32, #tpu.memory_space<vmem_shared>> -> memref<20480x16xf32, #tpu.memory_space<vmem_shared>>
      tpu.enqueue_indirect_dma source(%arg13 : memref<80x16xf32, #tpu.memory_space<vmem>>) target(%dma_start3A_517 : memref<20480x16xf32, #tpu.memory_space<vmem_shared>>) offsets(%dma_start3A_514 : memref<80xi32, #tpu.memory_space<vmem>>) semaphore(%arg19 : memref<!tpu.dma_semaphore, #tpu.memory_space<semaphore_mem>>) {add = true}
      %mul3A_518 = arith.constant 4 : i32
      %mul3A_519 = arith.muli %scan3A_332, %mul3A_518 : i32
      %add3A_520 = arith.constant 1 : i32
      %add3A_521 = arith.addi %add3A_520, %mul3A_519 : i32
      %add3A_522 = arith.constant 1 : i32
      %add3A_523 = arith.addi %add3A_521, %add3A_522 : i32
      %ge3A_524 = arith.constant 5 : i32
      %ge3A_525 = arith.cmpi sge, %add3A_523, %ge3A_524 : i32
      %convert_element_type3A_526 = arith.extui %ge3A_525 : i1 to i32
      %cond3A_527 = arith.constant 0 : i32
      %cond3A_528 = arith.cmpi ne, %convert_element_type3A_526, %cond3A_527 : i32
      scf.if %cond3A_528 {
        %dma_wait3A_1080 = arith.constant 0 : i32
        %dma_wait3A_1081 = arith.constant 0 : i32
        %dma_wait3A_1082 = tpu.memref_slice %arg8[%dma_wait3A_1080, %dma_wait3A_1081] : memref<125x80xi32, #tpu.memory_space<vmem>> -> memref<1x80xi32, #tpu.memory_space<vmem>>
        %dma_wait3A_1083 = tpu.memref_squeeze %dma_wait3A_1082 : memref<1x80xi32, #tpu.memory_space<vmem>> -> memref<80xi32, #tpu.memory_space<vmem>>
        %dma_wait3A_1084 = arith.constant 0 : i32
        %dma_wait3A_1085 = arith.constant 0 : i32
        %dma_wait3A_1086 = tpu.memref_slice %arg16[%dma_wait3A_1084, %dma_wait3A_1085] : memref<20480x16xf32, #tpu.memory_space<vmem_shared>> -> memref<20480x16xf32, #tpu.memory_space<vmem_shared>>
        tpu.wait_indirect_dma semaphore(%arg20 : memref<!tpu.dma_semaphore, #tpu.memory_space<semaphore_mem>>) src(%arg14 : memref<80x16xf32, #tpu.memory_space<vmem>>) dst(%dma_wait3A_1086 : memref<20480x16xf32, #tpu.memory_space<vmem_shared>>)
      } else {
      }
      %get3A_529 = arith.index_cast %add3A_523 : i32 to index
      %get3A_530 = arith.constant 0 : index
      %get3A_531 = tpu.vector_load %arg8[%get3A_529, %get3A_530] {strides = array<i32>} : memref<125x80xi32, #tpu.memory_space<vmem>>, vector<16xi32>,
      %get3A_532 = arith.index_cast %add3A_523 : i32 to index
      %get3A_533 = arith.constant 0 : index
      %get3A_534 = tpu.vector_load %arg9[%get3A_532, %get3A_533] {strides = array<i32>} : memref<125x80xi32, #tpu.memory_space<vmem>>, vector<16xi32>,
      %gather3A_535 = tpu.vector_load_idx %arg10[%get3A_531] : memref<10000xf32, #tpu.memory_space<vmem>>[vector<16xi32>], vector<16xf32>,
      %gather3A_536 = tpu.vector_load_idx %arg11[%get3A_534] : memref<10000xf32, #tpu.memory_space<vmem>>[vector<16xi32>], vector<16xf32>,
      %add3A_537 = arith.addf %gather3A_535, %gather3A_536 : vector<16xf32>
      %gt3A_538 = arith.constant 0.000000e+00 : f32
      %gt3A_539 = vector.broadcast %gt3A_538 : f32 to vector<16xf32>
      %gt3A_540 = arith.cmpf ogt, %add3A_537, %gt3A_539 : vector<16xf32>
      %mul3A_541 = arith.constant 2.000000e-01 : f32
      %mul3A_542 = vector.broadcast %mul3A_541 : f32 to vector<16xf32>
      %mul3A_543 = arith.mulf %mul3A_542, %gather3A_536 : vector<16xf32>
      %select_n3A_544 = arith.select %gt3A_540, %gather3A_536, %mul3A_543 : vector<16xi1>, vector<16xf32>
      %exp3A_545 = math.exp %select_n3A_544 : vector<16xf32>
      %add3A_546 = arith.constant 10240 : i32
      %add3A_547 = vector.broadcast %add3A_546 : i32 to vector<16xi32>
      %add3A_548 = arith.addi %get3A_531, %add3A_547 : vector<16xi32>
      %select_n3A_549 = arith.select %gt3A_540, %get3A_531, %add3A_548 : vector<16xi1>, vector<16xi32>
      %swap3A_550 = arith.index_cast %add3A_523 : i32 to index
      %swap3A_551 = arith.constant 0 : index
      %swap3A_552 = tpu.vector_load %arg8[%swap3A_550, %swap3A_551] {strides = array<i32>} : memref<125x80xi32, #tpu.memory_space<vmem>>, vector<16xi32>,
      tpu.vector_store %arg8[%swap3A_550, %swap3A_551], %select_n3A_549 {strides = array<i32>} : memref<125x80xi32, #tpu.memory_space<vmem>>, vector<16xi32>,
      %add3A_553 = arith.constant 10000 : i32
      %add3A_554 = vector.broadcast %add3A_553 : i32 to vector<16xi32>
      %add3A_555 = arith.addi %get3A_534, %add3A_554 : vector<16xi32>
      %select_n3A_556 = arith.select %gt3A_540, %get3A_534, %add3A_555 : vector<16xi1>, vector<16xi32>
      %swap3A_557 = arith.index_cast %add3A_523 : i32 to index
      %swap3A_558 = arith.constant 0 : index
      %swap3A_559 = tpu.vector_load %arg9[%swap3A_557, %swap3A_558] {strides = array<i32>} : memref<125x80xi32, #tpu.memory_space<vmem>>, vector<16xi32>,
      tpu.vector_store %arg9[%swap3A_557, %swap3A_558], %select_n3A_556 {strides = array<i32>} : memref<125x80xi32, #tpu.memory_space<vmem>>, vector<16xi32>,
      %add3A_560 = arith.constant 0 : i32
      %add3A_561 = vector.broadcast %add3A_560 : i32 to vector<16xi32>
      %add3A_562 = arith.addi %add3A_561, %iota3A : vector<16xi32>
      tpu.vector_store_idx %arg14[%add3A_562, %broadcast_in_dim3A_107], %exp3A_545 : memref<80x16xf32, #tpu.memory_space<vmem>>[vector<16xi32>, vector<16xi32>], vector<16xf32>,
      %get3A_563 = arith.index_cast %add3A_523 : i32 to index
      %get3A_564 = arith.constant 16 : index
      %get3A_565 = tpu.vector_load %arg8[%get3A_563, %get3A_564] {strides = array<i32>} : memref<125x80xi32, #tpu.memory_space<vmem>>, vector<16xi32>,
      %get3A_566 = arith.index_cast %add3A_523 : i32 to index
      %get3A_567 = arith.constant 16 : index
      %get3A_568 = tpu.vector_load %arg9[%get3A_566, %get3A_567] {strides = array<i32>} : memref<125x80xi32, #tpu.memory_space<vmem>>, vector<16xi32>,
      %gather3A_569 = tpu.vector_load_idx %arg10[%get3A_565] : memref<10000xf32, #tpu.memory_space<vmem>>[vector<16xi32>], vector<16xf32>,
      %gather3A_570 = tpu.vector_load_idx %arg11[%get3A_568] : memref<10000xf32, #tpu.memory_space<vmem>>[vector<16xi32>], vector<16xf32>,
      %add3A_571 = arith.addf %gather3A_569, %gather3A_570 : vector<16xf32>
      %gt3A_572 = arith.constant 0.000000e+00 : f32
      %gt3A_573 = vector.broadcast %gt3A_572 : f32 to vector<16xf32>
      %gt3A_574 = arith.cmpf ogt, %add3A_571, %gt3A_573 : vector<16xf32>
      %mul3A_575 = arith.constant 2.000000e-01 : f32
      %mul3A_576 = vector.broadcast %mul3A_575 : f32 to vector<16xf32>
      %mul3A_577 = arith.mulf %mul3A_576, %gather3A_570 : vector<16xf32>
      %select_n3A_578 = arith.select %gt3A_574, %gather3A_570, %mul3A_577 : vector<16xi1>, vector<16xf32>
      %exp3A_579 = math.exp %select_n3A_578 : vector<16xf32>
      %add3A_580 = arith.constant 10240 : i32
      %add3A_581 = vector.broadcast %add3A_580 : i32 to vector<16xi32>
      %add3A_582 = arith.addi %get3A_565, %add3A_581 : vector<16xi32>
      %select_n3A_583 = arith.select %gt3A_574, %get3A_565, %add3A_582 : vector<16xi1>, vector<16xi32>
      %swap3A_584 = arith.index_cast %add3A_523 : i32 to index
      %swap3A_585 = arith.constant 16 : index
      %swap3A_586 = tpu.vector_load %arg8[%swap3A_584, %swap3A_585] {strides = array<i32>} : memref<125x80xi32, #tpu.memory_space<vmem>>, vector<16xi32>,
      tpu.vector_store %arg8[%swap3A_584, %swap3A_585], %select_n3A_583 {strides = array<i32>} : memref<125x80xi32, #tpu.memory_space<vmem>>, vector<16xi32>,
      %add3A_587 = arith.constant 10000 : i32
      %add3A_588 = vector.broadcast %add3A_587 : i32 to vector<16xi32>
      %add3A_589 = arith.addi %get3A_568, %add3A_588 : vector<16xi32>
      %select_n3A_590 = arith.select %gt3A_574, %get3A_568, %add3A_589 : vector<16xi1>, vector<16xi32>
      %swap3A_591 = arith.index_cast %add3A_523 : i32 to index
      %swap3A_592 = arith.constant 16 : index
      %swap3A_593 = tpu.vector_load %arg9[%swap3A_591, %swap3A_592] {strides = array<i32>} : memref<125x80xi32, #tpu.memory_space<vmem>>, vector<16xi32>,
      tpu.vector_store %arg9[%swap3A_591, %swap3A_592], %select_n3A_590 {strides = array<i32>} : memref<125x80xi32, #tpu.memory_space<vmem>>, vector<16xi32>,
      %add3A_594 = arith.constant 16 : i32
      %add3A_595 = vector.broadcast %add3A_594 : i32 to vector<16xi32>
      %add3A_596 = arith.addi %add3A_595, %iota3A : vector<16xi32>
      tpu.vector_store_idx %arg14[%add3A_596, %broadcast_in_dim3A_107], %exp3A_579 : memref<80x16xf32, #tpu.memory_space<vmem>>[vector<16xi32>, vector<16xi32>], vector<16xf32>,
      %get3A_597 = arith.index_cast %add3A_523 : i32 to index
      %get3A_598 = arith.constant 32 : index
      %get3A_599 = tpu.vector_load %arg8[%get3A_597, %get3A_598] {strides = array<i32>} : memref<125x80xi32, #tpu.memory_space<vmem>>, vector<16xi32>,
      %get3A_600 = arith.index_cast %add3A_523 : i32 to index
      %get3A_601 = arith.constant 32 : index
      %get3A_602 = tpu.vector_load %arg9[%get3A_600, %get3A_601] {strides = array<i32>} : memref<125x80xi32, #tpu.memory_space<vmem>>, vector<16xi32>,
      %gather3A_603 = tpu.vector_load_idx %arg10[%get3A_599] : memref<10000xf32, #tpu.memory_space<vmem>>[vector<16xi32>], vector<16xf32>,
      %gather3A_604 = tpu.vector_load_idx %arg11[%get3A_602] : memref<10000xf32, #tpu.memory_space<vmem>>[vector<16xi32>], vector<16xf32>,
      %add3A_605 = arith.addf %gather3A_603, %gather3A_604 : vector<16xf32>
      %gt3A_606 = arith.constant 0.000000e+00 : f32
      %gt3A_607 = vector.broadcast %gt3A_606 : f32 to vector<16xf32>
      %gt3A_608 = arith.cmpf ogt, %add3A_605, %gt3A_607 : vector<16xf32>
      %mul3A_609 = arith.constant 2.000000e-01 : f32
      %mul3A_610 = vector.broadcast %mul3A_609 : f32 to vector<16xf32>
      %mul3A_611 = arith.mulf %mul3A_610, %gather3A_604 : vector<16xf32>
      %select_n3A_612 = arith.select %gt3A_608, %gather3A_604, %mul3A_611 : vector<16xi1>, vector<16xf32>
      %exp3A_613 = math.exp %select_n3A_612 : vector<16xf32>
      %add3A_614 = arith.constant 10240 : i32
      %add3A_615 = vector.broadcast %add3A_614 : i32 to vector<16xi32>
      %add3A_616 = arith.addi %get3A_599, %add3A_615 : vector<16xi32>
      %select_n3A_617 = arith.select %gt3A_608, %get3A_599, %add3A_616 : vector<16xi1>, vector<16xi32>
      %swap3A_618 = arith.index_cast %add3A_523 : i32 to index
      %swap3A_619 = arith.constant 32 : index
      %swap3A_620 = tpu.vector_load %arg8[%swap3A_618, %swap3A_619] {strides = array<i32>} : memref<125x80xi32, #tpu.memory_space<vmem>>, vector<16xi32>,
      tpu.vector_store %arg8[%swap3A_618, %swap3A_619], %select_n3A_617 {strides = array<i32>} : memref<125x80xi32, #tpu.memory_space<vmem>>, vector<16xi32>,
      %add3A_621 = arith.constant 10000 : i32
      %add3A_622 = vector.broadcast %add3A_621 : i32 to vector<16xi32>
      %add3A_623 = arith.addi %get3A_602, %add3A_622 : vector<16xi32>
      %select_n3A_624 = arith.select %gt3A_608, %get3A_602, %add3A_623 : vector<16xi1>, vector<16xi32>
      %swap3A_625 = arith.index_cast %add3A_523 : i32 to index
      %swap3A_626 = arith.constant 32 : index
      %swap3A_627 = tpu.vector_load %arg9[%swap3A_625, %swap3A_626] {strides = array<i32>} : memref<125x80xi32, #tpu.memory_space<vmem>>, vector<16xi32>,
      tpu.vector_store %arg9[%swap3A_625, %swap3A_626], %select_n3A_624 {strides = array<i32>} : memref<125x80xi32, #tpu.memory_space<vmem>>, vector<16xi32>,
      %add3A_628 = arith.constant 32 : i32
      %add3A_629 = vector.broadcast %add3A_628 : i32 to vector<16xi32>
      %add3A_630 = arith.addi %add3A_629, %iota3A : vector<16xi32>
      tpu.vector_store_idx %arg14[%add3A_630, %broadcast_in_dim3A_107], %exp3A_613 : memref<80x16xf32, #tpu.memory_space<vmem>>[vector<16xi32>, vector<16xi32>], vector<16xf32>,
      %get3A_631 = arith.index_cast %add3A_523 : i32 to index
      %get3A_632 = arith.constant 48 : index
      %get3A_633 = tpu.vector_load %arg8[%get3A_631, %get3A_632] {strides = array<i32>} : memref<125x80xi32, #tpu.memory_space<vmem>>, vector<16xi32>,
      %get3A_634 = arith.index_cast %add3A_523 : i32 to index
      %get3A_635 = arith.constant 48 : index
      %get3A_636 = tpu.vector_load %arg9[%get3A_634, %get3A_635] {strides = array<i32>} : memref<125x80xi32, #tpu.memory_space<vmem>>, vector<16xi32>,
      %gather3A_637 = tpu.vector_load_idx %arg10[%get3A_633] : memref<10000xf32, #tpu.memory_space<vmem>>[vector<16xi32>], vector<16xf32>,
      %gather3A_638 = tpu.vector_load_idx %arg11[%get3A_636] : memref<10000xf32, #tpu.memory_space<vmem>>[vector<16xi32>], vector<16xf32>,
      %add3A_639 = arith.addf %gather3A_637, %gather3A_638 : vector<16xf32>
      %gt3A_640 = arith.constant 0.000000e+00 : f32
      %gt3A_641 = vector.broadcast %gt3A_640 : f32 to vector<16xf32>
      %gt3A_642 = arith.cmpf ogt, %add3A_639, %gt3A_641 : vector<16xf32>
      %mul3A_643 = arith.constant 2.000000e-01 : f32
      %mul3A_644 = vector.broadcast %mul3A_643 : f32 to vector<16xf32>
      %mul3A_645 = arith.mulf %mul3A_644, %gather3A_638 : vector<16xf32>
      %select_n3A_646 = arith.select %gt3A_642, %gather3A_638, %mul3A_645 : vector<16xi1>, vector<16xf32>
      %exp3A_647 = math.exp %select_n3A_646 : vector<16xf32>
      %add3A_648 = arith.constant 10240 : i32
      %add3A_649 = vector.broadcast %add3A_648 : i32 to vector<16xi32>
      %add3A_650 = arith.addi %get3A_633, %add3A_649 : vector<16xi32>
      %select_n3A_651 = arith.select %gt3A_642, %get3A_633, %add3A_650 : vector<16xi1>, vector<16xi32>
      %swap3A_652 = arith.index_cast %add3A_523 : i32 to index
      %swap3A_653 = arith.constant 48 : index
      %swap3A_654 = tpu.vector_load %arg8[%swap3A_652, %swap3A_653] {strides = array<i32>} : memref<125x80xi32, #tpu.memory_space<vmem>>, vector<16xi32>,
      tpu.vector_store %arg8[%swap3A_652, %swap3A_653], %select_n3A_651 {strides = array<i32>} : memref<125x80xi32, #tpu.memory_space<vmem>>, vector<16xi32>,
      %add3A_655 = arith.constant 10000 : i32
      %add3A_656 = vector.broadcast %add3A_655 : i32 to vector<16xi32>
      %add3A_657 = arith.addi %get3A_636, %add3A_656 : vector<16xi32>
      %select_n3A_658 = arith.select %gt3A_642, %get3A_636, %add3A_657 : vector<16xi1>, vector<16xi32>
      %swap3A_659 = arith.index_cast %add3A_523 : i32 to index
      %swap3A_660 = arith.constant 48 : index
      %swap3A_661 = tpu.vector_load %arg9[%swap3A_659, %swap3A_660] {strides = array<i32>} : memref<125x80xi32, #tpu.memory_space<vmem>>, vector<16xi32>,
      tpu.vector_store %arg9[%swap3A_659, %swap3A_660], %select_n3A_658 {strides = array<i32>} : memref<125x80xi32, #tpu.memory_space<vmem>>, vector<16xi32>,
      %add3A_662 = arith.constant 48 : i32
      %add3A_663 = vector.broadcast %add3A_662 : i32 to vector<16xi32>
      %add3A_664 = arith.addi %add3A_663, %iota3A : vector<16xi32>
      tpu.vector_store_idx %arg14[%add3A_664, %broadcast_in_dim3A_107], %exp3A_647 : memref<80x16xf32, #tpu.memory_space<vmem>>[vector<16xi32>, vector<16xi32>], vector<16xf32>,
      %get3A_665 = arith.index_cast %add3A_523 : i32 to index
      %get3A_666 = arith.constant 64 : index
      %get3A_667 = tpu.vector_load %arg8[%get3A_665, %get3A_666] {strides = array<i32>} : memref<125x80xi32, #tpu.memory_space<vmem>>, vector<16xi32>,
      %get3A_668 = arith.index_cast %add3A_523 : i32 to index
      %get3A_669 = arith.constant 64 : index
      %get3A_670 = tpu.vector_load %arg9[%get3A_668, %get3A_669] {strides = array<i32>} : memref<125x80xi32, #tpu.memory_space<vmem>>, vector<16xi32>,
      %gather3A_671 = tpu.vector_load_idx %arg10[%get3A_667] : memref<10000xf32, #tpu.memory_space<vmem>>[vector<16xi32>], vector<16xf32>,
      %gather3A_672 = tpu.vector_load_idx %arg11[%get3A_670] : memref<10000xf32, #tpu.memory_space<vmem>>[vector<16xi32>], vector<16xf32>,
      %add3A_673 = arith.addf %gather3A_671, %gather3A_672 : vector<16xf32>
      %gt3A_674 = arith.constant 0.000000e+00 : f32
      %gt3A_675 = vector.broadcast %gt3A_674 : f32 to vector<16xf32>
      %gt3A_676 = arith.cmpf ogt, %add3A_673, %gt3A_675 : vector<16xf32>
      %mul3A_677 = arith.constant 2.000000e-01 : f32
      %mul3A_678 = vector.broadcast %mul3A_677 : f32 to vector<16xf32>
      %mul3A_679 = arith.mulf %mul3A_678, %gather3A_672 : vector<16xf32>
      %select_n3A_680 = arith.select %gt3A_676, %gather3A_672, %mul3A_679 : vector<16xi1>, vector<16xf32>
      %exp3A_681 = math.exp %select_n3A_680 : vector<16xf32>
      %add3A_682 = arith.constant 10240 : i32
      %add3A_683 = vector.broadcast %add3A_682 : i32 to vector<16xi32>
      %add3A_684 = arith.addi %get3A_667, %add3A_683 : vector<16xi32>
      %select_n3A_685 = arith.select %gt3A_676, %get3A_667, %add3A_684 : vector<16xi1>, vector<16xi32>
      %swap3A_686 = arith.index_cast %add3A_523 : i32 to index
      %swap3A_687 = arith.constant 64 : index
      %swap3A_688 = tpu.vector_load %arg8[%swap3A_686, %swap3A_687] {strides = array<i32>} : memref<125x80xi32, #tpu.memory_space<vmem>>, vector<16xi32>,
      tpu.vector_store %arg8[%swap3A_686, %swap3A_687], %select_n3A_685 {strides = array<i32>} : memref<125x80xi32, #tpu.memory_space<vmem>>, vector<16xi32>,
      %add3A_689 = arith.constant 10000 : i32
      %add3A_690 = vector.broadcast %add3A_689 : i32 to vector<16xi32>
      %add3A_691 = arith.addi %get3A_670, %add3A_690 : vector<16xi32>
      %select_n3A_692 = arith.select %gt3A_676, %get3A_670, %add3A_691 : vector<16xi1>, vector<16xi32>
      %swap3A_693 = arith.index_cast %add3A_523 : i32 to index
      %swap3A_694 = arith.constant 64 : index
      %swap3A_695 = tpu.vector_load %arg9[%swap3A_693, %swap3A_694] {strides = array<i32>} : memref<125x80xi32, #tpu.memory_space<vmem>>, vector<16xi32>,
      tpu.vector_store %arg9[%swap3A_693, %swap3A_694], %select_n3A_692 {strides = array<i32>} : memref<125x80xi32, #tpu.memory_space<vmem>>, vector<16xi32>,
      %add3A_696 = arith.constant 64 : i32
      %add3A_697 = vector.broadcast %add3A_696 : i32 to vector<16xi32>
      %add3A_698 = arith.addi %add3A_697, %iota3A : vector<16xi32>
      tpu.vector_store_idx %arg14[%add3A_698, %broadcast_in_dim3A_107], %exp3A_681 : memref<80x16xf32, #tpu.memory_space<vmem>>[vector<16xi32>, vector<16xi32>], vector<16xf32>,
      %dma_start3A_699 = arith.constant 0 : i32
      %dma_start3A_700 = tpu.memref_slice %arg8[%add3A_523, %dma_start3A_699] : memref<125x80xi32, #tpu.memory_space<vmem>> -> memref<1x80xi32, #tpu.memory_space<vmem>>
      %dma_start3A_701 = tpu.memref_squeeze %dma_start3A_700 : memref<1x80xi32, #tpu.memory_space<vmem>> -> memref<80xi32, #tpu.memory_space<vmem>>
      %dma_start3A_702 = arith.constant 0 : i32
      %dma_start3A_703 = arith.constant 0 : i32
      %dma_start3A_704 = tpu.memref_slice %arg16[%dma_start3A_702, %dma_start3A_703] : memref<20480x16xf32, #tpu.memory_space<vmem_shared>> -> memref<20480x16xf32, #tpu.memory_space<vmem_shared>>
      tpu.enqueue_indirect_dma source(%arg14 : memref<80x16xf32, #tpu.memory_space<vmem>>) target(%dma_start3A_704 : memref<20480x16xf32, #tpu.memory_space<vmem_shared>>) offsets(%dma_start3A_701 : memref<80xi32, #tpu.memory_space<vmem>>) semaphore(%arg20 : memref<!tpu.dma_semaphore, #tpu.memory_space<semaphore_mem>>) {add = true}
      %mul3A_705 = arith.constant 4 : i32
      %mul3A_706 = arith.muli %scan3A_332, %mul3A_705 : i32
      %add3A_707 = arith.constant 1 : i32
      %add3A_708 = arith.addi %add3A_707, %mul3A_706 : i32
      %add3A_709 = arith.constant 2 : i32
      %add3A_710 = arith.addi %add3A_708, %add3A_709 : i32
      %ge3A_711 = arith.constant 5 : i32
      %ge3A_712 = arith.cmpi sge, %add3A_710, %ge3A_711 : i32
      %convert_element_type3A_713 = arith.extui %ge3A_712 : i1 to i32
      %cond3A_714 = arith.constant 0 : i32
      %cond3A_715 = arith.cmpi ne, %convert_element_type3A_713, %cond3A_714 : i32
      scf.if %cond3A_715 {
        %dma_wait3A_1080 = arith.constant 0 : i32
        %dma_wait3A_1081 = arith.constant 0 : i32
        %dma_wait3A_1082 = tpu.memref_slice %arg8[%dma_wait3A_1080, %dma_wait3A_1081] : memref<125x80xi32, #tpu.memory_space<vmem>> -> memref<1x80xi32, #tpu.memory_space<vmem>>
        %dma_wait3A_1083 = tpu.memref_squeeze %dma_wait3A_1082 : memref<1x80xi32, #tpu.memory_space<vmem>> -> memref<80xi32, #tpu.memory_space<vmem>>
        %dma_wait3A_1084 = arith.constant 0 : i32
        %dma_wait3A_1085 = arith.constant 0 : i32
        %dma_wait3A_1086 = tpu.memref_slice %arg16[%dma_wait3A_1084, %dma_wait3A_1085] : memref<20480x16xf32, #tpu.memory_space<vmem_shared>> -> memref<20480x16xf32, #tpu.memory_space<vmem_shared>>
        tpu.wait_indirect_dma semaphore(%arg21 : memref<!tpu.dma_semaphore, #tpu.memory_space<semaphore_mem>>) src(%arg15 : memref<80x16xf32, #tpu.memory_space<vmem>>) dst(%dma_wait3A_1086 : memref<20480x16xf32, #tpu.memory_space<vmem_shared>>)
      } else {
      }
      %get3A_716 = arith.index_cast %add3A_710 : i32 to index
      %get3A_717 = arith.constant 0 : index
      %get3A_718 = tpu.vector_load %arg8[%get3A_716, %get3A_717] {strides = array<i32>} : memref<125x80xi32, #tpu.memory_space<vmem>>, vector<16xi32>,
      %get3A_719 = arith.index_cast %add3A_710 : i32 to index
      %get3A_720 = arith.constant 0 : index
      %get3A_721 = tpu.vector_load %arg9[%get3A_719, %get3A_720] {strides = array<i32>} : memref<125x80xi32, #tpu.memory_space<vmem>>, vector<16xi32>,
      %gather3A_722 = tpu.vector_load_idx %arg10[%get3A_718] : memref<10000xf32, #tpu.memory_space<vmem>>[vector<16xi32>], vector<16xf32>,
      %gather3A_723 = tpu.vector_load_idx %arg11[%get3A_721] : memref<10000xf32, #tpu.memory_space<vmem>>[vector<16xi32>], vector<16xf32>,
      %add3A_724 = arith.addf %gather3A_722, %gather3A_723 : vector<16xf32>
      %gt3A_725 = arith.constant 0.000000e+00 : f32
      %gt3A_726 = vector.broadcast %gt3A_725 : f32 to vector<16xf32>
      %gt3A_727 = arith.cmpf ogt, %add3A_724, %gt3A_726 : vector<16xf32>
      %mul3A_728 = arith.constant 2.000000e-01 : f32
      %mul3A_729 = vector.broadcast %mul3A_728 : f32 to vector<16xf32>
      %mul3A_730 = arith.mulf %mul3A_729, %gather3A_723 : vector<16xf32>
      %select_n3A_731 = arith.select %gt3A_727, %gather3A_723, %mul3A_730 : vector<16xi1>, vector<16xf32>
      %exp3A_732 = math.exp %select_n3A_731 : vector<16xf32>
      %add3A_733 = arith.constant 10240 : i32
      %add3A_734 = vector.broadcast %add3A_733 : i32 to vector<16xi32>
      %add3A_735 = arith.addi %get3A_718, %add3A_734 : vector<16xi32>
      %select_n3A_736 = arith.select %gt3A_727, %get3A_718, %add3A_735 : vector<16xi1>, vector<16xi32>
      %swap3A_737 = arith.index_cast %add3A_710 : i32 to index
      %swap3A_738 = arith.constant 0 : index
      %swap3A_739 = tpu.vector_load %arg8[%swap3A_737, %swap3A_738] {strides = array<i32>} : memref<125x80xi32, #tpu.memory_space<vmem>>, vector<16xi32>,
      tpu.vector_store %arg8[%swap3A_737, %swap3A_738], %select_n3A_736 {strides = array<i32>} : memref<125x80xi32, #tpu.memory_space<vmem>>, vector<16xi32>,
      %add3A_740 = arith.constant 10000 : i32
      %add3A_741 = vector.broadcast %add3A_740 : i32 to vector<16xi32>
      %add3A_742 = arith.addi %get3A_721, %add3A_741 : vector<16xi32>
      %select_n3A_743 = arith.select %gt3A_727, %get3A_721, %add3A_742 : vector<16xi1>, vector<16xi32>
      %swap3A_744 = arith.index_cast %add3A_710 : i32 to index
      %swap3A_745 = arith.constant 0 : index
      %swap3A_746 = tpu.vector_load %arg9[%swap3A_744, %swap3A_745] {strides = array<i32>} : memref<125x80xi32, #tpu.memory_space<vmem>>, vector<16xi32>,
      tpu.vector_store %arg9[%swap3A_744, %swap3A_745], %select_n3A_743 {strides = array<i32>} : memref<125x80xi32, #tpu.memory_space<vmem>>, vector<16xi32>,
      %add3A_747 = arith.constant 0 : i32
      %add3A_748 = vector.broadcast %add3A_747 : i32 to vector<16xi32>
      %add3A_749 = arith.addi %add3A_748, %iota3A : vector<16xi32>
      tpu.vector_store_idx %arg15[%add3A_749, %broadcast_in_dim3A_107], %exp3A_732 : memref<80x16xf32, #tpu.memory_space<vmem>>[vector<16xi32>, vector<16xi32>], vector<16xf32>,
      %get3A_750 = arith.index_cast %add3A_710 : i32 to index
      %get3A_751 = arith.constant 16 : index
      %get3A_752 = tpu.vector_load %arg8[%get3A_750, %get3A_751] {strides = array<i32>} : memref<125x80xi32, #tpu.memory_space<vmem>>, vector<16xi32>,
      %get3A_753 = arith.index_cast %add3A_710 : i32 to index
      %get3A_754 = arith.constant 16 : index
      %get3A_755 = tpu.vector_load %arg9[%get3A_753, %get3A_754] {strides = array<i32>} : memref<125x80xi32, #tpu.memory_space<vmem>>, vector<16xi32>,
      %gather3A_756 = tpu.vector_load_idx %arg10[%get3A_752] : memref<10000xf32, #tpu.memory_space<vmem>>[vector<16xi32>], vector<16xf32>,
      %gather3A_757 = tpu.vector_load_idx %arg11[%get3A_755] : memref<10000xf32, #tpu.memory_space<vmem>>[vector<16xi32>], vector<16xf32>,
      %add3A_758 = arith.addf %gather3A_756, %gather3A_757 : vector<16xf32>
      %gt3A_759 = arith.constant 0.000000e+00 : f32
      %gt3A_760 = vector.broadcast %gt3A_759 : f32 to vector<16xf32>
      %gt3A_761 = arith.cmpf ogt, %add3A_758, %gt3A_760 : vector<16xf32>
      %mul3A_762 = arith.constant 2.000000e-01 : f32
      %mul3A_763 = vector.broadcast %mul3A_762 : f32 to vector<16xf32>
      %mul3A_764 = arith.mulf %mul3A_763, %gather3A_757 : vector<16xf32>
      %select_n3A_765 = arith.select %gt3A_761, %gather3A_757, %mul3A_764 : vector<16xi1>, vector<16xf32>
      %exp3A_766 = math.exp %select_n3A_765 : vector<16xf32>
      %add3A_767 = arith.constant 10240 : i32
      %add3A_768 = vector.broadcast %add3A_767 : i32 to vector<16xi32>
      %add3A_769 = arith.addi %get3A_752, %add3A_768 : vector<16xi32>
      %select_n3A_770 = arith.select %gt3A_761, %get3A_752, %add3A_769 : vector<16xi1>, vector<16xi32>
      %swap3A_771 = arith.index_cast %add3A_710 : i32 to index
      %swap3A_772 = arith.constant 16 : index
      %swap3A_773 = tpu.vector_load %arg8[%swap3A_771, %swap3A_772] {strides = array<i32>} : memref<125x80xi32, #tpu.memory_space<vmem>>, vector<16xi32>,
      tpu.vector_store %arg8[%swap3A_771, %swap3A_772], %select_n3A_770 {strides = array<i32>} : memref<125x80xi32, #tpu.memory_space<vmem>>, vector<16xi32>,
      %add3A_774 = arith.constant 10000 : i32
      %add3A_775 = vector.broadcast %add3A_774 : i32 to vector<16xi32>
      %add3A_776 = arith.addi %get3A_755, %add3A_775 : vector<16xi32>
      %select_n3A_777 = arith.select %gt3A_761, %get3A_755, %add3A_776 : vector<16xi1>, vector<16xi32>
      %swap3A_778 = arith.index_cast %add3A_710 : i32 to index
      %swap3A_779 = arith.constant 16 : index
      %swap3A_780 = tpu.vector_load %arg9[%swap3A_778, %swap3A_779] {strides = array<i32>} : memref<125x80xi32, #tpu.memory_space<vmem>>, vector<16xi32>,
      tpu.vector_store %arg9[%swap3A_778, %swap3A_779], %select_n3A_777 {strides = array<i32>} : memref<125x80xi32, #tpu.memory_space<vmem>>, vector<16xi32>,
      %add3A_781 = arith.constant 16 : i32
      %add3A_782 = vector.broadcast %add3A_781 : i32 to vector<16xi32>
      %add3A_783 = arith.addi %add3A_782, %iota3A : vector<16xi32>
      tpu.vector_store_idx %arg15[%add3A_783, %broadcast_in_dim3A_107], %exp3A_766 : memref<80x16xf32, #tpu.memory_space<vmem>>[vector<16xi32>, vector<16xi32>], vector<16xf32>,
      %get3A_784 = arith.index_cast %add3A_710 : i32 to index
      %get3A_785 = arith.constant 32 : index
      %get3A_786 = tpu.vector_load %arg8[%get3A_784, %get3A_785] {strides = array<i32>} : memref<125x80xi32, #tpu.memory_space<vmem>>, vector<16xi32>,
      %get3A_787 = arith.index_cast %add3A_710 : i32 to index
      %get3A_788 = arith.constant 32 : index
      %get3A_789 = tpu.vector_load %arg9[%get3A_787, %get3A_788] {strides = array<i32>} : memref<125x80xi32, #tpu.memory_space<vmem>>, vector<16xi32>,
      %gather3A_790 = tpu.vector_load_idx %arg10[%get3A_786] : memref<10000xf32, #tpu.memory_space<vmem>>[vector<16xi32>], vector<16xf32>,
      %gather3A_791 = tpu.vector_load_idx %arg11[%get3A_789] : memref<10000xf32, #tpu.memory_space<vmem>>[vector<16xi32>], vector<16xf32>,
      %add3A_792 = arith.addf %gather3A_790, %gather3A_791 : vector<16xf32>
      %gt3A_793 = arith.constant 0.000000e+00 : f32
      %gt3A_794 = vector.broadcast %gt3A_793 : f32 to vector<16xf32>
      %gt3A_795 = arith.cmpf ogt, %add3A_792, %gt3A_794 : vector<16xf32>
      %mul3A_796 = arith.constant 2.000000e-01 : f32
      %mul3A_797 = vector.broadcast %mul3A_796 : f32 to vector<16xf32>
      %mul3A_798 = arith.mulf %mul3A_797, %gather3A_791 : vector<16xf32>
      %select_n3A_799 = arith.select %gt3A_795, %gather3A_791, %mul3A_798 : vector<16xi1>, vector<16xf32>
      %exp3A_800 = math.exp %select_n3A_799 : vector<16xf32>
      %add3A_801 = arith.constant 10240 : i32
      %add3A_802 = vector.broadcast %add3A_801 : i32 to vector<16xi32>
      %add3A_803 = arith.addi %get3A_786, %add3A_802 : vector<16xi32>
      %select_n3A_804 = arith.select %gt3A_795, %get3A_786, %add3A_803 : vector<16xi1>, vector<16xi32>
      %swap3A_805 = arith.index_cast %add3A_710 : i32 to index
      %swap3A_806 = arith.constant 32 : index
      %swap3A_807 = tpu.vector_load %arg8[%swap3A_805, %swap3A_806] {strides = array<i32>} : memref<125x80xi32, #tpu.memory_space<vmem>>, vector<16xi32>,
      tpu.vector_store %arg8[%swap3A_805, %swap3A_806], %select_n3A_804 {strides = array<i32>} : memref<125x80xi32, #tpu.memory_space<vmem>>, vector<16xi32>,
      %add3A_808 = arith.constant 10000 : i32
      %add3A_809 = vector.broadcast %add3A_808 : i32 to vector<16xi32>
      %add3A_810 = arith.addi %get3A_789, %add3A_809 : vector<16xi32>
      %select_n3A_811 = arith.select %gt3A_795, %get3A_789, %add3A_810 : vector<16xi1>, vector<16xi32>
      %swap3A_812 = arith.index_cast %add3A_710 : i32 to index
      %swap3A_813 = arith.constant 32 : index
      %swap3A_814 = tpu.vector_load %arg9[%swap3A_812, %swap3A_813] {strides = array<i32>} : memref<125x80xi32, #tpu.memory_space<vmem>>, vector<16xi32>,
      tpu.vector_store %arg9[%swap3A_812, %swap3A_813], %select_n3A_811 {strides = array<i32>} : memref<125x80xi32, #tpu.memory_space<vmem>>, vector<16xi32>,
      %add3A_815 = arith.constant 32 : i32
      %add3A_816 = vector.broadcast %add3A_815 : i32 to vector<16xi32>
      %add3A_817 = arith.addi %add3A_816, %iota3A : vector<16xi32>
      tpu.vector_store_idx %arg15[%add3A_817, %broadcast_in_dim3A_107], %exp3A_800 : memref<80x16xf32, #tpu.memory_space<vmem>>[vector<16xi32>, vector<16xi32>], vector<16xf32>,
      %get3A_818 = arith.index_cast %add3A_710 : i32 to index
      %get3A_819 = arith.constant 48 : index
      %get3A_820 = tpu.vector_load %arg8[%get3A_818, %get3A_819] {strides = array<i32>} : memref<125x80xi32, #tpu.memory_space<vmem>>, vector<16xi32>,
      %get3A_821 = arith.index_cast %add3A_710 : i32 to index
      %get3A_822 = arith.constant 48 : index
      %get3A_823 = tpu.vector_load %arg9[%get3A_821, %get3A_822] {strides = array<i32>} : memref<125x80xi32, #tpu.memory_space<vmem>>, vector<16xi32>,
      %gather3A_824 = tpu.vector_load_idx %arg10[%get3A_820] : memref<10000xf32, #tpu.memory_space<vmem>>[vector<16xi32>], vector<16xf32>,
      %gather3A_825 = tpu.vector_load_idx %arg11[%get3A_823] : memref<10000xf32, #tpu.memory_space<vmem>>[vector<16xi32>], vector<16xf32>,
      %add3A_826 = arith.addf %gather3A_824, %gather3A_825 : vector<16xf32>
      %gt3A_827 = arith.constant 0.000000e+00 : f32
      %gt3A_828 = vector.broadcast %gt3A_827 : f32 to vector<16xf32>
      %gt3A_829 = arith.cmpf ogt, %add3A_826, %gt3A_828 : vector<16xf32>
      %mul3A_830 = arith.constant 2.000000e-01 : f32
      %mul3A_831 = vector.broadcast %mul3A_830 : f32 to vector<16xf32>
      %mul3A_832 = arith.mulf %mul3A_831, %gather3A_825 : vector<16xf32>
      %select_n3A_833 = arith.select %gt3A_829, %gather3A_825, %mul3A_832 : vector<16xi1>, vector<16xf32>
      %exp3A_834 = math.exp %select_n3A_833 : vector<16xf32>
      %add3A_835 = arith.constant 10240 : i32
      %add3A_836 = vector.broadcast %add3A_835 : i32 to vector<16xi32>
      %add3A_837 = arith.addi %get3A_820, %add3A_836 : vector<16xi32>
      %select_n3A_838 = arith.select %gt3A_829, %get3A_820, %add3A_837 : vector<16xi1>, vector<16xi32>
      %swap3A_839 = arith.index_cast %add3A_710 : i32 to index
      %swap3A_840 = arith.constant 48 : index
      %swap3A_841 = tpu.vector_load %arg8[%swap3A_839, %swap3A_840] {strides = array<i32>} : memref<125x80xi32, #tpu.memory_space<vmem>>, vector<16xi32>,
      tpu.vector_store %arg8[%swap3A_839, %swap3A_840], %select_n3A_838 {strides = array<i32>} : memref<125x80xi32, #tpu.memory_space<vmem>>, vector<16xi32>,
      %add3A_842 = arith.constant 10000 : i32
      %add3A_843 = vector.broadcast %add3A_842 : i32 to vector<16xi32>
      %add3A_844 = arith.addi %get3A_823, %add3A_843 : vector<16xi32>
      %select_n3A_845 = arith.select %gt3A_829, %get3A_823, %add3A_844 : vector<16xi1>, vector<16xi32>
      %swap3A_846 = arith.index_cast %add3A_710 : i32 to index
      %swap3A_847 = arith.constant 48 : index
      %swap3A_848 = tpu.vector_load %arg9[%swap3A_846, %swap3A_847] {strides = array<i32>} : memref<125x80xi32, #tpu.memory_space<vmem>>, vector<16xi32>,
      tpu.vector_store %arg9[%swap3A_846, %swap3A_847], %select_n3A_845 {strides = array<i32>} : memref<125x80xi32, #tpu.memory_space<vmem>>, vector<16xi32>,
      %add3A_849 = arith.constant 48 : i32
      %add3A_850 = vector.broadcast %add3A_849 : i32 to vector<16xi32>
      %add3A_851 = arith.addi %add3A_850, %iota3A : vector<16xi32>
      tpu.vector_store_idx %arg15[%add3A_851, %broadcast_in_dim3A_107], %exp3A_834 : memref<80x16xf32, #tpu.memory_space<vmem>>[vector<16xi32>, vector<16xi32>], vector<16xf32>,
      %get3A_852 = arith.index_cast %add3A_710 : i32 to index
      %get3A_853 = arith.constant 64 : index
      %get3A_854 = tpu.vector_load %arg8[%get3A_852, %get3A_853] {strides = array<i32>} : memref<125x80xi32, #tpu.memory_space<vmem>>, vector<16xi32>,
      %get3A_855 = arith.index_cast %add3A_710 : i32 to index
      %get3A_856 = arith.constant 64 : index
      %get3A_857 = tpu.vector_load %arg9[%get3A_855, %get3A_856] {strides = array<i32>} : memref<125x80xi32, #tpu.memory_space<vmem>>, vector<16xi32>,
      %gather3A_858 = tpu.vector_load_idx %arg10[%get3A_854] : memref<10000xf32, #tpu.memory_space<vmem>>[vector<16xi32>], vector<16xf32>,
      %gather3A_859 = tpu.vector_load_idx %arg11[%get3A_857] : memref<10000xf32, #tpu.memory_space<vmem>>[vector<16xi32>], vector<16xf32>,
      %add3A_860 = arith.addf %gather3A_858, %gather3A_859 : vector<16xf32>
      %gt3A_861 = arith.constant 0.000000e+00 : f32
      %gt3A_862 = vector.broadcast %gt3A_861 : f32 to vector<16xf32>
      %gt3A_863 = arith.cmpf ogt, %add3A_860, %gt3A_862 : vector<16xf32>
      %mul3A_864 = arith.constant 2.000000e-01 : f32
      %mul3A_865 = vector.broadcast %mul3A_864 : f32 to vector<16xf32>
      %mul3A_866 = arith.mulf %mul3A_865, %gather3A_859 : vector<16xf32>
      %select_n3A_867 = arith.select %gt3A_863, %gather3A_859, %mul3A_866 : vector<16xi1>, vector<16xf32>
      %exp3A_868 = math.exp %select_n3A_867 : vector<16xf32>
      %add3A_869 = arith.constant 10240 : i32
      %add3A_870 = vector.broadcast %add3A_869 : i32 to vector<16xi32>
      %add3A_871 = arith.addi %get3A_854, %add3A_870 : vector<16xi32>
      %select_n3A_872 = arith.select %gt3A_863, %get3A_854, %add3A_871 : vector<16xi1>, vector<16xi32>
      %swap3A_873 = arith.index_cast %add3A_710 : i32 to index
      %swap3A_874 = arith.constant 64 : index
      %swap3A_875 = tpu.vector_load %arg8[%swap3A_873, %swap3A_874] {strides = array<i32>} : memref<125x80xi32, #tpu.memory_space<vmem>>, vector<16xi32>,
      tpu.vector_store %arg8[%swap3A_873, %swap3A_874], %select_n3A_872 {strides = array<i32>} : memref<125x80xi32, #tpu.memory_space<vmem>>, vector<16xi32>,
      %add3A_876 = arith.constant 10000 : i32
      %add3A_877 = vector.broadcast %add3A_876 : i32 to vector<16xi32>
      %add3A_878 = arith.addi %get3A_857, %add3A_877 : vector<16xi32>
      %select_n3A_879 = arith.select %gt3A_863, %get3A_857, %add3A_878 : vector<16xi1>, vector<16xi32>
      %swap3A_880 = arith.index_cast %add3A_710 : i32 to index
      %swap3A_881 = arith.constant 64 : index
      %swap3A_882 = tpu.vector_load %arg9[%swap3A_880, %swap3A_881] {strides = array<i32>} : memref<125x80xi32, #tpu.memory_space<vmem>>, vector<16xi32>,
      tpu.vector_store %arg9[%swap3A_880, %swap3A_881], %select_n3A_879 {strides = array<i32>} : memref<125x80xi32, #tpu.memory_space<vmem>>, vector<16xi32>,
      %add3A_883 = arith.constant 64 : i32
      %add3A_884 = vector.broadcast %add3A_883 : i32 to vector<16xi32>
      %add3A_885 = arith.addi %add3A_884, %iota3A : vector<16xi32>
      tpu.vector_store_idx %arg15[%add3A_885, %broadcast_in_dim3A_107], %exp3A_868 : memref<80x16xf32, #tpu.memory_space<vmem>>[vector<16xi32>, vector<16xi32>], vector<16xf32>,
      %dma_start3A_886 = arith.constant 0 : i32
      %dma_start3A_887 = tpu.memref_slice %arg8[%add3A_710, %dma_start3A_886] : memref<125x80xi32, #tpu.memory_space<vmem>> -> memref<1x80xi32, #tpu.memory_space<vmem>>
      %dma_start3A_888 = tpu.memref_squeeze %dma_start3A_887 : memref<1x80xi32, #tpu.memory_space<vmem>> -> memref<80xi32, #tpu.memory_space<vmem>>
      %dma_start3A_889 = arith.constant 0 : i32
      %dma_start3A_890 = arith.constant 0 : i32
      %dma_start3A_891 = tpu.memref_slice %arg16[%dma_start3A_889, %dma_start3A_890] : memref<20480x16xf32, #tpu.memory_space<vmem_shared>> -> memref<20480x16xf32, #tpu.memory_space<vmem_shared>>
      tpu.enqueue_indirect_dma source(%arg15 : memref<80x16xf32, #tpu.memory_space<vmem>>) target(%dma_start3A_891 : memref<20480x16xf32, #tpu.memory_space<vmem_shared>>) offsets(%dma_start3A_888 : memref<80xi32, #tpu.memory_space<vmem>>) semaphore(%arg21 : memref<!tpu.dma_semaphore, #tpu.memory_space<semaphore_mem>>) {add = true}
      %mul3A_892 = arith.constant 4 : i32
      %mul3A_893 = arith.muli %scan3A_332, %mul3A_892 : i32
      %add3A_894 = arith.constant 1 : i32
      %add3A_895 = arith.addi %add3A_894, %mul3A_893 : i32
      %add3A_896 = arith.constant 3 : i32
      %add3A_897 = arith.addi %add3A_895, %add3A_896 : i32
      %ge3A_898 = arith.constant 5 : i32
      %ge3A_899 = arith.cmpi sge, %add3A_897, %ge3A_898 : i32
      %convert_element_type3A_900 = arith.extui %ge3A_899 : i1 to i32
      %cond3A_901 = arith.constant 0 : i32
      %cond3A_902 = arith.cmpi ne, %convert_element_type3A_900, %cond3A_901 : i32
      scf.if %cond3A_902 {
        %dma_wait3A_1080 = arith.constant 0 : i32
        %dma_wait3A_1081 = arith.constant 0 : i32
        %dma_wait3A_1082 = tpu.memref_slice %arg8[%dma_wait3A_1080, %dma_wait3A_1081] : memref<125x80xi32, #tpu.memory_space<vmem>> -> memref<1x80xi32, #tpu.memory_space<vmem>>
        %dma_wait3A_1083 = tpu.memref_squeeze %dma_wait3A_1082 : memref<1x80xi32, #tpu.memory_space<vmem>> -> memref<80xi32, #tpu.memory_space<vmem>>
        %dma_wait3A_1084 = arith.constant 0 : i32
        %dma_wait3A_1085 = arith.constant 0 : i32
        %dma_wait3A_1086 = tpu.memref_slice %arg16[%dma_wait3A_1084, %dma_wait3A_1085] : memref<20480x16xf32, #tpu.memory_space<vmem_shared>> -> memref<20480x16xf32, #tpu.memory_space<vmem_shared>>
        tpu.wait_indirect_dma semaphore(%arg18 : memref<!tpu.dma_semaphore, #tpu.memory_space<semaphore_mem>>) src(%arg12 : memref<80x16xf32, #tpu.memory_space<vmem>>) dst(%dma_wait3A_1086 : memref<20480x16xf32, #tpu.memory_space<vmem_shared>>)
      } else {
      }
      %get3A_903 = arith.index_cast %add3A_897 : i32 to index
      %get3A_904 = arith.constant 0 : index
      %get3A_905 = tpu.vector_load %arg8[%get3A_903, %get3A_904] {strides = array<i32>} : memref<125x80xi32, #tpu.memory_space<vmem>>, vector<16xi32>,
      %get3A_906 = arith.index_cast %add3A_897 : i32 to index
      %get3A_907 = arith.constant 0 : index
      %get3A_908 = tpu.vector_load %arg9[%get3A_906, %get3A_907] {strides = array<i32>} : memref<125x80xi32, #tpu.memory_space<vmem>>, vector<16xi32>,
      %gather3A_909 = tpu.vector_load_idx %arg10[%get3A_905] : memref<10000xf32, #tpu.memory_space<vmem>>[vector<16xi32>], vector<16xf32>,
      %gather3A_910 = tpu.vector_load_idx %arg11[%get3A_908] : memref<10000xf32, #tpu.memory_space<vmem>>[vector<16xi32>], vector<16xf32>,
      %add3A_911 = arith.addf %gather3A_909, %gather3A_910 : vector<16xf32>
      %gt3A_912 = arith.constant 0.000000e+00 : f32
      %gt3A_913 = vector.broadcast %gt3A_912 : f32 to vector<16xf32>
      %gt3A_914 = arith.cmpf ogt, %add3A_911, %gt3A_913 : vector<16xf32>
      %mul3A_915 = arith.constant 2.000000e-01 : f32
      %mul3A_916 = vector.broadcast %mul3A_915 : f32 to vector<16xf32>
      %mul3A_917 = arith.mulf %mul3A_916, %gather3A_910 : vector<16xf32>
      %select_n3A_918 = arith.select %gt3A_914, %gather3A_910, %mul3A_917 : vector<16xi1>, vector<16xf32>
      %exp3A_919 = math.exp %select_n3A_918 : vector<16xf32>
      %add3A_920 = arith.constant 10240 : i32
      %add3A_921 = vector.broadcast %add3A_920 : i32 to vector<16xi32>
      %add3A_922 = arith.addi %get3A_905, %add3A_921 : vector<16xi32>
      %select_n3A_923 = arith.select %gt3A_914, %get3A_905, %add3A_922 : vector<16xi1>, vector<16xi32>
      %swap3A_924 = arith.index_cast %add3A_897 : i32 to index
      %swap3A_925 = arith.constant 0 : index
      %swap3A_926 = tpu.vector_load %arg8[%swap3A_924, %swap3A_925] {strides = array<i32>} : memref<125x80xi32, #tpu.memory_space<vmem>>, vector<16xi32>,
      tpu.vector_store %arg8[%swap3A_924, %swap3A_925], %select_n3A_923 {strides = array<i32>} : memref<125x80xi32, #tpu.memory_space<vmem>>, vector<16xi32>,
      %add3A_927 = arith.constant 10000 : i32
      %add3A_928 = vector.broadcast %add3A_927 : i32 to vector<16xi32>
      %add3A_929 = arith.addi %get3A_908, %add3A_928 : vector<16xi32>
      %select_n3A_930 = arith.select %gt3A_914, %get3A_908, %add3A_929 : vector<16xi1>, vector<16xi32>
      %swap3A_931 = arith.index_cast %add3A_897 : i32 to index
      %swap3A_932 = arith.constant 0 : index
      %swap3A_933 = tpu.vector_load %arg9[%swap3A_931, %swap3A_932] {strides = array<i32>} : memref<125x80xi32, #tpu.memory_space<vmem>>, vector<16xi32>,
      tpu.vector_store %arg9[%swap3A_931, %swap3A_932], %select_n3A_930 {strides = array<i32>} : memref<125x80xi32, #tpu.memory_space<vmem>>, vector<16xi32>,
      %add3A_934 = arith.constant 0 : i32
      %add3A_935 = vector.broadcast %add3A_934 : i32 to vector<16xi32>
      %add3A_936 = arith.addi %add3A_935, %iota3A : vector<16xi32>
      tpu.vector_store_idx %arg12[%add3A_936, %broadcast_in_dim3A_107], %exp3A_919 : memref<80x16xf32, #tpu.memory_space<vmem>>[vector<16xi32>, vector<16xi32>], vector<16xf32>,
      %get3A_937 = arith.index_cast %add3A_897 : i32 to index
      %get3A_938 = arith.constant 16 : index
      %get3A_939 = tpu.vector_load %arg8[%get3A_937, %get3A_938] {strides = array<i32>} : memref<125x80xi32, #tpu.memory_space<vmem>>, vector<16xi32>,
      %get3A_940 = arith.index_cast %add3A_897 : i32 to index
      %get3A_941 = arith.constant 16 : index
      %get3A_942 = tpu.vector_load %arg9[%get3A_940, %get3A_941] {strides = array<i32>} : memref<125x80xi32, #tpu.memory_space<vmem>>, vector<16xi32>,
      %gather3A_943 = tpu.vector_load_idx %arg10[%get3A_939] : memref<10000xf32, #tpu.memory_space<vmem>>[vector<16xi32>], vector<16xf32>,
      %gather3A_944 = tpu.vector_load_idx %arg11[%get3A_942] : memref<10000xf32, #tpu.memory_space<vmem>>[vector<16xi32>], vector<16xf32>,
      %add3A_945 = arith.addf %gather3A_943, %gather3A_944 : vector<16xf32>
      %gt3A_946 = arith.constant 0.000000e+00 : f32
      %gt3A_947 = vector.broadcast %gt3A_946 : f32 to vector<16xf32>
      %gt3A_948 = arith.cmpf ogt, %add3A_945, %gt3A_947 : vector<16xf32>
      %mul3A_949 = arith.constant 2.000000e-01 : f32
      %mul3A_950 = vector.broadcast %mul3A_949 : f32 to vector<16xf32>
      %mul3A_951 = arith.mulf %mul3A_950, %gather3A_944 : vector<16xf32>
      %select_n3A_952 = arith.select %gt3A_948, %gather3A_944, %mul3A_951 : vector<16xi1>, vector<16xf32>
      %exp3A_953 = math.exp %select_n3A_952 : vector<16xf32>
      %add3A_954 = arith.constant 10240 : i32
      %add3A_955 = vector.broadcast %add3A_954 : i32 to vector<16xi32>
      %add3A_956 = arith.addi %get3A_939, %add3A_955 : vector<16xi32>
      %select_n3A_957 = arith.select %gt3A_948, %get3A_939, %add3A_956 : vector<16xi1>, vector<16xi32>
      %swap3A_958 = arith.index_cast %add3A_897 : i32 to index
      %swap3A_959 = arith.constant 16 : index
      %swap3A_960 = tpu.vector_load %arg8[%swap3A_958, %swap3A_959] {strides = array<i32>} : memref<125x80xi32, #tpu.memory_space<vmem>>, vector<16xi32>,
      tpu.vector_store %arg8[%swap3A_958, %swap3A_959], %select_n3A_957 {strides = array<i32>} : memref<125x80xi32, #tpu.memory_space<vmem>>, vector<16xi32>,
      %add3A_961 = arith.constant 10000 : i32
      %add3A_962 = vector.broadcast %add3A_961 : i32 to vector<16xi32>
      %add3A_963 = arith.addi %get3A_942, %add3A_962 : vector<16xi32>
      %select_n3A_964 = arith.select %gt3A_948, %get3A_942, %add3A_963 : vector<16xi1>, vector<16xi32>
      %swap3A_965 = arith.index_cast %add3A_897 : i32 to index
      %swap3A_966 = arith.constant 16 : index
      %swap3A_967 = tpu.vector_load %arg9[%swap3A_965, %swap3A_966] {strides = array<i32>} : memref<125x80xi32, #tpu.memory_space<vmem>>, vector<16xi32>,
      tpu.vector_store %arg9[%swap3A_965, %swap3A_966], %select_n3A_964 {strides = array<i32>} : memref<125x80xi32, #tpu.memory_space<vmem>>, vector<16xi32>,
      %add3A_968 = arith.constant 16 : i32
      %add3A_969 = vector.broadcast %add3A_968 : i32 to vector<16xi32>
      %add3A_970 = arith.addi %add3A_969, %iota3A : vector<16xi32>
      tpu.vector_store_idx %arg12[%add3A_970, %broadcast_in_dim3A_107], %exp3A_953 : memref<80x16xf32, #tpu.memory_space<vmem>>[vector<16xi32>, vector<16xi32>], vector<16xf32>,
      %get3A_971 = arith.index_cast %add3A_897 : i32 to index
      %get3A_972 = arith.constant 32 : index
      %get3A_973 = tpu.vector_load %arg8[%get3A_971, %get3A_972] {strides = array<i32>} : memref<125x80xi32, #tpu.memory_space<vmem>>, vector<16xi32>,
      %get3A_974 = arith.index_cast %add3A_897 : i32 to index
      %get3A_975 = arith.constant 32 : index
      %get3A_976 = tpu.vector_load %arg9[%get3A_974, %get3A_975] {strides = array<i32>} : memref<125x80xi32, #tpu.memory_space<vmem>>, vector<16xi32>,
      %gather3A_977 = tpu.vector_load_idx %arg10[%get3A_973] : memref<10000xf32, #tpu.memory_space<vmem>>[vector<16xi32>], vector<16xf32>,
      %gather3A_978 = tpu.vector_load_idx %arg11[%get3A_976] : memref<10000xf32, #tpu.memory_space<vmem>>[vector<16xi32>], vector<16xf32>,
      %add3A_979 = arith.addf %gather3A_977, %gather3A_978 : vector<16xf32>
      %gt3A_980 = arith.constant 0.000000e+00 : f32
      %gt3A_981 = vector.broadcast %gt3A_980 : f32 to vector<16xf32>
      %gt3A_982 = arith.cmpf ogt, %add3A_979, %gt3A_981 : vector<16xf32>
      %mul3A_983 = arith.constant 2.000000e-01 : f32
      %mul3A_984 = vector.broadcast %mul3A_983 : f32 to vector<16xf32>
      %mul3A_985 = arith.mulf %mul3A_984, %gather3A_978 : vector<16xf32>
      %select_n3A_986 = arith.select %gt3A_982, %gather3A_978, %mul3A_985 : vector<16xi1>, vector<16xf32>
      %exp3A_987 = math.exp %select_n3A_986 : vector<16xf32>
      %add3A_988 = arith.constant 10240 : i32
      %add3A_989 = vector.broadcast %add3A_988 : i32 to vector<16xi32>
      %add3A_990 = arith.addi %get3A_973, %add3A_989 : vector<16xi32>
      %select_n3A_991 = arith.select %gt3A_982, %get3A_973, %add3A_990 : vector<16xi1>, vector<16xi32>
      %swap3A_992 = arith.index_cast %add3A_897 : i32 to index
      %swap3A_993 = arith.constant 32 : index
      %swap3A_994 = tpu.vector_load %arg8[%swap3A_992, %swap3A_993] {strides = array<i32>} : memref<125x80xi32, #tpu.memory_space<vmem>>, vector<16xi32>,
      tpu.vector_store %arg8[%swap3A_992, %swap3A_993], %select_n3A_991 {strides = array<i32>} : memref<125x80xi32, #tpu.memory_space<vmem>>, vector<16xi32>,
      %add3A_995 = arith.constant 10000 : i32
      %add3A_996 = vector.broadcast %add3A_995 : i32 to vector<16xi32>
      %add3A_997 = arith.addi %get3A_976, %add3A_996 : vector<16xi32>
      %select_n3A_998 = arith.select %gt3A_982, %get3A_976, %add3A_997 : vector<16xi1>, vector<16xi32>
      %swap3A_999 = arith.index_cast %add3A_897 : i32 to index
      %swap3A_1000 = arith.constant 32 : index
      %swap3A_1001 = tpu.vector_load %arg9[%swap3A_999, %swap3A_1000] {strides = array<i32>} : memref<125x80xi32, #tpu.memory_space<vmem>>, vector<16xi32>,
      tpu.vector_store %arg9[%swap3A_999, %swap3A_1000], %select_n3A_998 {strides = array<i32>} : memref<125x80xi32, #tpu.memory_space<vmem>>, vector<16xi32>,
      %add3A_1002 = arith.constant 32 : i32
      %add3A_1003 = vector.broadcast %add3A_1002 : i32 to vector<16xi32>
      %add3A_1004 = arith.addi %add3A_1003, %iota3A : vector<16xi32>
      tpu.vector_store_idx %arg12[%add3A_1004, %broadcast_in_dim3A_107], %exp3A_987 : memref<80x16xf32, #tpu.memory_space<vmem>>[vector<16xi32>, vector<16xi32>], vector<16xf32>,
      %get3A_1005 = arith.index_cast %add3A_897 : i32 to index
      %get3A_1006 = arith.constant 48 : index
      %get3A_1007 = tpu.vector_load %arg8[%get3A_1005, %get3A_1006] {strides = array<i32>} : memref<125x80xi32, #tpu.memory_space<vmem>>, vector<16xi32>,
      %get3A_1008 = arith.index_cast %add3A_897 : i32 to index
      %get3A_1009 = arith.constant 48 : index
      %get3A_1010 = tpu.vector_load %arg9[%get3A_1008, %get3A_1009] {strides = array<i32>} : memref<125x80xi32, #tpu.memory_space<vmem>>, vector<16xi32>,
      %gather3A_1011 = tpu.vector_load_idx %arg10[%get3A_1007] : memref<10000xf32, #tpu.memory_space<vmem>>[vector<16xi32>], vector<16xf32>,
      %gather3A_1012 = tpu.vector_load_idx %arg11[%get3A_1010] : memref<10000xf32, #tpu.memory_space<vmem>>[vector<16xi32>], vector<16xf32>,
      %add3A_1013 = arith.addf %gather3A_1011, %gather3A_1012 : vector<16xf32>
      %gt3A_1014 = arith.constant 0.000000e+00 : f32
      %gt3A_1015 = vector.broadcast %gt3A_1014 : f32 to vector<16xf32>
      %gt3A_1016 = arith.cmpf ogt, %add3A_1013, %gt3A_1015 : vector<16xf32>
      %mul3A_1017 = arith.constant 2.000000e-01 : f32
      %mul3A_1018 = vector.broadcast %mul3A_1017 : f32 to vector<16xf32>
      %mul3A_1019 = arith.mulf %mul3A_1018, %gather3A_1012 : vector<16xf32>
      %select_n3A_1020 = arith.select %gt3A_1016, %gather3A_1012, %mul3A_1019 : vector<16xi1>, vector<16xf32>
      %exp3A_1021 = math.exp %select_n3A_1020 : vector<16xf32>
      %add3A_1022 = arith.constant 10240 : i32
      %add3A_1023 = vector.broadcast %add3A_1022 : i32 to vector<16xi32>
      %add3A_1024 = arith.addi %get3A_1007, %add3A_1023 : vector<16xi32>
      %select_n3A_1025 = arith.select %gt3A_1016, %get3A_1007, %add3A_1024 : vector<16xi1>, vector<16xi32>
      %swap3A_1026 = arith.index_cast %add3A_897 : i32 to index
      %swap3A_1027 = arith.constant 48 : index
      %swap3A_1028 = tpu.vector_load %arg8[%swap3A_1026, %swap3A_1027] {strides = array<i32>} : memref<125x80xi32, #tpu.memory_space<vmem>>, vector<16xi32>,
      tpu.vector_store %arg8[%swap3A_1026, %swap3A_1027], %select_n3A_1025 {strides = array<i32>} : memref<125x80xi32, #tpu.memory_space<vmem>>, vector<16xi32>,
      %add3A_1029 = arith.constant 10000 : i32
      %add3A_1030 = vector.broadcast %add3A_1029 : i32 to vector<16xi32>
      %add3A_1031 = arith.addi %get3A_1010, %add3A_1030 : vector<16xi32>
      %select_n3A_1032 = arith.select %gt3A_1016, %get3A_1010, %add3A_1031 : vector<16xi1>, vector<16xi32>
      %swap3A_1033 = arith.index_cast %add3A_897 : i32 to index
      %swap3A_1034 = arith.constant 48 : index
      %swap3A_1035 = tpu.vector_load %arg9[%swap3A_1033, %swap3A_1034] {strides = array<i32>} : memref<125x80xi32, #tpu.memory_space<vmem>>, vector<16xi32>,
      tpu.vector_store %arg9[%swap3A_1033, %swap3A_1034], %select_n3A_1032 {strides = array<i32>} : memref<125x80xi32, #tpu.memory_space<vmem>>, vector<16xi32>,
      %add3A_1036 = arith.constant 48 : i32
      %add3A_1037 = vector.broadcast %add3A_1036 : i32 to vector<16xi32>
      %add3A_1038 = arith.addi %add3A_1037, %iota3A : vector<16xi32>
      tpu.vector_store_idx %arg12[%add3A_1038, %broadcast_in_dim3A_107], %exp3A_1021 : memref<80x16xf32, #tpu.memory_space<vmem>>[vector<16xi32>, vector<16xi32>], vector<16xf32>,
      %get3A_1039 = arith.index_cast %add3A_897 : i32 to index
      %get3A_1040 = arith.constant 64 : index
      %get3A_1041 = tpu.vector_load %arg8[%get3A_1039, %get3A_1040] {strides = array<i32>} : memref<125x80xi32, #tpu.memory_space<vmem>>, vector<16xi32>,
      %get3A_1042 = arith.index_cast %add3A_897 : i32 to index
      %get3A_1043 = arith.constant 64 : index
      %get3A_1044 = tpu.vector_load %arg9[%get3A_1042, %get3A_1043] {strides = array<i32>} : memref<125x80xi32, #tpu.memory_space<vmem>>, vector<16xi32>,
      %gather3A_1045 = tpu.vector_load_idx %arg10[%get3A_1041] : memref<10000xf32, #tpu.memory_space<vmem>>[vector<16xi32>], vector<16xf32>,
      %gather3A_1046 = tpu.vector_load_idx %arg11[%get3A_1044] : memref<10000xf32, #tpu.memory_space<vmem>>[vector<16xi32>], vector<16xf32>,
      %add3A_1047 = arith.addf %gather3A_1045, %gather3A_1046 : vector<16xf32>
      %gt3A_1048 = arith.constant 0.000000e+00 : f32
      %gt3A_1049 = vector.broadcast %gt3A_1048 : f32 to vector<16xf32>
      %gt3A_1050 = arith.cmpf ogt, %add3A_1047, %gt3A_1049 : vector<16xf32>
      %mul3A_1051 = arith.constant 2.000000e-01 : f32
      %mul3A_1052 = vector.broadcast %mul3A_1051 : f32 to vector<16xf32>
      %mul3A_1053 = arith.mulf %mul3A_1052, %gather3A_1046 : vector<16xf32>
      %select_n3A_1054 = arith.select %gt3A_1050, %gather3A_1046, %mul3A_1053 : vector<16xi1>, vector<16xf32>
      %exp3A_1055 = math.exp %select_n3A_1054 : vector<16xf32>
      %add3A_1056 = arith.constant 10240 : i32
      %add3A_1057 = vector.broadcast %add3A_1056 : i32 to vector<16xi32>
      %add3A_1058 = arith.addi %get3A_1041, %add3A_1057 : vector<16xi32>
      %select_n3A_1059 = arith.select %gt3A_1050, %get3A_1041, %add3A_1058 : vector<16xi1>, vector<16xi32>
      %swap3A_1060 = arith.index_cast %add3A_897 : i32 to index
      %swap3A_1061 = arith.constant 64 : index
      %swap3A_1062 = tpu.vector_load %arg8[%swap3A_1060, %swap3A_1061] {strides = array<i32>} : memref<125x80xi32, #tpu.memory_space<vmem>>, vector<16xi32>,
      tpu.vector_store %arg8[%swap3A_1060, %swap3A_1061], %select_n3A_1059 {strides = array<i32>} : memref<125x80xi32, #tpu.memory_space<vmem>>, vector<16xi32>,
      %add3A_1063 = arith.constant 10000 : i32
      %add3A_1064 = vector.broadcast %add3A_1063 : i32 to vector<16xi32>
      %add3A_1065 = arith.addi %get3A_1044, %add3A_1064 : vector<16xi32>
      %select_n3A_1066 = arith.select %gt3A_1050, %get3A_1044, %add3A_1065 : vector<16xi1>, vector<16xi32>
      %swap3A_1067 = arith.index_cast %add3A_897 : i32 to index
      %swap3A_1068 = arith.constant 64 : index
      %swap3A_1069 = tpu.vector_load %arg9[%swap3A_1067, %swap3A_1068] {strides = array<i32>} : memref<125x80xi32, #tpu.memory_space<vmem>>, vector<16xi32>,
      tpu.vector_store %arg9[%swap3A_1067, %swap3A_1068], %select_n3A_1066 {strides = array<i32>} : memref<125x80xi32, #tpu.memory_space<vmem>>, vector<16xi32>,
      %add3A_1070 = arith.constant 64 : i32
      %add3A_1071 = vector.broadcast %add3A_1070 : i32 to vector<16xi32>
      %add3A_1072 = arith.addi %add3A_1071, %iota3A : vector<16xi32>
      tpu.vector_store_idx %arg12[%add3A_1072, %broadcast_in_dim3A_107], %exp3A_1055 : memref<80x16xf32, #tpu.memory_space<vmem>>[vector<16xi32>, vector<16xi32>], vector<16xf32>,
      %dma_start3A_1073 = arith.constant 0 : i32
      %dma_start3A_1074 = tpu.memref_slice %arg8[%add3A_897, %dma_start3A_1073] : memref<125x80xi32, #tpu.memory_space<vmem>> -> memref<1x80xi32, #tpu.memory_space<vmem>>
      %dma_start3A_1075 = tpu.memref_squeeze %dma_start3A_1074 : memref<1x80xi32, #tpu.memory_space<vmem>> -> memref<80xi32, #tpu.memory_space<vmem>>
      %dma_start3A_1076 = arith.constant 0 : i32
      %dma_start3A_1077 = arith.constant 0 : i32
      %dma_start3A_1078 = tpu.memref_slice %arg16[%dma_start3A_1076, %dma_start3A_1077] : memref<20480x16xf32, #tpu.memory_space<vmem_shared>> -> memref<20480x16xf32, #tpu.memory_space<vmem_shared>>
      tpu.enqueue_indirect_dma source(%arg12 : memref<80x16xf32, #tpu.memory_space<vmem>>) target(%dma_start3A_1078 : memref<20480x16xf32, #tpu.memory_space<vmem_shared>>) offsets(%dma_start3A_1075 : memref<80xi32, #tpu.memory_space<vmem>>) semaphore(%arg18 : memref<!tpu.dma_semaphore, #tpu.memory_space<semaphore_mem>>) {add = true}
      %scan3A_1079 = arith.constant 0 : i32
      scf.yield %scan3A_1079 : i32
    }
    %scan3A_298 = arith.constant 31 : i32
    %dma_wait3A_299 = arith.constant 0 : i32
    %dma_wait3A_300 = arith.constant 0 : i32
    %dma_wait3A_301 = tpu.memref_slice %arg8[%dma_wait3A_299, %dma_wait3A_300] : memref<125x80xi32, #tpu.memory_space<vmem>> -> memref<1x80xi32, #tpu.memory_space<vmem>>
    %dma_wait3A_302 = tpu.memref_squeeze %dma_wait3A_301 : memref<1x80xi32, #tpu.memory_space<vmem>> -> memref<80xi32, #tpu.memory_space<vmem>>
    %dma_wait3A_303 = arith.constant 0 : i32
    %dma_wait3A_304 = arith.constant 0 : i32
    %dma_wait3A_305 = tpu.memref_slice %arg16[%dma_wait3A_303, %dma_wait3A_304] : memref<20480x16xf32, #tpu.memory_space<vmem_shared>> -> memref<20480x16xf32, #tpu.memory_space<vmem_shared>>
    tpu.wait_indirect_dma semaphore(%arg18 : memref<!tpu.dma_semaphore, #tpu.memory_space<semaphore_mem>>) src(%arg12 : memref<80x16xf32, #tpu.memory_space<vmem>>) dst(%dma_wait3A_305 : memref<20480x16xf32, #tpu.memory_space<vmem_shared>>)
    %dma_wait3A_306 = arith.constant 0 : i32
    %dma_wait3A_307 = arith.constant 0 : i32
    %dma_wait3A_308 = tpu.memref_slice %arg8[%dma_wait3A_306, %dma_wait3A_307] : memref<125x80xi32, #tpu.memory_space<vmem>> -> memref<1x80xi32, #tpu.memory_space<vmem>>
    %dma_wait3A_309 = tpu.memref_squeeze %dma_wait3A_308 : memref<1x80xi32, #tpu.memory_space<vmem>> -> memref<80xi32, #tpu.memory_space<vmem>>
    %dma_wait3A_310 = arith.constant 0 : i32
    %dma_wait3A_311 = arith.constant 0 : i32
    %dma_wait3A_312 = tpu.memref_slice %arg16[%dma_wait3A_310, %dma_wait3A_311] : memref<20480x16xf32, #tpu.memory_space<vmem_shared>> -> memref<20480x16xf32, #tpu.memory_space<vmem_shared>>
    tpu.wait_indirect_dma semaphore(%arg19 : memref<!tpu.dma_semaphore, #tpu.memory_space<semaphore_mem>>) src(%arg13 : memref<80x16xf32, #tpu.memory_space<vmem>>) dst(%dma_wait3A_312 : memref<20480x16xf32, #tpu.memory_space<vmem_shared>>)
    %dma_wait3A_313 = arith.constant 0 : i32
    %dma_wait3A_314 = arith.constant 0 : i32
    %dma_wait3A_315 = tpu.memref_slice %arg8[%dma_wait3A_313, %dma_wait3A_314] : memref<125x80xi32, #tpu.memory_space<vmem>> -> memref<1x80xi32, #tpu.memory_space<vmem>>
    %dma_wait3A_316 = tpu.memref_squeeze %dma_wait3A_315 : memref<1x80xi32, #tpu.memory_space<vmem>> -> memref<80xi32, #tpu.memory_space<vmem>>
    %dma_wait3A_317 = arith.constant 0 : i32
    %dma_wait3A_318 = arith.constant 0 : i32
    %dma_wait3A_319 = tpu.memref_slice %arg16[%dma_wait3A_317, %dma_wait3A_318] : memref<20480x16xf32, #tpu.memory_space<vmem_shared>> -> memref<20480x16xf32, #tpu.memory_space<vmem_shared>>
    tpu.wait_indirect_dma semaphore(%arg20 : memref<!tpu.dma_semaphore, #tpu.memory_space<semaphore_mem>>) src(%arg14 : memref<80x16xf32, #tpu.memory_space<vmem>>) dst(%dma_wait3A_319 : memref<20480x16xf32, #tpu.memory_space<vmem_shared>>)
    %dma_wait3A_320 = arith.constant 0 : i32
    %dma_wait3A_321 = arith.constant 0 : i32
    %dma_wait3A_322 = tpu.memref_slice %arg8[%dma_wait3A_320, %dma_wait3A_321] : memref<125x80xi32, #tpu.memory_space<vmem>> -> memref<1x80xi32, #tpu.memory_space<vmem>>
    %dma_wait3A_323 = tpu.memref_squeeze %dma_wait3A_322 : memref<1x80xi32, #tpu.memory_space<vmem>> -> memref<80xi32, #tpu.memory_space<vmem>>
    %dma_wait3A_324 = arith.constant 0 : i32
    %dma_wait3A_325 = arith.constant 0 : i32
    %dma_wait3A_326 = tpu.memref_slice %arg16[%dma_wait3A_324, %dma_wait3A_325] : memref<20480x16xf32, #tpu.memory_space<vmem_shared>> -> memref<20480x16xf32, #tpu.memory_space<vmem_shared>>
    tpu.wait_indirect_dma semaphore(%arg21 : memref<!tpu.dma_semaphore, #tpu.memory_space<semaphore_mem>>) src(%arg15 : memref<80x16xf32, #tpu.memory_space<vmem>>) dst(%dma_wait3A_326 : memref<20480x16xf32, #tpu.memory_space<vmem_shared>>)
    %barrier3A_327 = arith.constant 0 : index
    tpu.barrier barrier_id(%barrier3A_327)
    %mul3A_328 = arith.constant 1280 : i32
    %mul3A_329 = arith.muli %arg1, %mul3A_328 : i32
    %mul3A_330 = arith.constant 1280 : i32
    %mul3A_331 = arith.muli %arg1, %mul3A_330 : i32
    "tpu.region"() ({
      %run_scoped3A_332 = tpu.sem_alloc : memref<!tpu.dma_semaphore, #tpu.memory_space<semaphore_mem>>
      %dma_start3A_333 = arith.constant 0 : i32
      %dma_start3A_334 = tpu.memref_slice %arg7[%arg0, %mul3A_331, %dma_start3A_333] : memref<2x20480x16xf32, #tpu.memory_space<hbm>> -> memref<1x1280x16xf32, #tpu.memory_space<hbm>>
      %dma_start3A_335 = tpu.memref_squeeze %dma_start3A_334 : memref<1x1280x16xf32, #tpu.memory_space<hbm>> -> memref<1280x16xf32, #tpu.memory_space<hbm>>
      %dma_start3A_336 = arith.constant 0 : i32
      %dma_start3A_337 = tpu.memref_slice %arg16[%mul3A_329, %dma_start3A_336] : memref<20480x16xf32, #tpu.memory_space<vmem_shared>> -> memref<1280x16xf32, #tpu.memory_space<vmem_shared>>
      tpu.enqueue_dma source(%dma_start3A_337 : memref<1280x16xf32, #tpu.memory_space<vmem_shared>>) target(%dma_start3A_335 : memref<1280x16xf32, #tpu.memory_space<hbm>>) target_semaphore(%run_scoped3A_332 : memref<!tpu.dma_semaphore, #tpu.memory_space<semaphore_mem>>)
      %dma_wait3A_338 = arith.constant 0 : i32
      %dma_wait3A_339 = tpu.memref_slice %arg7[%arg0, %mul3A_331, %dma_wait3A_338] : memref<2x20480x16xf32, #tpu.memory_space<hbm>> -> memref<1x1280x16xf32, #tpu.memory_space<hbm>>
      %dma_wait3A_340 = tpu.memref_squeeze %dma_wait3A_339 : memref<1x1280x16xf32, #tpu.memory_space<hbm>> -> memref<1280x16xf32, #tpu.memory_space<hbm>>
      %dma_wait3A_341 = arith.constant 0 : i32
      %dma_wait3A_342 = tpu.memref_slice %arg16[%mul3A_329, %dma_wait3A_341] : memref<20480x16xf32, #tpu.memory_space<vmem_shared>> -> memref<1280x16xf32, #tpu.memory_space<vmem_shared>>
      tpu.wait_dma2 semaphore(%run_scoped3A_332 : memref<!tpu.dma_semaphore, #tpu.memory_space<semaphore_mem>>) src(%dma_wait3A_342 : memref<1280x16xf32, #tpu.memory_space<vmem_shared>>) dst(%dma_wait3A_340 : memref<1280x16xf32, #tpu.memory_space<hbm>>)
      tpu.yield
    }) : () -> ()
    "tpu.region"() ({
      %run_scoped3A_332 = tpu.sem_alloc : memref<!tpu.dma_semaphore, #tpu.memory_space<semaphore_mem>>
      %dma_start3A_333 = arith.constant 0 : i32
      %dma_start3A_334 = arith.constant 0 : i32
      %dma_start3A_335 = tpu.memref_slice %arg5[%add3A, %dma_start3A_333, %dma_start3A_334] : memref<32x125x80xi32, #tpu.memory_space<hbm>> -> memref<1x125x80xi32, #tpu.memory_space<hbm>>
      %dma_start3A_336 = tpu.memref_squeeze %dma_start3A_335 : memref<1x125x80xi32, #tpu.memory_space<hbm>> -> memref<125x80xi32, #tpu.memory_space<hbm>>
      %dma_start3A_337 = arith.constant 0 : i32
      %dma_start3A_338 = arith.constant 0 : i32
      %dma_start3A_339 = tpu.memref_slice %arg5[%add3A, %dma_start3A_337, %dma_start3A_338] : memref<32x125x80xi32, #tpu.memory_space<hbm>> -> memref<1x125x80xi32, #tpu.memory_space<hbm>>
      %dma_start3A_340 = tpu.memref_squeeze %dma_start3A_339 : memref<1x125x80xi32, #tpu.memory_space<hbm>> -> memref<125x80xi32, #tpu.memory_space<hbm>>
      tpu.enqueue_dma source(%arg9 : memref<125x80xi32, #tpu.memory_space<vmem>>) target(%dma_start3A_340 : memref<125x80xi32, #tpu.memory_space<hbm>>) target_semaphore(%run_scoped3A_332 : memref<!tpu.dma_semaphore, #tpu.memory_space<semaphore_mem>>)
      %dma_wait3A_341 = arith.constant 0 : i32
      %dma_wait3A_342 = arith.constant 0 : i32
      %dma_wait3A_343 = tpu.memref_slice %arg5[%add3A, %dma_wait3A_341, %dma_wait3A_342] : memref<32x125x80xi32, #tpu.memory_space<hbm>> -> memref<1x125x80xi32, #tpu.memory_space<hbm>>
      %dma_wait3A_344 = tpu.memref_squeeze %dma_wait3A_343 : memref<1x125x80xi32, #tpu.memory_space<hbm>> -> memref<125x80xi32, #tpu.memory_space<hbm>>
      %dma_wait3A_345 = arith.constant 0 : i32
      %dma_wait3A_346 = arith.constant 0 : i32
      %dma_wait3A_347 = tpu.memref_slice %arg5[%add3A, %dma_wait3A_345, %dma_wait3A_346] : memref<32x125x80xi32, #tpu.memory_space<hbm>> -> memref<1x125x80xi32, #tpu.memory_space<hbm>>
      %dma_wait3A_348 = tpu.memref_squeeze %dma_wait3A_347 : memref<1x125x80xi32, #tpu.memory_space<hbm>> -> memref<125x80xi32, #tpu.memory_space<hbm>>
      tpu.wait_dma2 semaphore(%run_scoped3A_332 : memref<!tpu.dma_semaphore, #tpu.memory_space<semaphore_mem>>) src(%arg9 : memref<125x80xi32, #tpu.memory_space<vmem>>) dst(%dma_wait3A_348 : memref<125x80xi32, #tpu.memory_space<hbm>>)
      tpu.yield
    }) : () -> ()
    "tpu.region"() ({
      %run_scoped3A_332 = tpu.sem_alloc : memref<!tpu.dma_semaphore, #tpu.memory_space<semaphore_mem>>
      %dma_start3A_333 = arith.constant 0 : i32
      %dma_start3A_334 = arith.constant 0 : i32
      %dma_start3A_335 = tpu.memref_slice %arg6[%add3A, %dma_start3A_333, %dma_start3A_334] : memref<32x125x80xi32, #tpu.memory_space<hbm>> -> memref<1x125x80xi32, #tpu.memory_space<hbm>>
      %dma_start3A_336 = tpu.memref_squeeze %dma_start3A_335 : memref<1x125x80xi32, #tpu.memory_space<hbm>> -> memref<125x80xi32, #tpu.memory_space<hbm>>
      %dma_start3A_337 = arith.constant 0 : i32
      %dma_start3A_338 = arith.constant 0 : i32
      %dma_start3A_339 = tpu.memref_slice %arg6[%add3A, %dma_start3A_337, %dma_start3A_338] : memref<32x125x80xi32, #tpu.memory_space<hbm>> -> memref<1x125x80xi32, #tpu.memory_space<hbm>>
      %dma_start3A_340 = tpu.memref_squeeze %dma_start3A_339 : memref<1x125x80xi32, #tpu.memory_space<hbm>> -> memref<125x80xi32, #tpu.memory_space<hbm>>
      tpu.enqueue_dma source(%arg8 : memref<125x80xi32, #tpu.memory_space<vmem>>) target(%dma_start3A_340 : memref<125x80xi32, #tpu.memory_space<hbm>>) target_semaphore(%run_scoped3A_332 : memref<!tpu.dma_semaphore, #tpu.memory_space<semaphore_mem>>)
      %dma_wait3A_341 = arith.constant 0 : i32
      %dma_wait3A_342 = arith.constant 0 : i32
      %dma_wait3A_343 = tpu.memref_slice %arg6[%add3A, %dma_wait3A_341, %dma_wait3A_342] : memref<32x125x80xi32, #tpu.memory_space<hbm>> -> memref<1x125x80xi32, #tpu.memory_space<hbm>>
      %dma_wait3A_344 = tpu.memref_squeeze %dma_wait3A_343 : memref<1x125x80xi32, #tpu.memory_space<hbm>> -> memref<125x80xi32, #tpu.memory_space<hbm>>
      %dma_wait3A_345 = arith.constant 0 : i32
      %dma_wait3A_346 = arith.constant 0 : i32
      %dma_wait3A_347 = tpu.memref_slice %arg6[%add3A, %dma_wait3A_345, %dma_wait3A_346] : memref<32x125x80xi32, #tpu.memory_space<hbm>> -> memref<1x125x80xi32, #tpu.memory_space<hbm>>
      %dma_wait3A_348 = tpu.memref_squeeze %dma_wait3A_347 : memref<1x125x80xi32, #tpu.memory_space<hbm>> -> memref<125x80xi32, #tpu.memory_space<hbm>>
      tpu.wait_dma2 semaphore(%run_scoped3A_332 : memref<!tpu.dma_semaphore, #tpu.memory_space<semaphore_mem>>) src(%arg8 : memref<125x80xi32, #tpu.memory_space<vmem>>) dst(%dma_wait3A_348 : memref<125x80xi32, #tpu.memory_space<hbm>>)
      tpu.yield
    }) : () -> ()
    return
  }
}

#map = affine_map<(d0, d1) -> (0, 0)>
#map1 = affine_map<(d0, d1) -> (0, 0, 0)>
module attributes {stable_mosaic.version = 14 : i64} {
  func.func @_sc2_body(%arg0: i32, %arg1: i32, %arg2: memref<32x10000xi32, #tpu.memory_space<hbm>>, %arg3: memref<32x10000xi32, #tpu.memory_space<hbm>>, %arg4: memref<2x20000x64xf32, #tpu.memory_space<hbm>>, %arg5: memref<2x20480x64xf32, #tpu.memory_space<hbm>>, %arg6: memref<10000xi32, #tpu.memory_space<vmem>>, %arg7: memref<10000xi32, #tpu.memory_space<vmem>>, %arg8: memref<80x64xf32, #tpu.memory_space<vmem>>, %arg9: memref<80x64xf32, #tpu.memory_space<vmem>>, %arg10: memref<80x64xf32, #tpu.memory_space<vmem>>, %arg11: memref<80x64xf32, #tpu.memory_space<vmem>>, %arg12: memref<80x64xf32, #tpu.memory_space<vmem>>, %arg13: memref<20480x64xf32, #tpu.memory_space<vmem_shared>>, %arg14: memref<!tpu.dma_semaphore, #tpu.memory_space<semaphore_mem>>, %arg15: memref<!tpu.dma_semaphore, #tpu.memory_space<semaphore_mem>>, %arg16: memref<!tpu.dma_semaphore, #tpu.memory_space<semaphore_mem>>, %arg17: memref<!tpu.dma_semaphore, #tpu.memory_space<semaphore_mem>>, %arg18: memref<!tpu.dma_semaphore, #tpu.memory_space<semaphore_mem>>, %arg19: memref<!tpu.dma_semaphore, #tpu.memory_space<semaphore_mem>>, %arg20: memref<!tpu.dma_semaphore, #tpu.memory_space<semaphore_mem>>, %arg21: memref<!tpu.dma_semaphore, #tpu.memory_space<semaphore_mem>>, %arg22: memref<!tpu.dma_semaphore, #tpu.memory_space<semaphore_mem>>, %arg23: memref<!tpu.dma_semaphore, #tpu.memory_space<semaphore_mem>>, %arg24: memref<!tpu.dma_semaphore, #tpu.memory_space<semaphore_mem>>) attributes {dimension_semantics = [#tpu.dimension_semantics<core_parallel>, #tpu.dimension_semantics<subcore_parallel>], iteration_bounds = array<i64: 2, 16>, scalar_prefetch = 0 : i64, scratch_operands = 19 : i64, tpu.core_type = #tpu.core_type<sc_vector_subcore>, window_params = [{transform_indices = #map}, {transform_indices = #map}, {transform_indices = #map1}, {transform_indices = #map1}]} {
    %broadcast_in_dim3A = arith.constant 0.000000e+00 : f32
    %broadcast_in_dim3A_0 = vector.broadcast %broadcast_in_dim3A : f32 to vector<16xf32>
    %scan3A = arith.constant 0 : i32
    %scan3A_1 = arith.constant 0 : i32
    %scan3A_2 = arith.constant 80 : i32
    %scan3A_3 = arith.addi %scan3A_1, %scan3A_2 : i32
    %scan3A_4 = arith.constant 1 : i32
    %scan3A_5 = scf.for %scan3A_412 = %scan3A_1 to %scan3A_3 step %scan3A_4 iter_args(%scan3A_413 = %scan3A) -> (i32)  : i32 {
      %swap3A = arith.index_cast %scan3A_412 : i32 to index
      %swap3A_414 = arith.constant 0 : index
      %swap3A_415 = tpu.vector_load %arg8[%swap3A, %swap3A_414] {strides = array<i32>} : memref<80x64xf32, #tpu.memory_space<vmem>>, vector<16xf32>,
      tpu.vector_store %arg8[%swap3A, %swap3A_414], %broadcast_in_dim3A_0 {strides = array<i32>} : memref<80x64xf32, #tpu.memory_space<vmem>>, vector<16xf32>,
      %swap3A_416 = arith.index_cast %scan3A_412 : i32 to index
      %swap3A_417 = arith.constant 16 : index
      %swap3A_418 = tpu.vector_load %arg8[%swap3A_416, %swap3A_417] {strides = array<i32>} : memref<80x64xf32, #tpu.memory_space<vmem>>, vector<16xf32>,
      tpu.vector_store %arg8[%swap3A_416, %swap3A_417], %broadcast_in_dim3A_0 {strides = array<i32>} : memref<80x64xf32, #tpu.memory_space<vmem>>, vector<16xf32>,
      %swap3A_419 = arith.index_cast %scan3A_412 : i32 to index
      %swap3A_420 = arith.constant 32 : index
      %swap3A_421 = tpu.vector_load %arg8[%swap3A_419, %swap3A_420] {strides = array<i32>} : memref<80x64xf32, #tpu.memory_space<vmem>>, vector<16xf32>,
      tpu.vector_store %arg8[%swap3A_419, %swap3A_420], %broadcast_in_dim3A_0 {strides = array<i32>} : memref<80x64xf32, #tpu.memory_space<vmem>>, vector<16xf32>,
      %swap3A_422 = arith.index_cast %scan3A_412 : i32 to index
      %swap3A_423 = arith.constant 48 : index
      %swap3A_424 = tpu.vector_load %arg8[%swap3A_422, %swap3A_423] {strides = array<i32>} : memref<80x64xf32, #tpu.memory_space<vmem>>, vector<16xf32>,
      tpu.vector_store %arg8[%swap3A_422, %swap3A_423], %broadcast_in_dim3A_0 {strides = array<i32>} : memref<80x64xf32, #tpu.memory_space<vmem>>, vector<16xf32>,
      %scan3A_425 = arith.constant 0 : i32
      scf.yield %scan3A_425 : i32
    }
    %scan3A_6 = arith.constant 80 : i32
    %mul3A = arith.constant 1280 : i32
    %mul3A_7 = arith.muli %arg1, %mul3A : i32
    %add3A = arith.constant 0 : i32
    %add3A_8 = arith.addi %mul3A_7, %add3A : i32
    "tpu.region"() ({
      %run_scoped3A = tpu.sem_alloc : memref<!tpu.dma_semaphore, #tpu.memory_space<semaphore_mem>>
      %dma_start3A_412 = arith.constant 0 : i32
      %dma_start3A_413 = arith.constant 0 : i32
      %dma_start3A_414 = tpu.memref_slice %arg8[%dma_start3A_412, %dma_start3A_413] : memref<80x64xf32, #tpu.memory_space<vmem>> -> memref<80x64xf32, #tpu.memory_space<vmem>>
      %dma_start3A_415 = arith.constant 0 : i32
      %dma_start3A_416 = tpu.memref_slice %arg13[%add3A_8, %dma_start3A_415] : memref<20480x64xf32, #tpu.memory_space<vmem_shared>> -> memref<80x64xf32, #tpu.memory_space<vmem_shared>>
      %dma_start3A_417 = arith.constant 0 : i32
      %dma_start3A_418 = tpu.memref_slice %arg13[%add3A_8, %dma_start3A_417] : memref<20480x64xf32, #tpu.memory_space<vmem_shared>> -> memref<80x64xf32, #tpu.memory_space<vmem_shared>>
      %dma_start3A_419 = arith.constant 0 : i32
      %dma_start3A_420 = arith.constant 0 : i32
      %dma_start3A_421 = tpu.memref_slice %arg8[%dma_start3A_419, %dma_start3A_420] : memref<80x64xf32, #tpu.memory_space<vmem>> -> memref<80x64xf32, #tpu.memory_space<vmem>>
      tpu.enqueue_dma source(%dma_start3A_421 : memref<80x64xf32, #tpu.memory_space<vmem>>) target(%dma_start3A_418 : memref<80x64xf32, #tpu.memory_space<vmem_shared>>) target_semaphore(%run_scoped3A : memref<!tpu.dma_semaphore, #tpu.memory_space<semaphore_mem>>)
      %dma_wait3A_422 = arith.constant 0 : i32
      %dma_wait3A_423 = arith.constant 0 : i32
      %dma_wait3A_424 = tpu.memref_slice %arg8[%dma_wait3A_422, %dma_wait3A_423] : memref<80x64xf32, #tpu.memory_space<vmem>> -> memref<80x64xf32, #tpu.memory_space<vmem>>
      %dma_wait3A_425 = arith.constant 0 : i32
      %dma_wait3A_426 = tpu.memref_slice %arg13[%add3A_8, %dma_wait3A_425] : memref<20480x64xf32, #tpu.memory_space<vmem_shared>> -> memref<80x64xf32, #tpu.memory_space<vmem_shared>>
      %dma_wait3A_427 = arith.constant 0 : i32
      %dma_wait3A_428 = tpu.memref_slice %arg13[%add3A_8, %dma_wait3A_427] : memref<20480x64xf32, #tpu.memory_space<vmem_shared>> -> memref<80x64xf32, #tpu.memory_space<vmem_shared>>
      %dma_wait3A_429 = arith.constant 0 : i32
      %dma_wait3A_430 = arith.constant 0 : i32
      %dma_wait3A_431 = tpu.memref_slice %arg8[%dma_wait3A_429, %dma_wait3A_430] : memref<80x64xf32, #tpu.memory_space<vmem>> -> memref<80x64xf32, #tpu.memory_space<vmem>>
      tpu.wait_dma2 semaphore(%run_scoped3A : memref<!tpu.dma_semaphore, #tpu.memory_space<semaphore_mem>>) src(%dma_wait3A_431 : memref<80x64xf32, #tpu.memory_space<vmem>>) dst(%dma_wait3A_428 : memref<80x64xf32, #tpu.memory_space<vmem_shared>>)
      tpu.yield
    }) : () -> ()
    %mul3A_9 = arith.constant 1280 : i32
    %mul3A_10 = arith.muli %arg1, %mul3A_9 : i32
    %add3A_11 = arith.constant 80 : i32
    %add3A_12 = arith.addi %mul3A_10, %add3A_11 : i32
    "tpu.region"() ({
      %run_scoped3A = tpu.sem_alloc : memref<!tpu.dma_semaphore, #tpu.memory_space<semaphore_mem>>
      %dma_start3A_412 = arith.constant 0 : i32
      %dma_start3A_413 = arith.constant 0 : i32
      %dma_start3A_414 = tpu.memref_slice %arg8[%dma_start3A_412, %dma_start3A_413] : memref<80x64xf32, #tpu.memory_space<vmem>> -> memref<80x64xf32, #tpu.memory_space<vmem>>
      %dma_start3A_415 = arith.constant 0 : i32
      %dma_start3A_416 = tpu.memref_slice %arg13[%add3A_12, %dma_start3A_415] : memref<20480x64xf32, #tpu.memory_space<vmem_shared>> -> memref<80x64xf32, #tpu.memory_space<vmem_shared>>
      %dma_start3A_417 = arith.constant 0 : i32
      %dma_start3A_418 = tpu.memref_slice %arg13[%add3A_12, %dma_start3A_417] : memref<20480x64xf32, #tpu.memory_space<vmem_shared>> -> memref<80x64xf32, #tpu.memory_space<vmem_shared>>
      %dma_start3A_419 = arith.constant 0 : i32
      %dma_start3A_420 = arith.constant 0 : i32
      %dma_start3A_421 = tpu.memref_slice %arg8[%dma_start3A_419, %dma_start3A_420] : memref<80x64xf32, #tpu.memory_space<vmem>> -> memref<80x64xf32, #tpu.memory_space<vmem>>
      tpu.enqueue_dma source(%dma_start3A_421 : memref<80x64xf32, #tpu.memory_space<vmem>>) target(%dma_start3A_418 : memref<80x64xf32, #tpu.memory_space<vmem_shared>>) target_semaphore(%run_scoped3A : memref<!tpu.dma_semaphore, #tpu.memory_space<semaphore_mem>>)
      %dma_wait3A_422 = arith.constant 0 : i32
      %dma_wait3A_423 = arith.constant 0 : i32
      %dma_wait3A_424 = tpu.memref_slice %arg8[%dma_wait3A_422, %dma_wait3A_423] : memref<80x64xf32, #tpu.memory_space<vmem>> -> memref<80x64xf32, #tpu.memory_space<vmem>>
      %dma_wait3A_425 = arith.constant 0 : i32
      %dma_wait3A_426 = tpu.memref_slice %arg13[%add3A_12, %dma_wait3A_425] : memref<20480x64xf32, #tpu.memory_space<vmem_shared>> -> memref<80x64xf32, #tpu.memory_space<vmem_shared>>
      %dma_wait3A_427 = arith.constant 0 : i32
      %dma_wait3A_428 = tpu.memref_slice %arg13[%add3A_12, %dma_wait3A_427] : memref<20480x64xf32, #tpu.memory_space<vmem_shared>> -> memref<80x64xf32, #tpu.memory_space<vmem_shared>>
      %dma_wait3A_429 = arith.constant 0 : i32
      %dma_wait3A_430 = arith.constant 0 : i32
      %dma_wait3A_431 = tpu.memref_slice %arg8[%dma_wait3A_429, %dma_wait3A_430] : memref<80x64xf32, #tpu.memory_space<vmem>> -> memref<80x64xf32, #tpu.memory_space<vmem>>
      tpu.wait_dma2 semaphore(%run_scoped3A : memref<!tpu.dma_semaphore, #tpu.memory_space<semaphore_mem>>) src(%dma_wait3A_431 : memref<80x64xf32, #tpu.memory_space<vmem>>) dst(%dma_wait3A_428 : memref<80x64xf32, #tpu.memory_space<vmem_shared>>)
      tpu.yield
    }) : () -> ()
    %mul3A_13 = arith.constant 1280 : i32
    %mul3A_14 = arith.muli %arg1, %mul3A_13 : i32
    %add3A_15 = arith.constant 160 : i32
    %add3A_16 = arith.addi %mul3A_14, %add3A_15 : i32
    "tpu.region"() ({
      %run_scoped3A = tpu.sem_alloc : memref<!tpu.dma_semaphore, #tpu.memory_space<semaphore_mem>>
      %dma_start3A_412 = arith.constant 0 : i32
      %dma_start3A_413 = arith.constant 0 : i32
      %dma_start3A_414 = tpu.memref_slice %arg8[%dma_start3A_412, %dma_start3A_413] : memref<80x64xf32, #tpu.memory_space<vmem>> -> memref<80x64xf32, #tpu.memory_space<vmem>>
      %dma_start3A_415 = arith.constant 0 : i32
      %dma_start3A_416 = tpu.memref_slice %arg13[%add3A_16, %dma_start3A_415] : memref<20480x64xf32, #tpu.memory_space<vmem_shared>> -> memref<80x64xf32, #tpu.memory_space<vmem_shared>>
      %dma_start3A_417 = arith.constant 0 : i32
      %dma_start3A_418 = tpu.memref_slice %arg13[%add3A_16, %dma_start3A_417] : memref<20480x64xf32, #tpu.memory_space<vmem_shared>> -> memref<80x64xf32, #tpu.memory_space<vmem_shared>>
      %dma_start3A_419 = arith.constant 0 : i32
      %dma_start3A_420 = arith.constant 0 : i32
      %dma_start3A_421 = tpu.memref_slice %arg8[%dma_start3A_419, %dma_start3A_420] : memref<80x64xf32, #tpu.memory_space<vmem>> -> memref<80x64xf32, #tpu.memory_space<vmem>>
      tpu.enqueue_dma source(%dma_start3A_421 : memref<80x64xf32, #tpu.memory_space<vmem>>) target(%dma_start3A_418 : memref<80x64xf32, #tpu.memory_space<vmem_shared>>) target_semaphore(%run_scoped3A : memref<!tpu.dma_semaphore, #tpu.memory_space<semaphore_mem>>)
      %dma_wait3A_422 = arith.constant 0 : i32
      %dma_wait3A_423 = arith.constant 0 : i32
      %dma_wait3A_424 = tpu.memref_slice %arg8[%dma_wait3A_422, %dma_wait3A_423] : memref<80x64xf32, #tpu.memory_space<vmem>> -> memref<80x64xf32, #tpu.memory_space<vmem>>
      %dma_wait3A_425 = arith.constant 0 : i32
      %dma_wait3A_426 = tpu.memref_slice %arg13[%add3A_16, %dma_wait3A_425] : memref<20480x64xf32, #tpu.memory_space<vmem_shared>> -> memref<80x64xf32, #tpu.memory_space<vmem_shared>>
      %dma_wait3A_427 = arith.constant 0 : i32
      %dma_wait3A_428 = tpu.memref_slice %arg13[%add3A_16, %dma_wait3A_427] : memref<20480x64xf32, #tpu.memory_space<vmem_shared>> -> memref<80x64xf32, #tpu.memory_space<vmem_shared>>
      %dma_wait3A_429 = arith.constant 0 : i32
      %dma_wait3A_430 = arith.constant 0 : i32
      %dma_wait3A_431 = tpu.memref_slice %arg8[%dma_wait3A_429, %dma_wait3A_430] : memref<80x64xf32, #tpu.memory_space<vmem>> -> memref<80x64xf32, #tpu.memory_space<vmem>>
      tpu.wait_dma2 semaphore(%run_scoped3A : memref<!tpu.dma_semaphore, #tpu.memory_space<semaphore_mem>>) src(%dma_wait3A_431 : memref<80x64xf32, #tpu.memory_space<vmem>>) dst(%dma_wait3A_428 : memref<80x64xf32, #tpu.memory_space<vmem_shared>>)
      tpu.yield
    }) : () -> ()
    %mul3A_17 = arith.constant 1280 : i32
    %mul3A_18 = arith.muli %arg1, %mul3A_17 : i32
    %add3A_19 = arith.constant 240 : i32
    %add3A_20 = arith.addi %mul3A_18, %add3A_19 : i32
    "tpu.region"() ({
      %run_scoped3A = tpu.sem_alloc : memref<!tpu.dma_semaphore, #tpu.memory_space<semaphore_mem>>
      %dma_start3A_412 = arith.constant 0 : i32
      %dma_start3A_413 = arith.constant 0 : i32
      %dma_start3A_414 = tpu.memref_slice %arg8[%dma_start3A_412, %dma_start3A_413] : memref<80x64xf32, #tpu.memory_space<vmem>> -> memref<80x64xf32, #tpu.memory_space<vmem>>
      %dma_start3A_415 = arith.constant 0 : i32
      %dma_start3A_416 = tpu.memref_slice %arg13[%add3A_20, %dma_start3A_415] : memref<20480x64xf32, #tpu.memory_space<vmem_shared>> -> memref<80x64xf32, #tpu.memory_space<vmem_shared>>
      %dma_start3A_417 = arith.constant 0 : i32
      %dma_start3A_418 = tpu.memref_slice %arg13[%add3A_20, %dma_start3A_417] : memref<20480x64xf32, #tpu.memory_space<vmem_shared>> -> memref<80x64xf32, #tpu.memory_space<vmem_shared>>
      %dma_start3A_419 = arith.constant 0 : i32
      %dma_start3A_420 = arith.constant 0 : i32
      %dma_start3A_421 = tpu.memref_slice %arg8[%dma_start3A_419, %dma_start3A_420] : memref<80x64xf32, #tpu.memory_space<vmem>> -> memref<80x64xf32, #tpu.memory_space<vmem>>
      tpu.enqueue_dma source(%dma_start3A_421 : memref<80x64xf32, #tpu.memory_space<vmem>>) target(%dma_start3A_418 : memref<80x64xf32, #tpu.memory_space<vmem_shared>>) target_semaphore(%run_scoped3A : memref<!tpu.dma_semaphore, #tpu.memory_space<semaphore_mem>>)
      %dma_wait3A_422 = arith.constant 0 : i32
      %dma_wait3A_423 = arith.constant 0 : i32
      %dma_wait3A_424 = tpu.memref_slice %arg8[%dma_wait3A_422, %dma_wait3A_423] : memref<80x64xf32, #tpu.memory_space<vmem>> -> memref<80x64xf32, #tpu.memory_space<vmem>>
      %dma_wait3A_425 = arith.constant 0 : i32
      %dma_wait3A_426 = tpu.memref_slice %arg13[%add3A_20, %dma_wait3A_425] : memref<20480x64xf32, #tpu.memory_space<vmem_shared>> -> memref<80x64xf32, #tpu.memory_space<vmem_shared>>
      %dma_wait3A_427 = arith.constant 0 : i32
      %dma_wait3A_428 = tpu.memref_slice %arg13[%add3A_20, %dma_wait3A_427] : memref<20480x64xf32, #tpu.memory_space<vmem_shared>> -> memref<80x64xf32, #tpu.memory_space<vmem_shared>>
      %dma_wait3A_429 = arith.constant 0 : i32
      %dma_wait3A_430 = arith.constant 0 : i32
      %dma_wait3A_431 = tpu.memref_slice %arg8[%dma_wait3A_429, %dma_wait3A_430] : memref<80x64xf32, #tpu.memory_space<vmem>> -> memref<80x64xf32, #tpu.memory_space<vmem>>
      tpu.wait_dma2 semaphore(%run_scoped3A : memref<!tpu.dma_semaphore, #tpu.memory_space<semaphore_mem>>) src(%dma_wait3A_431 : memref<80x64xf32, #tpu.memory_space<vmem>>) dst(%dma_wait3A_428 : memref<80x64xf32, #tpu.memory_space<vmem_shared>>)
      tpu.yield
    }) : () -> ()
    %mul3A_21 = arith.constant 1280 : i32
    %mul3A_22 = arith.muli %arg1, %mul3A_21 : i32
    %add3A_23 = arith.constant 320 : i32
    %add3A_24 = arith.addi %mul3A_22, %add3A_23 : i32
    "tpu.region"() ({
      %run_scoped3A = tpu.sem_alloc : memref<!tpu.dma_semaphore, #tpu.memory_space<semaphore_mem>>
      %dma_start3A_412 = arith.constant 0 : i32
      %dma_start3A_413 = arith.constant 0 : i32
      %dma_start3A_414 = tpu.memref_slice %arg8[%dma_start3A_412, %dma_start3A_413] : memref<80x64xf32, #tpu.memory_space<vmem>> -> memref<80x64xf32, #tpu.memory_space<vmem>>
      %dma_start3A_415 = arith.constant 0 : i32
      %dma_start3A_416 = tpu.memref_slice %arg13[%add3A_24, %dma_start3A_415] : memref<20480x64xf32, #tpu.memory_space<vmem_shared>> -> memref<80x64xf32, #tpu.memory_space<vmem_shared>>
      %dma_start3A_417 = arith.constant 0 : i32
      %dma_start3A_418 = tpu.memref_slice %arg13[%add3A_24, %dma_start3A_417] : memref<20480x64xf32, #tpu.memory_space<vmem_shared>> -> memref<80x64xf32, #tpu.memory_space<vmem_shared>>
      %dma_start3A_419 = arith.constant 0 : i32
      %dma_start3A_420 = arith.constant 0 : i32
      %dma_start3A_421 = tpu.memref_slice %arg8[%dma_start3A_419, %dma_start3A_420] : memref<80x64xf32, #tpu.memory_space<vmem>> -> memref<80x64xf32, #tpu.memory_space<vmem>>
      tpu.enqueue_dma source(%dma_start3A_421 : memref<80x64xf32, #tpu.memory_space<vmem>>) target(%dma_start3A_418 : memref<80x64xf32, #tpu.memory_space<vmem_shared>>) target_semaphore(%run_scoped3A : memref<!tpu.dma_semaphore, #tpu.memory_space<semaphore_mem>>)
      %dma_wait3A_422 = arith.constant 0 : i32
      %dma_wait3A_423 = arith.constant 0 : i32
      %dma_wait3A_424 = tpu.memref_slice %arg8[%dma_wait3A_422, %dma_wait3A_423] : memref<80x64xf32, #tpu.memory_space<vmem>> -> memref<80x64xf32, #tpu.memory_space<vmem>>
      %dma_wait3A_425 = arith.constant 0 : i32
      %dma_wait3A_426 = tpu.memref_slice %arg13[%add3A_24, %dma_wait3A_425] : memref<20480x64xf32, #tpu.memory_space<vmem_shared>> -> memref<80x64xf32, #tpu.memory_space<vmem_shared>>
      %dma_wait3A_427 = arith.constant 0 : i32
      %dma_wait3A_428 = tpu.memref_slice %arg13[%add3A_24, %dma_wait3A_427] : memref<20480x64xf32, #tpu.memory_space<vmem_shared>> -> memref<80x64xf32, #tpu.memory_space<vmem_shared>>
      %dma_wait3A_429 = arith.constant 0 : i32
      %dma_wait3A_430 = arith.constant 0 : i32
      %dma_wait3A_431 = tpu.memref_slice %arg8[%dma_wait3A_429, %dma_wait3A_430] : memref<80x64xf32, #tpu.memory_space<vmem>> -> memref<80x64xf32, #tpu.memory_space<vmem>>
      tpu.wait_dma2 semaphore(%run_scoped3A : memref<!tpu.dma_semaphore, #tpu.memory_space<semaphore_mem>>) src(%dma_wait3A_431 : memref<80x64xf32, #tpu.memory_space<vmem>>) dst(%dma_wait3A_428 : memref<80x64xf32, #tpu.memory_space<vmem_shared>>)
      tpu.yield
    }) : () -> ()
    %mul3A_25 = arith.constant 1280 : i32
    %mul3A_26 = arith.muli %arg1, %mul3A_25 : i32
    %add3A_27 = arith.constant 400 : i32
    %add3A_28 = arith.addi %mul3A_26, %add3A_27 : i32
    "tpu.region"() ({
      %run_scoped3A = tpu.sem_alloc : memref<!tpu.dma_semaphore, #tpu.memory_space<semaphore_mem>>
      %dma_start3A_412 = arith.constant 0 : i32
      %dma_start3A_413 = arith.constant 0 : i32
      %dma_start3A_414 = tpu.memref_slice %arg8[%dma_start3A_412, %dma_start3A_413] : memref<80x64xf32, #tpu.memory_space<vmem>> -> memref<80x64xf32, #tpu.memory_space<vmem>>
      %dma_start3A_415 = arith.constant 0 : i32
      %dma_start3A_416 = tpu.memref_slice %arg13[%add3A_28, %dma_start3A_415] : memref<20480x64xf32, #tpu.memory_space<vmem_shared>> -> memref<80x64xf32, #tpu.memory_space<vmem_shared>>
      %dma_start3A_417 = arith.constant 0 : i32
      %dma_start3A_418 = tpu.memref_slice %arg13[%add3A_28, %dma_start3A_417] : memref<20480x64xf32, #tpu.memory_space<vmem_shared>> -> memref<80x64xf32, #tpu.memory_space<vmem_shared>>
      %dma_start3A_419 = arith.constant 0 : i32
      %dma_start3A_420 = arith.constant 0 : i32
      %dma_start3A_421 = tpu.memref_slice %arg8[%dma_start3A_419, %dma_start3A_420] : memref<80x64xf32, #tpu.memory_space<vmem>> -> memref<80x64xf32, #tpu.memory_space<vmem>>
      tpu.enqueue_dma source(%dma_start3A_421 : memref<80x64xf32, #tpu.memory_space<vmem>>) target(%dma_start3A_418 : memref<80x64xf32, #tpu.memory_space<vmem_shared>>) target_semaphore(%run_scoped3A : memref<!tpu.dma_semaphore, #tpu.memory_space<semaphore_mem>>)
      %dma_wait3A_422 = arith.constant 0 : i32
      %dma_wait3A_423 = arith.constant 0 : i32
      %dma_wait3A_424 = tpu.memref_slice %arg8[%dma_wait3A_422, %dma_wait3A_423] : memref<80x64xf32, #tpu.memory_space<vmem>> -> memref<80x64xf32, #tpu.memory_space<vmem>>
      %dma_wait3A_425 = arith.constant 0 : i32
      %dma_wait3A_426 = tpu.memref_slice %arg13[%add3A_28, %dma_wait3A_425] : memref<20480x64xf32, #tpu.memory_space<vmem_shared>> -> memref<80x64xf32, #tpu.memory_space<vmem_shared>>
      %dma_wait3A_427 = arith.constant 0 : i32
      %dma_wait3A_428 = tpu.memref_slice %arg13[%add3A_28, %dma_wait3A_427] : memref<20480x64xf32, #tpu.memory_space<vmem_shared>> -> memref<80x64xf32, #tpu.memory_space<vmem_shared>>
      %dma_wait3A_429 = arith.constant 0 : i32
      %dma_wait3A_430 = arith.constant 0 : i32
      %dma_wait3A_431 = tpu.memref_slice %arg8[%dma_wait3A_429, %dma_wait3A_430] : memref<80x64xf32, #tpu.memory_space<vmem>> -> memref<80x64xf32, #tpu.memory_space<vmem>>
      tpu.wait_dma2 semaphore(%run_scoped3A : memref<!tpu.dma_semaphore, #tpu.memory_space<semaphore_mem>>) src(%dma_wait3A_431 : memref<80x64xf32, #tpu.memory_space<vmem>>) dst(%dma_wait3A_428 : memref<80x64xf32, #tpu.memory_space<vmem_shared>>)
      tpu.yield
    }) : () -> ()
    %mul3A_29 = arith.constant 1280 : i32
    %mul3A_30 = arith.muli %arg1, %mul3A_29 : i32
    %add3A_31 = arith.constant 480 : i32
    %add3A_32 = arith.addi %mul3A_30, %add3A_31 : i32
    "tpu.region"() ({
      %run_scoped3A = tpu.sem_alloc : memref<!tpu.dma_semaphore, #tpu.memory_space<semaphore_mem>>
      %dma_start3A_412 = arith.constant 0 : i32
      %dma_start3A_413 = arith.constant 0 : i32
      %dma_start3A_414 = tpu.memref_slice %arg8[%dma_start3A_412, %dma_start3A_413] : memref<80x64xf32, #tpu.memory_space<vmem>> -> memref<80x64xf32, #tpu.memory_space<vmem>>
      %dma_start3A_415 = arith.constant 0 : i32
      %dma_start3A_416 = tpu.memref_slice %arg13[%add3A_32, %dma_start3A_415] : memref<20480x64xf32, #tpu.memory_space<vmem_shared>> -> memref<80x64xf32, #tpu.memory_space<vmem_shared>>
      %dma_start3A_417 = arith.constant 0 : i32
      %dma_start3A_418 = tpu.memref_slice %arg13[%add3A_32, %dma_start3A_417] : memref<20480x64xf32, #tpu.memory_space<vmem_shared>> -> memref<80x64xf32, #tpu.memory_space<vmem_shared>>
      %dma_start3A_419 = arith.constant 0 : i32
      %dma_start3A_420 = arith.constant 0 : i32
      %dma_start3A_421 = tpu.memref_slice %arg8[%dma_start3A_419, %dma_start3A_420] : memref<80x64xf32, #tpu.memory_space<vmem>> -> memref<80x64xf32, #tpu.memory_space<vmem>>
      tpu.enqueue_dma source(%dma_start3A_421 : memref<80x64xf32, #tpu.memory_space<vmem>>) target(%dma_start3A_418 : memref<80x64xf32, #tpu.memory_space<vmem_shared>>) target_semaphore(%run_scoped3A : memref<!tpu.dma_semaphore, #tpu.memory_space<semaphore_mem>>)
      %dma_wait3A_422 = arith.constant 0 : i32
      %dma_wait3A_423 = arith.constant 0 : i32
      %dma_wait3A_424 = tpu.memref_slice %arg8[%dma_wait3A_422, %dma_wait3A_423] : memref<80x64xf32, #tpu.memory_space<vmem>> -> memref<80x64xf32, #tpu.memory_space<vmem>>
      %dma_wait3A_425 = arith.constant 0 : i32
      %dma_wait3A_426 = tpu.memref_slice %arg13[%add3A_32, %dma_wait3A_425] : memref<20480x64xf32, #tpu.memory_space<vmem_shared>> -> memref<80x64xf32, #tpu.memory_space<vmem_shared>>
      %dma_wait3A_427 = arith.constant 0 : i32
      %dma_wait3A_428 = tpu.memref_slice %arg13[%add3A_32, %dma_wait3A_427] : memref<20480x64xf32, #tpu.memory_space<vmem_shared>> -> memref<80x64xf32, #tpu.memory_space<vmem_shared>>
      %dma_wait3A_429 = arith.constant 0 : i32
      %dma_wait3A_430 = arith.constant 0 : i32
      %dma_wait3A_431 = tpu.memref_slice %arg8[%dma_wait3A_429, %dma_wait3A_430] : memref<80x64xf32, #tpu.memory_space<vmem>> -> memref<80x64xf32, #tpu.memory_space<vmem>>
      tpu.wait_dma2 semaphore(%run_scoped3A : memref<!tpu.dma_semaphore, #tpu.memory_space<semaphore_mem>>) src(%dma_wait3A_431 : memref<80x64xf32, #tpu.memory_space<vmem>>) dst(%dma_wait3A_428 : memref<80x64xf32, #tpu.memory_space<vmem_shared>>)
      tpu.yield
    }) : () -> ()
    %mul3A_33 = arith.constant 1280 : i32
    %mul3A_34 = arith.muli %arg1, %mul3A_33 : i32
    %add3A_35 = arith.constant 560 : i32
    %add3A_36 = arith.addi %mul3A_34, %add3A_35 : i32
    "tpu.region"() ({
      %run_scoped3A = tpu.sem_alloc : memref<!tpu.dma_semaphore, #tpu.memory_space<semaphore_mem>>
      %dma_start3A_412 = arith.constant 0 : i32
      %dma_start3A_413 = arith.constant 0 : i32
      %dma_start3A_414 = tpu.memref_slice %arg8[%dma_start3A_412, %dma_start3A_413] : memref<80x64xf32, #tpu.memory_space<vmem>> -> memref<80x64xf32, #tpu.memory_space<vmem>>
      %dma_start3A_415 = arith.constant 0 : i32
      %dma_start3A_416 = tpu.memref_slice %arg13[%add3A_36, %dma_start3A_415] : memref<20480x64xf32, #tpu.memory_space<vmem_shared>> -> memref<80x64xf32, #tpu.memory_space<vmem_shared>>
      %dma_start3A_417 = arith.constant 0 : i32
      %dma_start3A_418 = tpu.memref_slice %arg13[%add3A_36, %dma_start3A_417] : memref<20480x64xf32, #tpu.memory_space<vmem_shared>> -> memref<80x64xf32, #tpu.memory_space<vmem_shared>>
      %dma_start3A_419 = arith.constant 0 : i32
      %dma_start3A_420 = arith.constant 0 : i32
      %dma_start3A_421 = tpu.memref_slice %arg8[%dma_start3A_419, %dma_start3A_420] : memref<80x64xf32, #tpu.memory_space<vmem>> -> memref<80x64xf32, #tpu.memory_space<vmem>>
      tpu.enqueue_dma source(%dma_start3A_421 : memref<80x64xf32, #tpu.memory_space<vmem>>) target(%dma_start3A_418 : memref<80x64xf32, #tpu.memory_space<vmem_shared>>) target_semaphore(%run_scoped3A : memref<!tpu.dma_semaphore, #tpu.memory_space<semaphore_mem>>)
      %dma_wait3A_422 = arith.constant 0 : i32
      %dma_wait3A_423 = arith.constant 0 : i32
      %dma_wait3A_424 = tpu.memref_slice %arg8[%dma_wait3A_422, %dma_wait3A_423] : memref<80x64xf32, #tpu.memory_space<vmem>> -> memref<80x64xf32, #tpu.memory_space<vmem>>
      %dma_wait3A_425 = arith.constant 0 : i32
      %dma_wait3A_426 = tpu.memref_slice %arg13[%add3A_36, %dma_wait3A_425] : memref<20480x64xf32, #tpu.memory_space<vmem_shared>> -> memref<80x64xf32, #tpu.memory_space<vmem_shared>>
      %dma_wait3A_427 = arith.constant 0 : i32
      %dma_wait3A_428 = tpu.memref_slice %arg13[%add3A_36, %dma_wait3A_427] : memref<20480x64xf32, #tpu.memory_space<vmem_shared>> -> memref<80x64xf32, #tpu.memory_space<vmem_shared>>
      %dma_wait3A_429 = arith.constant 0 : i32
      %dma_wait3A_430 = arith.constant 0 : i32
      %dma_wait3A_431 = tpu.memref_slice %arg8[%dma_wait3A_429, %dma_wait3A_430] : memref<80x64xf32, #tpu.memory_space<vmem>> -> memref<80x64xf32, #tpu.memory_space<vmem>>
      tpu.wait_dma2 semaphore(%run_scoped3A : memref<!tpu.dma_semaphore, #tpu.memory_space<semaphore_mem>>) src(%dma_wait3A_431 : memref<80x64xf32, #tpu.memory_space<vmem>>) dst(%dma_wait3A_428 : memref<80x64xf32, #tpu.memory_space<vmem_shared>>)
      tpu.yield
    }) : () -> ()
    %mul3A_37 = arith.constant 1280 : i32
    %mul3A_38 = arith.muli %arg1, %mul3A_37 : i32
    %add3A_39 = arith.constant 640 : i32
    %add3A_40 = arith.addi %mul3A_38, %add3A_39 : i32
    "tpu.region"() ({
      %run_scoped3A = tpu.sem_alloc : memref<!tpu.dma_semaphore, #tpu.memory_space<semaphore_mem>>
      %dma_start3A_412 = arith.constant 0 : i32
      %dma_start3A_413 = arith.constant 0 : i32
      %dma_start3A_414 = tpu.memref_slice %arg8[%dma_start3A_412, %dma_start3A_413] : memref<80x64xf32, #tpu.memory_space<vmem>> -> memref<80x64xf32, #tpu.memory_space<vmem>>
      %dma_start3A_415 = arith.constant 0 : i32
      %dma_start3A_416 = tpu.memref_slice %arg13[%add3A_40, %dma_start3A_415] : memref<20480x64xf32, #tpu.memory_space<vmem_shared>> -> memref<80x64xf32, #tpu.memory_space<vmem_shared>>
      %dma_start3A_417 = arith.constant 0 : i32
      %dma_start3A_418 = tpu.memref_slice %arg13[%add3A_40, %dma_start3A_417] : memref<20480x64xf32, #tpu.memory_space<vmem_shared>> -> memref<80x64xf32, #tpu.memory_space<vmem_shared>>
      %dma_start3A_419 = arith.constant 0 : i32
      %dma_start3A_420 = arith.constant 0 : i32
      %dma_start3A_421 = tpu.memref_slice %arg8[%dma_start3A_419, %dma_start3A_420] : memref<80x64xf32, #tpu.memory_space<vmem>> -> memref<80x64xf32, #tpu.memory_space<vmem>>
      tpu.enqueue_dma source(%dma_start3A_421 : memref<80x64xf32, #tpu.memory_space<vmem>>) target(%dma_start3A_418 : memref<80x64xf32, #tpu.memory_space<vmem_shared>>) target_semaphore(%run_scoped3A : memref<!tpu.dma_semaphore, #tpu.memory_space<semaphore_mem>>)
      %dma_wait3A_422 = arith.constant 0 : i32
      %dma_wait3A_423 = arith.constant 0 : i32
      %dma_wait3A_424 = tpu.memref_slice %arg8[%dma_wait3A_422, %dma_wait3A_423] : memref<80x64xf32, #tpu.memory_space<vmem>> -> memref<80x64xf32, #tpu.memory_space<vmem>>
      %dma_wait3A_425 = arith.constant 0 : i32
      %dma_wait3A_426 = tpu.memref_slice %arg13[%add3A_40, %dma_wait3A_425] : memref<20480x64xf32, #tpu.memory_space<vmem_shared>> -> memref<80x64xf32, #tpu.memory_space<vmem_shared>>
      %dma_wait3A_427 = arith.constant 0 : i32
      %dma_wait3A_428 = tpu.memref_slice %arg13[%add3A_40, %dma_wait3A_427] : memref<20480x64xf32, #tpu.memory_space<vmem_shared>> -> memref<80x64xf32, #tpu.memory_space<vmem_shared>>
      %dma_wait3A_429 = arith.constant 0 : i32
      %dma_wait3A_430 = arith.constant 0 : i32
      %dma_wait3A_431 = tpu.memref_slice %arg8[%dma_wait3A_429, %dma_wait3A_430] : memref<80x64xf32, #tpu.memory_space<vmem>> -> memref<80x64xf32, #tpu.memory_space<vmem>>
      tpu.wait_dma2 semaphore(%run_scoped3A : memref<!tpu.dma_semaphore, #tpu.memory_space<semaphore_mem>>) src(%dma_wait3A_431 : memref<80x64xf32, #tpu.memory_space<vmem>>) dst(%dma_wait3A_428 : memref<80x64xf32, #tpu.memory_space<vmem_shared>>)
      tpu.yield
    }) : () -> ()
    %mul3A_41 = arith.constant 1280 : i32
    %mul3A_42 = arith.muli %arg1, %mul3A_41 : i32
    %add3A_43 = arith.constant 720 : i32
    %add3A_44 = arith.addi %mul3A_42, %add3A_43 : i32
    "tpu.region"() ({
      %run_scoped3A = tpu.sem_alloc : memref<!tpu.dma_semaphore, #tpu.memory_space<semaphore_mem>>
      %dma_start3A_412 = arith.constant 0 : i32
      %dma_start3A_413 = arith.constant 0 : i32
      %dma_start3A_414 = tpu.memref_slice %arg8[%dma_start3A_412, %dma_start3A_413] : memref<80x64xf32, #tpu.memory_space<vmem>> -> memref<80x64xf32, #tpu.memory_space<vmem>>
      %dma_start3A_415 = arith.constant 0 : i32
      %dma_start3A_416 = tpu.memref_slice %arg13[%add3A_44, %dma_start3A_415] : memref<20480x64xf32, #tpu.memory_space<vmem_shared>> -> memref<80x64xf32, #tpu.memory_space<vmem_shared>>
      %dma_start3A_417 = arith.constant 0 : i32
      %dma_start3A_418 = tpu.memref_slice %arg13[%add3A_44, %dma_start3A_417] : memref<20480x64xf32, #tpu.memory_space<vmem_shared>> -> memref<80x64xf32, #tpu.memory_space<vmem_shared>>
      %dma_start3A_419 = arith.constant 0 : i32
      %dma_start3A_420 = arith.constant 0 : i32
      %dma_start3A_421 = tpu.memref_slice %arg8[%dma_start3A_419, %dma_start3A_420] : memref<80x64xf32, #tpu.memory_space<vmem>> -> memref<80x64xf32, #tpu.memory_space<vmem>>
      tpu.enqueue_dma source(%dma_start3A_421 : memref<80x64xf32, #tpu.memory_space<vmem>>) target(%dma_start3A_418 : memref<80x64xf32, #tpu.memory_space<vmem_shared>>) target_semaphore(%run_scoped3A : memref<!tpu.dma_semaphore, #tpu.memory_space<semaphore_mem>>)
      %dma_wait3A_422 = arith.constant 0 : i32
      %dma_wait3A_423 = arith.constant 0 : i32
      %dma_wait3A_424 = tpu.memref_slice %arg8[%dma_wait3A_422, %dma_wait3A_423] : memref<80x64xf32, #tpu.memory_space<vmem>> -> memref<80x64xf32, #tpu.memory_space<vmem>>
      %dma_wait3A_425 = arith.constant 0 : i32
      %dma_wait3A_426 = tpu.memref_slice %arg13[%add3A_44, %dma_wait3A_425] : memref<20480x64xf32, #tpu.memory_space<vmem_shared>> -> memref<80x64xf32, #tpu.memory_space<vmem_shared>>
      %dma_wait3A_427 = arith.constant 0 : i32
      %dma_wait3A_428 = tpu.memref_slice %arg13[%add3A_44, %dma_wait3A_427] : memref<20480x64xf32, #tpu.memory_space<vmem_shared>> -> memref<80x64xf32, #tpu.memory_space<vmem_shared>>
      %dma_wait3A_429 = arith.constant 0 : i32
      %dma_wait3A_430 = arith.constant 0 : i32
      %dma_wait3A_431 = tpu.memref_slice %arg8[%dma_wait3A_429, %dma_wait3A_430] : memref<80x64xf32, #tpu.memory_space<vmem>> -> memref<80x64xf32, #tpu.memory_space<vmem>>
      tpu.wait_dma2 semaphore(%run_scoped3A : memref<!tpu.dma_semaphore, #tpu.memory_space<semaphore_mem>>) src(%dma_wait3A_431 : memref<80x64xf32, #tpu.memory_space<vmem>>) dst(%dma_wait3A_428 : memref<80x64xf32, #tpu.memory_space<vmem_shared>>)
      tpu.yield
    }) : () -> ()
    %mul3A_45 = arith.constant 1280 : i32
    %mul3A_46 = arith.muli %arg1, %mul3A_45 : i32
    %add3A_47 = arith.constant 800 : i32
    %add3A_48 = arith.addi %mul3A_46, %add3A_47 : i32
    "tpu.region"() ({
      %run_scoped3A = tpu.sem_alloc : memref<!tpu.dma_semaphore, #tpu.memory_space<semaphore_mem>>
      %dma_start3A_412 = arith.constant 0 : i32
      %dma_start3A_413 = arith.constant 0 : i32
      %dma_start3A_414 = tpu.memref_slice %arg8[%dma_start3A_412, %dma_start3A_413] : memref<80x64xf32, #tpu.memory_space<vmem>> -> memref<80x64xf32, #tpu.memory_space<vmem>>
      %dma_start3A_415 = arith.constant 0 : i32
      %dma_start3A_416 = tpu.memref_slice %arg13[%add3A_48, %dma_start3A_415] : memref<20480x64xf32, #tpu.memory_space<vmem_shared>> -> memref<80x64xf32, #tpu.memory_space<vmem_shared>>
      %dma_start3A_417 = arith.constant 0 : i32
      %dma_start3A_418 = tpu.memref_slice %arg13[%add3A_48, %dma_start3A_417] : memref<20480x64xf32, #tpu.memory_space<vmem_shared>> -> memref<80x64xf32, #tpu.memory_space<vmem_shared>>
      %dma_start3A_419 = arith.constant 0 : i32
      %dma_start3A_420 = arith.constant 0 : i32
      %dma_start3A_421 = tpu.memref_slice %arg8[%dma_start3A_419, %dma_start3A_420] : memref<80x64xf32, #tpu.memory_space<vmem>> -> memref<80x64xf32, #tpu.memory_space<vmem>>
      tpu.enqueue_dma source(%dma_start3A_421 : memref<80x64xf32, #tpu.memory_space<vmem>>) target(%dma_start3A_418 : memref<80x64xf32, #tpu.memory_space<vmem_shared>>) target_semaphore(%run_scoped3A : memref<!tpu.dma_semaphore, #tpu.memory_space<semaphore_mem>>)
      %dma_wait3A_422 = arith.constant 0 : i32
      %dma_wait3A_423 = arith.constant 0 : i32
      %dma_wait3A_424 = tpu.memref_slice %arg8[%dma_wait3A_422, %dma_wait3A_423] : memref<80x64xf32, #tpu.memory_space<vmem>> -> memref<80x64xf32, #tpu.memory_space<vmem>>
      %dma_wait3A_425 = arith.constant 0 : i32
      %dma_wait3A_426 = tpu.memref_slice %arg13[%add3A_48, %dma_wait3A_425] : memref<20480x64xf32, #tpu.memory_space<vmem_shared>> -> memref<80x64xf32, #tpu.memory_space<vmem_shared>>
      %dma_wait3A_427 = arith.constant 0 : i32
      %dma_wait3A_428 = tpu.memref_slice %arg13[%add3A_48, %dma_wait3A_427] : memref<20480x64xf32, #tpu.memory_space<vmem_shared>> -> memref<80x64xf32, #tpu.memory_space<vmem_shared>>
      %dma_wait3A_429 = arith.constant 0 : i32
      %dma_wait3A_430 = arith.constant 0 : i32
      %dma_wait3A_431 = tpu.memref_slice %arg8[%dma_wait3A_429, %dma_wait3A_430] : memref<80x64xf32, #tpu.memory_space<vmem>> -> memref<80x64xf32, #tpu.memory_space<vmem>>
      tpu.wait_dma2 semaphore(%run_scoped3A : memref<!tpu.dma_semaphore, #tpu.memory_space<semaphore_mem>>) src(%dma_wait3A_431 : memref<80x64xf32, #tpu.memory_space<vmem>>) dst(%dma_wait3A_428 : memref<80x64xf32, #tpu.memory_space<vmem_shared>>)
      tpu.yield
    }) : () -> ()
    %mul3A_49 = arith.constant 1280 : i32
    %mul3A_50 = arith.muli %arg1, %mul3A_49 : i32
    %add3A_51 = arith.constant 880 : i32
    %add3A_52 = arith.addi %mul3A_50, %add3A_51 : i32
    "tpu.region"() ({
      %run_scoped3A = tpu.sem_alloc : memref<!tpu.dma_semaphore, #tpu.memory_space<semaphore_mem>>
      %dma_start3A_412 = arith.constant 0 : i32
      %dma_start3A_413 = arith.constant 0 : i32
      %dma_start3A_414 = tpu.memref_slice %arg8[%dma_start3A_412, %dma_start3A_413] : memref<80x64xf32, #tpu.memory_space<vmem>> -> memref<80x64xf32, #tpu.memory_space<vmem>>
      %dma_start3A_415 = arith.constant 0 : i32
      %dma_start3A_416 = tpu.memref_slice %arg13[%add3A_52, %dma_start3A_415] : memref<20480x64xf32, #tpu.memory_space<vmem_shared>> -> memref<80x64xf32, #tpu.memory_space<vmem_shared>>
      %dma_start3A_417 = arith.constant 0 : i32
      %dma_start3A_418 = tpu.memref_slice %arg13[%add3A_52, %dma_start3A_417] : memref<20480x64xf32, #tpu.memory_space<vmem_shared>> -> memref<80x64xf32, #tpu.memory_space<vmem_shared>>
      %dma_start3A_419 = arith.constant 0 : i32
      %dma_start3A_420 = arith.constant 0 : i32
      %dma_start3A_421 = tpu.memref_slice %arg8[%dma_start3A_419, %dma_start3A_420] : memref<80x64xf32, #tpu.memory_space<vmem>> -> memref<80x64xf32, #tpu.memory_space<vmem>>
      tpu.enqueue_dma source(%dma_start3A_421 : memref<80x64xf32, #tpu.memory_space<vmem>>) target(%dma_start3A_418 : memref<80x64xf32, #tpu.memory_space<vmem_shared>>) target_semaphore(%run_scoped3A : memref<!tpu.dma_semaphore, #tpu.memory_space<semaphore_mem>>)
      %dma_wait3A_422 = arith.constant 0 : i32
      %dma_wait3A_423 = arith.constant 0 : i32
      %dma_wait3A_424 = tpu.memref_slice %arg8[%dma_wait3A_422, %dma_wait3A_423] : memref<80x64xf32, #tpu.memory_space<vmem>> -> memref<80x64xf32, #tpu.memory_space<vmem>>
      %dma_wait3A_425 = arith.constant 0 : i32
      %dma_wait3A_426 = tpu.memref_slice %arg13[%add3A_52, %dma_wait3A_425] : memref<20480x64xf32, #tpu.memory_space<vmem_shared>> -> memref<80x64xf32, #tpu.memory_space<vmem_shared>>
      %dma_wait3A_427 = arith.constant 0 : i32
      %dma_wait3A_428 = tpu.memref_slice %arg13[%add3A_52, %dma_wait3A_427] : memref<20480x64xf32, #tpu.memory_space<vmem_shared>> -> memref<80x64xf32, #tpu.memory_space<vmem_shared>>
      %dma_wait3A_429 = arith.constant 0 : i32
      %dma_wait3A_430 = arith.constant 0 : i32
      %dma_wait3A_431 = tpu.memref_slice %arg8[%dma_wait3A_429, %dma_wait3A_430] : memref<80x64xf32, #tpu.memory_space<vmem>> -> memref<80x64xf32, #tpu.memory_space<vmem>>
      tpu.wait_dma2 semaphore(%run_scoped3A : memref<!tpu.dma_semaphore, #tpu.memory_space<semaphore_mem>>) src(%dma_wait3A_431 : memref<80x64xf32, #tpu.memory_space<vmem>>) dst(%dma_wait3A_428 : memref<80x64xf32, #tpu.memory_space<vmem_shared>>)
      tpu.yield
    }) : () -> ()
    %mul3A_53 = arith.constant 1280 : i32
    %mul3A_54 = arith.muli %arg1, %mul3A_53 : i32
    %add3A_55 = arith.constant 960 : i32
    %add3A_56 = arith.addi %mul3A_54, %add3A_55 : i32
    "tpu.region"() ({
      %run_scoped3A = tpu.sem_alloc : memref<!tpu.dma_semaphore, #tpu.memory_space<semaphore_mem>>
      %dma_start3A_412 = arith.constant 0 : i32
      %dma_start3A_413 = arith.constant 0 : i32
      %dma_start3A_414 = tpu.memref_slice %arg8[%dma_start3A_412, %dma_start3A_413] : memref<80x64xf32, #tpu.memory_space<vmem>> -> memref<80x64xf32, #tpu.memory_space<vmem>>
      %dma_start3A_415 = arith.constant 0 : i32
      %dma_start3A_416 = tpu.memref_slice %arg13[%add3A_56, %dma_start3A_415] : memref<20480x64xf32, #tpu.memory_space<vmem_shared>> -> memref<80x64xf32, #tpu.memory_space<vmem_shared>>
      %dma_start3A_417 = arith.constant 0 : i32
      %dma_start3A_418 = tpu.memref_slice %arg13[%add3A_56, %dma_start3A_417] : memref<20480x64xf32, #tpu.memory_space<vmem_shared>> -> memref<80x64xf32, #tpu.memory_space<vmem_shared>>
      %dma_start3A_419 = arith.constant 0 : i32
      %dma_start3A_420 = arith.constant 0 : i32
      %dma_start3A_421 = tpu.memref_slice %arg8[%dma_start3A_419, %dma_start3A_420] : memref<80x64xf32, #tpu.memory_space<vmem>> -> memref<80x64xf32, #tpu.memory_space<vmem>>
      tpu.enqueue_dma source(%dma_start3A_421 : memref<80x64xf32, #tpu.memory_space<vmem>>) target(%dma_start3A_418 : memref<80x64xf32, #tpu.memory_space<vmem_shared>>) target_semaphore(%run_scoped3A : memref<!tpu.dma_semaphore, #tpu.memory_space<semaphore_mem>>)
      %dma_wait3A_422 = arith.constant 0 : i32
      %dma_wait3A_423 = arith.constant 0 : i32
      %dma_wait3A_424 = tpu.memref_slice %arg8[%dma_wait3A_422, %dma_wait3A_423] : memref<80x64xf32, #tpu.memory_space<vmem>> -> memref<80x64xf32, #tpu.memory_space<vmem>>
      %dma_wait3A_425 = arith.constant 0 : i32
      %dma_wait3A_426 = tpu.memref_slice %arg13[%add3A_56, %dma_wait3A_425] : memref<20480x64xf32, #tpu.memory_space<vmem_shared>> -> memref<80x64xf32, #tpu.memory_space<vmem_shared>>
      %dma_wait3A_427 = arith.constant 0 : i32
      %dma_wait3A_428 = tpu.memref_slice %arg13[%add3A_56, %dma_wait3A_427] : memref<20480x64xf32, #tpu.memory_space<vmem_shared>> -> memref<80x64xf32, #tpu.memory_space<vmem_shared>>
      %dma_wait3A_429 = arith.constant 0 : i32
      %dma_wait3A_430 = arith.constant 0 : i32
      %dma_wait3A_431 = tpu.memref_slice %arg8[%dma_wait3A_429, %dma_wait3A_430] : memref<80x64xf32, #tpu.memory_space<vmem>> -> memref<80x64xf32, #tpu.memory_space<vmem>>
      tpu.wait_dma2 semaphore(%run_scoped3A : memref<!tpu.dma_semaphore, #tpu.memory_space<semaphore_mem>>) src(%dma_wait3A_431 : memref<80x64xf32, #tpu.memory_space<vmem>>) dst(%dma_wait3A_428 : memref<80x64xf32, #tpu.memory_space<vmem_shared>>)
      tpu.yield
    }) : () -> ()
    %mul3A_57 = arith.constant 1280 : i32
    %mul3A_58 = arith.muli %arg1, %mul3A_57 : i32
    %add3A_59 = arith.constant 1040 : i32
    %add3A_60 = arith.addi %mul3A_58, %add3A_59 : i32
    "tpu.region"() ({
      %run_scoped3A = tpu.sem_alloc : memref<!tpu.dma_semaphore, #tpu.memory_space<semaphore_mem>>
      %dma_start3A_412 = arith.constant 0 : i32
      %dma_start3A_413 = arith.constant 0 : i32
      %dma_start3A_414 = tpu.memref_slice %arg8[%dma_start3A_412, %dma_start3A_413] : memref<80x64xf32, #tpu.memory_space<vmem>> -> memref<80x64xf32, #tpu.memory_space<vmem>>
      %dma_start3A_415 = arith.constant 0 : i32
      %dma_start3A_416 = tpu.memref_slice %arg13[%add3A_60, %dma_start3A_415] : memref<20480x64xf32, #tpu.memory_space<vmem_shared>> -> memref<80x64xf32, #tpu.memory_space<vmem_shared>>
      %dma_start3A_417 = arith.constant 0 : i32
      %dma_start3A_418 = tpu.memref_slice %arg13[%add3A_60, %dma_start3A_417] : memref<20480x64xf32, #tpu.memory_space<vmem_shared>> -> memref<80x64xf32, #tpu.memory_space<vmem_shared>>
      %dma_start3A_419 = arith.constant 0 : i32
      %dma_start3A_420 = arith.constant 0 : i32
      %dma_start3A_421 = tpu.memref_slice %arg8[%dma_start3A_419, %dma_start3A_420] : memref<80x64xf32, #tpu.memory_space<vmem>> -> memref<80x64xf32, #tpu.memory_space<vmem>>
      tpu.enqueue_dma source(%dma_start3A_421 : memref<80x64xf32, #tpu.memory_space<vmem>>) target(%dma_start3A_418 : memref<80x64xf32, #tpu.memory_space<vmem_shared>>) target_semaphore(%run_scoped3A : memref<!tpu.dma_semaphore, #tpu.memory_space<semaphore_mem>>)
      %dma_wait3A_422 = arith.constant 0 : i32
      %dma_wait3A_423 = arith.constant 0 : i32
      %dma_wait3A_424 = tpu.memref_slice %arg8[%dma_wait3A_422, %dma_wait3A_423] : memref<80x64xf32, #tpu.memory_space<vmem>> -> memref<80x64xf32, #tpu.memory_space<vmem>>
      %dma_wait3A_425 = arith.constant 0 : i32
      %dma_wait3A_426 = tpu.memref_slice %arg13[%add3A_60, %dma_wait3A_425] : memref<20480x64xf32, #tpu.memory_space<vmem_shared>> -> memref<80x64xf32, #tpu.memory_space<vmem_shared>>
      %dma_wait3A_427 = arith.constant 0 : i32
      %dma_wait3A_428 = tpu.memref_slice %arg13[%add3A_60, %dma_wait3A_427] : memref<20480x64xf32, #tpu.memory_space<vmem_shared>> -> memref<80x64xf32, #tpu.memory_space<vmem_shared>>
      %dma_wait3A_429 = arith.constant 0 : i32
      %dma_wait3A_430 = arith.constant 0 : i32
      %dma_wait3A_431 = tpu.memref_slice %arg8[%dma_wait3A_429, %dma_wait3A_430] : memref<80x64xf32, #tpu.memory_space<vmem>> -> memref<80x64xf32, #tpu.memory_space<vmem>>
      tpu.wait_dma2 semaphore(%run_scoped3A : memref<!tpu.dma_semaphore, #tpu.memory_space<semaphore_mem>>) src(%dma_wait3A_431 : memref<80x64xf32, #tpu.memory_space<vmem>>) dst(%dma_wait3A_428 : memref<80x64xf32, #tpu.memory_space<vmem_shared>>)
      tpu.yield
    }) : () -> ()
    %mul3A_61 = arith.constant 1280 : i32
    %mul3A_62 = arith.muli %arg1, %mul3A_61 : i32
    %add3A_63 = arith.constant 1120 : i32
    %add3A_64 = arith.addi %mul3A_62, %add3A_63 : i32
    "tpu.region"() ({
      %run_scoped3A = tpu.sem_alloc : memref<!tpu.dma_semaphore, #tpu.memory_space<semaphore_mem>>
      %dma_start3A_412 = arith.constant 0 : i32
      %dma_start3A_413 = arith.constant 0 : i32
      %dma_start3A_414 = tpu.memref_slice %arg8[%dma_start3A_412, %dma_start3A_413] : memref<80x64xf32, #tpu.memory_space<vmem>> -> memref<80x64xf32, #tpu.memory_space<vmem>>
      %dma_start3A_415 = arith.constant 0 : i32
      %dma_start3A_416 = tpu.memref_slice %arg13[%add3A_64, %dma_start3A_415] : memref<20480x64xf32, #tpu.memory_space<vmem_shared>> -> memref<80x64xf32, #tpu.memory_space<vmem_shared>>
      %dma_start3A_417 = arith.constant 0 : i32
      %dma_start3A_418 = tpu.memref_slice %arg13[%add3A_64, %dma_start3A_417] : memref<20480x64xf32, #tpu.memory_space<vmem_shared>> -> memref<80x64xf32, #tpu.memory_space<vmem_shared>>
      %dma_start3A_419 = arith.constant 0 : i32
      %dma_start3A_420 = arith.constant 0 : i32
      %dma_start3A_421 = tpu.memref_slice %arg8[%dma_start3A_419, %dma_start3A_420] : memref<80x64xf32, #tpu.memory_space<vmem>> -> memref<80x64xf32, #tpu.memory_space<vmem>>
      tpu.enqueue_dma source(%dma_start3A_421 : memref<80x64xf32, #tpu.memory_space<vmem>>) target(%dma_start3A_418 : memref<80x64xf32, #tpu.memory_space<vmem_shared>>) target_semaphore(%run_scoped3A : memref<!tpu.dma_semaphore, #tpu.memory_space<semaphore_mem>>)
      %dma_wait3A_422 = arith.constant 0 : i32
      %dma_wait3A_423 = arith.constant 0 : i32
      %dma_wait3A_424 = tpu.memref_slice %arg8[%dma_wait3A_422, %dma_wait3A_423] : memref<80x64xf32, #tpu.memory_space<vmem>> -> memref<80x64xf32, #tpu.memory_space<vmem>>
      %dma_wait3A_425 = arith.constant 0 : i32
      %dma_wait3A_426 = tpu.memref_slice %arg13[%add3A_64, %dma_wait3A_425] : memref<20480x64xf32, #tpu.memory_space<vmem_shared>> -> memref<80x64xf32, #tpu.memory_space<vmem_shared>>
      %dma_wait3A_427 = arith.constant 0 : i32
      %dma_wait3A_428 = tpu.memref_slice %arg13[%add3A_64, %dma_wait3A_427] : memref<20480x64xf32, #tpu.memory_space<vmem_shared>> -> memref<80x64xf32, #tpu.memory_space<vmem_shared>>
      %dma_wait3A_429 = arith.constant 0 : i32
      %dma_wait3A_430 = arith.constant 0 : i32
      %dma_wait3A_431 = tpu.memref_slice %arg8[%dma_wait3A_429, %dma_wait3A_430] : memref<80x64xf32, #tpu.memory_space<vmem>> -> memref<80x64xf32, #tpu.memory_space<vmem>>
      tpu.wait_dma2 semaphore(%run_scoped3A : memref<!tpu.dma_semaphore, #tpu.memory_space<semaphore_mem>>) src(%dma_wait3A_431 : memref<80x64xf32, #tpu.memory_space<vmem>>) dst(%dma_wait3A_428 : memref<80x64xf32, #tpu.memory_space<vmem_shared>>)
      tpu.yield
    }) : () -> ()
    %mul3A_65 = arith.constant 1280 : i32
    %mul3A_66 = arith.muli %arg1, %mul3A_65 : i32
    %add3A_67 = arith.constant 1200 : i32
    %add3A_68 = arith.addi %mul3A_66, %add3A_67 : i32
    "tpu.region"() ({
      %run_scoped3A = tpu.sem_alloc : memref<!tpu.dma_semaphore, #tpu.memory_space<semaphore_mem>>
      %dma_start3A_412 = arith.constant 0 : i32
      %dma_start3A_413 = arith.constant 0 : i32
      %dma_start3A_414 = tpu.memref_slice %arg8[%dma_start3A_412, %dma_start3A_413] : memref<80x64xf32, #tpu.memory_space<vmem>> -> memref<80x64xf32, #tpu.memory_space<vmem>>
      %dma_start3A_415 = arith.constant 0 : i32
      %dma_start3A_416 = tpu.memref_slice %arg13[%add3A_68, %dma_start3A_415] : memref<20480x64xf32, #tpu.memory_space<vmem_shared>> -> memref<80x64xf32, #tpu.memory_space<vmem_shared>>
      %dma_start3A_417 = arith.constant 0 : i32
      %dma_start3A_418 = tpu.memref_slice %arg13[%add3A_68, %dma_start3A_417] : memref<20480x64xf32, #tpu.memory_space<vmem_shared>> -> memref<80x64xf32, #tpu.memory_space<vmem_shared>>
      %dma_start3A_419 = arith.constant 0 : i32
      %dma_start3A_420 = arith.constant 0 : i32
      %dma_start3A_421 = tpu.memref_slice %arg8[%dma_start3A_419, %dma_start3A_420] : memref<80x64xf32, #tpu.memory_space<vmem>> -> memref<80x64xf32, #tpu.memory_space<vmem>>
      tpu.enqueue_dma source(%dma_start3A_421 : memref<80x64xf32, #tpu.memory_space<vmem>>) target(%dma_start3A_418 : memref<80x64xf32, #tpu.memory_space<vmem_shared>>) target_semaphore(%run_scoped3A : memref<!tpu.dma_semaphore, #tpu.memory_space<semaphore_mem>>)
      %dma_wait3A_422 = arith.constant 0 : i32
      %dma_wait3A_423 = arith.constant 0 : i32
      %dma_wait3A_424 = tpu.memref_slice %arg8[%dma_wait3A_422, %dma_wait3A_423] : memref<80x64xf32, #tpu.memory_space<vmem>> -> memref<80x64xf32, #tpu.memory_space<vmem>>
      %dma_wait3A_425 = arith.constant 0 : i32
      %dma_wait3A_426 = tpu.memref_slice %arg13[%add3A_68, %dma_wait3A_425] : memref<20480x64xf32, #tpu.memory_space<vmem_shared>> -> memref<80x64xf32, #tpu.memory_space<vmem_shared>>
      %dma_wait3A_427 = arith.constant 0 : i32
      %dma_wait3A_428 = tpu.memref_slice %arg13[%add3A_68, %dma_wait3A_427] : memref<20480x64xf32, #tpu.memory_space<vmem_shared>> -> memref<80x64xf32, #tpu.memory_space<vmem_shared>>
      %dma_wait3A_429 = arith.constant 0 : i32
      %dma_wait3A_430 = arith.constant 0 : i32
      %dma_wait3A_431 = tpu.memref_slice %arg8[%dma_wait3A_429, %dma_wait3A_430] : memref<80x64xf32, #tpu.memory_space<vmem>> -> memref<80x64xf32, #tpu.memory_space<vmem>>
      tpu.wait_dma2 semaphore(%run_scoped3A : memref<!tpu.dma_semaphore, #tpu.memory_space<semaphore_mem>>) src(%dma_wait3A_431 : memref<80x64xf32, #tpu.memory_space<vmem>>) dst(%dma_wait3A_428 : memref<80x64xf32, #tpu.memory_space<vmem_shared>>)
      tpu.yield
    }) : () -> ()
    %barrier3A = arith.constant 0 : index
    tpu.barrier barrier_id(%barrier3A)
    %mul3A_69 = arith.constant 2 : i32
    %mul3A_70 = arith.muli %mul3A_69, %arg1 : i32
    %add3A_71 = arith.constant 0 : i32
    %add3A_72 = arith.addi %mul3A_70, %add3A_71 : i32
    %dma_start3A = arith.constant 0 : i32
    %dma_start3A_73 = tpu.memref_slice %arg2[%add3A_72, %dma_start3A] : memref<32x10000xi32, #tpu.memory_space<hbm>> -> memref<1x10000xi32, #tpu.memory_space<hbm>>
    %dma_start3A_74 = tpu.memref_squeeze %dma_start3A_73 : memref<1x10000xi32, #tpu.memory_space<hbm>> -> memref<10000xi32, #tpu.memory_space<hbm>>
    %dma_start3A_75 = arith.constant 0 : i32
    %dma_start3A_76 = tpu.memref_slice %arg2[%add3A_72, %dma_start3A_75] : memref<32x10000xi32, #tpu.memory_space<hbm>> -> memref<1x10000xi32, #tpu.memory_space<hbm>>
    %dma_start3A_77 = tpu.memref_squeeze %dma_start3A_76 : memref<1x10000xi32, #tpu.memory_space<hbm>> -> memref<10000xi32, #tpu.memory_space<hbm>>
    tpu.enqueue_dma source(%dma_start3A_77 : memref<10000xi32, #tpu.memory_space<hbm>>) target(%arg6 : memref<10000xi32, #tpu.memory_space<vmem>>) target_semaphore(%arg14 : memref<!tpu.dma_semaphore, #tpu.memory_space<semaphore_mem>>)
    %dma_start3A_78 = arith.constant 0 : i32
    %dma_start3A_79 = tpu.memref_slice %arg3[%add3A_72, %dma_start3A_78] : memref<32x10000xi32, #tpu.memory_space<hbm>> -> memref<1x10000xi32, #tpu.memory_space<hbm>>
    %dma_start3A_80 = tpu.memref_squeeze %dma_start3A_79 : memref<1x10000xi32, #tpu.memory_space<hbm>> -> memref<10000xi32, #tpu.memory_space<hbm>>
    %dma_start3A_81 = arith.constant 0 : i32
    %dma_start3A_82 = tpu.memref_slice %arg3[%add3A_72, %dma_start3A_81] : memref<32x10000xi32, #tpu.memory_space<hbm>> -> memref<1x10000xi32, #tpu.memory_space<hbm>>
    %dma_start3A_83 = tpu.memref_squeeze %dma_start3A_82 : memref<1x10000xi32, #tpu.memory_space<hbm>> -> memref<10000xi32, #tpu.memory_space<hbm>>
    tpu.enqueue_dma source(%dma_start3A_83 : memref<10000xi32, #tpu.memory_space<hbm>>) target(%arg7 : memref<10000xi32, #tpu.memory_space<vmem>>) target_semaphore(%arg14 : memref<!tpu.dma_semaphore, #tpu.memory_space<semaphore_mem>>)
    %dma_wait3A = arith.constant 0 : i32
    %dma_wait3A_84 = tpu.memref_slice %arg2[%add3A_72, %dma_wait3A] : memref<32x10000xi32, #tpu.memory_space<hbm>> -> memref<1x10000xi32, #tpu.memory_space<hbm>>
    %dma_wait3A_85 = tpu.memref_squeeze %dma_wait3A_84 : memref<1x10000xi32, #tpu.memory_space<hbm>> -> memref<10000xi32, #tpu.memory_space<hbm>>
    %dma_wait3A_86 = arith.constant 0 : i32
    %dma_wait3A_87 = tpu.memref_slice %arg2[%add3A_72, %dma_wait3A_86] : memref<32x10000xi32, #tpu.memory_space<hbm>> -> memref<1x10000xi32, #tpu.memory_space<hbm>>
    %dma_wait3A_88 = tpu.memref_squeeze %dma_wait3A_87 : memref<1x10000xi32, #tpu.memory_space<hbm>> -> memref<10000xi32, #tpu.memory_space<hbm>>
    tpu.wait_dma2 semaphore(%arg14 : memref<!tpu.dma_semaphore, #tpu.memory_space<semaphore_mem>>) src(%dma_wait3A_88 : memref<10000xi32, #tpu.memory_space<hbm>>) dst(%arg6 : memref<10000xi32, #tpu.memory_space<vmem>>)
    %dma_wait3A_89 = arith.constant 0 : i32
    %dma_wait3A_90 = tpu.memref_slice %arg3[%add3A_72, %dma_wait3A_89] : memref<32x10000xi32, #tpu.memory_space<hbm>> -> memref<1x10000xi32, #tpu.memory_space<hbm>>
    %dma_wait3A_91 = tpu.memref_squeeze %dma_wait3A_90 : memref<1x10000xi32, #tpu.memory_space<hbm>> -> memref<10000xi32, #tpu.memory_space<hbm>>
    %dma_wait3A_92 = arith.constant 0 : i32
    %dma_wait3A_93 = tpu.memref_slice %arg3[%add3A_72, %dma_wait3A_92] : memref<32x10000xi32, #tpu.memory_space<hbm>> -> memref<1x10000xi32, #tpu.memory_space<hbm>>
    %dma_wait3A_94 = tpu.memref_squeeze %dma_wait3A_93 : memref<1x10000xi32, #tpu.memory_space<hbm>> -> memref<10000xi32, #tpu.memory_space<hbm>>
    tpu.wait_dma2 semaphore(%arg14 : memref<!tpu.dma_semaphore, #tpu.memory_space<semaphore_mem>>) src(%dma_wait3A_94 : memref<10000xi32, #tpu.memory_space<hbm>>) dst(%arg7 : memref<10000xi32, #tpu.memory_space<vmem>>)
    %dma_start3A_95 = arith.constant 0 : i32
    %dma_start3A_96 = tpu.memref_slice %arg6[%dma_start3A_95] : memref<10000xi32, #tpu.memory_space<vmem>> -> memref<80xi32, #tpu.memory_space<vmem>>
    %dma_start3A_97 = arith.constant 0 : i32
    %dma_start3A_98 = arith.constant 0 : i32
    %dma_start3A_99 = tpu.memref_slice %arg4[%arg0, %dma_start3A_97, %dma_start3A_98] : memref<2x20000x64xf32, #tpu.memory_space<hbm>> -> memref<1x20000x64xf32, #tpu.memory_space<hbm>>
    %dma_start3A_100 = tpu.memref_squeeze %dma_start3A_99 : memref<1x20000x64xf32, #tpu.memory_space<hbm>> -> memref<20000x64xf32, #tpu.memory_space<hbm>>
    %dma_start3A_101 = arith.constant 0 : i32
    %dma_start3A_102 = arith.constant 0 : i32
    %dma_start3A_103 = tpu.memref_slice %dma_start3A_100[%dma_start3A_101, %dma_start3A_102] : memref<20000x64xf32, #tpu.memory_space<hbm>> -> memref<20000x64xf32, #tpu.memory_space<hbm>>
    tpu.enqueue_indirect_dma source(%dma_start3A_103 : memref<20000x64xf32, #tpu.memory_space<hbm>>) target(%arg8 : memref<80x64xf32, #tpu.memory_space<vmem>>) offsets(%dma_start3A_96 : memref<80xi32, #tpu.memory_space<vmem>>) semaphore(%arg15 : memref<!tpu.dma_semaphore, #tpu.memory_space<semaphore_mem>>)
    %dma_wait3A_104 = arith.constant 0 : i32
    %dma_wait3A_105 = tpu.memref_slice %arg6[%dma_wait3A_104] : memref<10000xi32, #tpu.memory_space<vmem>> -> memref<80xi32, #tpu.memory_space<vmem>>
    %dma_wait3A_106 = arith.constant 0 : i32
    %dma_wait3A_107 = arith.constant 0 : i32
    %dma_wait3A_108 = tpu.memref_slice %arg4[%arg0, %dma_wait3A_106, %dma_wait3A_107] : memref<2x20000x64xf32, #tpu.memory_space<hbm>> -> memref<1x20000x64xf32, #tpu.memory_space<hbm>>
    %dma_wait3A_109 = tpu.memref_squeeze %dma_wait3A_108 : memref<1x20000x64xf32, #tpu.memory_space<hbm>> -> memref<20000x64xf32, #tpu.memory_space<hbm>>
    %dma_wait3A_110 = arith.constant 0 : i32
    %dma_wait3A_111 = arith.constant 0 : i32
    %dma_wait3A_112 = tpu.memref_slice %dma_wait3A_109[%dma_wait3A_110, %dma_wait3A_111] : memref<20000x64xf32, #tpu.memory_space<hbm>> -> memref<20000x64xf32, #tpu.memory_space<hbm>>
    tpu.wait_indirect_dma semaphore(%arg15 : memref<!tpu.dma_semaphore, #tpu.memory_space<semaphore_mem>>) src(%dma_wait3A_112 : memref<20000x64xf32, #tpu.memory_space<hbm>>) dst(%arg8 : memref<80x64xf32, #tpu.memory_space<vmem>>)
    "tpu.region"() ({
      %run_scoped3A = tpu.sem_alloc : memref<!tpu.dma_semaphore, #tpu.memory_space<semaphore_mem>>
      %dma_start3A_412 = arith.constant 0 : i32
      %dma_start3A_413 = tpu.memref_slice %arg7[%dma_start3A_412] : memref<10000xi32, #tpu.memory_space<vmem>> -> memref<80xi32, #tpu.memory_space<vmem>>
      %dma_start3A_414 = arith.constant 0 : i32
      %dma_start3A_415 = arith.constant 0 : i32
      %dma_start3A_416 = tpu.memref_slice %arg13[%dma_start3A_414, %dma_start3A_415] : memref<20480x64xf32, #tpu.memory_space<vmem_shared>> -> memref<20480x64xf32, #tpu.memory_space<vmem_shared>>
      tpu.enqueue_indirect_dma source(%arg8 : memref<80x64xf32, #tpu.memory_space<vmem>>) target(%dma_start3A_416 : memref<20480x64xf32, #tpu.memory_space<vmem_shared>>) offsets(%dma_start3A_413 : memref<80xi32, #tpu.memory_space<vmem>>) semaphore(%run_scoped3A : memref<!tpu.dma_semaphore, #tpu.memory_space<semaphore_mem>>) {add = true}
      %dma_wait3A_417 = arith.constant 0 : i32
      %dma_wait3A_418 = tpu.memref_slice %arg7[%dma_wait3A_417] : memref<10000xi32, #tpu.memory_space<vmem>> -> memref<80xi32, #tpu.memory_space<vmem>>
      %dma_wait3A_419 = arith.constant 0 : i32
      %dma_wait3A_420 = arith.constant 0 : i32
      %dma_wait3A_421 = tpu.memref_slice %arg13[%dma_wait3A_419, %dma_wait3A_420] : memref<20480x64xf32, #tpu.memory_space<vmem_shared>> -> memref<20480x64xf32, #tpu.memory_space<vmem_shared>>
      tpu.wait_indirect_dma semaphore(%run_scoped3A : memref<!tpu.dma_semaphore, #tpu.memory_space<semaphore_mem>>) src(%arg8 : memref<80x64xf32, #tpu.memory_space<vmem>>) dst(%dma_wait3A_421 : memref<20480x64xf32, #tpu.memory_space<vmem_shared>>)
      tpu.yield
    }) : () -> ()
    %dma_start3A_113 = arith.constant 80 : i32
    %dma_start3A_114 = tpu.memref_slice %arg6[%dma_start3A_113] : memref<10000xi32, #tpu.memory_space<vmem>> -> memref<80xi32, #tpu.memory_space<vmem>>
    %dma_start3A_115 = arith.constant 0 : i32
    %dma_start3A_116 = arith.constant 0 : i32
    %dma_start3A_117 = tpu.memref_slice %arg4[%arg0, %dma_start3A_115, %dma_start3A_116] : memref<2x20000x64xf32, #tpu.memory_space<hbm>> -> memref<1x20000x64xf32, #tpu.memory_space<hbm>>
    %dma_start3A_118 = tpu.memref_squeeze %dma_start3A_117 : memref<1x20000x64xf32, #tpu.memory_space<hbm>> -> memref<20000x64xf32, #tpu.memory_space<hbm>>
    %dma_start3A_119 = arith.constant 0 : i32
    %dma_start3A_120 = arith.constant 0 : i32
    %dma_start3A_121 = tpu.memref_slice %dma_start3A_118[%dma_start3A_119, %dma_start3A_120] : memref<20000x64xf32, #tpu.memory_space<hbm>> -> memref<20000x64xf32, #tpu.memory_space<hbm>>
    tpu.enqueue_indirect_dma source(%dma_start3A_121 : memref<20000x64xf32, #tpu.memory_space<hbm>>) target(%arg9 : memref<80x64xf32, #tpu.memory_space<vmem>>) offsets(%dma_start3A_114 : memref<80xi32, #tpu.memory_space<vmem>>) semaphore(%arg16 : memref<!tpu.dma_semaphore, #tpu.memory_space<semaphore_mem>>)
    %dma_start3A_122 = arith.constant 160 : i32
    %dma_start3A_123 = tpu.memref_slice %arg6[%dma_start3A_122] : memref<10000xi32, #tpu.memory_space<vmem>> -> memref<80xi32, #tpu.memory_space<vmem>>
    %dma_start3A_124 = arith.constant 0 : i32
    %dma_start3A_125 = arith.constant 0 : i32
    %dma_start3A_126 = tpu.memref_slice %arg4[%arg0, %dma_start3A_124, %dma_start3A_125] : memref<2x20000x64xf32, #tpu.memory_space<hbm>> -> memref<1x20000x64xf32, #tpu.memory_space<hbm>>
    %dma_start3A_127 = tpu.memref_squeeze %dma_start3A_126 : memref<1x20000x64xf32, #tpu.memory_space<hbm>> -> memref<20000x64xf32, #tpu.memory_space<hbm>>
    %dma_start3A_128 = arith.constant 0 : i32
    %dma_start3A_129 = arith.constant 0 : i32
    %dma_start3A_130 = tpu.memref_slice %dma_start3A_127[%dma_start3A_128, %dma_start3A_129] : memref<20000x64xf32, #tpu.memory_space<hbm>> -> memref<20000x64xf32, #tpu.memory_space<hbm>>
    tpu.enqueue_indirect_dma source(%dma_start3A_130 : memref<20000x64xf32, #tpu.memory_space<hbm>>) target(%arg10 : memref<80x64xf32, #tpu.memory_space<vmem>>) offsets(%dma_start3A_123 : memref<80xi32, #tpu.memory_space<vmem>>) semaphore(%arg17 : memref<!tpu.dma_semaphore, #tpu.memory_space<semaphore_mem>>)
    %dma_start3A_131 = arith.constant 240 : i32
    %dma_start3A_132 = tpu.memref_slice %arg6[%dma_start3A_131] : memref<10000xi32, #tpu.memory_space<vmem>> -> memref<80xi32, #tpu.memory_space<vmem>>
    %dma_start3A_133 = arith.constant 0 : i32
    %dma_start3A_134 = arith.constant 0 : i32
    %dma_start3A_135 = tpu.memref_slice %arg4[%arg0, %dma_start3A_133, %dma_start3A_134] : memref<2x20000x64xf32, #tpu.memory_space<hbm>> -> memref<1x20000x64xf32, #tpu.memory_space<hbm>>
    %dma_start3A_136 = tpu.memref_squeeze %dma_start3A_135 : memref<1x20000x64xf32, #tpu.memory_space<hbm>> -> memref<20000x64xf32, #tpu.memory_space<hbm>>
    %dma_start3A_137 = arith.constant 0 : i32
    %dma_start3A_138 = arith.constant 0 : i32
    %dma_start3A_139 = tpu.memref_slice %dma_start3A_136[%dma_start3A_137, %dma_start3A_138] : memref<20000x64xf32, #tpu.memory_space<hbm>> -> memref<20000x64xf32, #tpu.memory_space<hbm>>
    tpu.enqueue_indirect_dma source(%dma_start3A_139 : memref<20000x64xf32, #tpu.memory_space<hbm>>) target(%arg11 : memref<80x64xf32, #tpu.memory_space<vmem>>) offsets(%dma_start3A_132 : memref<80xi32, #tpu.memory_space<vmem>>) semaphore(%arg18 : memref<!tpu.dma_semaphore, #tpu.memory_space<semaphore_mem>>)
    %dma_start3A_140 = arith.constant 320 : i32
    %dma_start3A_141 = tpu.memref_slice %arg6[%dma_start3A_140] : memref<10000xi32, #tpu.memory_space<vmem>> -> memref<80xi32, #tpu.memory_space<vmem>>
    %dma_start3A_142 = arith.constant 0 : i32
    %dma_start3A_143 = arith.constant 0 : i32
    %dma_start3A_144 = tpu.memref_slice %arg4[%arg0, %dma_start3A_142, %dma_start3A_143] : memref<2x20000x64xf32, #tpu.memory_space<hbm>> -> memref<1x20000x64xf32, #tpu.memory_space<hbm>>
    %dma_start3A_145 = tpu.memref_squeeze %dma_start3A_144 : memref<1x20000x64xf32, #tpu.memory_space<hbm>> -> memref<20000x64xf32, #tpu.memory_space<hbm>>
    %dma_start3A_146 = arith.constant 0 : i32
    %dma_start3A_147 = arith.constant 0 : i32
    %dma_start3A_148 = tpu.memref_slice %dma_start3A_145[%dma_start3A_146, %dma_start3A_147] : memref<20000x64xf32, #tpu.memory_space<hbm>> -> memref<20000x64xf32, #tpu.memory_space<hbm>>
    tpu.enqueue_indirect_dma source(%dma_start3A_148 : memref<20000x64xf32, #tpu.memory_space<hbm>>) target(%arg12 : memref<80x64xf32, #tpu.memory_space<vmem>>) offsets(%dma_start3A_141 : memref<80xi32, #tpu.memory_space<vmem>>) semaphore(%arg19 : memref<!tpu.dma_semaphore, #tpu.memory_space<semaphore_mem>>)
    %scan3A_149 = arith.constant 0 : i32
    %scan3A_150 = arith.constant 0 : i32
    %scan3A_151 = arith.constant 24 : i32
    %scan3A_152 = arith.addi %scan3A_150, %scan3A_151 : i32
    %scan3A_153 = arith.constant 1 : i32
    %scan3A_154 = scf.for %scan3A_412 = %scan3A_150 to %scan3A_152 step %scan3A_153 iter_args(%scan3A_413 = %scan3A_149) -> (i32)  : i32 {
      %mul3A_414 = arith.constant 5 : i32
      %mul3A_415 = arith.muli %scan3A_412, %mul3A_414 : i32
      %add3A_416 = arith.constant 1 : i32
      %add3A_417 = arith.addi %add3A_416, %mul3A_415 : i32
      %add3A_418 = arith.constant 0 : i32
      %add3A_419 = arith.addi %add3A_417, %add3A_418 : i32
      %add3A_420 = arith.constant 5 : i32
      %add3A_421 = arith.addi %add3A_419, %add3A_420 : i32
      %sub3A = arith.constant 1 : i32
      %sub3A_422 = arith.subi %add3A_421, %sub3A : i32
      %dma_wait3A_423 = arith.constant 0 : i32
      %dma_wait3A_424 = tpu.memref_slice %arg6[%dma_wait3A_423] : memref<10000xi32, #tpu.memory_space<vmem>> -> memref<80xi32, #tpu.memory_space<vmem>>
      %dma_wait3A_425 = arith.constant 0 : i32
      %dma_wait3A_426 = arith.constant 0 : i32
      %dma_wait3A_427 = tpu.memref_slice %arg4[%arg0, %dma_wait3A_425, %dma_wait3A_426] : memref<2x20000x64xf32, #tpu.memory_space<hbm>> -> memref<1x20000x64xf32, #tpu.memory_space<hbm>>
      %dma_wait3A_428 = tpu.memref_squeeze %dma_wait3A_427 : memref<1x20000x64xf32, #tpu.memory_space<hbm>> -> memref<20000x64xf32, #tpu.memory_space<hbm>>
      %dma_wait3A_429 = arith.constant 0 : i32
      %dma_wait3A_430 = arith.constant 0 : i32
      %dma_wait3A_431 = tpu.memref_slice %dma_wait3A_428[%dma_wait3A_429, %dma_wait3A_430] : memref<20000x64xf32, #tpu.memory_space<hbm>> -> memref<20000x64xf32, #tpu.memory_space<hbm>>
      tpu.wait_indirect_dma semaphore(%arg16 : memref<!tpu.dma_semaphore, #tpu.memory_space<semaphore_mem>>) src(%dma_wait3A_431 : memref<20000x64xf32, #tpu.memory_space<hbm>>) dst(%arg9 : memref<80x64xf32, #tpu.memory_space<vmem>>)
      %mul3A_432 = arith.constant 80 : i32
      %mul3A_433 = arith.muli %add3A_419, %mul3A_432 : i32
      %dma_start3A_434 = tpu.memref_slice %arg7[%mul3A_433] : memref<10000xi32, #tpu.memory_space<vmem>> -> memref<80xi32, #tpu.memory_space<vmem>>
      %dma_start3A_435 = arith.constant 0 : i32
      %dma_start3A_436 = arith.constant 0 : i32
      %dma_start3A_437 = tpu.memref_slice %arg13[%dma_start3A_435, %dma_start3A_436] : memref<20480x64xf32, #tpu.memory_space<vmem_shared>> -> memref<20480x64xf32, #tpu.memory_space<vmem_shared>>
      tpu.enqueue_indirect_dma source(%arg9 : memref<80x64xf32, #tpu.memory_space<vmem>>) target(%dma_start3A_437 : memref<20480x64xf32, #tpu.memory_space<vmem_shared>>) offsets(%dma_start3A_434 : memref<80xi32, #tpu.memory_space<vmem>>) semaphore(%arg21 : memref<!tpu.dma_semaphore, #tpu.memory_space<semaphore_mem>>) {add = true}
      %le3A = arith.constant 124 : i32
      %le3A_438 = arith.cmpi sle, %sub3A_422, %le3A : i32
      %convert_element_type3A = arith.extui %le3A_438 : i1 to i32
      %cond3A = arith.constant 0 : i32
      %cond3A_439 = arith.cmpi ne, %convert_element_type3A, %cond3A : i32
      scf.if %cond3A_439 {
        %ge3A = arith.constant 2 : i32
        %ge3A_561 = arith.cmpi sge, %add3A_419, %ge3A : i32
        %convert_element_type3A_562 = arith.extui %ge3A_561 : i1 to i32
        %cond3A_563 = arith.constant 0 : i32
        %cond3A_564 = arith.cmpi ne, %convert_element_type3A_562, %cond3A_563 : i32
        scf.if %cond3A_564 {
          %dma_wait3A_575 = arith.constant 0 : i32
          %dma_wait3A_576 = tpu.memref_slice %arg7[%dma_wait3A_575] : memref<10000xi32, #tpu.memory_space<vmem>> -> memref<80xi32, #tpu.memory_space<vmem>>
          %dma_wait3A_577 = arith.constant 0 : i32
          %dma_wait3A_578 = arith.constant 0 : i32
          %dma_wait3A_579 = tpu.memref_slice %arg13[%dma_wait3A_577, %dma_wait3A_578] : memref<20480x64xf32, #tpu.memory_space<vmem_shared>> -> memref<20480x64xf32, #tpu.memory_space<vmem_shared>>
          tpu.wait_indirect_dma semaphore(%arg20 : memref<!tpu.dma_semaphore, #tpu.memory_space<semaphore_mem>>) src(%arg8 : memref<80x64xf32, #tpu.memory_space<vmem>>) dst(%dma_wait3A_579 : memref<20480x64xf32, #tpu.memory_space<vmem_shared>>)
        } else {
        }
        %mul3A_565 = arith.constant 80 : i32
        %mul3A_566 = arith.muli %sub3A_422, %mul3A_565 : i32
        %dma_start3A_567 = tpu.memref_slice %arg6[%mul3A_566] : memref<10000xi32, #tpu.memory_space<vmem>> -> memref<80xi32, #tpu.memory_space<vmem>>
        %dma_start3A_568 = arith.constant 0 : i32
        %dma_start3A_569 = arith.constant 0 : i32
        %dma_start3A_570 = tpu.memref_slice %arg4[%arg0, %dma_start3A_568, %dma_start3A_569] : memref<2x20000x64xf32, #tpu.memory_space<hbm>> -> memref<1x20000x64xf32, #tpu.memory_space<hbm>>
        %dma_start3A_571 = tpu.memref_squeeze %dma_start3A_570 : memref<1x20000x64xf32, #tpu.memory_space<hbm>> -> memref<20000x64xf32, #tpu.memory_space<hbm>>
        %dma_start3A_572 = arith.constant 0 : i32
        %dma_start3A_573 = arith.constant 0 : i32
        %dma_start3A_574 = tpu.memref_slice %dma_start3A_571[%dma_start3A_572, %dma_start3A_573] : memref<20000x64xf32, #tpu.memory_space<hbm>> -> memref<20000x64xf32, #tpu.memory_space<hbm>>
        tpu.enqueue_indirect_dma source(%dma_start3A_574 : memref<20000x64xf32, #tpu.memory_space<hbm>>) target(%arg8 : memref<80x64xf32, #tpu.memory_space<vmem>>) offsets(%dma_start3A_567 : memref<80xi32, #tpu.memory_space<vmem>>) semaphore(%arg15 : memref<!tpu.dma_semaphore, #tpu.memory_space<semaphore_mem>>)
      } else {
      }
      %mul3A_440 = arith.constant 5 : i32
      %mul3A_441 = arith.muli %scan3A_412, %mul3A_440 : i32
      %add3A_442 = arith.constant 1 : i32
      %add3A_443 = arith.addi %add3A_442, %mul3A_441 : i32
      %add3A_444 = arith.constant 1 : i32
      %add3A_445 = arith.addi %add3A_443, %add3A_444 : i32
      %add3A_446 = arith.constant 5 : i32
      %add3A_447 = arith.addi %add3A_445, %add3A_446 : i32
      %sub3A_448 = arith.constant 1 : i32
      %sub3A_449 = arith.subi %add3A_447, %sub3A_448 : i32
      %dma_wait3A_450 = arith.constant 0 : i32
      %dma_wait3A_451 = tpu.memref_slice %arg6[%dma_wait3A_450] : memref<10000xi32, #tpu.memory_space<vmem>> -> memref<80xi32, #tpu.memory_space<vmem>>
      %dma_wait3A_452 = arith.constant 0 : i32
      %dma_wait3A_453 = arith.constant 0 : i32
      %dma_wait3A_454 = tpu.memref_slice %arg4[%arg0, %dma_wait3A_452, %dma_wait3A_453] : memref<2x20000x64xf32, #tpu.memory_space<hbm>> -> memref<1x20000x64xf32, #tpu.memory_space<hbm>>
      %dma_wait3A_455 = tpu.memref_squeeze %dma_wait3A_454 : memref<1x20000x64xf32, #tpu.memory_space<hbm>> -> memref<20000x64xf32, #tpu.memory_space<hbm>>
      %dma_wait3A_456 = arith.constant 0 : i32
      %dma_wait3A_457 = arith.constant 0 : i32
      %dma_wait3A_458 = tpu.memref_slice %dma_wait3A_455[%dma_wait3A_456, %dma_wait3A_457] : memref<20000x64xf32, #tpu.memory_space<hbm>> -> memref<20000x64xf32, #tpu.memory_space<hbm>>
      tpu.wait_indirect_dma semaphore(%arg17 : memref<!tpu.dma_semaphore, #tpu.memory_space<semaphore_mem>>) src(%dma_wait3A_458 : memref<20000x64xf32, #tpu.memory_space<hbm>>) dst(%arg10 : memref<80x64xf32, #tpu.memory_space<vmem>>)
      %mul3A_459 = arith.constant 80 : i32
      %mul3A_460 = arith.muli %add3A_445, %mul3A_459 : i32
      %dma_start3A_461 = tpu.memref_slice %arg7[%mul3A_460] : memref<10000xi32, #tpu.memory_space<vmem>> -> memref<80xi32, #tpu.memory_space<vmem>>
      %dma_start3A_462 = arith.constant 0 : i32
      %dma_start3A_463 = arith.constant 0 : i32
      %dma_start3A_464 = tpu.memref_slice %arg13[%dma_start3A_462, %dma_start3A_463] : memref<20480x64xf32, #tpu.memory_space<vmem_shared>> -> memref<20480x64xf32, #tpu.memory_space<vmem_shared>>
      tpu.enqueue_indirect_dma source(%arg10 : memref<80x64xf32, #tpu.memory_space<vmem>>) target(%dma_start3A_464 : memref<20480x64xf32, #tpu.memory_space<vmem_shared>>) offsets(%dma_start3A_461 : memref<80xi32, #tpu.memory_space<vmem>>) semaphore(%arg22 : memref<!tpu.dma_semaphore, #tpu.memory_space<semaphore_mem>>) {add = true}
      %le3A_465 = arith.constant 124 : i32
      %le3A_466 = arith.cmpi sle, %sub3A_449, %le3A_465 : i32
      %convert_element_type3A_467 = arith.extui %le3A_466 : i1 to i32
      %cond3A_468 = arith.constant 0 : i32
      %cond3A_469 = arith.cmpi ne, %convert_element_type3A_467, %cond3A_468 : i32
      scf.if %cond3A_469 {
        %ge3A = arith.constant 2 : i32
        %ge3A_561 = arith.cmpi sge, %add3A_445, %ge3A : i32
        %convert_element_type3A_562 = arith.extui %ge3A_561 : i1 to i32
        %cond3A_563 = arith.constant 0 : i32
        %cond3A_564 = arith.cmpi ne, %convert_element_type3A_562, %cond3A_563 : i32
        scf.if %cond3A_564 {
          %dma_wait3A_575 = arith.constant 0 : i32
          %dma_wait3A_576 = tpu.memref_slice %arg7[%dma_wait3A_575] : memref<10000xi32, #tpu.memory_space<vmem>> -> memref<80xi32, #tpu.memory_space<vmem>>
          %dma_wait3A_577 = arith.constant 0 : i32
          %dma_wait3A_578 = arith.constant 0 : i32
          %dma_wait3A_579 = tpu.memref_slice %arg13[%dma_wait3A_577, %dma_wait3A_578] : memref<20480x64xf32, #tpu.memory_space<vmem_shared>> -> memref<20480x64xf32, #tpu.memory_space<vmem_shared>>
          tpu.wait_indirect_dma semaphore(%arg21 : memref<!tpu.dma_semaphore, #tpu.memory_space<semaphore_mem>>) src(%arg9 : memref<80x64xf32, #tpu.memory_space<vmem>>) dst(%dma_wait3A_579 : memref<20480x64xf32, #tpu.memory_space<vmem_shared>>)
        } else {
        }
        %mul3A_565 = arith.constant 80 : i32
        %mul3A_566 = arith.muli %sub3A_449, %mul3A_565 : i32
        %dma_start3A_567 = tpu.memref_slice %arg6[%mul3A_566] : memref<10000xi32, #tpu.memory_space<vmem>> -> memref<80xi32, #tpu.memory_space<vmem>>
        %dma_start3A_568 = arith.constant 0 : i32
        %dma_start3A_569 = arith.constant 0 : i32
        %dma_start3A_570 = tpu.memref_slice %arg4[%arg0, %dma_start3A_568, %dma_start3A_569] : memref<2x20000x64xf32, #tpu.memory_space<hbm>> -> memref<1x20000x64xf32, #tpu.memory_space<hbm>>
        %dma_start3A_571 = tpu.memref_squeeze %dma_start3A_570 : memref<1x20000x64xf32, #tpu.memory_space<hbm>> -> memref<20000x64xf32, #tpu.memory_space<hbm>>
        %dma_start3A_572 = arith.constant 0 : i32
        %dma_start3A_573 = arith.constant 0 : i32
        %dma_start3A_574 = tpu.memref_slice %dma_start3A_571[%dma_start3A_572, %dma_start3A_573] : memref<20000x64xf32, #tpu.memory_space<hbm>> -> memref<20000x64xf32, #tpu.memory_space<hbm>>
        tpu.enqueue_indirect_dma source(%dma_start3A_574 : memref<20000x64xf32, #tpu.memory_space<hbm>>) target(%arg9 : memref<80x64xf32, #tpu.memory_space<vmem>>) offsets(%dma_start3A_567 : memref<80xi32, #tpu.memory_space<vmem>>) semaphore(%arg16 : memref<!tpu.dma_semaphore, #tpu.memory_space<semaphore_mem>>)
      } else {
      }
      %mul3A_470 = arith.constant 5 : i32
      %mul3A_471 = arith.muli %scan3A_412, %mul3A_470 : i32
      %add3A_472 = arith.constant 1 : i32
      %add3A_473 = arith.addi %add3A_472, %mul3A_471 : i32
      %add3A_474 = arith.constant 2 : i32
      %add3A_475 = arith.addi %add3A_473, %add3A_474 : i32
      %add3A_476 = arith.constant 5 : i32
      %add3A_477 = arith.addi %add3A_475, %add3A_476 : i32
      %sub3A_478 = arith.constant 1 : i32
      %sub3A_479 = arith.subi %add3A_477, %sub3A_478 : i32
      %dma_wait3A_480 = arith.constant 0 : i32
      %dma_wait3A_481 = tpu.memref_slice %arg6[%dma_wait3A_480] : memref<10000xi32, #tpu.memory_space<vmem>> -> memref<80xi32, #tpu.memory_space<vmem>>
      %dma_wait3A_482 = arith.constant 0 : i32
      %dma_wait3A_483 = arith.constant 0 : i32
      %dma_wait3A_484 = tpu.memref_slice %arg4[%arg0, %dma_wait3A_482, %dma_wait3A_483] : memref<2x20000x64xf32, #tpu.memory_space<hbm>> -> memref<1x20000x64xf32, #tpu.memory_space<hbm>>
      %dma_wait3A_485 = tpu.memref_squeeze %dma_wait3A_484 : memref<1x20000x64xf32, #tpu.memory_space<hbm>> -> memref<20000x64xf32, #tpu.memory_space<hbm>>
      %dma_wait3A_486 = arith.constant 0 : i32
      %dma_wait3A_487 = arith.constant 0 : i32
      %dma_wait3A_488 = tpu.memref_slice %dma_wait3A_485[%dma_wait3A_486, %dma_wait3A_487] : memref<20000x64xf32, #tpu.memory_space<hbm>> -> memref<20000x64xf32, #tpu.memory_space<hbm>>
      tpu.wait_indirect_dma semaphore(%arg18 : memref<!tpu.dma_semaphore, #tpu.memory_space<semaphore_mem>>) src(%dma_wait3A_488 : memref<20000x64xf32, #tpu.memory_space<hbm>>) dst(%arg11 : memref<80x64xf32, #tpu.memory_space<vmem>>)
      %mul3A_489 = arith.constant 80 : i32
      %mul3A_490 = arith.muli %add3A_475, %mul3A_489 : i32
      %dma_start3A_491 = tpu.memref_slice %arg7[%mul3A_490] : memref<10000xi32, #tpu.memory_space<vmem>> -> memref<80xi32, #tpu.memory_space<vmem>>
      %dma_start3A_492 = arith.constant 0 : i32
      %dma_start3A_493 = arith.constant 0 : i32
      %dma_start3A_494 = tpu.memref_slice %arg13[%dma_start3A_492, %dma_start3A_493] : memref<20480x64xf32, #tpu.memory_space<vmem_shared>> -> memref<20480x64xf32, #tpu.memory_space<vmem_shared>>
      tpu.enqueue_indirect_dma source(%arg11 : memref<80x64xf32, #tpu.memory_space<vmem>>) target(%dma_start3A_494 : memref<20480x64xf32, #tpu.memory_space<vmem_shared>>) offsets(%dma_start3A_491 : memref<80xi32, #tpu.memory_space<vmem>>) semaphore(%arg23 : memref<!tpu.dma_semaphore, #tpu.memory_space<semaphore_mem>>) {add = true}
      %le3A_495 = arith.constant 124 : i32
      %le3A_496 = arith.cmpi sle, %sub3A_479, %le3A_495 : i32
      %convert_element_type3A_497 = arith.extui %le3A_496 : i1 to i32
      %cond3A_498 = arith.constant 0 : i32
      %cond3A_499 = arith.cmpi ne, %convert_element_type3A_497, %cond3A_498 : i32
      scf.if %cond3A_499 {
        %ge3A = arith.constant 2 : i32
        %ge3A_561 = arith.cmpi sge, %add3A_475, %ge3A : i32
        %convert_element_type3A_562 = arith.extui %ge3A_561 : i1 to i32
        %cond3A_563 = arith.constant 0 : i32
        %cond3A_564 = arith.cmpi ne, %convert_element_type3A_562, %cond3A_563 : i32
        scf.if %cond3A_564 {
          %dma_wait3A_575 = arith.constant 0 : i32
          %dma_wait3A_576 = tpu.memref_slice %arg7[%dma_wait3A_575] : memref<10000xi32, #tpu.memory_space<vmem>> -> memref<80xi32, #tpu.memory_space<vmem>>
          %dma_wait3A_577 = arith.constant 0 : i32
          %dma_wait3A_578 = arith.constant 0 : i32
          %dma_wait3A_579 = tpu.memref_slice %arg13[%dma_wait3A_577, %dma_wait3A_578] : memref<20480x64xf32, #tpu.memory_space<vmem_shared>> -> memref<20480x64xf32, #tpu.memory_space<vmem_shared>>
          tpu.wait_indirect_dma semaphore(%arg22 : memref<!tpu.dma_semaphore, #tpu.memory_space<semaphore_mem>>) src(%arg10 : memref<80x64xf32, #tpu.memory_space<vmem>>) dst(%dma_wait3A_579 : memref<20480x64xf32, #tpu.memory_space<vmem_shared>>)
        } else {
        }
        %mul3A_565 = arith.constant 80 : i32
        %mul3A_566 = arith.muli %sub3A_479, %mul3A_565 : i32
        %dma_start3A_567 = tpu.memref_slice %arg6[%mul3A_566] : memref<10000xi32, #tpu.memory_space<vmem>> -> memref<80xi32, #tpu.memory_space<vmem>>
        %dma_start3A_568 = arith.constant 0 : i32
        %dma_start3A_569 = arith.constant 0 : i32
        %dma_start3A_570 = tpu.memref_slice %arg4[%arg0, %dma_start3A_568, %dma_start3A_569] : memref<2x20000x64xf32, #tpu.memory_space<hbm>> -> memref<1x20000x64xf32, #tpu.memory_space<hbm>>
        %dma_start3A_571 = tpu.memref_squeeze %dma_start3A_570 : memref<1x20000x64xf32, #tpu.memory_space<hbm>> -> memref<20000x64xf32, #tpu.memory_space<hbm>>
        %dma_start3A_572 = arith.constant 0 : i32
        %dma_start3A_573 = arith.constant 0 : i32
        %dma_start3A_574 = tpu.memref_slice %dma_start3A_571[%dma_start3A_572, %dma_start3A_573] : memref<20000x64xf32, #tpu.memory_space<hbm>> -> memref<20000x64xf32, #tpu.memory_space<hbm>>
        tpu.enqueue_indirect_dma source(%dma_start3A_574 : memref<20000x64xf32, #tpu.memory_space<hbm>>) target(%arg10 : memref<80x64xf32, #tpu.memory_space<vmem>>) offsets(%dma_start3A_567 : memref<80xi32, #tpu.memory_space<vmem>>) semaphore(%arg17 : memref<!tpu.dma_semaphore, #tpu.memory_space<semaphore_mem>>)
      } else {
      }
      %mul3A_500 = arith.constant 5 : i32
      %mul3A_501 = arith.muli %scan3A_412, %mul3A_500 : i32
      %add3A_502 = arith.constant 1 : i32
      %add3A_503 = arith.addi %add3A_502, %mul3A_501 : i32
      %add3A_504 = arith.constant 3 : i32
      %add3A_505 = arith.addi %add3A_503, %add3A_504 : i32
      %add3A_506 = arith.constant 5 : i32
      %add3A_507 = arith.addi %add3A_505, %add3A_506 : i32
      %sub3A_508 = arith.constant 1 : i32
      %sub3A_509 = arith.subi %add3A_507, %sub3A_508 : i32
      %dma_wait3A_510 = arith.constant 0 : i32
      %dma_wait3A_511 = tpu.memref_slice %arg6[%dma_wait3A_510] : memref<10000xi32, #tpu.memory_space<vmem>> -> memref<80xi32, #tpu.memory_space<vmem>>
      %dma_wait3A_512 = arith.constant 0 : i32
      %dma_wait3A_513 = arith.constant 0 : i32
      %dma_wait3A_514 = tpu.memref_slice %arg4[%arg0, %dma_wait3A_512, %dma_wait3A_513] : memref<2x20000x64xf32, #tpu.memory_space<hbm>> -> memref<1x20000x64xf32, #tpu.memory_space<hbm>>
      %dma_wait3A_515 = tpu.memref_squeeze %dma_wait3A_514 : memref<1x20000x64xf32, #tpu.memory_space<hbm>> -> memref<20000x64xf32, #tpu.memory_space<hbm>>
      %dma_wait3A_516 = arith.constant 0 : i32
      %dma_wait3A_517 = arith.constant 0 : i32
      %dma_wait3A_518 = tpu.memref_slice %dma_wait3A_515[%dma_wait3A_516, %dma_wait3A_517] : memref<20000x64xf32, #tpu.memory_space<hbm>> -> memref<20000x64xf32, #tpu.memory_space<hbm>>
      tpu.wait_indirect_dma semaphore(%arg19 : memref<!tpu.dma_semaphore, #tpu.memory_space<semaphore_mem>>) src(%dma_wait3A_518 : memref<20000x64xf32, #tpu.memory_space<hbm>>) dst(%arg12 : memref<80x64xf32, #tpu.memory_space<vmem>>)
      %mul3A_519 = arith.constant 80 : i32
      %mul3A_520 = arith.muli %add3A_505, %mul3A_519 : i32
      %dma_start3A_521 = tpu.memref_slice %arg7[%mul3A_520] : memref<10000xi32, #tpu.memory_space<vmem>> -> memref<80xi32, #tpu.memory_space<vmem>>
      %dma_start3A_522 = arith.constant 0 : i32
      %dma_start3A_523 = arith.constant 0 : i32
      %dma_start3A_524 = tpu.memref_slice %arg13[%dma_start3A_522, %dma_start3A_523] : memref<20480x64xf32, #tpu.memory_space<vmem_shared>> -> memref<20480x64xf32, #tpu.memory_space<vmem_shared>>
      tpu.enqueue_indirect_dma source(%arg12 : memref<80x64xf32, #tpu.memory_space<vmem>>) target(%dma_start3A_524 : memref<20480x64xf32, #tpu.memory_space<vmem_shared>>) offsets(%dma_start3A_521 : memref<80xi32, #tpu.memory_space<vmem>>) semaphore(%arg24 : memref<!tpu.dma_semaphore, #tpu.memory_space<semaphore_mem>>) {add = true}
      %le3A_525 = arith.constant 124 : i32
      %le3A_526 = arith.cmpi sle, %sub3A_509, %le3A_525 : i32
      %convert_element_type3A_527 = arith.extui %le3A_526 : i1 to i32
      %cond3A_528 = arith.constant 0 : i32
      %cond3A_529 = arith.cmpi ne, %convert_element_type3A_527, %cond3A_528 : i32
      scf.if %cond3A_529 {
        %ge3A = arith.constant 2 : i32
        %ge3A_561 = arith.cmpi sge, %add3A_505, %ge3A : i32
        %convert_element_type3A_562 = arith.extui %ge3A_561 : i1 to i32
        %cond3A_563 = arith.constant 0 : i32
        %cond3A_564 = arith.cmpi ne, %convert_element_type3A_562, %cond3A_563 : i32
        scf.if %cond3A_564 {
          %dma_wait3A_575 = arith.constant 0 : i32
          %dma_wait3A_576 = tpu.memref_slice %arg7[%dma_wait3A_575] : memref<10000xi32, #tpu.memory_space<vmem>> -> memref<80xi32, #tpu.memory_space<vmem>>
          %dma_wait3A_577 = arith.constant 0 : i32
          %dma_wait3A_578 = arith.constant 0 : i32
          %dma_wait3A_579 = tpu.memref_slice %arg13[%dma_wait3A_577, %dma_wait3A_578] : memref<20480x64xf32, #tpu.memory_space<vmem_shared>> -> memref<20480x64xf32, #tpu.memory_space<vmem_shared>>
          tpu.wait_indirect_dma semaphore(%arg23 : memref<!tpu.dma_semaphore, #tpu.memory_space<semaphore_mem>>) src(%arg11 : memref<80x64xf32, #tpu.memory_space<vmem>>) dst(%dma_wait3A_579 : memref<20480x64xf32, #tpu.memory_space<vmem_shared>>)
        } else {
        }
        %mul3A_565 = arith.constant 80 : i32
        %mul3A_566 = arith.muli %sub3A_509, %mul3A_565 : i32
        %dma_start3A_567 = tpu.memref_slice %arg6[%mul3A_566] : memref<10000xi32, #tpu.memory_space<vmem>> -> memref<80xi32, #tpu.memory_space<vmem>>
        %dma_start3A_568 = arith.constant 0 : i32
        %dma_start3A_569 = arith.constant 0 : i32
        %dma_start3A_570 = tpu.memref_slice %arg4[%arg0, %dma_start3A_568, %dma_start3A_569] : memref<2x20000x64xf32, #tpu.memory_space<hbm>> -> memref<1x20000x64xf32, #tpu.memory_space<hbm>>
        %dma_start3A_571 = tpu.memref_squeeze %dma_start3A_570 : memref<1x20000x64xf32, #tpu.memory_space<hbm>> -> memref<20000x64xf32, #tpu.memory_space<hbm>>
        %dma_start3A_572 = arith.constant 0 : i32
        %dma_start3A_573 = arith.constant 0 : i32
        %dma_start3A_574 = tpu.memref_slice %dma_start3A_571[%dma_start3A_572, %dma_start3A_573] : memref<20000x64xf32, #tpu.memory_space<hbm>> -> memref<20000x64xf32, #tpu.memory_space<hbm>>
        tpu.enqueue_indirect_dma source(%dma_start3A_574 : memref<20000x64xf32, #tpu.memory_space<hbm>>) target(%arg11 : memref<80x64xf32, #tpu.memory_space<vmem>>) offsets(%dma_start3A_567 : memref<80xi32, #tpu.memory_space<vmem>>) semaphore(%arg18 : memref<!tpu.dma_semaphore, #tpu.memory_space<semaphore_mem>>)
      } else {
      }
      %mul3A_530 = arith.constant 5 : i32
      %mul3A_531 = arith.muli %scan3A_412, %mul3A_530 : i32
      %add3A_532 = arith.constant 1 : i32
      %add3A_533 = arith.addi %add3A_532, %mul3A_531 : i32
      %add3A_534 = arith.constant 4 : i32
      %add3A_535 = arith.addi %add3A_533, %add3A_534 : i32
      %add3A_536 = arith.constant 5 : i32
      %add3A_537 = arith.addi %add3A_535, %add3A_536 : i32
      %sub3A_538 = arith.constant 1 : i32
      %sub3A_539 = arith.subi %add3A_537, %sub3A_538 : i32
      %dma_wait3A_540 = arith.constant 0 : i32
      %dma_wait3A_541 = tpu.memref_slice %arg6[%dma_wait3A_540] : memref<10000xi32, #tpu.memory_space<vmem>> -> memref<80xi32, #tpu.memory_space<vmem>>
      %dma_wait3A_542 = arith.constant 0 : i32
      %dma_wait3A_543 = arith.constant 0 : i32
      %dma_wait3A_544 = tpu.memref_slice %arg4[%arg0, %dma_wait3A_542, %dma_wait3A_543] : memref<2x20000x64xf32, #tpu.memory_space<hbm>> -> memref<1x20000x64xf32, #tpu.memory_space<hbm>>
      %dma_wait3A_545 = tpu.memref_squeeze %dma_wait3A_544 : memref<1x20000x64xf32, #tpu.memory_space<hbm>> -> memref<20000x64xf32, #tpu.memory_space<hbm>>
      %dma_wait3A_546 = arith.constant 0 : i32
      %dma_wait3A_547 = arith.constant 0 : i32
      %dma_wait3A_548 = tpu.memref_slice %dma_wait3A_545[%dma_wait3A_546, %dma_wait3A_547] : memref<20000x64xf32, #tpu.memory_space<hbm>> -> memref<20000x64xf32, #tpu.memory_space<hbm>>
      tpu.wait_indirect_dma semaphore(%arg15 : memref<!tpu.dma_semaphore, #tpu.memory_space<semaphore_mem>>) src(%dma_wait3A_548 : memref<20000x64xf32, #tpu.memory_space<hbm>>) dst(%arg8 : memref<80x64xf32, #tpu.memory_space<vmem>>)
      %mul3A_549 = arith.constant 80 : i32
      %mul3A_550 = arith.muli %add3A_535, %mul3A_549 : i32
      %dma_start3A_551 = tpu.memref_slice %arg7[%mul3A_550] : memref<10000xi32, #tpu.memory_space<vmem>> -> memref<80xi32, #tpu.memory_space<vmem>>
      %dma_start3A_552 = arith.constant 0 : i32
      %dma_start3A_553 = arith.constant 0 : i32
      %dma_start3A_554 = tpu.memref_slice %arg13[%dma_start3A_552, %dma_start3A_553] : memref<20480x64xf32, #tpu.memory_space<vmem_shared>> -> memref<20480x64xf32, #tpu.memory_space<vmem_shared>>
      tpu.enqueue_indirect_dma source(%arg8 : memref<80x64xf32, #tpu.memory_space<vmem>>) target(%dma_start3A_554 : memref<20480x64xf32, #tpu.memory_space<vmem_shared>>) offsets(%dma_start3A_551 : memref<80xi32, #tpu.memory_space<vmem>>) semaphore(%arg20 : memref<!tpu.dma_semaphore, #tpu.memory_space<semaphore_mem>>) {add = true}
      %le3A_555 = arith.constant 124 : i32
      %le3A_556 = arith.cmpi sle, %sub3A_539, %le3A_555 : i32
      %convert_element_type3A_557 = arith.extui %le3A_556 : i1 to i32
      %cond3A_558 = arith.constant 0 : i32
      %cond3A_559 = arith.cmpi ne, %convert_element_type3A_557, %cond3A_558 : i32
      scf.if %cond3A_559 {
        %ge3A = arith.constant 2 : i32
        %ge3A_561 = arith.cmpi sge, %add3A_535, %ge3A : i32
        %convert_element_type3A_562 = arith.extui %ge3A_561 : i1 to i32
        %cond3A_563 = arith.constant 0 : i32
        %cond3A_564 = arith.cmpi ne, %convert_element_type3A_562, %cond3A_563 : i32
        scf.if %cond3A_564 {
          %dma_wait3A_575 = arith.constant 0 : i32
          %dma_wait3A_576 = tpu.memref_slice %arg7[%dma_wait3A_575] : memref<10000xi32, #tpu.memory_space<vmem>> -> memref<80xi32, #tpu.memory_space<vmem>>
          %dma_wait3A_577 = arith.constant 0 : i32
          %dma_wait3A_578 = arith.constant 0 : i32
          %dma_wait3A_579 = tpu.memref_slice %arg13[%dma_wait3A_577, %dma_wait3A_578] : memref<20480x64xf32, #tpu.memory_space<vmem_shared>> -> memref<20480x64xf32, #tpu.memory_space<vmem_shared>>
          tpu.wait_indirect_dma semaphore(%arg24 : memref<!tpu.dma_semaphore, #tpu.memory_space<semaphore_mem>>) src(%arg12 : memref<80x64xf32, #tpu.memory_space<vmem>>) dst(%dma_wait3A_579 : memref<20480x64xf32, #tpu.memory_space<vmem_shared>>)
        } else {
        }
        %mul3A_565 = arith.constant 80 : i32
        %mul3A_566 = arith.muli %sub3A_539, %mul3A_565 : i32
        %dma_start3A_567 = tpu.memref_slice %arg6[%mul3A_566] : memref<10000xi32, #tpu.memory_space<vmem>> -> memref<80xi32, #tpu.memory_space<vmem>>
        %dma_start3A_568 = arith.constant 0 : i32
        %dma_start3A_569 = arith.constant 0 : i32
        %dma_start3A_570 = tpu.memref_slice %arg4[%arg0, %dma_start3A_568, %dma_start3A_569] : memref<2x20000x64xf32, #tpu.memory_space<hbm>> -> memref<1x20000x64xf32, #tpu.memory_space<hbm>>
        %dma_start3A_571 = tpu.memref_squeeze %dma_start3A_570 : memref<1x20000x64xf32, #tpu.memory_space<hbm>> -> memref<20000x64xf32, #tpu.memory_space<hbm>>
        %dma_start3A_572 = arith.constant 0 : i32
        %dma_start3A_573 = arith.constant 0 : i32
        %dma_start3A_574 = tpu.memref_slice %dma_start3A_571[%dma_start3A_572, %dma_start3A_573] : memref<20000x64xf32, #tpu.memory_space<hbm>> -> memref<20000x64xf32, #tpu.memory_space<hbm>>
        tpu.enqueue_indirect_dma source(%dma_start3A_574 : memref<20000x64xf32, #tpu.memory_space<hbm>>) target(%arg12 : memref<80x64xf32, #tpu.memory_space<vmem>>) offsets(%dma_start3A_567 : memref<80xi32, #tpu.memory_space<vmem>>) semaphore(%arg19 : memref<!tpu.dma_semaphore, #tpu.memory_space<semaphore_mem>>)
      } else {
      }
      %scan3A_560 = arith.constant 0 : i32
      scf.yield %scan3A_560 : i32
    }
    %scan3A_155 = arith.constant 24 : i32
    %dma_wait3A_156 = arith.constant 0 : i32
    %dma_wait3A_157 = tpu.memref_slice %arg6[%dma_wait3A_156] : memref<10000xi32, #tpu.memory_space<vmem>> -> memref<80xi32, #tpu.memory_space<vmem>>
    %dma_wait3A_158 = arith.constant 0 : i32
    %dma_wait3A_159 = arith.constant 0 : i32
    %dma_wait3A_160 = tpu.memref_slice %arg4[%arg0, %dma_wait3A_158, %dma_wait3A_159] : memref<2x20000x64xf32, #tpu.memory_space<hbm>> -> memref<1x20000x64xf32, #tpu.memory_space<hbm>>
    %dma_wait3A_161 = tpu.memref_squeeze %dma_wait3A_160 : memref<1x20000x64xf32, #tpu.memory_space<hbm>> -> memref<20000x64xf32, #tpu.memory_space<hbm>>
    %dma_wait3A_162 = arith.constant 0 : i32
    %dma_wait3A_163 = arith.constant 0 : i32
    %dma_wait3A_164 = tpu.memref_slice %dma_wait3A_161[%dma_wait3A_162, %dma_wait3A_163] : memref<20000x64xf32, #tpu.memory_space<hbm>> -> memref<20000x64xf32, #tpu.memory_space<hbm>>
    tpu.wait_indirect_dma semaphore(%arg16 : memref<!tpu.dma_semaphore, #tpu.memory_space<semaphore_mem>>) src(%dma_wait3A_164 : memref<20000x64xf32, #tpu.memory_space<hbm>>) dst(%arg9 : memref<80x64xf32, #tpu.memory_space<vmem>>)
    %dma_start3A_165 = arith.constant 9680 : i32
    %dma_start3A_166 = tpu.memref_slice %arg7[%dma_start3A_165] : memref<10000xi32, #tpu.memory_space<vmem>> -> memref<80xi32, #tpu.memory_space<vmem>>
    %dma_start3A_167 = arith.constant 0 : i32
    %dma_start3A_168 = arith.constant 0 : i32
    %dma_start3A_169 = tpu.memref_slice %arg13[%dma_start3A_167, %dma_start3A_168] : memref<20480x64xf32, #tpu.memory_space<vmem_shared>> -> memref<20480x64xf32, #tpu.memory_space<vmem_shared>>
    tpu.enqueue_indirect_dma source(%arg9 : memref<80x64xf32, #tpu.memory_space<vmem>>) target(%dma_start3A_169 : memref<20480x64xf32, #tpu.memory_space<vmem_shared>>) offsets(%dma_start3A_166 : memref<80xi32, #tpu.memory_space<vmem>>) semaphore(%arg21 : memref<!tpu.dma_semaphore, #tpu.memory_space<semaphore_mem>>) {add = true}
    %dma_wait3A_170 = arith.constant 0 : i32
    %dma_wait3A_171 = tpu.memref_slice %arg6[%dma_wait3A_170] : memref<10000xi32, #tpu.memory_space<vmem>> -> memref<80xi32, #tpu.memory_space<vmem>>
    %dma_wait3A_172 = arith.constant 0 : i32
    %dma_wait3A_173 = arith.constant 0 : i32
    %dma_wait3A_174 = tpu.memref_slice %arg4[%arg0, %dma_wait3A_172, %dma_wait3A_173] : memref<2x20000x64xf32, #tpu.memory_space<hbm>> -> memref<1x20000x64xf32, #tpu.memory_space<hbm>>
    %dma_wait3A_175 = tpu.memref_squeeze %dma_wait3A_174 : memref<1x20000x64xf32, #tpu.memory_space<hbm>> -> memref<20000x64xf32, #tpu.memory_space<hbm>>
    %dma_wait3A_176 = arith.constant 0 : i32
    %dma_wait3A_177 = arith.constant 0 : i32
    %dma_wait3A_178 = tpu.memref_slice %dma_wait3A_175[%dma_wait3A_176, %dma_wait3A_177] : memref<20000x64xf32, #tpu.memory_space<hbm>> -> memref<20000x64xf32, #tpu.memory_space<hbm>>
    tpu.wait_indirect_dma semaphore(%arg17 : memref<!tpu.dma_semaphore, #tpu.memory_space<semaphore_mem>>) src(%dma_wait3A_178 : memref<20000x64xf32, #tpu.memory_space<hbm>>) dst(%arg10 : memref<80x64xf32, #tpu.memory_space<vmem>>)
    %dma_start3A_179 = arith.constant 9760 : i32
    %dma_start3A_180 = tpu.memref_slice %arg7[%dma_start3A_179] : memref<10000xi32, #tpu.memory_space<vmem>> -> memref<80xi32, #tpu.memory_space<vmem>>
    %dma_start3A_181 = arith.constant 0 : i32
    %dma_start3A_182 = arith.constant 0 : i32
    %dma_start3A_183 = tpu.memref_slice %arg13[%dma_start3A_181, %dma_start3A_182] : memref<20480x64xf32, #tpu.memory_space<vmem_shared>> -> memref<20480x64xf32, #tpu.memory_space<vmem_shared>>
    tpu.enqueue_indirect_dma source(%arg10 : memref<80x64xf32, #tpu.memory_space<vmem>>) target(%dma_start3A_183 : memref<20480x64xf32, #tpu.memory_space<vmem_shared>>) offsets(%dma_start3A_180 : memref<80xi32, #tpu.memory_space<vmem>>) semaphore(%arg22 : memref<!tpu.dma_semaphore, #tpu.memory_space<semaphore_mem>>) {add = true}
    %dma_wait3A_184 = arith.constant 0 : i32
    %dma_wait3A_185 = tpu.memref_slice %arg6[%dma_wait3A_184] : memref<10000xi32, #tpu.memory_space<vmem>> -> memref<80xi32, #tpu.memory_space<vmem>>
    %dma_wait3A_186 = arith.constant 0 : i32
    %dma_wait3A_187 = arith.constant 0 : i32
    %dma_wait3A_188 = tpu.memref_slice %arg4[%arg0, %dma_wait3A_186, %dma_wait3A_187] : memref<2x20000x64xf32, #tpu.memory_space<hbm>> -> memref<1x20000x64xf32, #tpu.memory_space<hbm>>
    %dma_wait3A_189 = tpu.memref_squeeze %dma_wait3A_188 : memref<1x20000x64xf32, #tpu.memory_space<hbm>> -> memref<20000x64xf32, #tpu.memory_space<hbm>>
    %dma_wait3A_190 = arith.constant 0 : i32
    %dma_wait3A_191 = arith.constant 0 : i32
    %dma_wait3A_192 = tpu.memref_slice %dma_wait3A_189[%dma_wait3A_190, %dma_wait3A_191] : memref<20000x64xf32, #tpu.memory_space<hbm>> -> memref<20000x64xf32, #tpu.memory_space<hbm>>
    tpu.wait_indirect_dma semaphore(%arg18 : memref<!tpu.dma_semaphore, #tpu.memory_space<semaphore_mem>>) src(%dma_wait3A_192 : memref<20000x64xf32, #tpu.memory_space<hbm>>) dst(%arg11 : memref<80x64xf32, #tpu.memory_space<vmem>>)
    %dma_start3A_193 = arith.constant 9840 : i32
    %dma_start3A_194 = tpu.memref_slice %arg7[%dma_start3A_193] : memref<10000xi32, #tpu.memory_space<vmem>> -> memref<80xi32, #tpu.memory_space<vmem>>
    %dma_start3A_195 = arith.constant 0 : i32
    %dma_start3A_196 = arith.constant 0 : i32
    %dma_start3A_197 = tpu.memref_slice %arg13[%dma_start3A_195, %dma_start3A_196] : memref<20480x64xf32, #tpu.memory_space<vmem_shared>> -> memref<20480x64xf32, #tpu.memory_space<vmem_shared>>
    tpu.enqueue_indirect_dma source(%arg11 : memref<80x64xf32, #tpu.memory_space<vmem>>) target(%dma_start3A_197 : memref<20480x64xf32, #tpu.memory_space<vmem_shared>>) offsets(%dma_start3A_194 : memref<80xi32, #tpu.memory_space<vmem>>) semaphore(%arg23 : memref<!tpu.dma_semaphore, #tpu.memory_space<semaphore_mem>>) {add = true}
    %dma_wait3A_198 = arith.constant 0 : i32
    %dma_wait3A_199 = tpu.memref_slice %arg6[%dma_wait3A_198] : memref<10000xi32, #tpu.memory_space<vmem>> -> memref<80xi32, #tpu.memory_space<vmem>>
    %dma_wait3A_200 = arith.constant 0 : i32
    %dma_wait3A_201 = arith.constant 0 : i32
    %dma_wait3A_202 = tpu.memref_slice %arg4[%arg0, %dma_wait3A_200, %dma_wait3A_201] : memref<2x20000x64xf32, #tpu.memory_space<hbm>> -> memref<1x20000x64xf32, #tpu.memory_space<hbm>>
    %dma_wait3A_203 = tpu.memref_squeeze %dma_wait3A_202 : memref<1x20000x64xf32, #tpu.memory_space<hbm>> -> memref<20000x64xf32, #tpu.memory_space<hbm>>
    %dma_wait3A_204 = arith.constant 0 : i32
    %dma_wait3A_205 = arith.constant 0 : i32
    %dma_wait3A_206 = tpu.memref_slice %dma_wait3A_203[%dma_wait3A_204, %dma_wait3A_205] : memref<20000x64xf32, #tpu.memory_space<hbm>> -> memref<20000x64xf32, #tpu.memory_space<hbm>>
    tpu.wait_indirect_dma semaphore(%arg19 : memref<!tpu.dma_semaphore, #tpu.memory_space<semaphore_mem>>) src(%dma_wait3A_206 : memref<20000x64xf32, #tpu.memory_space<hbm>>) dst(%arg12 : memref<80x64xf32, #tpu.memory_space<vmem>>)
    %dma_start3A_207 = arith.constant 9920 : i32
    %dma_start3A_208 = tpu.memref_slice %arg7[%dma_start3A_207] : memref<10000xi32, #tpu.memory_space<vmem>> -> memref<80xi32, #tpu.memory_space<vmem>>
    %dma_start3A_209 = arith.constant 0 : i32
    %dma_start3A_210 = arith.constant 0 : i32
    %dma_start3A_211 = tpu.memref_slice %arg13[%dma_start3A_209, %dma_start3A_210] : memref<20480x64xf32, #tpu.memory_space<vmem_shared>> -> memref<20480x64xf32, #tpu.memory_space<vmem_shared>>
    tpu.enqueue_indirect_dma source(%arg12 : memref<80x64xf32, #tpu.memory_space<vmem>>) target(%dma_start3A_211 : memref<20480x64xf32, #tpu.memory_space<vmem_shared>>) offsets(%dma_start3A_208 : memref<80xi32, #tpu.memory_space<vmem>>) semaphore(%arg24 : memref<!tpu.dma_semaphore, #tpu.memory_space<semaphore_mem>>) {add = true}
    %dma_wait3A_212 = arith.constant 0 : i32
    %dma_wait3A_213 = tpu.memref_slice %arg7[%dma_wait3A_212] : memref<10000xi32, #tpu.memory_space<vmem>> -> memref<80xi32, #tpu.memory_space<vmem>>
    %dma_wait3A_214 = arith.constant 0 : i32
    %dma_wait3A_215 = arith.constant 0 : i32
    %dma_wait3A_216 = tpu.memref_slice %arg13[%dma_wait3A_214, %dma_wait3A_215] : memref<20480x64xf32, #tpu.memory_space<vmem_shared>> -> memref<20480x64xf32, #tpu.memory_space<vmem_shared>>
    tpu.wait_indirect_dma semaphore(%arg20 : memref<!tpu.dma_semaphore, #tpu.memory_space<semaphore_mem>>) src(%arg8 : memref<80x64xf32, #tpu.memory_space<vmem>>) dst(%dma_wait3A_216 : memref<20480x64xf32, #tpu.memory_space<vmem_shared>>)
    %dma_wait3A_217 = arith.constant 0 : i32
    %dma_wait3A_218 = tpu.memref_slice %arg7[%dma_wait3A_217] : memref<10000xi32, #tpu.memory_space<vmem>> -> memref<80xi32, #tpu.memory_space<vmem>>
    %dma_wait3A_219 = arith.constant 0 : i32
    %dma_wait3A_220 = arith.constant 0 : i32
    %dma_wait3A_221 = tpu.memref_slice %arg13[%dma_wait3A_219, %dma_wait3A_220] : memref<20480x64xf32, #tpu.memory_space<vmem_shared>> -> memref<20480x64xf32, #tpu.memory_space<vmem_shared>>
    tpu.wait_indirect_dma semaphore(%arg21 : memref<!tpu.dma_semaphore, #tpu.memory_space<semaphore_mem>>) src(%arg9 : memref<80x64xf32, #tpu.memory_space<vmem>>) dst(%dma_wait3A_221 : memref<20480x64xf32, #tpu.memory_space<vmem_shared>>)
    %dma_wait3A_222 = arith.constant 0 : i32
    %dma_wait3A_223 = tpu.memref_slice %arg7[%dma_wait3A_222] : memref<10000xi32, #tpu.memory_space<vmem>> -> memref<80xi32, #tpu.memory_space<vmem>>
    %dma_wait3A_224 = arith.constant 0 : i32
    %dma_wait3A_225 = arith.constant 0 : i32
    %dma_wait3A_226 = tpu.memref_slice %arg13[%dma_wait3A_224, %dma_wait3A_225] : memref<20480x64xf32, #tpu.memory_space<vmem_shared>> -> memref<20480x64xf32, #tpu.memory_space<vmem_shared>>
    tpu.wait_indirect_dma semaphore(%arg22 : memref<!tpu.dma_semaphore, #tpu.memory_space<semaphore_mem>>) src(%arg10 : memref<80x64xf32, #tpu.memory_space<vmem>>) dst(%dma_wait3A_226 : memref<20480x64xf32, #tpu.memory_space<vmem_shared>>)
    %dma_wait3A_227 = arith.constant 0 : i32
    %dma_wait3A_228 = tpu.memref_slice %arg7[%dma_wait3A_227] : memref<10000xi32, #tpu.memory_space<vmem>> -> memref<80xi32, #tpu.memory_space<vmem>>
    %dma_wait3A_229 = arith.constant 0 : i32
    %dma_wait3A_230 = arith.constant 0 : i32
    %dma_wait3A_231 = tpu.memref_slice %arg13[%dma_wait3A_229, %dma_wait3A_230] : memref<20480x64xf32, #tpu.memory_space<vmem_shared>> -> memref<20480x64xf32, #tpu.memory_space<vmem_shared>>
    tpu.wait_indirect_dma semaphore(%arg23 : memref<!tpu.dma_semaphore, #tpu.memory_space<semaphore_mem>>) src(%arg11 : memref<80x64xf32, #tpu.memory_space<vmem>>) dst(%dma_wait3A_231 : memref<20480x64xf32, #tpu.memory_space<vmem_shared>>)
    %dma_wait3A_232 = arith.constant 0 : i32
    %dma_wait3A_233 = tpu.memref_slice %arg7[%dma_wait3A_232] : memref<10000xi32, #tpu.memory_space<vmem>> -> memref<80xi32, #tpu.memory_space<vmem>>
    %dma_wait3A_234 = arith.constant 0 : i32
    %dma_wait3A_235 = arith.constant 0 : i32
    %dma_wait3A_236 = tpu.memref_slice %arg13[%dma_wait3A_234, %dma_wait3A_235] : memref<20480x64xf32, #tpu.memory_space<vmem_shared>> -> memref<20480x64xf32, #tpu.memory_space<vmem_shared>>
    tpu.wait_indirect_dma semaphore(%arg24 : memref<!tpu.dma_semaphore, #tpu.memory_space<semaphore_mem>>) src(%arg12 : memref<80x64xf32, #tpu.memory_space<vmem>>) dst(%dma_wait3A_236 : memref<20480x64xf32, #tpu.memory_space<vmem_shared>>)
    %mul3A_237 = arith.constant 2 : i32
    %mul3A_238 = arith.muli %mul3A_237, %arg1 : i32
    %add3A_239 = arith.constant 1 : i32
    %add3A_240 = arith.addi %mul3A_238, %add3A_239 : i32
    %dma_start3A_241 = arith.constant 0 : i32
    %dma_start3A_242 = tpu.memref_slice %arg2[%add3A_240, %dma_start3A_241] : memref<32x10000xi32, #tpu.memory_space<hbm>> -> memref<1x10000xi32, #tpu.memory_space<hbm>>
    %dma_start3A_243 = tpu.memref_squeeze %dma_start3A_242 : memref<1x10000xi32, #tpu.memory_space<hbm>> -> memref<10000xi32, #tpu.memory_space<hbm>>
    %dma_start3A_244 = arith.constant 0 : i32
    %dma_start3A_245 = tpu.memref_slice %arg2[%add3A_240, %dma_start3A_244] : memref<32x10000xi32, #tpu.memory_space<hbm>> -> memref<1x10000xi32, #tpu.memory_space<hbm>>
    %dma_start3A_246 = tpu.memref_squeeze %dma_start3A_245 : memref<1x10000xi32, #tpu.memory_space<hbm>> -> memref<10000xi32, #tpu.memory_space<hbm>>
    tpu.enqueue_dma source(%dma_start3A_246 : memref<10000xi32, #tpu.memory_space<hbm>>) target(%arg6 : memref<10000xi32, #tpu.memory_space<vmem>>) target_semaphore(%arg14 : memref<!tpu.dma_semaphore, #tpu.memory_space<semaphore_mem>>)
    %dma_start3A_247 = arith.constant 0 : i32
    %dma_start3A_248 = tpu.memref_slice %arg3[%add3A_240, %dma_start3A_247] : memref<32x10000xi32, #tpu.memory_space<hbm>> -> memref<1x10000xi32, #tpu.memory_space<hbm>>
    %dma_start3A_249 = tpu.memref_squeeze %dma_start3A_248 : memref<1x10000xi32, #tpu.memory_space<hbm>> -> memref<10000xi32, #tpu.memory_space<hbm>>
    %dma_start3A_250 = arith.constant 0 : i32
    %dma_start3A_251 = tpu.memref_slice %arg3[%add3A_240, %dma_start3A_250] : memref<32x10000xi32, #tpu.memory_space<hbm>> -> memref<1x10000xi32, #tpu.memory_space<hbm>>
    %dma_start3A_252 = tpu.memref_squeeze %dma_start3A_251 : memref<1x10000xi32, #tpu.memory_space<hbm>> -> memref<10000xi32, #tpu.memory_space<hbm>>
    tpu.enqueue_dma source(%dma_start3A_252 : memref<10000xi32, #tpu.memory_space<hbm>>) target(%arg7 : memref<10000xi32, #tpu.memory_space<vmem>>) target_semaphore(%arg14 : memref<!tpu.dma_semaphore, #tpu.memory_space<semaphore_mem>>)
    %dma_wait3A_253 = arith.constant 0 : i32
    %dma_wait3A_254 = tpu.memref_slice %arg2[%add3A_240, %dma_wait3A_253] : memref<32x10000xi32, #tpu.memory_space<hbm>> -> memref<1x10000xi32, #tpu.memory_space<hbm>>
    %dma_wait3A_255 = tpu.memref_squeeze %dma_wait3A_254 : memref<1x10000xi32, #tpu.memory_space<hbm>> -> memref<10000xi32, #tpu.memory_space<hbm>>
    %dma_wait3A_256 = arith.constant 0 : i32
    %dma_wait3A_257 = tpu.memref_slice %arg2[%add3A_240, %dma_wait3A_256] : memref<32x10000xi32, #tpu.memory_space<hbm>> -> memref<1x10000xi32, #tpu.memory_space<hbm>>
    %dma_wait3A_258 = tpu.memref_squeeze %dma_wait3A_257 : memref<1x10000xi32, #tpu.memory_space<hbm>> -> memref<10000xi32, #tpu.memory_space<hbm>>
    tpu.wait_dma2 semaphore(%arg14 : memref<!tpu.dma_semaphore, #tpu.memory_space<semaphore_mem>>) src(%dma_wait3A_258 : memref<10000xi32, #tpu.memory_space<hbm>>) dst(%arg6 : memref<10000xi32, #tpu.memory_space<vmem>>)
    %dma_wait3A_259 = arith.constant 0 : i32
    %dma_wait3A_260 = tpu.memref_slice %arg3[%add3A_240, %dma_wait3A_259] : memref<32x10000xi32, #tpu.memory_space<hbm>> -> memref<1x10000xi32, #tpu.memory_space<hbm>>
    %dma_wait3A_261 = tpu.memref_squeeze %dma_wait3A_260 : memref<1x10000xi32, #tpu.memory_space<hbm>> -> memref<10000xi32, #tpu.memory_space<hbm>>
    %dma_wait3A_262 = arith.constant 0 : i32
    %dma_wait3A_263 = tpu.memref_slice %arg3[%add3A_240, %dma_wait3A_262] : memref<32x10000xi32, #tpu.memory_space<hbm>> -> memref<1x10000xi32, #tpu.memory_space<hbm>>
    %dma_wait3A_264 = tpu.memref_squeeze %dma_wait3A_263 : memref<1x10000xi32, #tpu.memory_space<hbm>> -> memref<10000xi32, #tpu.memory_space<hbm>>
    tpu.wait_dma2 semaphore(%arg14 : memref<!tpu.dma_semaphore, #tpu.memory_space<semaphore_mem>>) src(%dma_wait3A_264 : memref<10000xi32, #tpu.memory_space<hbm>>) dst(%arg7 : memref<10000xi32, #tpu.memory_space<vmem>>)
    %dma_start3A_265 = arith.constant 0 : i32
    %dma_start3A_266 = tpu.memref_slice %arg6[%dma_start3A_265] : memref<10000xi32, #tpu.memory_space<vmem>> -> memref<80xi32, #tpu.memory_space<vmem>>
    %dma_start3A_267 = arith.constant 0 : i32
    %dma_start3A_268 = arith.constant 0 : i32
    %dma_start3A_269 = tpu.memref_slice %arg4[%arg0, %dma_start3A_267, %dma_start3A_268] : memref<2x20000x64xf32, #tpu.memory_space<hbm>> -> memref<1x20000x64xf32, #tpu.memory_space<hbm>>
    %dma_start3A_270 = tpu.memref_squeeze %dma_start3A_269 : memref<1x20000x64xf32, #tpu.memory_space<hbm>> -> memref<20000x64xf32, #tpu.memory_space<hbm>>
    %dma_start3A_271 = arith.constant 0 : i32
    %dma_start3A_272 = arith.constant 0 : i32
    %dma_start3A_273 = tpu.memref_slice %dma_start3A_270[%dma_start3A_271, %dma_start3A_272] : memref<20000x64xf32, #tpu.memory_space<hbm>> -> memref<20000x64xf32, #tpu.memory_space<hbm>>
    tpu.enqueue_indirect_dma source(%dma_start3A_273 : memref<20000x64xf32, #tpu.memory_space<hbm>>) target(%arg8 : memref<80x64xf32, #tpu.memory_space<vmem>>) offsets(%dma_start3A_266 : memref<80xi32, #tpu.memory_space<vmem>>) semaphore(%arg15 : memref<!tpu.dma_semaphore, #tpu.memory_space<semaphore_mem>>)
    %dma_wait3A_274 = arith.constant 0 : i32
    %dma_wait3A_275 = tpu.memref_slice %arg6[%dma_wait3A_274] : memref<10000xi32, #tpu.memory_space<vmem>> -> memref<80xi32, #tpu.memory_space<vmem>>
    %dma_wait3A_276 = arith.constant 0 : i32
    %dma_wait3A_277 = arith.constant 0 : i32
    %dma_wait3A_278 = tpu.memref_slice %arg4[%arg0, %dma_wait3A_276, %dma_wait3A_277] : memref<2x20000x64xf32, #tpu.memory_space<hbm>> -> memref<1x20000x64xf32, #tpu.memory_space<hbm>>
    %dma_wait3A_279 = tpu.memref_squeeze %dma_wait3A_278 : memref<1x20000x64xf32, #tpu.memory_space<hbm>> -> memref<20000x64xf32, #tpu.memory_space<hbm>>
    %dma_wait3A_280 = arith.constant 0 : i32
    %dma_wait3A_281 = arith.constant 0 : i32
    %dma_wait3A_282 = tpu.memref_slice %dma_wait3A_279[%dma_wait3A_280, %dma_wait3A_281] : memref<20000x64xf32, #tpu.memory_space<hbm>> -> memref<20000x64xf32, #tpu.memory_space<hbm>>
    tpu.wait_indirect_dma semaphore(%arg15 : memref<!tpu.dma_semaphore, #tpu.memory_space<semaphore_mem>>) src(%dma_wait3A_282 : memref<20000x64xf32, #tpu.memory_space<hbm>>) dst(%arg8 : memref<80x64xf32, #tpu.memory_space<vmem>>)
    "tpu.region"() ({
      %run_scoped3A = tpu.sem_alloc : memref<!tpu.dma_semaphore, #tpu.memory_space<semaphore_mem>>
      %dma_start3A_412 = arith.constant 0 : i32
      %dma_start3A_413 = tpu.memref_slice %arg7[%dma_start3A_412] : memref<10000xi32, #tpu.memory_space<vmem>> -> memref<80xi32, #tpu.memory_space<vmem>>
      %dma_start3A_414 = arith.constant 0 : i32
      %dma_start3A_415 = arith.constant 0 : i32
      %dma_start3A_416 = tpu.memref_slice %arg13[%dma_start3A_414, %dma_start3A_415] : memref<20480x64xf32, #tpu.memory_space<vmem_shared>> -> memref<20480x64xf32, #tpu.memory_space<vmem_shared>>
      tpu.enqueue_indirect_dma source(%arg8 : memref<80x64xf32, #tpu.memory_space<vmem>>) target(%dma_start3A_416 : memref<20480x64xf32, #tpu.memory_space<vmem_shared>>) offsets(%dma_start3A_413 : memref<80xi32, #tpu.memory_space<vmem>>) semaphore(%run_scoped3A : memref<!tpu.dma_semaphore, #tpu.memory_space<semaphore_mem>>) {add = true}
      %dma_wait3A_417 = arith.constant 0 : i32
      %dma_wait3A_418 = tpu.memref_slice %arg7[%dma_wait3A_417] : memref<10000xi32, #tpu.memory_space<vmem>> -> memref<80xi32, #tpu.memory_space<vmem>>
      %dma_wait3A_419 = arith.constant 0 : i32
      %dma_wait3A_420 = arith.constant 0 : i32
      %dma_wait3A_421 = tpu.memref_slice %arg13[%dma_wait3A_419, %dma_wait3A_420] : memref<20480x64xf32, #tpu.memory_space<vmem_shared>> -> memref<20480x64xf32, #tpu.memory_space<vmem_shared>>
      tpu.wait_indirect_dma semaphore(%run_scoped3A : memref<!tpu.dma_semaphore, #tpu.memory_space<semaphore_mem>>) src(%arg8 : memref<80x64xf32, #tpu.memory_space<vmem>>) dst(%dma_wait3A_421 : memref<20480x64xf32, #tpu.memory_space<vmem_shared>>)
      tpu.yield
    }) : () -> ()
    %dma_start3A_283 = arith.constant 80 : i32
    %dma_start3A_284 = tpu.memref_slice %arg6[%dma_start3A_283] : memref<10000xi32, #tpu.memory_space<vmem>> -> memref<80xi32, #tpu.memory_space<vmem>>
    %dma_start3A_285 = arith.constant 0 : i32
    %dma_start3A_286 = arith.constant 0 : i32
    %dma_start3A_287 = tpu.memref_slice %arg4[%arg0, %dma_start3A_285, %dma_start3A_286] : memref<2x20000x64xf32, #tpu.memory_space<hbm>> -> memref<1x20000x64xf32, #tpu.memory_space<hbm>>
    %dma_start3A_288 = tpu.memref_squeeze %dma_start3A_287 : memref<1x20000x64xf32, #tpu.memory_space<hbm>> -> memref<20000x64xf32, #tpu.memory_space<hbm>>
    %dma_start3A_289 = arith.constant 0 : i32
    %dma_start3A_290 = arith.constant 0 : i32
    %dma_start3A_291 = tpu.memref_slice %dma_start3A_288[%dma_start3A_289, %dma_start3A_290] : memref<20000x64xf32, #tpu.memory_space<hbm>> -> memref<20000x64xf32, #tpu.memory_space<hbm>>
    tpu.enqueue_indirect_dma source(%dma_start3A_291 : memref<20000x64xf32, #tpu.memory_space<hbm>>) target(%arg9 : memref<80x64xf32, #tpu.memory_space<vmem>>) offsets(%dma_start3A_284 : memref<80xi32, #tpu.memory_space<vmem>>) semaphore(%arg16 : memref<!tpu.dma_semaphore, #tpu.memory_space<semaphore_mem>>)
    %dma_start3A_292 = arith.constant 160 : i32
    %dma_start3A_293 = tpu.memref_slice %arg6[%dma_start3A_292] : memref<10000xi32, #tpu.memory_space<vmem>> -> memref<80xi32, #tpu.memory_space<vmem>>
    %dma_start3A_294 = arith.constant 0 : i32
    %dma_start3A_295 = arith.constant 0 : i32
    %dma_start3A_296 = tpu.memref_slice %arg4[%arg0, %dma_start3A_294, %dma_start3A_295] : memref<2x20000x64xf32, #tpu.memory_space<hbm>> -> memref<1x20000x64xf32, #tpu.memory_space<hbm>>
    %dma_start3A_297 = tpu.memref_squeeze %dma_start3A_296 : memref<1x20000x64xf32, #tpu.memory_space<hbm>> -> memref<20000x64xf32, #tpu.memory_space<hbm>>
    %dma_start3A_298 = arith.constant 0 : i32
    %dma_start3A_299 = arith.constant 0 : i32
    %dma_start3A_300 = tpu.memref_slice %dma_start3A_297[%dma_start3A_298, %dma_start3A_299] : memref<20000x64xf32, #tpu.memory_space<hbm>> -> memref<20000x64xf32, #tpu.memory_space<hbm>>
    tpu.enqueue_indirect_dma source(%dma_start3A_300 : memref<20000x64xf32, #tpu.memory_space<hbm>>) target(%arg10 : memref<80x64xf32, #tpu.memory_space<vmem>>) offsets(%dma_start3A_293 : memref<80xi32, #tpu.memory_space<vmem>>) semaphore(%arg17 : memref<!tpu.dma_semaphore, #tpu.memory_space<semaphore_mem>>)
    %dma_start3A_301 = arith.constant 240 : i32
    %dma_start3A_302 = tpu.memref_slice %arg6[%dma_start3A_301] : memref<10000xi32, #tpu.memory_space<vmem>> -> memref<80xi32, #tpu.memory_space<vmem>>
    %dma_start3A_303 = arith.constant 0 : i32
    %dma_start3A_304 = arith.constant 0 : i32
    %dma_start3A_305 = tpu.memref_slice %arg4[%arg0, %dma_start3A_303, %dma_start3A_304] : memref<2x20000x64xf32, #tpu.memory_space<hbm>> -> memref<1x20000x64xf32, #tpu.memory_space<hbm>>
    %dma_start3A_306 = tpu.memref_squeeze %dma_start3A_305 : memref<1x20000x64xf32, #tpu.memory_space<hbm>> -> memref<20000x64xf32, #tpu.memory_space<hbm>>
    %dma_start3A_307 = arith.constant 0 : i32
    %dma_start3A_308 = arith.constant 0 : i32
    %dma_start3A_309 = tpu.memref_slice %dma_start3A_306[%dma_start3A_307, %dma_start3A_308] : memref<20000x64xf32, #tpu.memory_space<hbm>> -> memref<20000x64xf32, #tpu.memory_space<hbm>>
    tpu.enqueue_indirect_dma source(%dma_start3A_309 : memref<20000x64xf32, #tpu.memory_space<hbm>>) target(%arg11 : memref<80x64xf32, #tpu.memory_space<vmem>>) offsets(%dma_start3A_302 : memref<80xi32, #tpu.memory_space<vmem>>) semaphore(%arg18 : memref<!tpu.dma_semaphore, #tpu.memory_space<semaphore_mem>>)
    %dma_start3A_310 = arith.constant 320 : i32
    %dma_start3A_311 = tpu.memref_slice %arg6[%dma_start3A_310] : memref<10000xi32, #tpu.memory_space<vmem>> -> memref<80xi32, #tpu.memory_space<vmem>>
    %dma_start3A_312 = arith.constant 0 : i32
    %dma_start3A_313 = arith.constant 0 : i32
    %dma_start3A_314 = tpu.memref_slice %arg4[%arg0, %dma_start3A_312, %dma_start3A_313] : memref<2x20000x64xf32, #tpu.memory_space<hbm>> -> memref<1x20000x64xf32, #tpu.memory_space<hbm>>
    %dma_start3A_315 = tpu.memref_squeeze %dma_start3A_314 : memref<1x20000x64xf32, #tpu.memory_space<hbm>> -> memref<20000x64xf32, #tpu.memory_space<hbm>>
    %dma_start3A_316 = arith.constant 0 : i32
    %dma_start3A_317 = arith.constant 0 : i32
    %dma_start3A_318 = tpu.memref_slice %dma_start3A_315[%dma_start3A_316, %dma_start3A_317] : memref<20000x64xf32, #tpu.memory_space<hbm>> -> memref<20000x64xf32, #tpu.memory_space<hbm>>
    tpu.enqueue_indirect_dma source(%dma_start3A_318 : memref<20000x64xf32, #tpu.memory_space<hbm>>) target(%arg12 : memref<80x64xf32, #tpu.memory_space<vmem>>) offsets(%dma_start3A_311 : memref<80xi32, #tpu.memory_space<vmem>>) semaphore(%arg19 : memref<!tpu.dma_semaphore, #tpu.memory_space<semaphore_mem>>)
    %scan3A_319 = arith.constant 0 : i32
    %scan3A_320 = arith.constant 0 : i32
    %scan3A_321 = arith.constant 24 : i32
    %scan3A_322 = arith.addi %scan3A_320, %scan3A_321 : i32
    %scan3A_323 = arith.constant 1 : i32
    %scan3A_324 = scf.for %scan3A_412 = %scan3A_320 to %scan3A_322 step %scan3A_323 iter_args(%scan3A_413 = %scan3A_319) -> (i32)  : i32 {
      %mul3A_414 = arith.constant 5 : i32
      %mul3A_415 = arith.muli %scan3A_412, %mul3A_414 : i32
      %add3A_416 = arith.constant 1 : i32
      %add3A_417 = arith.addi %add3A_416, %mul3A_415 : i32
      %add3A_418 = arith.constant 0 : i32
      %add3A_419 = arith.addi %add3A_417, %add3A_418 : i32
      %add3A_420 = arith.constant 5 : i32
      %add3A_421 = arith.addi %add3A_419, %add3A_420 : i32
      %sub3A = arith.constant 1 : i32
      %sub3A_422 = arith.subi %add3A_421, %sub3A : i32
      %dma_wait3A_423 = arith.constant 0 : i32
      %dma_wait3A_424 = tpu.memref_slice %arg6[%dma_wait3A_423] : memref<10000xi32, #tpu.memory_space<vmem>> -> memref<80xi32, #tpu.memory_space<vmem>>
      %dma_wait3A_425 = arith.constant 0 : i32
      %dma_wait3A_426 = arith.constant 0 : i32
      %dma_wait3A_427 = tpu.memref_slice %arg4[%arg0, %dma_wait3A_425, %dma_wait3A_426] : memref<2x20000x64xf32, #tpu.memory_space<hbm>> -> memref<1x20000x64xf32, #tpu.memory_space<hbm>>
      %dma_wait3A_428 = tpu.memref_squeeze %dma_wait3A_427 : memref<1x20000x64xf32, #tpu.memory_space<hbm>> -> memref<20000x64xf32, #tpu.memory_space<hbm>>
      %dma_wait3A_429 = arith.constant 0 : i32
      %dma_wait3A_430 = arith.constant 0 : i32
      %dma_wait3A_431 = tpu.memref_slice %dma_wait3A_428[%dma_wait3A_429, %dma_wait3A_430] : memref<20000x64xf32, #tpu.memory_space<hbm>> -> memref<20000x64xf32, #tpu.memory_space<hbm>>
      tpu.wait_indirect_dma semaphore(%arg16 : memref<!tpu.dma_semaphore, #tpu.memory_space<semaphore_mem>>) src(%dma_wait3A_431 : memref<20000x64xf32, #tpu.memory_space<hbm>>) dst(%arg9 : memref<80x64xf32, #tpu.memory_space<vmem>>)
      %mul3A_432 = arith.constant 80 : i32
      %mul3A_433 = arith.muli %add3A_419, %mul3A_432 : i32
      %dma_start3A_434 = tpu.memref_slice %arg7[%mul3A_433] : memref<10000xi32, #tpu.memory_space<vmem>> -> memref<80xi32, #tpu.memory_space<vmem>>
      %dma_start3A_435 = arith.constant 0 : i32
      %dma_start3A_436 = arith.constant 0 : i32
      %dma_start3A_437 = tpu.memref_slice %arg13[%dma_start3A_435, %dma_start3A_436] : memref<20480x64xf32, #tpu.memory_space<vmem_shared>> -> memref<20480x64xf32, #tpu.memory_space<vmem_shared>>
      tpu.enqueue_indirect_dma source(%arg9 : memref<80x64xf32, #tpu.memory_space<vmem>>) target(%dma_start3A_437 : memref<20480x64xf32, #tpu.memory_space<vmem_shared>>) offsets(%dma_start3A_434 : memref<80xi32, #tpu.memory_space<vmem>>) semaphore(%arg21 : memref<!tpu.dma_semaphore, #tpu.memory_space<semaphore_mem>>) {add = true}
      %le3A = arith.constant 124 : i32
      %le3A_438 = arith.cmpi sle, %sub3A_422, %le3A : i32
      %convert_element_type3A = arith.extui %le3A_438 : i1 to i32
      %cond3A = arith.constant 0 : i32
      %cond3A_439 = arith.cmpi ne, %convert_element_type3A, %cond3A : i32
      scf.if %cond3A_439 {
        %ge3A = arith.constant 2 : i32
        %ge3A_561 = arith.cmpi sge, %add3A_419, %ge3A : i32
        %convert_element_type3A_562 = arith.extui %ge3A_561 : i1 to i32
        %cond3A_563 = arith.constant 0 : i32
        %cond3A_564 = arith.cmpi ne, %convert_element_type3A_562, %cond3A_563 : i32
        scf.if %cond3A_564 {
          %dma_wait3A_575 = arith.constant 0 : i32
          %dma_wait3A_576 = tpu.memref_slice %arg7[%dma_wait3A_575] : memref<10000xi32, #tpu.memory_space<vmem>> -> memref<80xi32, #tpu.memory_space<vmem>>
          %dma_wait3A_577 = arith.constant 0 : i32
          %dma_wait3A_578 = arith.constant 0 : i32
          %dma_wait3A_579 = tpu.memref_slice %arg13[%dma_wait3A_577, %dma_wait3A_578] : memref<20480x64xf32, #tpu.memory_space<vmem_shared>> -> memref<20480x64xf32, #tpu.memory_space<vmem_shared>>
          tpu.wait_indirect_dma semaphore(%arg20 : memref<!tpu.dma_semaphore, #tpu.memory_space<semaphore_mem>>) src(%arg8 : memref<80x64xf32, #tpu.memory_space<vmem>>) dst(%dma_wait3A_579 : memref<20480x64xf32, #tpu.memory_space<vmem_shared>>)
        } else {
        }
        %mul3A_565 = arith.constant 80 : i32
        %mul3A_566 = arith.muli %sub3A_422, %mul3A_565 : i32
        %dma_start3A_567 = tpu.memref_slice %arg6[%mul3A_566] : memref<10000xi32, #tpu.memory_space<vmem>> -> memref<80xi32, #tpu.memory_space<vmem>>
        %dma_start3A_568 = arith.constant 0 : i32
        %dma_start3A_569 = arith.constant 0 : i32
        %dma_start3A_570 = tpu.memref_slice %arg4[%arg0, %dma_start3A_568, %dma_start3A_569] : memref<2x20000x64xf32, #tpu.memory_space<hbm>> -> memref<1x20000x64xf32, #tpu.memory_space<hbm>>
        %dma_start3A_571 = tpu.memref_squeeze %dma_start3A_570 : memref<1x20000x64xf32, #tpu.memory_space<hbm>> -> memref<20000x64xf32, #tpu.memory_space<hbm>>
        %dma_start3A_572 = arith.constant 0 : i32
        %dma_start3A_573 = arith.constant 0 : i32
        %dma_start3A_574 = tpu.memref_slice %dma_start3A_571[%dma_start3A_572, %dma_start3A_573] : memref<20000x64xf32, #tpu.memory_space<hbm>> -> memref<20000x64xf32, #tpu.memory_space<hbm>>
        tpu.enqueue_indirect_dma source(%dma_start3A_574 : memref<20000x64xf32, #tpu.memory_space<hbm>>) target(%arg8 : memref<80x64xf32, #tpu.memory_space<vmem>>) offsets(%dma_start3A_567 : memref<80xi32, #tpu.memory_space<vmem>>) semaphore(%arg15 : memref<!tpu.dma_semaphore, #tpu.memory_space<semaphore_mem>>)
      } else {
      }
      %mul3A_440 = arith.constant 5 : i32
      %mul3A_441 = arith.muli %scan3A_412, %mul3A_440 : i32
      %add3A_442 = arith.constant 1 : i32
      %add3A_443 = arith.addi %add3A_442, %mul3A_441 : i32
      %add3A_444 = arith.constant 1 : i32
      %add3A_445 = arith.addi %add3A_443, %add3A_444 : i32
      %add3A_446 = arith.constant 5 : i32
      %add3A_447 = arith.addi %add3A_445, %add3A_446 : i32
      %sub3A_448 = arith.constant 1 : i32
      %sub3A_449 = arith.subi %add3A_447, %sub3A_448 : i32
      %dma_wait3A_450 = arith.constant 0 : i32
      %dma_wait3A_451 = tpu.memref_slice %arg6[%dma_wait3A_450] : memref<10000xi32, #tpu.memory_space<vmem>> -> memref<80xi32, #tpu.memory_space<vmem>>
      %dma_wait3A_452 = arith.constant 0 : i32
      %dma_wait3A_453 = arith.constant 0 : i32
      %dma_wait3A_454 = tpu.memref_slice %arg4[%arg0, %dma_wait3A_452, %dma_wait3A_453] : memref<2x20000x64xf32, #tpu.memory_space<hbm>> -> memref<1x20000x64xf32, #tpu.memory_space<hbm>>
      %dma_wait3A_455 = tpu.memref_squeeze %dma_wait3A_454 : memref<1x20000x64xf32, #tpu.memory_space<hbm>> -> memref<20000x64xf32, #tpu.memory_space<hbm>>
      %dma_wait3A_456 = arith.constant 0 : i32
      %dma_wait3A_457 = arith.constant 0 : i32
      %dma_wait3A_458 = tpu.memref_slice %dma_wait3A_455[%dma_wait3A_456, %dma_wait3A_457] : memref<20000x64xf32, #tpu.memory_space<hbm>> -> memref<20000x64xf32, #tpu.memory_space<hbm>>
      tpu.wait_indirect_dma semaphore(%arg17 : memref<!tpu.dma_semaphore, #tpu.memory_space<semaphore_mem>>) src(%dma_wait3A_458 : memref<20000x64xf32, #tpu.memory_space<hbm>>) dst(%arg10 : memref<80x64xf32, #tpu.memory_space<vmem>>)
      %mul3A_459 = arith.constant 80 : i32
      %mul3A_460 = arith.muli %add3A_445, %mul3A_459 : i32
      %dma_start3A_461 = tpu.memref_slice %arg7[%mul3A_460] : memref<10000xi32, #tpu.memory_space<vmem>> -> memref<80xi32, #tpu.memory_space<vmem>>
      %dma_start3A_462 = arith.constant 0 : i32
      %dma_start3A_463 = arith.constant 0 : i32
      %dma_start3A_464 = tpu.memref_slice %arg13[%dma_start3A_462, %dma_start3A_463] : memref<20480x64xf32, #tpu.memory_space<vmem_shared>> -> memref<20480x64xf32, #tpu.memory_space<vmem_shared>>
      tpu.enqueue_indirect_dma source(%arg10 : memref<80x64xf32, #tpu.memory_space<vmem>>) target(%dma_start3A_464 : memref<20480x64xf32, #tpu.memory_space<vmem_shared>>) offsets(%dma_start3A_461 : memref<80xi32, #tpu.memory_space<vmem>>) semaphore(%arg22 : memref<!tpu.dma_semaphore, #tpu.memory_space<semaphore_mem>>) {add = true}
      %le3A_465 = arith.constant 124 : i32
      %le3A_466 = arith.cmpi sle, %sub3A_449, %le3A_465 : i32
      %convert_element_type3A_467 = arith.extui %le3A_466 : i1 to i32
      %cond3A_468 = arith.constant 0 : i32
      %cond3A_469 = arith.cmpi ne, %convert_element_type3A_467, %cond3A_468 : i32
      scf.if %cond3A_469 {
        %ge3A = arith.constant 2 : i32
        %ge3A_561 = arith.cmpi sge, %add3A_445, %ge3A : i32
        %convert_element_type3A_562 = arith.extui %ge3A_561 : i1 to i32
        %cond3A_563 = arith.constant 0 : i32
        %cond3A_564 = arith.cmpi ne, %convert_element_type3A_562, %cond3A_563 : i32
        scf.if %cond3A_564 {
          %dma_wait3A_575 = arith.constant 0 : i32
          %dma_wait3A_576 = tpu.memref_slice %arg7[%dma_wait3A_575] : memref<10000xi32, #tpu.memory_space<vmem>> -> memref<80xi32, #tpu.memory_space<vmem>>
          %dma_wait3A_577 = arith.constant 0 : i32
          %dma_wait3A_578 = arith.constant 0 : i32
          %dma_wait3A_579 = tpu.memref_slice %arg13[%dma_wait3A_577, %dma_wait3A_578] : memref<20480x64xf32, #tpu.memory_space<vmem_shared>> -> memref<20480x64xf32, #tpu.memory_space<vmem_shared>>
          tpu.wait_indirect_dma semaphore(%arg21 : memref<!tpu.dma_semaphore, #tpu.memory_space<semaphore_mem>>) src(%arg9 : memref<80x64xf32, #tpu.memory_space<vmem>>) dst(%dma_wait3A_579 : memref<20480x64xf32, #tpu.memory_space<vmem_shared>>)
        } else {
        }
        %mul3A_565 = arith.constant 80 : i32
        %mul3A_566 = arith.muli %sub3A_449, %mul3A_565 : i32
        %dma_start3A_567 = tpu.memref_slice %arg6[%mul3A_566] : memref<10000xi32, #tpu.memory_space<vmem>> -> memref<80xi32, #tpu.memory_space<vmem>>
        %dma_start3A_568 = arith.constant 0 : i32
        %dma_start3A_569 = arith.constant 0 : i32
        %dma_start3A_570 = tpu.memref_slice %arg4[%arg0, %dma_start3A_568, %dma_start3A_569] : memref<2x20000x64xf32, #tpu.memory_space<hbm>> -> memref<1x20000x64xf32, #tpu.memory_space<hbm>>
        %dma_start3A_571 = tpu.memref_squeeze %dma_start3A_570 : memref<1x20000x64xf32, #tpu.memory_space<hbm>> -> memref<20000x64xf32, #tpu.memory_space<hbm>>
        %dma_start3A_572 = arith.constant 0 : i32
        %dma_start3A_573 = arith.constant 0 : i32
        %dma_start3A_574 = tpu.memref_slice %dma_start3A_571[%dma_start3A_572, %dma_start3A_573] : memref<20000x64xf32, #tpu.memory_space<hbm>> -> memref<20000x64xf32, #tpu.memory_space<hbm>>
        tpu.enqueue_indirect_dma source(%dma_start3A_574 : memref<20000x64xf32, #tpu.memory_space<hbm>>) target(%arg9 : memref<80x64xf32, #tpu.memory_space<vmem>>) offsets(%dma_start3A_567 : memref<80xi32, #tpu.memory_space<vmem>>) semaphore(%arg16 : memref<!tpu.dma_semaphore, #tpu.memory_space<semaphore_mem>>)
      } else {
      }
      %mul3A_470 = arith.constant 5 : i32
      %mul3A_471 = arith.muli %scan3A_412, %mul3A_470 : i32
      %add3A_472 = arith.constant 1 : i32
      %add3A_473 = arith.addi %add3A_472, %mul3A_471 : i32
      %add3A_474 = arith.constant 2 : i32
      %add3A_475 = arith.addi %add3A_473, %add3A_474 : i32
      %add3A_476 = arith.constant 5 : i32
      %add3A_477 = arith.addi %add3A_475, %add3A_476 : i32
      %sub3A_478 = arith.constant 1 : i32
      %sub3A_479 = arith.subi %add3A_477, %sub3A_478 : i32
      %dma_wait3A_480 = arith.constant 0 : i32
      %dma_wait3A_481 = tpu.memref_slice %arg6[%dma_wait3A_480] : memref<10000xi32, #tpu.memory_space<vmem>> -> memref<80xi32, #tpu.memory_space<vmem>>
      %dma_wait3A_482 = arith.constant 0 : i32
      %dma_wait3A_483 = arith.constant 0 : i32
      %dma_wait3A_484 = tpu.memref_slice %arg4[%arg0, %dma_wait3A_482, %dma_wait3A_483] : memref<2x20000x64xf32, #tpu.memory_space<hbm>> -> memref<1x20000x64xf32, #tpu.memory_space<hbm>>
      %dma_wait3A_485 = tpu.memref_squeeze %dma_wait3A_484 : memref<1x20000x64xf32, #tpu.memory_space<hbm>> -> memref<20000x64xf32, #tpu.memory_space<hbm>>
      %dma_wait3A_486 = arith.constant 0 : i32
      %dma_wait3A_487 = arith.constant 0 : i32
      %dma_wait3A_488 = tpu.memref_slice %dma_wait3A_485[%dma_wait3A_486, %dma_wait3A_487] : memref<20000x64xf32, #tpu.memory_space<hbm>> -> memref<20000x64xf32, #tpu.memory_space<hbm>>
      tpu.wait_indirect_dma semaphore(%arg18 : memref<!tpu.dma_semaphore, #tpu.memory_space<semaphore_mem>>) src(%dma_wait3A_488 : memref<20000x64xf32, #tpu.memory_space<hbm>>) dst(%arg11 : memref<80x64xf32, #tpu.memory_space<vmem>>)
      %mul3A_489 = arith.constant 80 : i32
      %mul3A_490 = arith.muli %add3A_475, %mul3A_489 : i32
      %dma_start3A_491 = tpu.memref_slice %arg7[%mul3A_490] : memref<10000xi32, #tpu.memory_space<vmem>> -> memref<80xi32, #tpu.memory_space<vmem>>
      %dma_start3A_492 = arith.constant 0 : i32
      %dma_start3A_493 = arith.constant 0 : i32
      %dma_start3A_494 = tpu.memref_slice %arg13[%dma_start3A_492, %dma_start3A_493] : memref<20480x64xf32, #tpu.memory_space<vmem_shared>> -> memref<20480x64xf32, #tpu.memory_space<vmem_shared>>
      tpu.enqueue_indirect_dma source(%arg11 : memref<80x64xf32, #tpu.memory_space<vmem>>) target(%dma_start3A_494 : memref<20480x64xf32, #tpu.memory_space<vmem_shared>>) offsets(%dma_start3A_491 : memref<80xi32, #tpu.memory_space<vmem>>) semaphore(%arg23 : memref<!tpu.dma_semaphore, #tpu.memory_space<semaphore_mem>>) {add = true}
      %le3A_495 = arith.constant 124 : i32
      %le3A_496 = arith.cmpi sle, %sub3A_479, %le3A_495 : i32
      %convert_element_type3A_497 = arith.extui %le3A_496 : i1 to i32
      %cond3A_498 = arith.constant 0 : i32
      %cond3A_499 = arith.cmpi ne, %convert_element_type3A_497, %cond3A_498 : i32
      scf.if %cond3A_499 {
        %ge3A = arith.constant 2 : i32
        %ge3A_561 = arith.cmpi sge, %add3A_475, %ge3A : i32
        %convert_element_type3A_562 = arith.extui %ge3A_561 : i1 to i32
        %cond3A_563 = arith.constant 0 : i32
        %cond3A_564 = arith.cmpi ne, %convert_element_type3A_562, %cond3A_563 : i32
        scf.if %cond3A_564 {
          %dma_wait3A_575 = arith.constant 0 : i32
          %dma_wait3A_576 = tpu.memref_slice %arg7[%dma_wait3A_575] : memref<10000xi32, #tpu.memory_space<vmem>> -> memref<80xi32, #tpu.memory_space<vmem>>
          %dma_wait3A_577 = arith.constant 0 : i32
          %dma_wait3A_578 = arith.constant 0 : i32
          %dma_wait3A_579 = tpu.memref_slice %arg13[%dma_wait3A_577, %dma_wait3A_578] : memref<20480x64xf32, #tpu.memory_space<vmem_shared>> -> memref<20480x64xf32, #tpu.memory_space<vmem_shared>>
          tpu.wait_indirect_dma semaphore(%arg22 : memref<!tpu.dma_semaphore, #tpu.memory_space<semaphore_mem>>) src(%arg10 : memref<80x64xf32, #tpu.memory_space<vmem>>) dst(%dma_wait3A_579 : memref<20480x64xf32, #tpu.memory_space<vmem_shared>>)
        } else {
        }
        %mul3A_565 = arith.constant 80 : i32
        %mul3A_566 = arith.muli %sub3A_479, %mul3A_565 : i32
        %dma_start3A_567 = tpu.memref_slice %arg6[%mul3A_566] : memref<10000xi32, #tpu.memory_space<vmem>> -> memref<80xi32, #tpu.memory_space<vmem>>
        %dma_start3A_568 = arith.constant 0 : i32
        %dma_start3A_569 = arith.constant 0 : i32
        %dma_start3A_570 = tpu.memref_slice %arg4[%arg0, %dma_start3A_568, %dma_start3A_569] : memref<2x20000x64xf32, #tpu.memory_space<hbm>> -> memref<1x20000x64xf32, #tpu.memory_space<hbm>>
        %dma_start3A_571 = tpu.memref_squeeze %dma_start3A_570 : memref<1x20000x64xf32, #tpu.memory_space<hbm>> -> memref<20000x64xf32, #tpu.memory_space<hbm>>
        %dma_start3A_572 = arith.constant 0 : i32
        %dma_start3A_573 = arith.constant 0 : i32
        %dma_start3A_574 = tpu.memref_slice %dma_start3A_571[%dma_start3A_572, %dma_start3A_573] : memref<20000x64xf32, #tpu.memory_space<hbm>> -> memref<20000x64xf32, #tpu.memory_space<hbm>>
        tpu.enqueue_indirect_dma source(%dma_start3A_574 : memref<20000x64xf32, #tpu.memory_space<hbm>>) target(%arg10 : memref<80x64xf32, #tpu.memory_space<vmem>>) offsets(%dma_start3A_567 : memref<80xi32, #tpu.memory_space<vmem>>) semaphore(%arg17 : memref<!tpu.dma_semaphore, #tpu.memory_space<semaphore_mem>>)
      } else {
      }
      %mul3A_500 = arith.constant 5 : i32
      %mul3A_501 = arith.muli %scan3A_412, %mul3A_500 : i32
      %add3A_502 = arith.constant 1 : i32
      %add3A_503 = arith.addi %add3A_502, %mul3A_501 : i32
      %add3A_504 = arith.constant 3 : i32
      %add3A_505 = arith.addi %add3A_503, %add3A_504 : i32
      %add3A_506 = arith.constant 5 : i32
      %add3A_507 = arith.addi %add3A_505, %add3A_506 : i32
      %sub3A_508 = arith.constant 1 : i32
      %sub3A_509 = arith.subi %add3A_507, %sub3A_508 : i32
      %dma_wait3A_510 = arith.constant 0 : i32
      %dma_wait3A_511 = tpu.memref_slice %arg6[%dma_wait3A_510] : memref<10000xi32, #tpu.memory_space<vmem>> -> memref<80xi32, #tpu.memory_space<vmem>>
      %dma_wait3A_512 = arith.constant 0 : i32
      %dma_wait3A_513 = arith.constant 0 : i32
      %dma_wait3A_514 = tpu.memref_slice %arg4[%arg0, %dma_wait3A_512, %dma_wait3A_513] : memref<2x20000x64xf32, #tpu.memory_space<hbm>> -> memref<1x20000x64xf32, #tpu.memory_space<hbm>>
      %dma_wait3A_515 = tpu.memref_squeeze %dma_wait3A_514 : memref<1x20000x64xf32, #tpu.memory_space<hbm>> -> memref<20000x64xf32, #tpu.memory_space<hbm>>
      %dma_wait3A_516 = arith.constant 0 : i32
      %dma_wait3A_517 = arith.constant 0 : i32
      %dma_wait3A_518 = tpu.memref_slice %dma_wait3A_515[%dma_wait3A_516, %dma_wait3A_517] : memref<20000x64xf32, #tpu.memory_space<hbm>> -> memref<20000x64xf32, #tpu.memory_space<hbm>>
      tpu.wait_indirect_dma semaphore(%arg19 : memref<!tpu.dma_semaphore, #tpu.memory_space<semaphore_mem>>) src(%dma_wait3A_518 : memref<20000x64xf32, #tpu.memory_space<hbm>>) dst(%arg12 : memref<80x64xf32, #tpu.memory_space<vmem>>)
      %mul3A_519 = arith.constant 80 : i32
      %mul3A_520 = arith.muli %add3A_505, %mul3A_519 : i32
      %dma_start3A_521 = tpu.memref_slice %arg7[%mul3A_520] : memref<10000xi32, #tpu.memory_space<vmem>> -> memref<80xi32, #tpu.memory_space<vmem>>
      %dma_start3A_522 = arith.constant 0 : i32
      %dma_start3A_523 = arith.constant 0 : i32
      %dma_start3A_524 = tpu.memref_slice %arg13[%dma_start3A_522, %dma_start3A_523] : memref<20480x64xf32, #tpu.memory_space<vmem_shared>> -> memref<20480x64xf32, #tpu.memory_space<vmem_shared>>
      tpu.enqueue_indirect_dma source(%arg12 : memref<80x64xf32, #tpu.memory_space<vmem>>) target(%dma_start3A_524 : memref<20480x64xf32, #tpu.memory_space<vmem_shared>>) offsets(%dma_start3A_521 : memref<80xi32, #tpu.memory_space<vmem>>) semaphore(%arg24 : memref<!tpu.dma_semaphore, #tpu.memory_space<semaphore_mem>>) {add = true}
      %le3A_525 = arith.constant 124 : i32
      %le3A_526 = arith.cmpi sle, %sub3A_509, %le3A_525 : i32
      %convert_element_type3A_527 = arith.extui %le3A_526 : i1 to i32
      %cond3A_528 = arith.constant 0 : i32
      %cond3A_529 = arith.cmpi ne, %convert_element_type3A_527, %cond3A_528 : i32
      scf.if %cond3A_529 {
        %ge3A = arith.constant 2 : i32
        %ge3A_561 = arith.cmpi sge, %add3A_505, %ge3A : i32
        %convert_element_type3A_562 = arith.extui %ge3A_561 : i1 to i32
        %cond3A_563 = arith.constant 0 : i32
        %cond3A_564 = arith.cmpi ne, %convert_element_type3A_562, %cond3A_563 : i32
        scf.if %cond3A_564 {
          %dma_wait3A_575 = arith.constant 0 : i32
          %dma_wait3A_576 = tpu.memref_slice %arg7[%dma_wait3A_575] : memref<10000xi32, #tpu.memory_space<vmem>> -> memref<80xi32, #tpu.memory_space<vmem>>
          %dma_wait3A_577 = arith.constant 0 : i32
          %dma_wait3A_578 = arith.constant 0 : i32
          %dma_wait3A_579 = tpu.memref_slice %arg13[%dma_wait3A_577, %dma_wait3A_578] : memref<20480x64xf32, #tpu.memory_space<vmem_shared>> -> memref<20480x64xf32, #tpu.memory_space<vmem_shared>>
          tpu.wait_indirect_dma semaphore(%arg23 : memref<!tpu.dma_semaphore, #tpu.memory_space<semaphore_mem>>) src(%arg11 : memref<80x64xf32, #tpu.memory_space<vmem>>) dst(%dma_wait3A_579 : memref<20480x64xf32, #tpu.memory_space<vmem_shared>>)
        } else {
        }
        %mul3A_565 = arith.constant 80 : i32
        %mul3A_566 = arith.muli %sub3A_509, %mul3A_565 : i32
        %dma_start3A_567 = tpu.memref_slice %arg6[%mul3A_566] : memref<10000xi32, #tpu.memory_space<vmem>> -> memref<80xi32, #tpu.memory_space<vmem>>
        %dma_start3A_568 = arith.constant 0 : i32
        %dma_start3A_569 = arith.constant 0 : i32
        %dma_start3A_570 = tpu.memref_slice %arg4[%arg0, %dma_start3A_568, %dma_start3A_569] : memref<2x20000x64xf32, #tpu.memory_space<hbm>> -> memref<1x20000x64xf32, #tpu.memory_space<hbm>>
        %dma_start3A_571 = tpu.memref_squeeze %dma_start3A_570 : memref<1x20000x64xf32, #tpu.memory_space<hbm>> -> memref<20000x64xf32, #tpu.memory_space<hbm>>
        %dma_start3A_572 = arith.constant 0 : i32
        %dma_start3A_573 = arith.constant 0 : i32
        %dma_start3A_574 = tpu.memref_slice %dma_start3A_571[%dma_start3A_572, %dma_start3A_573] : memref<20000x64xf32, #tpu.memory_space<hbm>> -> memref<20000x64xf32, #tpu.memory_space<hbm>>
        tpu.enqueue_indirect_dma source(%dma_start3A_574 : memref<20000x64xf32, #tpu.memory_space<hbm>>) target(%arg11 : memref<80x64xf32, #tpu.memory_space<vmem>>) offsets(%dma_start3A_567 : memref<80xi32, #tpu.memory_space<vmem>>) semaphore(%arg18 : memref<!tpu.dma_semaphore, #tpu.memory_space<semaphore_mem>>)
      } else {
      }
      %mul3A_530 = arith.constant 5 : i32
      %mul3A_531 = arith.muli %scan3A_412, %mul3A_530 : i32
      %add3A_532 = arith.constant 1 : i32
      %add3A_533 = arith.addi %add3A_532, %mul3A_531 : i32
      %add3A_534 = arith.constant 4 : i32
      %add3A_535 = arith.addi %add3A_533, %add3A_534 : i32
      %add3A_536 = arith.constant 5 : i32
      %add3A_537 = arith.addi %add3A_535, %add3A_536 : i32
      %sub3A_538 = arith.constant 1 : i32
      %sub3A_539 = arith.subi %add3A_537, %sub3A_538 : i32
      %dma_wait3A_540 = arith.constant 0 : i32
      %dma_wait3A_541 = tpu.memref_slice %arg6[%dma_wait3A_540] : memref<10000xi32, #tpu.memory_space<vmem>> -> memref<80xi32, #tpu.memory_space<vmem>>
      %dma_wait3A_542 = arith.constant 0 : i32
      %dma_wait3A_543 = arith.constant 0 : i32
      %dma_wait3A_544 = tpu.memref_slice %arg4[%arg0, %dma_wait3A_542, %dma_wait3A_543] : memref<2x20000x64xf32, #tpu.memory_space<hbm>> -> memref<1x20000x64xf32, #tpu.memory_space<hbm>>
      %dma_wait3A_545 = tpu.memref_squeeze %dma_wait3A_544 : memref<1x20000x64xf32, #tpu.memory_space<hbm>> -> memref<20000x64xf32, #tpu.memory_space<hbm>>
      %dma_wait3A_546 = arith.constant 0 : i32
      %dma_wait3A_547 = arith.constant 0 : i32
      %dma_wait3A_548 = tpu.memref_slice %dma_wait3A_545[%dma_wait3A_546, %dma_wait3A_547] : memref<20000x64xf32, #tpu.memory_space<hbm>> -> memref<20000x64xf32, #tpu.memory_space<hbm>>
      tpu.wait_indirect_dma semaphore(%arg15 : memref<!tpu.dma_semaphore, #tpu.memory_space<semaphore_mem>>) src(%dma_wait3A_548 : memref<20000x64xf32, #tpu.memory_space<hbm>>) dst(%arg8 : memref<80x64xf32, #tpu.memory_space<vmem>>)
      %mul3A_549 = arith.constant 80 : i32
      %mul3A_550 = arith.muli %add3A_535, %mul3A_549 : i32
      %dma_start3A_551 = tpu.memref_slice %arg7[%mul3A_550] : memref<10000xi32, #tpu.memory_space<vmem>> -> memref<80xi32, #tpu.memory_space<vmem>>
      %dma_start3A_552 = arith.constant 0 : i32
      %dma_start3A_553 = arith.constant 0 : i32
      %dma_start3A_554 = tpu.memref_slice %arg13[%dma_start3A_552, %dma_start3A_553] : memref<20480x64xf32, #tpu.memory_space<vmem_shared>> -> memref<20480x64xf32, #tpu.memory_space<vmem_shared>>
      tpu.enqueue_indirect_dma source(%arg8 : memref<80x64xf32, #tpu.memory_space<vmem>>) target(%dma_start3A_554 : memref<20480x64xf32, #tpu.memory_space<vmem_shared>>) offsets(%dma_start3A_551 : memref<80xi32, #tpu.memory_space<vmem>>) semaphore(%arg20 : memref<!tpu.dma_semaphore, #tpu.memory_space<semaphore_mem>>) {add = true}
      %le3A_555 = arith.constant 124 : i32
      %le3A_556 = arith.cmpi sle, %sub3A_539, %le3A_555 : i32
      %convert_element_type3A_557 = arith.extui %le3A_556 : i1 to i32
      %cond3A_558 = arith.constant 0 : i32
      %cond3A_559 = arith.cmpi ne, %convert_element_type3A_557, %cond3A_558 : i32
      scf.if %cond3A_559 {
        %ge3A = arith.constant 2 : i32
        %ge3A_561 = arith.cmpi sge, %add3A_535, %ge3A : i32
        %convert_element_type3A_562 = arith.extui %ge3A_561 : i1 to i32
        %cond3A_563 = arith.constant 0 : i32
        %cond3A_564 = arith.cmpi ne, %convert_element_type3A_562, %cond3A_563 : i32
        scf.if %cond3A_564 {
          %dma_wait3A_575 = arith.constant 0 : i32
          %dma_wait3A_576 = tpu.memref_slice %arg7[%dma_wait3A_575] : memref<10000xi32, #tpu.memory_space<vmem>> -> memref<80xi32, #tpu.memory_space<vmem>>
          %dma_wait3A_577 = arith.constant 0 : i32
          %dma_wait3A_578 = arith.constant 0 : i32
          %dma_wait3A_579 = tpu.memref_slice %arg13[%dma_wait3A_577, %dma_wait3A_578] : memref<20480x64xf32, #tpu.memory_space<vmem_shared>> -> memref<20480x64xf32, #tpu.memory_space<vmem_shared>>
          tpu.wait_indirect_dma semaphore(%arg24 : memref<!tpu.dma_semaphore, #tpu.memory_space<semaphore_mem>>) src(%arg12 : memref<80x64xf32, #tpu.memory_space<vmem>>) dst(%dma_wait3A_579 : memref<20480x64xf32, #tpu.memory_space<vmem_shared>>)
        } else {
        }
        %mul3A_565 = arith.constant 80 : i32
        %mul3A_566 = arith.muli %sub3A_539, %mul3A_565 : i32
        %dma_start3A_567 = tpu.memref_slice %arg6[%mul3A_566] : memref<10000xi32, #tpu.memory_space<vmem>> -> memref<80xi32, #tpu.memory_space<vmem>>
        %dma_start3A_568 = arith.constant 0 : i32
        %dma_start3A_569 = arith.constant 0 : i32
        %dma_start3A_570 = tpu.memref_slice %arg4[%arg0, %dma_start3A_568, %dma_start3A_569] : memref<2x20000x64xf32, #tpu.memory_space<hbm>> -> memref<1x20000x64xf32, #tpu.memory_space<hbm>>
        %dma_start3A_571 = tpu.memref_squeeze %dma_start3A_570 : memref<1x20000x64xf32, #tpu.memory_space<hbm>> -> memref<20000x64xf32, #tpu.memory_space<hbm>>
        %dma_start3A_572 = arith.constant 0 : i32
        %dma_start3A_573 = arith.constant 0 : i32
        %dma_start3A_574 = tpu.memref_slice %dma_start3A_571[%dma_start3A_572, %dma_start3A_573] : memref<20000x64xf32, #tpu.memory_space<hbm>> -> memref<20000x64xf32, #tpu.memory_space<hbm>>
        tpu.enqueue_indirect_dma source(%dma_start3A_574 : memref<20000x64xf32, #tpu.memory_space<hbm>>) target(%arg12 : memref<80x64xf32, #tpu.memory_space<vmem>>) offsets(%dma_start3A_567 : memref<80xi32, #tpu.memory_space<vmem>>) semaphore(%arg19 : memref<!tpu.dma_semaphore, #tpu.memory_space<semaphore_mem>>)
      } else {
      }
      %scan3A_560 = arith.constant 0 : i32
      scf.yield %scan3A_560 : i32
    }
    %scan3A_325 = arith.constant 24 : i32
    %dma_wait3A_326 = arith.constant 0 : i32
    %dma_wait3A_327 = tpu.memref_slice %arg6[%dma_wait3A_326] : memref<10000xi32, #tpu.memory_space<vmem>> -> memref<80xi32, #tpu.memory_space<vmem>>
    %dma_wait3A_328 = arith.constant 0 : i32
    %dma_wait3A_329 = arith.constant 0 : i32
    %dma_wait3A_330 = tpu.memref_slice %arg4[%arg0, %dma_wait3A_328, %dma_wait3A_329] : memref<2x20000x64xf32, #tpu.memory_space<hbm>> -> memref<1x20000x64xf32, #tpu.memory_space<hbm>>
    %dma_wait3A_331 = tpu.memref_squeeze %dma_wait3A_330 : memref<1x20000x64xf32, #tpu.memory_space<hbm>> -> memref<20000x64xf32, #tpu.memory_space<hbm>>
    %dma_wait3A_332 = arith.constant 0 : i32
    %dma_wait3A_333 = arith.constant 0 : i32
    %dma_wait3A_334 = tpu.memref_slice %dma_wait3A_331[%dma_wait3A_332, %dma_wait3A_333] : memref<20000x64xf32, #tpu.memory_space<hbm>> -> memref<20000x64xf32, #tpu.memory_space<hbm>>
    tpu.wait_indirect_dma semaphore(%arg16 : memref<!tpu.dma_semaphore, #tpu.memory_space<semaphore_mem>>) src(%dma_wait3A_334 : memref<20000x64xf32, #tpu.memory_space<hbm>>) dst(%arg9 : memref<80x64xf32, #tpu.memory_space<vmem>>)
    %dma_start3A_335 = arith.constant 9680 : i32
    %dma_start3A_336 = tpu.memref_slice %arg7[%dma_start3A_335] : memref<10000xi32, #tpu.memory_space<vmem>> -> memref<80xi32, #tpu.memory_space<vmem>>
    %dma_start3A_337 = arith.constant 0 : i32
    %dma_start3A_338 = arith.constant 0 : i32
    %dma_start3A_339 = tpu.memref_slice %arg13[%dma_start3A_337, %dma_start3A_338] : memref<20480x64xf32, #tpu.memory_space<vmem_shared>> -> memref<20480x64xf32, #tpu.memory_space<vmem_shared>>
    tpu.enqueue_indirect_dma source(%arg9 : memref<80x64xf32, #tpu.memory_space<vmem>>) target(%dma_start3A_339 : memref<20480x64xf32, #tpu.memory_space<vmem_shared>>) offsets(%dma_start3A_336 : memref<80xi32, #tpu.memory_space<vmem>>) semaphore(%arg21 : memref<!tpu.dma_semaphore, #tpu.memory_space<semaphore_mem>>) {add = true}
    %dma_wait3A_340 = arith.constant 0 : i32
    %dma_wait3A_341 = tpu.memref_slice %arg6[%dma_wait3A_340] : memref<10000xi32, #tpu.memory_space<vmem>> -> memref<80xi32, #tpu.memory_space<vmem>>
    %dma_wait3A_342 = arith.constant 0 : i32
    %dma_wait3A_343 = arith.constant 0 : i32
    %dma_wait3A_344 = tpu.memref_slice %arg4[%arg0, %dma_wait3A_342, %dma_wait3A_343] : memref<2x20000x64xf32, #tpu.memory_space<hbm>> -> memref<1x20000x64xf32, #tpu.memory_space<hbm>>
    %dma_wait3A_345 = tpu.memref_squeeze %dma_wait3A_344 : memref<1x20000x64xf32, #tpu.memory_space<hbm>> -> memref<20000x64xf32, #tpu.memory_space<hbm>>
    %dma_wait3A_346 = arith.constant 0 : i32
    %dma_wait3A_347 = arith.constant 0 : i32
    %dma_wait3A_348 = tpu.memref_slice %dma_wait3A_345[%dma_wait3A_346, %dma_wait3A_347] : memref<20000x64xf32, #tpu.memory_space<hbm>> -> memref<20000x64xf32, #tpu.memory_space<hbm>>
    tpu.wait_indirect_dma semaphore(%arg17 : memref<!tpu.dma_semaphore, #tpu.memory_space<semaphore_mem>>) src(%dma_wait3A_348 : memref<20000x64xf32, #tpu.memory_space<hbm>>) dst(%arg10 : memref<80x64xf32, #tpu.memory_space<vmem>>)
    %dma_start3A_349 = arith.constant 9760 : i32
    %dma_start3A_350 = tpu.memref_slice %arg7[%dma_start3A_349] : memref<10000xi32, #tpu.memory_space<vmem>> -> memref<80xi32, #tpu.memory_space<vmem>>
    %dma_start3A_351 = arith.constant 0 : i32
    %dma_start3A_352 = arith.constant 0 : i32
    %dma_start3A_353 = tpu.memref_slice %arg13[%dma_start3A_351, %dma_start3A_352] : memref<20480x64xf32, #tpu.memory_space<vmem_shared>> -> memref<20480x64xf32, #tpu.memory_space<vmem_shared>>
    tpu.enqueue_indirect_dma source(%arg10 : memref<80x64xf32, #tpu.memory_space<vmem>>) target(%dma_start3A_353 : memref<20480x64xf32, #tpu.memory_space<vmem_shared>>) offsets(%dma_start3A_350 : memref<80xi32, #tpu.memory_space<vmem>>) semaphore(%arg22 : memref<!tpu.dma_semaphore, #tpu.memory_space<semaphore_mem>>) {add = true}
    %dma_wait3A_354 = arith.constant 0 : i32
    %dma_wait3A_355 = tpu.memref_slice %arg6[%dma_wait3A_354] : memref<10000xi32, #tpu.memory_space<vmem>> -> memref<80xi32, #tpu.memory_space<vmem>>
    %dma_wait3A_356 = arith.constant 0 : i32
    %dma_wait3A_357 = arith.constant 0 : i32
    %dma_wait3A_358 = tpu.memref_slice %arg4[%arg0, %dma_wait3A_356, %dma_wait3A_357] : memref<2x20000x64xf32, #tpu.memory_space<hbm>> -> memref<1x20000x64xf32, #tpu.memory_space<hbm>>
    %dma_wait3A_359 = tpu.memref_squeeze %dma_wait3A_358 : memref<1x20000x64xf32, #tpu.memory_space<hbm>> -> memref<20000x64xf32, #tpu.memory_space<hbm>>
    %dma_wait3A_360 = arith.constant 0 : i32
    %dma_wait3A_361 = arith.constant 0 : i32
    %dma_wait3A_362 = tpu.memref_slice %dma_wait3A_359[%dma_wait3A_360, %dma_wait3A_361] : memref<20000x64xf32, #tpu.memory_space<hbm>> -> memref<20000x64xf32, #tpu.memory_space<hbm>>
    tpu.wait_indirect_dma semaphore(%arg18 : memref<!tpu.dma_semaphore, #tpu.memory_space<semaphore_mem>>) src(%dma_wait3A_362 : memref<20000x64xf32, #tpu.memory_space<hbm>>) dst(%arg11 : memref<80x64xf32, #tpu.memory_space<vmem>>)
    %dma_start3A_363 = arith.constant 9840 : i32
    %dma_start3A_364 = tpu.memref_slice %arg7[%dma_start3A_363] : memref<10000xi32, #tpu.memory_space<vmem>> -> memref<80xi32, #tpu.memory_space<vmem>>
    %dma_start3A_365 = arith.constant 0 : i32
    %dma_start3A_366 = arith.constant 0 : i32
    %dma_start3A_367 = tpu.memref_slice %arg13[%dma_start3A_365, %dma_start3A_366] : memref<20480x64xf32, #tpu.memory_space<vmem_shared>> -> memref<20480x64xf32, #tpu.memory_space<vmem_shared>>
    tpu.enqueue_indirect_dma source(%arg11 : memref<80x64xf32, #tpu.memory_space<vmem>>) target(%dma_start3A_367 : memref<20480x64xf32, #tpu.memory_space<vmem_shared>>) offsets(%dma_start3A_364 : memref<80xi32, #tpu.memory_space<vmem>>) semaphore(%arg23 : memref<!tpu.dma_semaphore, #tpu.memory_space<semaphore_mem>>) {add = true}
    %dma_wait3A_368 = arith.constant 0 : i32
    %dma_wait3A_369 = tpu.memref_slice %arg6[%dma_wait3A_368] : memref<10000xi32, #tpu.memory_space<vmem>> -> memref<80xi32, #tpu.memory_space<vmem>>
    %dma_wait3A_370 = arith.constant 0 : i32
    %dma_wait3A_371 = arith.constant 0 : i32
    %dma_wait3A_372 = tpu.memref_slice %arg4[%arg0, %dma_wait3A_370, %dma_wait3A_371] : memref<2x20000x64xf32, #tpu.memory_space<hbm>> -> memref<1x20000x64xf32, #tpu.memory_space<hbm>>
    %dma_wait3A_373 = tpu.memref_squeeze %dma_wait3A_372 : memref<1x20000x64xf32, #tpu.memory_space<hbm>> -> memref<20000x64xf32, #tpu.memory_space<hbm>>
    %dma_wait3A_374 = arith.constant 0 : i32
    %dma_wait3A_375 = arith.constant 0 : i32
    %dma_wait3A_376 = tpu.memref_slice %dma_wait3A_373[%dma_wait3A_374, %dma_wait3A_375] : memref<20000x64xf32, #tpu.memory_space<hbm>> -> memref<20000x64xf32, #tpu.memory_space<hbm>>
    tpu.wait_indirect_dma semaphore(%arg19 : memref<!tpu.dma_semaphore, #tpu.memory_space<semaphore_mem>>) src(%dma_wait3A_376 : memref<20000x64xf32, #tpu.memory_space<hbm>>) dst(%arg12 : memref<80x64xf32, #tpu.memory_space<vmem>>)
    %dma_start3A_377 = arith.constant 9920 : i32
    %dma_start3A_378 = tpu.memref_slice %arg7[%dma_start3A_377] : memref<10000xi32, #tpu.memory_space<vmem>> -> memref<80xi32, #tpu.memory_space<vmem>>
    %dma_start3A_379 = arith.constant 0 : i32
    %dma_start3A_380 = arith.constant 0 : i32
    %dma_start3A_381 = tpu.memref_slice %arg13[%dma_start3A_379, %dma_start3A_380] : memref<20480x64xf32, #tpu.memory_space<vmem_shared>> -> memref<20480x64xf32, #tpu.memory_space<vmem_shared>>
    tpu.enqueue_indirect_dma source(%arg12 : memref<80x64xf32, #tpu.memory_space<vmem>>) target(%dma_start3A_381 : memref<20480x64xf32, #tpu.memory_space<vmem_shared>>) offsets(%dma_start3A_378 : memref<80xi32, #tpu.memory_space<vmem>>) semaphore(%arg24 : memref<!tpu.dma_semaphore, #tpu.memory_space<semaphore_mem>>) {add = true}
    %dma_wait3A_382 = arith.constant 0 : i32
    %dma_wait3A_383 = tpu.memref_slice %arg7[%dma_wait3A_382] : memref<10000xi32, #tpu.memory_space<vmem>> -> memref<80xi32, #tpu.memory_space<vmem>>
    %dma_wait3A_384 = arith.constant 0 : i32
    %dma_wait3A_385 = arith.constant 0 : i32
    %dma_wait3A_386 = tpu.memref_slice %arg13[%dma_wait3A_384, %dma_wait3A_385] : memref<20480x64xf32, #tpu.memory_space<vmem_shared>> -> memref<20480x64xf32, #tpu.memory_space<vmem_shared>>
    tpu.wait_indirect_dma semaphore(%arg20 : memref<!tpu.dma_semaphore, #tpu.memory_space<semaphore_mem>>) src(%arg8 : memref<80x64xf32, #tpu.memory_space<vmem>>) dst(%dma_wait3A_386 : memref<20480x64xf32, #tpu.memory_space<vmem_shared>>)
    %dma_wait3A_387 = arith.constant 0 : i32
    %dma_wait3A_388 = tpu.memref_slice %arg7[%dma_wait3A_387] : memref<10000xi32, #tpu.memory_space<vmem>> -> memref<80xi32, #tpu.memory_space<vmem>>
    %dma_wait3A_389 = arith.constant 0 : i32
    %dma_wait3A_390 = arith.constant 0 : i32
    %dma_wait3A_391 = tpu.memref_slice %arg13[%dma_wait3A_389, %dma_wait3A_390] : memref<20480x64xf32, #tpu.memory_space<vmem_shared>> -> memref<20480x64xf32, #tpu.memory_space<vmem_shared>>
    tpu.wait_indirect_dma semaphore(%arg21 : memref<!tpu.dma_semaphore, #tpu.memory_space<semaphore_mem>>) src(%arg9 : memref<80x64xf32, #tpu.memory_space<vmem>>) dst(%dma_wait3A_391 : memref<20480x64xf32, #tpu.memory_space<vmem_shared>>)
    %dma_wait3A_392 = arith.constant 0 : i32
    %dma_wait3A_393 = tpu.memref_slice %arg7[%dma_wait3A_392] : memref<10000xi32, #tpu.memory_space<vmem>> -> memref<80xi32, #tpu.memory_space<vmem>>
    %dma_wait3A_394 = arith.constant 0 : i32
    %dma_wait3A_395 = arith.constant 0 : i32
    %dma_wait3A_396 = tpu.memref_slice %arg13[%dma_wait3A_394, %dma_wait3A_395] : memref<20480x64xf32, #tpu.memory_space<vmem_shared>> -> memref<20480x64xf32, #tpu.memory_space<vmem_shared>>
    tpu.wait_indirect_dma semaphore(%arg22 : memref<!tpu.dma_semaphore, #tpu.memory_space<semaphore_mem>>) src(%arg10 : memref<80x64xf32, #tpu.memory_space<vmem>>) dst(%dma_wait3A_396 : memref<20480x64xf32, #tpu.memory_space<vmem_shared>>)
    %dma_wait3A_397 = arith.constant 0 : i32
    %dma_wait3A_398 = tpu.memref_slice %arg7[%dma_wait3A_397] : memref<10000xi32, #tpu.memory_space<vmem>> -> memref<80xi32, #tpu.memory_space<vmem>>
    %dma_wait3A_399 = arith.constant 0 : i32
    %dma_wait3A_400 = arith.constant 0 : i32
    %dma_wait3A_401 = tpu.memref_slice %arg13[%dma_wait3A_399, %dma_wait3A_400] : memref<20480x64xf32, #tpu.memory_space<vmem_shared>> -> memref<20480x64xf32, #tpu.memory_space<vmem_shared>>
    tpu.wait_indirect_dma semaphore(%arg23 : memref<!tpu.dma_semaphore, #tpu.memory_space<semaphore_mem>>) src(%arg11 : memref<80x64xf32, #tpu.memory_space<vmem>>) dst(%dma_wait3A_401 : memref<20480x64xf32, #tpu.memory_space<vmem_shared>>)
    %dma_wait3A_402 = arith.constant 0 : i32
    %dma_wait3A_403 = tpu.memref_slice %arg7[%dma_wait3A_402] : memref<10000xi32, #tpu.memory_space<vmem>> -> memref<80xi32, #tpu.memory_space<vmem>>
    %dma_wait3A_404 = arith.constant 0 : i32
    %dma_wait3A_405 = arith.constant 0 : i32
    %dma_wait3A_406 = tpu.memref_slice %arg13[%dma_wait3A_404, %dma_wait3A_405] : memref<20480x64xf32, #tpu.memory_space<vmem_shared>> -> memref<20480x64xf32, #tpu.memory_space<vmem_shared>>
    tpu.wait_indirect_dma semaphore(%arg24 : memref<!tpu.dma_semaphore, #tpu.memory_space<semaphore_mem>>) src(%arg12 : memref<80x64xf32, #tpu.memory_space<vmem>>) dst(%dma_wait3A_406 : memref<20480x64xf32, #tpu.memory_space<vmem_shared>>)
    %barrier3A_407 = arith.constant 0 : index
    tpu.barrier barrier_id(%barrier3A_407)
    %mul3A_408 = arith.constant 1280 : i32
    %mul3A_409 = arith.muli %arg1, %mul3A_408 : i32
    %mul3A_410 = arith.constant 1280 : i32
    %mul3A_411 = arith.muli %arg1, %mul3A_410 : i32
    "tpu.region"() ({
      %run_scoped3A = tpu.sem_alloc : memref<!tpu.dma_semaphore, #tpu.memory_space<semaphore_mem>>
      %dma_start3A_412 = arith.constant 0 : i32
      %dma_start3A_413 = tpu.memref_slice %arg5[%arg0, %mul3A_411, %dma_start3A_412] : memref<2x20480x64xf32, #tpu.memory_space<hbm>> -> memref<1x1280x64xf32, #tpu.memory_space<hbm>>
      %dma_start3A_414 = tpu.memref_squeeze %dma_start3A_413 : memref<1x1280x64xf32, #tpu.memory_space<hbm>> -> memref<1280x64xf32, #tpu.memory_space<hbm>>
      %dma_start3A_415 = arith.constant 0 : i32
      %dma_start3A_416 = tpu.memref_slice %arg13[%mul3A_409, %dma_start3A_415] : memref<20480x64xf32, #tpu.memory_space<vmem_shared>> -> memref<1280x64xf32, #tpu.memory_space<vmem_shared>>
      tpu.enqueue_dma source(%dma_start3A_416 : memref<1280x64xf32, #tpu.memory_space<vmem_shared>>) target(%dma_start3A_414 : memref<1280x64xf32, #tpu.memory_space<hbm>>) target_semaphore(%run_scoped3A : memref<!tpu.dma_semaphore, #tpu.memory_space<semaphore_mem>>)
      %dma_wait3A_417 = arith.constant 0 : i32
      %dma_wait3A_418 = tpu.memref_slice %arg5[%arg0, %mul3A_411, %dma_wait3A_417] : memref<2x20480x64xf32, #tpu.memory_space<hbm>> -> memref<1x1280x64xf32, #tpu.memory_space<hbm>>
      %dma_wait3A_419 = tpu.memref_squeeze %dma_wait3A_418 : memref<1x1280x64xf32, #tpu.memory_space<hbm>> -> memref<1280x64xf32, #tpu.memory_space<hbm>>
      %dma_wait3A_420 = arith.constant 0 : i32
      %dma_wait3A_421 = tpu.memref_slice %arg13[%mul3A_409, %dma_wait3A_420] : memref<20480x64xf32, #tpu.memory_space<vmem_shared>> -> memref<1280x64xf32, #tpu.memory_space<vmem_shared>>
      tpu.wait_dma2 semaphore(%run_scoped3A : memref<!tpu.dma_semaphore, #tpu.memory_space<semaphore_mem>>) src(%dma_wait3A_421 : memref<1280x64xf32, #tpu.memory_space<vmem_shared>>) dst(%dma_wait3A_419 : memref<1280x64xf32, #tpu.memory_space<hbm>>)
      tpu.yield
    }) : () -> ()
    return
  }
}

module attributes {stable_mosaic.version = 14 : i64} {
  func.func @_prep_body(%arg0: i32, %arg1: memref<1000x128xf32, #tpu.memory_space<vmem>>, %arg2: memref<128x128xf32, #tpu.memory_space<vmem>>, %arg3: memref<128x1xf32, #tpu.memory_space<vmem>>, %arg4: memref<128x1xf32, #tpu.memory_space<vmem>>, %arg5: memref<2x1000x64xf32, #tpu.memory_space<vmem>>, %arg6: memref<1000x1xf32, #tpu.memory_space<vmem>>, %arg7: memref<1000x1xf32, #tpu.memory_space<vmem>>) attributes {dimension_semantics = [#tpu.dimension_semantics<arbitrary>], iteration_bounds = array<i64: 20>, scalar_prefetch = 0 : i64, scratch_operands = 0 : i64, tpu.core_type = #tpu.core_type<tc>, window_params = [{transform_indices = @transform_0, window_bounds = array<i64: 1000, 128>}, {pipeline_mode = #tpu.pipeline_mode<synchronous>, transform_indices = @transform_1, window_bounds = array<i64: 128, 128>}, {pipeline_mode = #tpu.pipeline_mode<synchronous>, transform_indices = @transform_2, window_bounds = array<i64: 128, 1>}, {pipeline_mode = #tpu.pipeline_mode<synchronous>, transform_indices = @transform_3, window_bounds = array<i64: 128, 1>}, {transform_indices = @transform_4, window_bounds = array<i64: 2, 1000, 64>}, {transform_indices = @transform_5, window_bounds = array<i64: 1000, 1>}, {transform_indices = @transform_6, window_bounds = array<i64: 1000, 1>}]} {
    %get3A = arith.constant 0 : index
    %get3A_0 = arith.constant 0 : index
    %get3A_1 = vector.load %arg1[%get3A, %get3A_0] : memref<1000x128xf32, #tpu.memory_space<vmem>>, vector<1000x128xf32>
    %get3A_2 = arith.constant 0 : index
    %get3A_3 = arith.constant 0 : index
    %get3A_4 = vector.load %arg2[%get3A_2, %get3A_3] : memref<128x128xf32, #tpu.memory_space<vmem>>, vector<128x128xf32>
    %dot_general3A = arith.constant dense<0.000000e+00> : vector<1000x128xf32>
    %dot_general3A_5 = tpu.matmul %get3A_1, %get3A_4, %dot_general3A {dimension_numbers = #tpu.dot_dimension_numbers<[1], [0], [0], [1], [0, 0, 1, 1], [], []>, transpose_lhs_hint = false} : vector<1000x128xf32>, vector<128x128xf32>, vector<1000x128xf32> -> vector<1000x128xf32>
    %get3A_6 = arith.constant 0 : index
    %get3A_7 = arith.constant 0 : index
    %get3A_8 = vector.load %arg3[%get3A_6, %get3A_7] : memref<128x1xf32, #tpu.memory_space<vmem>>, vector<128x1xf32>
    %dot_general3A_9 = arith.constant dense<0.000000e+00> : vector<1000x1xf32>
    %dot_general3A_10 = tpu.matmul %dot_general3A_5, %get3A_8, %dot_general3A_9 {dimension_numbers = #tpu.dot_dimension_numbers<[1], [0], [0], [1], [0, 0, 1, 1], [], []>, transpose_lhs_hint = false} : vector<1000x128xf32>, vector<128x1xf32>, vector<1000x1xf32> -> vector<1000x1xf32>
    %get3A_11 = arith.constant 0 : index
    %get3A_12 = arith.constant 0 : index
    %get3A_13 = vector.load %arg4[%get3A_11, %get3A_12] : memref<128x1xf32, #tpu.memory_space<vmem>>, vector<128x1xf32>
    %dot_general3A_14 = arith.constant dense<0.000000e+00> : vector<1000x1xf32>
    %dot_general3A_15 = tpu.matmul %dot_general3A_5, %get3A_13, %dot_general3A_14 {dimension_numbers = #tpu.dot_dimension_numbers<[1], [0], [0], [1], [0, 0, 1, 1], [], []>, transpose_lhs_hint = false} : vector<1000x128xf32>, vector<128x1xf32>, vector<1000x1xf32> -> vector<1000x1xf32>
    %lt3A = arith.constant 10 : i32
    %lt3A_16 = arith.cmpi slt, %arg0, %lt3A : i32
    %exp3A = math.exp %dot_general3A_15 : vector<1000x1xf32>
    %mul3A = arith.constant 2.000000e-01 : f32
    %mul3A_17 = vector.broadcast %mul3A : f32 to vector<1000x1xf32>
    %mul3A_18 = arith.mulf %mul3A_17, %dot_general3A_15 : vector<1000x1xf32>
    %exp3A_19 = math.exp %mul3A_18 : vector<1000x1xf32>
    %select_n3A = arith.select %lt3A_16, %exp3A, %exp3A_19 : vector<1000x1xf32>
    %slice3A = vector.extract_strided_slice %dot_general3A_5 {offsets = [0, 0], sizes = [1000, 64], strides = [1, 1]} : vector<1000x128xf32> to vector<1000x64xf32>
    %mul3A_20 = vector.broadcast %select_n3A : vector<1000x1xf32> to vector<1000x64xf32>
    %mul3A_21 = arith.mulf %slice3A, %mul3A_20 : vector<1000x64xf32>
    %swap3A = arith.constant 0 : index
    %swap3A_22 = arith.constant 0 : index
    %swap3A_23 = arith.constant 0 : index
    %swap3A_24 = vector.load %arg5[%swap3A, %swap3A_22, %swap3A_23] : memref<2x1000x64xf32, #tpu.memory_space<vmem>>, vector<1x1000x64xf32>
    %swap3A_25 = vector.shape_cast %swap3A_24 : vector<1x1000x64xf32> to vector<1000x64xf32>
    %swap3A_26 = vector.shape_cast %mul3A_21 : vector<1000x64xf32> to vector<1x1000x64xf32>
    tpu.vector_store %arg5[%swap3A, %swap3A_22, %swap3A_23], %swap3A_26 {strides = array<i32>} : memref<2x1000x64xf32, #tpu.memory_space<vmem>>, vector<1x1000x64xf32>,
    %slice3A_27 = vector.extract_strided_slice %dot_general3A_5 {offsets = [0, 64], sizes = [1000, 64], strides = [1, 1]} : vector<1000x128xf32> to vector<1000x64xf32>
    %mul3A_28 = vector.broadcast %select_n3A : vector<1000x1xf32> to vector<1000x64xf32>
    %mul3A_29 = arith.mulf %slice3A_27, %mul3A_28 : vector<1000x64xf32>
    %swap3A_30 = arith.constant 1 : index
    %swap3A_31 = arith.constant 0 : index
    %swap3A_32 = arith.constant 0 : index
    %swap3A_33 = vector.load %arg5[%swap3A_30, %swap3A_31, %swap3A_32] : memref<2x1000x64xf32, #tpu.memory_space<vmem>>, vector<1x1000x64xf32>
    %swap3A_34 = vector.shape_cast %swap3A_33 : vector<1x1000x64xf32> to vector<1000x64xf32>
    %swap3A_35 = vector.shape_cast %mul3A_29 : vector<1000x64xf32> to vector<1x1000x64xf32>
    tpu.vector_store %arg5[%swap3A_30, %swap3A_31, %swap3A_32], %swap3A_35 {strides = array<i32>} : memref<2x1000x64xf32, #tpu.memory_space<vmem>>, vector<1x1000x64xf32>,
    %swap3A_36 = arith.constant 0 : index
    %swap3A_37 = arith.constant 0 : index
    %swap3A_38 = vector.load %arg6[%swap3A_36, %swap3A_37] : memref<1000x1xf32, #tpu.memory_space<vmem>>, vector<1000x1xf32>
    tpu.vector_store %arg6[%swap3A_36, %swap3A_37], %dot_general3A_10 {strides = array<i32>} : memref<1000x1xf32, #tpu.memory_space<vmem>>, vector<1000x1xf32>,
    %swap3A_39 = arith.constant 0 : index
    %swap3A_40 = arith.constant 0 : index
    %swap3A_41 = vector.load %arg7[%swap3A_39, %swap3A_40] : memref<1000x1xf32, #tpu.memory_space<vmem>>, vector<1000x1xf32>
    tpu.vector_store %arg7[%swap3A_39, %swap3A_40], %dot_general3A_15 {strides = array<i32>} : memref<1000x1xf32, #tpu.memory_space<vmem>>, vector<1000x1xf32>,
    return
  }
  func.func @transform_0(%arg0: i32) -> (i32, i32) {
    %jit3A = arith.constant 10 : i32
    %eq3A = arith.constant 0 : i32
    %eq3A_0 = arith.cmpi eq, %jit3A, %eq3A : i32
    %jit3A_1 = arith.constant 1 : i32
    %select_n3A = arith.select %eq3A_0, %jit3A_1, %jit3A : i32
    %rem3A = arith.remsi %arg0, %select_n3A : i32
    %ne3A = arith.constant 0 : i32
    %ne3A_2 = arith.cmpi ne, %rem3A, %ne3A : i32
    %lt3A = arith.constant 0 : i32
    %lt3A_3 = arith.cmpi slt, %rem3A, %lt3A : i32
    %lt3A_4 = arith.constant 0 : i32
    %lt3A_5 = arith.cmpi slt, %select_n3A, %lt3A_4 : i32
    %ne3A_6 = arith.xori %lt3A_3, %lt3A_5 : i1
    %and3A = arith.andi %ne3A_6, %ne3A_2 : i1
    %add3A = arith.addi %rem3A, %select_n3A : i32
    %select_n3A_7 = arith.select %and3A, %add3A, %rem3A : i32
    %c0_i32 = arith.constant 0 : i32
    %c0_i32_8 = arith.constant 0 : i32
    return %select_n3A_7, %c0_i32 : i32, i32
  }
  func.func @transform_1(%arg0: i32) -> (i32, i32) {
    %c0_i32 = arith.constant 0 : i32
    %c0_i32_0 = arith.constant 0 : i32
    %c0_i32_1 = arith.constant 0 : i32
    return %c0_i32, %c0_i32_0 : i32, i32
  }
  func.func @transform_2(%arg0: i32) -> (i32, i32) {
    %c0_i32 = arith.constant 0 : i32
    %c0_i32_0 = arith.constant 0 : i32
    %c0_i32_1 = arith.constant 0 : i32
    return %c0_i32, %c0_i32_0 : i32, i32
  }
  func.func @transform_3(%arg0: i32) -> (i32, i32) {
    %c0_i32 = arith.constant 0 : i32
    %c0_i32_0 = arith.constant 0 : i32
    %c0_i32_1 = arith.constant 0 : i32
    return %c0_i32, %c0_i32_0 : i32, i32
  }
  func.func @transform_4(%arg0: i32) -> (i32, i32, i32) {
    %c0_i32 = arith.constant 0 : i32
    %c0_i32_0 = arith.constant 0 : i32
    %c0_i32_1 = arith.constant 0 : i32
    return %c0_i32, %arg0, %c0_i32_0 : i32, i32, i32
  }
  func.func @transform_5(%arg0: i32) -> (i32, i32) {
    %jit3A = arith.constant 10 : i32
    %eq3A = arith.constant 0 : i32
    %eq3A_0 = arith.cmpi eq, %jit3A, %eq3A : i32
    %jit3A_1 = arith.constant 1 : i32
    %select_n3A = arith.select %eq3A_0, %jit3A_1, %jit3A : i32
    %rem3A = arith.remsi %arg0, %select_n3A : i32
    %ne3A = arith.constant 0 : i32
    %ne3A_2 = arith.cmpi ne, %rem3A, %ne3A : i32
    %lt3A = arith.constant 0 : i32
    %lt3A_3 = arith.cmpi slt, %rem3A, %lt3A : i32
    %lt3A_4 = arith.constant 0 : i32
    %lt3A_5 = arith.cmpi slt, %select_n3A, %lt3A_4 : i32
    %ne3A_6 = arith.xori %lt3A_3, %lt3A_5 : i1
    %and3A = arith.andi %ne3A_6, %ne3A_2 : i1
    %add3A = arith.addi %rem3A, %select_n3A : i32
    %select_n3A_7 = arith.select %and3A, %add3A, %rem3A : i32
    %c0_i32 = arith.constant 0 : i32
    %c0_i32_8 = arith.constant 0 : i32
    return %select_n3A_7, %c0_i32 : i32, i32
  }
  func.func @transform_6(%arg0: i32) -> (i32, i32) {
    %jit3A = arith.constant 10 : i32
    %eq3A = arith.constant 0 : i32
    %eq3A_0 = arith.cmpi eq, %jit3A, %eq3A : i32
    %jit3A_1 = arith.constant 1 : i32
    %select_n3A = arith.select %eq3A_0, %jit3A_1, %jit3A : i32
    %rem3A = arith.remsi %arg0, %select_n3A : i32
    %ne3A = arith.constant 0 : i32
    %ne3A_2 = arith.cmpi ne, %rem3A, %ne3A : i32
    %lt3A = arith.constant 0 : i32
    %lt3A_3 = arith.cmpi slt, %rem3A, %lt3A : i32
    %lt3A_4 = arith.constant 0 : i32
    %lt3A_5 = arith.cmpi slt, %select_n3A, %lt3A_4 : i32
    %ne3A_6 = arith.xori %lt3A_3, %lt3A_5 : i1
    %and3A = arith.andi %ne3A_6, %ne3A_2 : i1
    %add3A = arith.addi %rem3A, %select_n3A : i32
    %select_n3A_7 = arith.select %and3A, %add3A, %rem3A : i32
    %c0_i32 = arith.constant 0 : i32
    %c0_i32_8 = arith.constant 0 : i32
    return %select_n3A_7, %c0_i32 : i32, i32
  }
}

module attributes {stable_mosaic.version = 14 : i64} {
  func.func @_fin_body(%arg0: i32, %arg1: memref<2x2x1280x64xf32, #tpu.memory_space<vmem>>, %arg2: memref<2x2x1280x16xf32, #tpu.memory_space<vmem>>, %arg3: memref<1280x1xf32, #tpu.memory_space<vmem>>, %arg4: memref<1280x128xf32, #tpu.memory_space<vmem>>) attributes {dimension_semantics = [#tpu.dimension_semantics<arbitrary>], iteration_bounds = array<i64: 8>, scalar_prefetch = 0 : i64, scratch_operands = 0 : i64, tpu.core_type = #tpu.core_type<tc>, window_params = [{transform_indices = @transform_0, window_bounds = array<i64: 2, 2, 1280, 64>}, {transform_indices = @transform_1, window_bounds = array<i64: 2, 2, 1280, 16>}, {transform_indices = @transform_2, window_bounds = array<i64: 1280, 1>}, {transform_indices = @transform_3, window_bounds = array<i64: 1280, 128>}]} {
    %get3A = arith.constant 0 : index
    %get3A_0 = arith.constant 0 : index
    %get3A_1 = vector.load %arg3[%get3A, %get3A_0] : memref<1280x1xf32, #tpu.memory_space<vmem>>, vector<1280x1xf32>
    %exp3A = math.exp %get3A_1 : vector<1280x1xf32>
    %mul3A = arith.constant 2.000000e-01 : f32
    %mul3A_2 = vector.broadcast %mul3A : f32 to vector<1280x1xf32>
    %mul3A_3 = arith.mulf %mul3A_2, %get3A_1 : vector<1280x1xf32>
    %exp3A_4 = math.exp %mul3A_3 : vector<1280x1xf32>
    %get3A_5 = arith.constant 0 : index
    %get3A_6 = arith.constant 0 : index
    %get3A_7 = arith.constant 0 : index
    %get3A_8 = arith.constant 0 : index
    %get3A_9 = vector.load %arg2[%get3A_5, %get3A_6, %get3A_7, %get3A_8] : memref<2x2x1280x16xf32, #tpu.memory_space<vmem>>, vector<1x2x1280x16xf32>
    %get3A_10 = vector.shape_cast %get3A_9 : vector<1x2x1280x16xf32> to vector<2x1280x16xf32>
    %get3A_11 = arith.constant 1 : index
    %get3A_12 = arith.constant 0 : index
    %get3A_13 = arith.constant 0 : index
    %get3A_14 = arith.constant 0 : index
    %get3A_15 = vector.load %arg2[%get3A_11, %get3A_12, %get3A_13, %get3A_14] : memref<2x2x1280x16xf32, #tpu.memory_space<vmem>>, vector<1x2x1280x16xf32>
    %get3A_16 = vector.shape_cast %get3A_15 : vector<1x2x1280x16xf32> to vector<2x1280x16xf32>
    %add3A = arith.addf %get3A_10, %get3A_16 : vector<2x1280x16xf32>
    %slice3A = vector.extract_strided_slice %add3A {offsets = [0, 0, 0], sizes = [1, 1280, 16], strides = [1, 1, 1]} : vector<2x1280x16xf32> to vector<1x1280x16xf32>
    %squeeze3A = vector.shape_cast %slice3A : vector<1x1280x16xf32> to vector<1280x16xf32>
    %reduce_sum3A = arith.constant dense<0.000000e+00> : vector<1280xf32>
    %reduce_sum3A_17 = vector.multi_reduction <add>, %squeeze3A, %reduce_sum3A [1] : vector<1280x16xf32> to vector<1280xf32>
    %slice3A_18 = vector.extract_strided_slice %add3A {offsets = [1, 0, 0], sizes = [1, 1280, 16], strides = [1, 1, 1]} : vector<2x1280x16xf32> to vector<1x1280x16xf32>
    %squeeze3A_19 = vector.shape_cast %slice3A_18 : vector<1x1280x16xf32> to vector<1280x16xf32>
    %reduce_sum3A_20 = arith.constant dense<0.000000e+00> : vector<1280xf32>
    %reduce_sum3A_21 = vector.multi_reduction <add>, %squeeze3A_19, %reduce_sum3A_20 [1] : vector<1280x16xf32> to vector<1280xf32>
    %squeeze3A_22 = vector.shape_cast %exp3A : vector<1280x1xf32> to vector<1280xf32>
    %mul3A_23 = arith.mulf %squeeze3A_22, %reduce_sum3A_17 : vector<1280xf32>
    %squeeze3A_24 = vector.shape_cast %exp3A_4 : vector<1280x1xf32> to vector<1280xf32>
    %mul3A_25 = arith.mulf %squeeze3A_24, %reduce_sum3A_21 : vector<1280xf32>
    %add3A_26 = arith.addf %mul3A_23, %mul3A_25 : vector<1280xf32>
    %add3A_27 = arith.constant 9.99999971E-10 : f32
    %add3A_28 = vector.broadcast %add3A_27 : f32 to vector<1280xf32>
    %add3A_29 = arith.addf %add3A_26, %add3A_28 : vector<1280xf32>
    %div3A = arith.constant 1.000000e+00 : f32
    %div3A_30 = vector.broadcast %div3A : f32 to vector<1280xf32>
    %div3A_31 = arith.divf %div3A_30, %add3A_29 : vector<1280xf32>
    %get3A_32 = arith.constant 0 : index
    %get3A_33 = arith.constant 0 : index
    %get3A_34 = arith.constant 0 : index
    %get3A_35 = arith.constant 0 : index
    %get3A_36 = vector.load %arg1[%get3A_32, %get3A_33, %get3A_34, %get3A_35] : memref<2x2x1280x64xf32, #tpu.memory_space<vmem>>, vector<2x2x1280x64xf32>
    %slice3A_37 = vector.extract_strided_slice %get3A_36 {offsets = [0, 0, 0, 0], sizes = [1, 1, 1280, 64], strides = [1, 1, 1, 1]} : vector<2x2x1280x64xf32> to vector<1x1x1280x64xf32>
    %squeeze3A_38 = vector.shape_cast %slice3A_37 : vector<1x1x1280x64xf32> to vector<1280x64xf32>
    %mul3A_39 = vector.broadcast %exp3A : vector<1280x1xf32> to vector<1280x64xf32>
    %mul3A_40 = arith.mulf %mul3A_39, %squeeze3A_38 : vector<1280x64xf32>
    %slice3A_41 = vector.extract_strided_slice %get3A_36 {offsets = [0, 1, 0, 0], sizes = [1, 1, 1280, 64], strides = [1, 1, 1, 1]} : vector<2x2x1280x64xf32> to vector<1x1x1280x64xf32>
    %squeeze3A_42 = vector.shape_cast %slice3A_41 : vector<1x1x1280x64xf32> to vector<1280x64xf32>
    %mul3A_43 = vector.broadcast %exp3A_4 : vector<1280x1xf32> to vector<1280x64xf32>
    %mul3A_44 = arith.mulf %mul3A_43, %squeeze3A_42 : vector<1280x64xf32>
    %add3A_45 = arith.addf %mul3A_40, %mul3A_44 : vector<1280x64xf32>
    %slice3A_46 = vector.extract_strided_slice %get3A_36 {offsets = [1, 0, 0, 0], sizes = [1, 1, 1280, 64], strides = [1, 1, 1, 1]} : vector<2x2x1280x64xf32> to vector<1x1x1280x64xf32>
    %squeeze3A_47 = vector.shape_cast %slice3A_46 : vector<1x1x1280x64xf32> to vector<1280x64xf32>
    %mul3A_48 = vector.broadcast %exp3A : vector<1280x1xf32> to vector<1280x64xf32>
    %mul3A_49 = arith.mulf %mul3A_48, %squeeze3A_47 : vector<1280x64xf32>
    %slice3A_50 = vector.extract_strided_slice %get3A_36 {offsets = [1, 1, 0, 0], sizes = [1, 1, 1280, 64], strides = [1, 1, 1, 1]} : vector<2x2x1280x64xf32> to vector<1x1x1280x64xf32>
    %squeeze3A_51 = vector.shape_cast %slice3A_50 : vector<1x1x1280x64xf32> to vector<1280x64xf32>
    %mul3A_52 = vector.broadcast %exp3A_4 : vector<1280x1xf32> to vector<1280x64xf32>
    %mul3A_53 = arith.mulf %mul3A_52, %squeeze3A_51 : vector<1280x64xf32>
    %add3A_54 = arith.addf %mul3A_49, %mul3A_53 : vector<1280x64xf32>
    %broadcast_in_dim3A = vector.shape_cast %div3A_31 : vector<1280xf32> to vector<1280x1xf32>
    %mul3A_55 = vector.broadcast %broadcast_in_dim3A : vector<1280x1xf32> to vector<1280x64xf32>
    %mul3A_56 = arith.mulf %add3A_45, %mul3A_55 : vector<1280x64xf32>
    %max3A = arith.constant 0.000000e+00 : f32
    %max3A_57 = vector.broadcast %max3A : f32 to vector<1280x64xf32>
    %max3A_58 = arith.maximumf %mul3A_56, %max3A_57 : vector<1280x64xf32>
    %swap3A = arith.constant 0 : index
    %swap3A_59 = arith.constant 0 : index
    %swap3A_60 = vector.load %arg4[%swap3A, %swap3A_59] : memref<1280x128xf32, #tpu.memory_space<vmem>>, vector<1280x64xf32>
    tpu.vector_store %arg4[%swap3A, %swap3A_59], %max3A_58 {strides = array<i32>} : memref<1280x128xf32, #tpu.memory_space<vmem>>, vector<1280x64xf32>,
    %broadcast_in_dim3A_61 = vector.shape_cast %div3A_31 : vector<1280xf32> to vector<1280x1xf32>
    %mul3A_62 = vector.broadcast %broadcast_in_dim3A_61 : vector<1280x1xf32> to vector<1280x64xf32>
    %mul3A_63 = arith.mulf %add3A_54, %mul3A_62 : vector<1280x64xf32>
    %max3A_64 = arith.constant 0.000000e+00 : f32
    %max3A_65 = vector.broadcast %max3A_64 : f32 to vector<1280x64xf32>
    %max3A_66 = arith.maximumf %mul3A_63, %max3A_65 : vector<1280x64xf32>
    %swap3A_67 = arith.constant 0 : index
    %swap3A_68 = arith.constant 64 : index
    %swap3A_69 = vector.load %arg4[%swap3A_67, %swap3A_68] : memref<1280x128xf32, #tpu.memory_space<vmem>>, vector<1280x64xf32>
    tpu.vector_store %arg4[%swap3A_67, %swap3A_68], %max3A_66 {strides = array<i32>} : memref<1280x128xf32, #tpu.memory_space<vmem>>, vector<1280x64xf32>,
    return
  }
  func.func @transform_0(%arg0: i32) -> (i32, i32, i32, i32) {
    %c0_i32 = arith.constant 0 : i32
    %c0_i32_0 = arith.constant 0 : i32
    %c0_i32_1 = arith.constant 0 : i32
    %c0_i32_2 = arith.constant 0 : i32
    return %c0_i32, %c0_i32_0, %arg0, %c0_i32_1 : i32, i32, i32, i32
  }
  func.func @transform_1(%arg0: i32) -> (i32, i32, i32, i32) {
    %c0_i32 = arith.constant 0 : i32
    %c0_i32_0 = arith.constant 0 : i32
    %c0_i32_1 = arith.constant 0 : i32
    %c0_i32_2 = arith.constant 0 : i32
    return %c0_i32, %c0_i32_0, %arg0, %c0_i32_1 : i32, i32, i32, i32
  }
  func.func @transform_2(%arg0: i32) -> (i32, i32) {
    %c0_i32 = arith.constant 0 : i32
    %c0_i32_0 = arith.constant 0 : i32
    return %arg0, %c0_i32 : i32, i32
  }
  func.func @transform_3(%arg0: i32) -> (i32, i32) {
    %c0_i32 = arith.constant 0 : i32
    %c0_i32_0 = arith.constant 0 : i32
    return %arg0, %c0_i32 : i32, i32
  }
}

</mosaic_0001>

<sc_bundles>
// kernel: kernel.6.cloned.1.call-start
scs
__scs_entry_jumppad:
0x0: {  	(pc) =	sbr.rel $0x88, $3  }
0x1: {  	(tag) =	ssettag $0x0;
	lr =	simm.s32 $0x1  }
0x2: {  	[smem:$0x3F9C] =	sst lr;
	_ =	strace $0xD0000000  }
0x3: {  	_ = 	snop  }
0x4: {  	_ = 	snop  }
0x5: {  	_ = 	snop  }
0x6: {  	_ = 	snop  }
0x7: {  	_ = 	snop  }
__scs_overlays_trampoline_lowered:
0x8: {  	[smem:$0x3FAB] =	sst s0  }
0x9: {  	[smem:$0x3FAC] =	sst s1  }
0xa: {  	[smem:$0x3FAD] =	sst s2  }
0xb: {  	[smem:$0x3FAE] =	sst s3  }
0xc: {  	[smem:$0x3FAF] =	sst s4  }
0xd: {  	[smem:$0x3FB0] =	sst s5  }
0xe: {  	[smem:$0x3FB1] =	sst s6  }
0xf: {  	[smem:$0x3FB2] =	sst s7  }
0x10: {  	[smem:$0x3FB3] =	sst s8  }
0x11: {  	[smem:$0x3FB4] =	sst s9;
	s0 =	simm.s32 @!p0 $0x0  }
0x12: {  	s1 =	sld [smem:$0x3F9A];
	s0 =	simm.s32 @p0 $0x1  }
0x13: {  	[smem:$0x3FB5] =	sst s0;
	s0 =	simm.s32 @!p1 $0x0  }
0x14: {  	s2 =	sld [smem:$0x3F99];
	s0 =	simm.s32 @p1 $0x1  }
0x15: {  	[smem:$0x3FB6] =	sst s0;
	s0 =	simm.s32 @!p2 $0x0  }
0x16: {  	s3 =	sld [smem:$0x3FDB];
	s0 =	simm.s32 @p2 $0x1  }
0x17: {  	s4 =	simm.s32 $0x1BF5;
	[smem:$0x3FB8] =	sst s0  }
0x18: {  	s0 =	sld [smem:$0x3F9B];
	_ =	swait.ge [sflag:s4], $0x0  }
0x19: {  	s7 =	sld [smem:$0x3F9C]  }
0x1a: {  	s8 =	sadd.s32 $0xFFFFE003, lr  }
0x1b: {  	s9 =	sadd.s32 $0xFFFFFEF7, lr;
	s5 =	simm.s32 $0xFFFFFFFF;
	p2 =	slt.u32 s8, $0xFFFFF086  }
0x1c: {  	p1 =	slt.u32 s9, $0xF7A;
	s5 =	simm.s32 @!p2 $0x0  }
0x1d: {  	s5 =	simm.s32 @p1 $0x1;
	p0 =	seq.s32 s7, s2  }
0x1e: {  	s7 =	smul.u32 @!p0 $0xF7A, s2;
	p2 =	seq.s32 @!p0 s5, $0x0  }
0x1f: {  	s9 =	smul.u32 $0xF7A, s1;
	s8 =	simm.s32 @!p0 $0x1BF5;
	p2 =	por !p2, p0  }
0x20: {  	[sflag:s8] =	ssyncset.s32 @!p0 $0xFFFFF086;
	s6 =	sadd.s32 @!p0 s3, s7;
	s7 =	simm.s32 @!p0 $0x108  }
0x21: {  	s3 =	sadd.s32 s3, s9;
	s6 =	sadd.s32 @!p0 $0x88, s6;
	s7 =	simm.s32 @p2 $0x1082  }
0x22: {  	[simem:s7], [sflag:s8] =	dma.local @!p0 [hbm:s6], $0xF7A  }
0x23: {  	s9 =	sor.u32 $0xD0000000, s2;
	s6 =	simm.s32 $0x108;
	_ =	swait.ge @!p0 [sflag:s8], $0x0  }
0x24: {  	s3 =	sadd.s32 $0x88, s3;
	s6 =	simm.s32 @!p1 $0x1082;
	[sflag:s4] =	ssyncset.s32 $0xFFFFF086  }
0x25: {  	[simem:s6], [sflag:s4] =	dma.local [hbm:s3], $0xF7A  }
0x26: {  	[smem:$0x3F9C] =	sst s1;
	(tag) =	ssettag s2;
	_ =	strace s9  }
0x27: {  	s1 =	sld [smem:$0x3FAC]  }
0x28: {  	s2 =	sld [smem:$0x3FAD]  }
0x29: {  	s4 =	sld [smem:$0x3FAF]  }
0x2a: {  	p0 =	seq.s32 s5, $0x0;
	s5 =	sld [smem:$0x3FB0]  }
0x2b: {  	s6 =	sld [smem:$0x3FB1]  }
0x2c: {  	s7 =	sld [smem:$0x3FB2]  }
0x2d: {  	s3 =	simm.s32 $0x108;
	s8 =	sld [smem:$0x3FB3]  }
0x2e: {  	s3 =	simm.s32 @!p0 $0x1082;
	s9 =	sld [smem:$0x3FB4]  }
0x2f: {  	lr =	sadd.s32 s0, s3;
	s0 =	sld [smem:$0x3FAB]  }
0x30: {  	s3 =	sld [smem:$0x3FAE]  }
0x31: {  	[smem:$0x3FB7] =	sst s10  }
0x32: {  	s10 =	sld [smem:$0x3FB5];
	_ =	sdelay $0x3  }
0x33: {  	p0 =	seq.s32 s10, $0x1;
	s10 =	sld [smem:$0x3FB7];
	_ =	sdelay $0x3  }
0x34: {  	[smem:$0x3FB7] =	sst s10  }
0x35: {  	s10 =	sld [smem:$0x3FB6];
	_ =	sdelay $0x3  }
0x36: {  	p1 =	seq.s32 s10, $0x1;
	s10 =	sld [smem:$0x3FB7];
	_ =	sdelay $0x3  }
0x37: {  	[smem:$0x3FB7] =	sst s10  }
0x38: {  	s10 =	sld [smem:$0x3FB8]  }
0x39: {  	_ = 	snop;
	(pc) =	sbr.ind lr, $3  }
0x3a: {  	_ = 	snop  }
0x3b: {  	_ = 	snop  }
0x3c: {  	p2 =	seq.s32 s10, $0x1;
	s10 =	sld [smem:$0x3FB7]  }
0x3d: {  	_ =	shalt  }
0x3e: {  	_ =	shalt  }
0x3f: {  	_ =	shalt  }
0x40: {  	_ =	shalt  }
0x41: {  	_ =	shalt  }
0x42: {  	_ =	shalt  }
0x43: {  	_ =	shalt  }
0x44: {  	_ =	shalt  }
0x45: {  	_ =	shalt  }
0x46: {  	_ =	shalt  }
0x47: {  	_ =	shalt  }
0x48: {  	_ =	shalt  }
0x49: {  	_ =	shalt  }
0x4a: {  	_ =	shalt  }
0x4b: {  	_ =	shalt  }
0x4c: {  	_ =	shalt  }
0x4d: {  	_ =	shalt  }
0x4e: {  	_ =	shalt  }
0x4f: {  	_ =	shalt  }
0x50: {  	_ =	shalt  }
0x51: {  	_ =	shalt  }
0x52: {  	_ =	shalt  }
0x53: {  	_ =	shalt  }
0x54: {  	_ =	shalt  }
0x55: {  	_ =	shalt  }
0x56: {  	_ =	shalt  }
0x57: {  	_ =	shalt  }
0x58: {  	_ =	shalt  }
0x59: {  	_ =	shalt  }
0x5a: {  	_ =	shalt  }
0x5b: {  	_ =	shalt  }
0x5c: {  	_ =	shalt  }
0x5d: {  	_ =	shalt  }
0x5e: {  	_ =	shalt  }
0x5f: {  	_ =	shalt  }
0x60: {  	_ =	shalt  }
0x61: {  	_ =	shalt  }
0x62: {  	_ =	shalt  }
0x63: {  	_ =	shalt  }
0x64: {  	_ =	shalt  }
0x65: {  	_ =	shalt  }
0x66: {  	_ =	shalt  }
0x67: {  	_ =	shalt  }
0x68: {  	_ =	shalt  }
0x69: {  	_ =	shalt  }
0x6a: {  	_ =	shalt  }
0x6b: {  	_ =	shalt  }
0x6c: {  	_ =	shalt  }
0x6d: {  	_ =	shalt  }
0x6e: {  	_ =	shalt  }
0x6f: {  	_ =	shalt  }
0x70: {  	_ =	shalt  }
0x71: {  	_ =	shalt  }
0x72: {  	_ =	shalt  }
0x73: {  	_ =	shalt  }
0x74: {  	_ =	shalt  }
0x75: {  	_ =	shalt  }
0x76: {  	_ =	shalt  }
0x77: {  	_ =	shalt  }
0x78: {  	_ =	shalt  }
0x79: {  	_ =	shalt  }
0x7a: {  	_ =	shalt  }
0x7b: {  	_ =	shalt  }
0x7c: {  	_ =	shalt  }
0x7d: {  	_ =	shalt  }
0x7e: {  	_ =	shalt  }
0x7f: {  	_ =	shalt  }
0x80: {  	_ =	shalt  }
0x81: {  	_ =	shalt  }
0x82: {  	_ =	shalt  }
0x83: {  	_ =	shalt  }
0x84: {  	_ =	shalt  }
0x85: {  	_ =	shalt  }
0x86: {  	_ =	shalt  }
0x87: {  	_ =	shalt  }
.Lfunc_end0:
.L_simem_size_0:
called_computation_lowered:
.L_overlay_start_0:
0x88: {  	s2 =	sld [smem:$0x3FD9]  }
0x89: {  	s3 =	sld [smem:$0x3FFE];
	_ =	sdelay $0x1  }
0x8a: {  	s1 =	srdreg.scid  }
0x8b: {  	s0 =	sand.u32 $0x1, s1  }
0x8c: {  	s17 =	sshll.u32 s0, $0xA;
	s2 =	sadd.s32 s3, s2  }
0x8d: {  	s2 =	sadd.s32 s2, s17  }
0x8e: {  	[smem:$0x3FC3] =	sst s2  }
0x8f: {  	_ = 	snop  }
0x90: {  	s2 =	sld [smem:$0x3FD0];
	(tm) =	ssettm $0x1  }
0x91: {  	s18 =	sld [smem:$0x3FFB];
	_ =	sdelay $0x3  }
0x92: {  	_ =	strace s18  }
0x93: {  	s3 =	sld [smem:$0x3FFC];
	_ =	sdelay $0x3  }
0x94: {  	_ =	strace s3  }
0x95: {  	s3 =	sld [smem:$0x3FFD];
	_ =	sdelay $0x3  }
0x96: {  	_ =	strace s3  }
0x97: {  	_ =	strace $0x8FFFFFFF  }
0x98: {  	s19 =	sld [smem:$0x3FDB];
	_ =	sdelay $0x1  }
0x99: {  	s4 =	simm.s32 $_scs_section_size  }
0x9a: {  	s5 =	simm.s32 $_size__tile_overlayer_lowered;
	s6 =	simm.s32 $_tile_overlayer_lowered  }
0x9b: {  	s22 =	simm.s32 $0x1BFF;
	s21 =	sshll.u32 s6, $0x1;
	s3 =	sadd.s32 s4, s19  }
0x9c: {  	s7 =	simm.s32 $0x0;
	s20 =	sshll.u32 s5, $0x1;
	s5 =	sadd.s32 s21, s3  }
0x9d: {  	[timem:s7], [sflag:s22] =	dma.local [hbm:s5], s20  }
0x9e: {  	_ =	swait.ge [sflag:s22], s20  }
0x9f: {  	s4 =	ssub.s32 $0x0, s20;
	[sflag:s22] =	ssyncset.done $0x0  }
0xa0: {  	[sflag:s22] =	ssyncadd.s32 s4;
	_ =	sdelay $0x1  }
0xa1: {  	s23 =	simm.s32 $0x1B8B  }
0xa2: {  	_ =	swait.ge [sflag:s23], $0x1  }
0xa3: {  	[sflag:s23] =	ssyncset.done $0x0  }
0xa4: {  	s25 =	simm.s32 $0x1B8E;
	s24 =	sld [smem:$0x3FFE];
	[sflag:s23] =	ssyncadd.s32 $0xFFFFFFFF  }
0xa5: {  	s26 =	simm.s32 $execute0_lowered;
	[smem:$0x3FD2] =	sst s25  }
0xa6: {  	s5 =	sshll.u32 s26, $0x1;
	_ =	strace $0x80000046;
	[dreg:$0x1] =	wrdreg $0xFFFFFFFF  }
0xa7: {  	s28 =	simm.s32 $_size_execute0_lowered;
	s3 =	sadd.s32 s3, s5;
	[dreg:$0x0] =	wrdreg $0x0  }
0xa8: {  	s5 =	sshll.u32 s28, $0x1;
	[dreg:$0x2] =	wrdreg s3  }
0xa9: {  	[dreg:$0x3] =	wrdreg s5  }
0xaa: {  	[dreg:$0x4] =	wrdreg $0xC0  }
0xab: {  	_ =	task [dreg:s7], $0x5FFFF  }
0xac: {  	[dreg:$0x1] =	wrdreg $0xFFFFFFFF  }
0xad: {  	[dreg:$0x0] =	wrdreg $0x60  }
0xae: {  	[dreg:$0x2] =	wrdreg s24  }
0xaf: {  	[dreg:$0x3] =	wrdreg s2  }
0xb0: {  	[dreg:$0x4] =	wrdreg $0xB0400  }
0xb1: {  	[dreg:$0x5] =	wrdreg $0x9  }
0xb2: {  	_ =	task.clear_ibuf [dreg:s7], $0x6FFFF;
	_ =	strace $0x90000046  }
0xb3: {  	s29 =	simm.s32 $0x9;
	_ =	strace $0x80000048  }
0xb4: {  	_ =	swait.ge [sflag:s29], $0x1  }
0xb5: {  	[sflag:s29] =	ssyncadd.s32 $0xFFFFFFFF  }
0xb6: {  	_ =	strace $0x90000048  }
0xb7: {  	_ =	sfence  }
0xb8: {  	s30 =	sld [smem:$0x0];
	_ =	sdelay $0x2  }
0xb9: {  	s31 =	sshll.u32 s1, $0xD;
	s1 =	sshrl.u32 s1, $0x2  }
0xba: {  	s3 =	sand.u32 $0x4000, s31;
	s1 =	sadd.s32 s1, s30  }
0xbb: {  	s0 =	sor.u32 s3, s0;
	s1 =	sshll.u32 s1, $0x11  }
0xbc: {  	s0 =	sor.u32 s1, s0  }
0xbd: {  	s0 =	sadd.s32 $0x8F2B, s0  }
0xbe: {  	[sflag:s0] =	ssyncadd.remote.s32 $0x1  }
0xbf: {  	_ =	sfence.sel $0xFFFF  }
0xc0: {  	[dreg:$0x0] =	wrdreg $0xFFFFFFFF;
	(pc) =	sbr.abs _section_cstart, $3  }
0xc1: {  	[dreg:$0x1] =	wrdreg $0xFFFFFFFF  }
0xc2: {  	_ =	task.clear_ibuf [dreg:s7], $0x2FFFF;
	_ =	strace $0x9FFFFFFF  }
0xc3: {  	(tm) =	ssettm $0x7FFFFFFF  }
tec
execute0_lowered:
.L_overlay_start_1:
0x0: {  	(tag) =	ssettag $0x1  }
0x1: {  	s0 =	rddreg [dreg:$0x0]  }
0x2: {  	s1 =	srdreg.scid;
	s4 =	rddreg [dreg:$0x1]  }
0x3: {  	s2 =	rddreg [dreg:$0x2];
	s8 =	stileid.u32  }
0x4: {  	s3 =	simm.s32 $0x0;
	s29 =	simm.s32 $0x2710;
	s30 =	simm.s32 $0x4E20  }
0x5: {  	s31 =	simm.s32 $0x7530;
	s10 =	simm.s32 $0x2;
	s13 =	smul.u32 $0x14000, s8  }
0x6: {  	s11 =	simm.s32 $0x3;
	[smem:$0x7FF] =	sst s3;
	s6 =	sadd.s32 $0xB0E00, s0  }
0x7: {  	_ =	strace $0x80000047;
	[dreg:$0x4] =	wrdreg s6;
	s6 =	sshrl.u32 s13, $0x2  }
0x8: {  	s12 =	simm.s32 $0x4;
	s7 =	sadd.s32 $0xB0800, s0;
	s6 =	sadd.s32 s6, s2  }
0x9: {  	s1 =	sand.u32 $0x1, s1;
	[dreg:$0x5] =	wrdreg s7;
	s9 =	sadd.s32 $0x500, s6  }
0xa: {  	s5 =	sshll.u32 s1, $0x4;
	s17 =	sadd.s32 $0xA00, s6;
	[dreg:$0x7] =	wrdreg s9  }
0xb: {  	s14 =	ssub.s32 $0x2, s1;
	s18 =	sadd.s32 $0xF00, s6;
	[dreg:$0x8] =	wrdreg s17  }
0xc: {  	s1 =	smul.u32 $0x50000, s1;
	s19 =	sadd.s32 $0x1400, s6;
	[dreg:$0x9] =	wrdreg s18  }
0xd: {  	s5 =	sor.u32 s8, s5;
	s20 =	sadd.s32 $0x1900, s6;
	[dreg:$0xa] =	wrdreg s19  }
0xe: {  	s15 =	sshrl.u32 s14, $0x1;
	s21 =	sadd.s32 $0x1E00, s6;
	[dreg:$0xb] =	wrdreg s20  }
0xf: {  	s8 =	smul.u32 $0x5000, s8;
	s22 =	sadd.s32 $0x2300, s6;
	[dreg:$0xc] =	wrdreg s21  }
0x10: {  	s13 =	simm.s32 $0x5;
	s23 =	sadd.s32 $0x2800, s6;
	[dreg:$0xd] =	wrdreg s22  }
0x11: {  	s5 =	smul.u32 $0x2710, s5;
	s24 =	sadd.s32 $0x2D00, s6;
	[dreg:$0xe] =	wrdreg s23  }
0x12: {  	s7 =	sadd.s32 s8, s2;
	s25 =	sadd.s32 $0x3200, s6;
	[dreg:$0xf] =	wrdreg s24  }
0x13: {  	s1 =	sadd.s32 s8, s1;
	s26 =	sadd.s32 $0x3700, s6;
	[dreg:$0x10] =	wrdreg s25  }
0x14: {  	s8 =	simm.s32 $0xA640;
	s5 =	sshrl.u32 s5, $0x3;
	[dreg:$0x11] =	wrdreg s26  }
0x15: {  	s1 =	sshrl.u32 s1, $0x3;
	s19 =	sadd.s32 $0x3C00, s6;
	s20 =	sadd.s32 $0x4100, s6  }
0x16: {  	s22 =	sadd.s32 $0x4600, s6;
	s23 =	sadd.s32 $0x4B00, s6;
	s6 =	simm.s32 $0xA140  }
0x17: {  	v0 =	vlaneseq.u32;
	s9 =	simm.s32 $0xAB40;
	s0 =	sadd.s32 s5, s0;
	s5 =	ssub.s32 s14, s15  }
0x18: {  	v0 =	vmul.u32 $0x10, v0;
	s21 =	sadd.s32 s4, s1;
	s1 =	simm.s32 $0x6;
	s4 =	simm.s32 $0x1  }
0x19: {  	s14 =	simm.s32 $0x0;
	s16 =	sadd.s32 $0xA00, s0;
	s24 =	sadd.s32 $0xA640, s0  }
0x1a: {  	v1 =	vimm.f32 $0.0e+00;
	v2 =	vor.u32 $0x100, v0;
	s25 =	sadd.s32 $0xB1400, s0;
	s26 =	sadd.s32 $0xBB200, s0;
	s28 =	smax.u32 s5, $0x1  }
0x1b: {  	v3 =	vor.u32 $0x200, v0;
	v4 =	vor.u32 $0x300, v0;
	v5 =	vor.u32 $0x400, v0;
	s0 =	simm.s32 $0x9C40;
	s5 =	simm.s32 $0x50;
	[dreg:$0x6] =	wrdreg s16  }
.LBB2_1:
0x1c: {  	s15 =	rddreg [dreg:$0x6]  }
0x1d: {  	[tilespmem:s3], [sflag:$0x1] =	stream.linear.gather [hbm4b:s15+s3], $0x2710, $0x38;
	[tilespmem:$0x10040] =	vst v63  }
0x1e: {  	_ = 	snop  }
0x1f: {  	[tilespmem:s29], [sflag:$0x1] =	stream.linear.gather [hbm4b:s24+s3], $0x2710, $0x38;
	[tilespmem:$0x10040] =	vst v63  }
0x20: {  	s17 =	rddreg [dreg:$0x4]  }
0x21: {  	[tilespmem:s30], [sflag:$0x1] =	stream.linear.gather [hbm4b:s17+s3], $0x2710, $0x38;
	[tilespmem:$0x10040] =	vst v63  }
0x22: {  	s18 =	rddreg [dreg:$0x5];
	s16 =	simm.s32 $0x40;
	s15 =	simm.s32 $0x0  }
0x23: {  	[tilespmem:s31], [sflag:$0x1] =	stream.linear.gather [hbm4b:s18+s3], $0x2710, $0x38;
	[tilespmem:$0x10040] =	vst v63  }
.LBB2_2:
0x24: {  	p0 =	sne.s32 s16, $0x13C0;
	[tilespmem:s15+$0xAB40] =	vst v1;
	s17 =	smov.u32 s16;
	s16 =	sadd.s32 $0x40, s16  }
.Ltmp0:
0x25: {  	[tilespmem:s15+$0xA640] =	vst v1;
	(pc) =	sbr.rel @p0 .LBB2_2-.Ltmp0, $3  }
0x26: {  	[tilespmem:s15+$0x9C40] =	vst v1  }
0x27: {  	[tilespmem:s15+$0xA140] =	vst v1;
	_ =	sdelay $0x1  }
0x28: {  	s15 =	sshra.s32 s17, $0x2  }
0x29: {  	[tilespmem:s15+$0xAB40] =	vst v1  }
0x2a: {  	[tilespmem:s15+$0xA640] =	vst v1  }
0x2b: {  	[tilespmem:s15+$0x9C40] =	vst v1  }
0x2c: {  	[tilespmem:s15+$0xA140] =	vst v1  }
0x2d: {  	[spmem:s7] =	stream.linear.scatter [tilespmem:s0], [sflag:$0x6], $0x500, $0x38;
	[tilespmem:$0x10040] =	vst v63  }
0x2e: {  	_ =	swait.ge [sflag:s1], $0x500  }
0x2f: {  	[sflag:s1] =	ssyncset.done $0x0  }
0x30: {  	s17 =	rddreg [dreg:$0x7];
	[sflag:s1] =	ssyncadd.s32 $0xFFFFFB00  }
0x31: {  	[spmem:s17] =	stream.linear.scatter [tilespmem:s0], [sflag:$0x6], $0x500, $0x38;
	[tilespmem:$0x10040] =	vst v63  }
0x32: {  	_ =	swait.ge [sflag:s1], $0x500  }
0x33: {  	[sflag:s1] =	ssyncset.done $0x0  }
0x34: {  	s18 =	rddreg [dreg:$0x8];
	[sflag:s1] =	ssyncadd.s32 $0xFFFFFB00  }
0x35: {  	[spmem:s18] =	stream.linear.scatter [tilespmem:s0], [sflag:$0x6], $0x500, $0x38;
	[tilespmem:$0x10040] =	vst v63  }
0x36: {  	_ =	swait.ge [sflag:s1], $0x500  }
0x37: {  	[sflag:s1] =	ssyncset.done $0x0  }
0x38: {  	s16 =	rddreg [dreg:$0x9];
	[sflag:s1] =	ssyncadd.s32 $0xFFFFFB00  }
0x39: {  	[spmem:s16] =	stream.linear.scatter [tilespmem:s0], [sflag:$0x6], $0x500, $0x38;
	[tilespmem:$0x10040] =	vst v63  }
0x3a: {  	_ =	swait.ge [sflag:s1], $0x500  }
0x3b: {  	[sflag:s1] =	ssyncset.done $0x0  }
0x3c: {  	s17 =	rddreg [dreg:$0xa];
	[sflag:s1] =	ssyncadd.s32 $0xFFFFFB00  }
0x3d: {  	[spmem:s17] =	stream.linear.scatter [tilespmem:s0], [sflag:$0x6], $0x500, $0x38;
	[tilespmem:$0x10040] =	vst v63  }
0x3e: {  	_ =	swait.ge [sflag:s1], $0x500  }
0x3f: {  	[sflag:s1] =	ssyncset.done $0x0  }
0x40: {  	s18 =	rddreg [dreg:$0xb];
	[sflag:s1] =	ssyncadd.s32 $0xFFFFFB00  }
0x41: {  	[spmem:s18] =	stream.linear.scatter [tilespmem:s0], [sflag:$0x6], $0x500, $0x38;
	[tilespmem:$0x10040] =	vst v63  }
0x42: {  	_ =	swait.ge [sflag:s1], $0x500  }
0x43: {  	[sflag:s1] =	ssyncset.done $0x0  }
0x44: {  	s16 =	rddreg [dreg:$0xc];
	[sflag:s1] =	ssyncadd.s32 $0xFFFFFB00  }
0x45: {  	[spmem:s16] =	stream.linear.scatter [tilespmem:s0], [sflag:$0x6], $0x500, $0x38;
	[tilespmem:$0x10040] =	vst v63  }
0x46: {  	_ =	swait.ge [sflag:s1], $0x500  }
0x47: {  	[sflag:s1] =	ssyncset.done $0x0  }
0x48: {  	s17 =	rddreg [dreg:$0xd];
	[sflag:s1] =	ssyncadd.s32 $0xFFFFFB00  }
0x49: {  	[spmem:s17] =	stream.linear.scatter [tilespmem:s0], [sflag:$0x6], $0x500, $0x38;
	[tilespmem:$0x10040] =	vst v63  }
0x4a: {  	_ =	swait.ge [sflag:s1], $0x500  }
0x4b: {  	[sflag:s1] =	ssyncset.done $0x0  }
0x4c: {  	s18 =	rddreg [dreg:$0xe];
	[sflag:s1] =	ssyncadd.s32 $0xFFFFFB00  }
0x4d: {  	[spmem:s18] =	stream.linear.scatter [tilespmem:s0], [sflag:$0x6], $0x500, $0x38;
	[tilespmem:$0x10040] =	vst v63  }
0x4e: {  	_ =	swait.ge [sflag:s1], $0x500  }
0x4f: {  	[sflag:s1] =	ssyncset.done $0x0  }
0x50: {  	s16 =	rddreg [dreg:$0xf];
	[sflag:s1] =	ssyncadd.s32 $0xFFFFFB00  }
0x51: {  	[spmem:s16] =	stream.linear.scatter [tilespmem:s0], [sflag:$0x6], $0x500, $0x38;
	[tilespmem:$0x10040] =	vst v63  }
0x52: {  	_ =	swait.ge [sflag:s1], $0x500  }
0x53: {  	[sflag:s1] =	ssyncset.done $0x0  }
0x54: {  	s17 =	rddreg [dreg:$0x10];
	[sflag:s1] =	ssyncadd.s32 $0xFFFFFB00  }
0x55: {  	[spmem:s17] =	stream.linear.scatter [tilespmem:s0], [sflag:$0x6], $0x500, $0x38;
	[tilespmem:$0x10040] =	vst v63  }
0x56: {  	_ =	swait.ge [sflag:s1], $0x500  }
0x57: {  	[sflag:s1] =	ssyncset.done $0x0  }
0x58: {  	s18 =	rddreg [dreg:$0x11];
	[sflag:s1] =	ssyncadd.s32 $0xFFFFFB00  }
0x59: {  	[spmem:s18] =	stream.linear.scatter [tilespmem:s0], [sflag:$0x6], $0x500, $0x38;
	[tilespmem:$0x10040] =	vst v63  }
0x5a: {  	_ =	swait.ge [sflag:s1], $0x500  }
0x5b: {  	[sflag:s1] =	ssyncset.done $0x0  }
0x5c: {  	[sflag:s1] =	ssyncadd.s32 $0xFFFFFB00  }
0x5d: {  	[spmem:s19] =	stream.linear.scatter [tilespmem:s0], [sflag:$0x6], $0x500, $0x38;
	[tilespmem:$0x10040] =	vst v63  }
0x5e: {  	_ =	swait.ge [sflag:s1], $0x500  }
0x5f: {  	[sflag:s1] =	ssyncset.done $0x0  }
0x60: {  	[sflag:s1] =	ssyncadd.s32 $0xFFFFFB00  }
0x61: {  	[spmem:s20] =	stream.linear.scatter [tilespmem:s0], [sflag:$0x6], $0x500, $0x38;
	[tilespmem:$0x10040] =	vst v63  }
0x62: {  	_ =	swait.ge [sflag:s1], $0x500  }
0x63: {  	[sflag:s1] =	ssyncset.done $0x0  }
0x64: {  	[sflag:s1] =	ssyncadd.s32 $0xFFFFFB00  }
0x65: {  	[spmem:s22] =	stream.linear.scatter [tilespmem:s0], [sflag:$0x6], $0x500, $0x38;
	[tilespmem:$0x10040] =	vst v63  }
0x66: {  	_ =	swait.ge [sflag:s1], $0x500  }
0x67: {  	[sflag:s1] =	ssyncset.done $0x0  }
0x68: {  	[sflag:s1] =	ssyncadd.s32 $0xFFFFFB00  }
0x69: {  	[spmem:s23] =	stream.linear.scatter [tilespmem:s0], [sflag:$0x6], $0x500, $0x38;
	[tilespmem:$0x10040] =	vst v63  }
0x6a: {  	_ =	swait.ge [sflag:s1], $0x500  }
0x6b: {  	[sflag:s1] =	ssyncset.done $0x0  }
0x6c: {  	[sflag:s1] =	ssyncadd.s32 $0xFFFFFB00  }
0x6d: {  	_ =	swait.ge [sflag:s4], $0x2710  }
0x6e: {  	[sflag:s4] =	ssyncset.done $0x0  }
0x6f: {  	[sflag:s4] =	ssyncadd.s32 $0xFFFFD8F0  }
0x70: {  	_ =	swait.ge [sflag:s4], $0x2710  }
0x71: {  	[sflag:s4] =	ssyncset.done $0x0  }
0x72: {  	[sflag:s4] =	ssyncadd.s32 $0xFFFFD8F0  }
0x73: {  	_ =	swait.ge [sflag:s4], $0x2710  }
0x74: {  	[sflag:s4] =	ssyncset.done $0x0  }
0x75: {  	[sflag:s4] =	ssyncadd.s32 $0xFFFFD8F0  }
0x76: {  	_ =	swait.ge [sflag:s4], $0x2710  }
0x77: {  	[sflag:s4] =	ssyncset.done $0x0  }
0x78: {  	[sflag:s4] =	ssyncadd.s32 $0xFFFFD8F0  }
0x79: {  	[bflag:$0x0] =	sbarrier.arrive $0xFFFF  }
0x7a: {  	v6 =	vld [tilespmem:$0x0]  }
0x7b: {  	v7 =	vld [tilespmem:$0x2710];
	_ =	sdelay $0x6  }
0x7c: {  	v8 =	vld.idx.msk [tilespmem:v6+s30+$0x0], $0xffff  }
0x7d: {  	v9 =	vld.idx.msk [tilespmem:v7+s31+$0x0], $0xffff;
	_ =	sdelay $0x4  }
0x7e: {  	v8 =	vadd.f32 v9, v8  }
0x7f: {  	v10 =	vmul.f32 $2.000000030e-01, v9  }
0x80: {  	vm0 =	vgt.f32 v8, $0.0e+00  }
0x81: {  	v8 =	vsel vm0, v9, v10  }
0x82: {  	v8 =	vmul.f32 $1.442695020e+00, v8;
	_ =	sdelay $0x1  }
0x83: {  	(erf) = vpow2.f32 v8;
	_ =	sdelay $0x5  }
0x84: {  	v42 =	vadd.s32 $0x2800, v6  }
0x85: {  	v43 =	vadd.s32 $0x2710, v7;
	v6 =	vsel vm0, v6, v42  }
0x86: {  	[tilespmem:$0x0] =	vst v6;
	v6 =	vsel vm0, v7, v43  }
0x87: {  	[tilespmem:$0x2710] =	vst v6;
	v7 =	vpop (erf)  }
0x88: {  	[tilespmem:v0+s0+$0x0] =	vst.idx.msk $0xffff, v7  }
0x89: {  	v6 =	vld [tilespmem:$0x10]  }
0x8a: {  	v7 =	vld [tilespmem:$0x2720];
	_ =	sdelay $0x6  }
0x8b: {  	v44 =	vld.idx.msk [tilespmem:v6+s30+$0x0], $0xffff  }
0x8c: {  	v45 =	vld.idx.msk [tilespmem:v7+s31+$0x0], $0xffff;
	_ =	sdelay $0x4  }
0x8d: {  	v8 =	vadd.f32 v45, v44  }
0x8e: {  	v46 =	vmul.f32 $2.000000030e-01, v45  }
0x8f: {  	vm12 =	vgt.f32 v8, $0.0e+00  }
0x90: {  	v8 =	vsel vm12, v45, v46  }
0x91: {  	v8 =	vmul.f32 $1.442695020e+00, v8;
	_ =	sdelay $0x1  }
0x92: {  	(erf) = vpow2.f32 v8;
	_ =	sdelay $0x5  }
0x93: {  	v47 =	vadd.s32 $0x2800, v6  }
0x94: {  	v48 =	vadd.s32 $0x2710, v7;
	v6 =	vsel vm12, v6, v47  }
0x95: {  	[tilespmem:$0x10] =	vst v6;
	v6 =	vsel vm12, v7, v48  }
0x96: {  	[tilespmem:$0x2720] =	vst v6;
	v7 =	vpop (erf)  }
0x97: {  	[tilespmem:v2+s0+$0x0] =	vst.idx.msk $0xffff, v7  }
0x98: {  	v6 =	vld [tilespmem:$0x20]  }
0x99: {  	v7 =	vld [tilespmem:$0x2730];
	_ =	sdelay $0x6  }
0x9a: {  	v49 =	vld.idx.msk [tilespmem:v6+s30+$0x0], $0xffff  }
0x9b: {  	v50 =	vld.idx.msk [tilespmem:v7+s31+$0x0], $0xffff;
	_ =	sdelay $0x4  }
0x9c: {  	v8 =	vadd.f32 v50, v49  }
0x9d: {  	v51 =	vmul.f32 $2.000000030e-01, v50  }
0x9e: {  	vm13 =	vgt.f32 v8, $0.0e+00  }
0x9f: {  	v8 =	vsel vm13, v50, v51  }
0xa0: {  	v8 =	vmul.f32 $1.442695020e+00, v8;
	_ =	sdelay $0x1  }
0xa1: {  	(erf) = vpow2.f32 v8;
	_ =	sdelay $0x5  }
0xa2: {  	v52 =	vadd.s32 $0x2800, v6  }
0xa3: {  	v53 =	vadd.s32 $0x2710, v7;
	v6 =	vsel vm13, v6, v52  }
0xa4: {  	[tilespmem:$0x20] =	vst v6;
	v6 =	vsel vm13, v7, v53  }
0xa5: {  	[tilespmem:$0x2730] =	vst v6;
	v7 =	vpop (erf)  }
0xa6: {  	[tilespmem:v3+s0+$0x0] =	vst.idx.msk $0xffff, v7  }
0xa7: {  	v6 =	vld [tilespmem:$0x30]  }
0xa8: {  	v7 =	vld [tilespmem:$0x2740];
	_ =	sdelay $0x6  }
0xa9: {  	v54 =	vld.idx.msk [tilespmem:v6+s30+$0x0], $0xffff  }
0xaa: {  	v55 =	vld.idx.msk [tilespmem:v7+s31+$0x0], $0xffff;
	_ =	sdelay $0x4  }
0xab: {  	v8 =	vadd.f32 v55, v54  }
0xac: {  	v56 =	vmul.f32 $2.000000030e-01, v55  }
0xad: {  	vm14 =	vgt.f32 v8, $0.0e+00  }
0xae: {  	v8 =	vsel vm14, v55, v56  }
0xaf: {  	v8 =	vmul.f32 $1.442695020e+00, v8;
	_ =	sdelay $0x1  }
0xb0: {  	(erf) = vpow2.f32 v8;
	_ =	sdelay $0x5  }
0xb1: {  	v57 =	vadd.s32 $0x2800, v6  }
0xb2: {  	v58 =	vadd.s32 $0x2710, v7;
	v6 =	vsel vm14, v6, v57  }
0xb3: {  	[tilespmem:$0x30] =	vst v6;
	v6 =	vsel vm14, v7, v58  }
0xb4: {  	[tilespmem:$0x2740] =	vst v6;
	v7 =	vpop (erf)  }
0xb5: {  	[tilespmem:v4+s0+$0x0] =	vst.idx.msk $0xffff, v7  }
0xb6: {  	v6 =	vld [tilespmem:$0x40]  }
0xb7: {  	v7 =	vld [tilespmem:$0x2750];
	_ =	sdelay $0x6  }
0xb8: {  	v59 =	vld.idx.msk [tilespmem:v6+s30+$0x0], $0xffff  }
0xb9: {  	v60 =	vld.idx.msk [tilespmem:v7+s31+$0x0], $0xffff;
	_ =	sdelay $0x4  }
0xba: {  	v8 =	vadd.f32 v60, v59  }
0xbb: {  	v61 =	vmul.f32 $2.000000030e-01, v60  }
0xbc: {  	vm15 =	vgt.f32 v8, $0.0e+00  }
0xbd: {  	v8 =	vsel vm15, v60, v61  }
0xbe: {  	v8 =	vmul.f32 $1.442695020e+00, v8;
	_ =	sdelay $0x1  }
0xbf: {  	(erf) = vpow2.f32 v8;
	_ =	sdelay $0x5  }
0xc0: {  	v62 =	vadd.s32 $0x2800, v6  }
0xc1: {  	v63 =	vadd.s32 $0x2710, v7;
	v6 =	vsel vm15, v6, v62  }
0xc2: {  	[tilespmem:$0x40] =	vst v6;
	v6 =	vsel vm15, v7, v63  }
0xc3: {  	[tilespmem:$0x2750] =	vst v6;
	v7 =	vpop (erf)  }
0xc4: {  	s15 =	simm.s32 $0x0;
	[tilespmem:v5+s0+$0x0] =	vst.idx.msk $0xffff, v7  }
0xc5: {  	[spmem:s2] =	stream.indirect.scatter.add.f32 [tilespmem:s0], [sflag:$0x6], $0x10, s15, s5, $0xb8;
	[tilespmem:$0x10040] =	vst v63  }
0xc6: {  	_ =	swait.ge [sflag:s1], $0x500  }
0xc7: {  	[sflag:s1] =	ssyncset.done $0x0  }
0xc8: {  	s16 =	simm.s32 $0x3;
	[sflag:s1] =	ssyncadd.s32 $0xFFFFFB00  }
.LBB2_4:
0xc9: {  	p0 =	seq.s32 s15, $0x0  }
0xca: {  	s17 =	simm.s32 @!p0 $0x3  }
0xcb: {  	_ =	swait.ge @!p0 [sflag:s17], $0x500  }
0xcc: {  	[sflag:s17] =	ssyncset.done @!p0 $0x0  }
0xcd: {  	[sflag:s17] =	ssyncadd.s32 @!p0 $0xFFFFFB00;
	s17 =	sshra.s32 s15, $0x2  }
0xce: {  	v6 =	vld [tilespmem:s17+$0x50]  }
0xcf: {  	v7 =	vld [tilespmem:s17+$0x2760];
	_ =	sdelay $0x6  }
0xd0: {  	v8 =	vld.idx.msk [tilespmem:v6+s30+$0x0], $0xffff  }
0xd1: {  	v9 =	vld.idx.msk [tilespmem:v7+s31+$0x0], $0xffff;
	_ =	sdelay $0x4  }
0xd2: {  	v8 =	vadd.f32 v9, v8  }
0xd3: {  	v10 =	vmul.f32 $2.000000030e-01, v9  }
0xd4: {  	vm0 =	vgt.f32 v8, $0.0e+00  }
0xd5: {  	v8 =	vsel vm0, v9, v10  }
0xd6: {  	v8 =	vmul.f32 $1.442695020e+00, v8;
	_ =	sdelay $0x1  }
0xd7: {  	(erf) = vpow2.f32 v8;
	_ =	sdelay $0x5  }
0xd8: {  	v19 =	vadd.s32 $0x2800, v6  }
0xd9: {  	v20 =	vadd.s32 $0x2710, v7;
	v6 =	vsel vm0, v6, v19  }
0xda: {  	[tilespmem:s17+$0x50] =	vst v6;
	v6 =	vsel vm0, v7, v20  }
0xdb: {  	[tilespmem:s17+$0x2760] =	vst v6;
	v7 =	vpop (erf)  }
0xdc: {  	[tilespmem:v0+s6+$0x0] =	vst.idx.msk $0xffff, v7  }
0xdd: {  	v6 =	vld [tilespmem:s17+$0x60]  }
0xde: {  	v7 =	vld [tilespmem:s17+$0x2770];
	_ =	sdelay $0x6  }
0xdf: {  	v21 =	vld.idx.msk [tilespmem:v6+s30+$0x0], $0xffff  }
0xe0: {  	v22 =	vld.idx.msk [tilespmem:v7+s31+$0x0], $0xffff;
	_ =	sdelay $0x4  }
0xe1: {  	v8 =	vadd.f32 v22, v21  }
0xe2: {  	v23 =	vmul.f32 $2.000000030e-01, v22  }
0xe3: {  	vm9 =	vgt.f32 v8, $0.0e+00  }
0xe4: {  	v8 =	vsel vm9, v22, v23  }
0xe5: {  	v8 =	vmul.f32 $1.442695020e+00, v8;
	_ =	sdelay $0x1  }
0xe6: {  	(erf) = vpow2.f32 v8;
	_ =	sdelay $0x5  }
0xe7: {  	v24 =	vadd.s32 $0x2800, v6  }
0xe8: {  	v25 =	vadd.s32 $0x2710, v7;
	v6 =	vsel vm9, v6, v24  }
0xe9: {  	[tilespmem:s17+$0x60] =	vst v6;
	v6 =	vsel vm9, v7, v25  }
0xea: {  	[tilespmem:s17+$0x2770] =	vst v6;
	v7 =	vpop (erf)  }
0xeb: {  	[tilespmem:v2+s6+$0x0] =	vst.idx.msk $0xffff, v7  }
0xec: {  	v6 =	vld [tilespmem:s17+$0x70]  }
0xed: {  	v7 =	vld [tilespmem:s17+$0x2780];
	_ =	sdelay $0x6  }
0xee: {  	v26 =	vld.idx.msk [tilespmem:v6+s30+$0x0], $0xffff  }
0xef: {  	v27 =	vld.idx.msk [tilespmem:v7+s31+$0x0], $0xffff;
	_ =	sdelay $0x4  }
0xf0: {  	v8 =	vadd.f32 v27, v26  }
0xf1: {  	v28 =	vmul.f32 $2.000000030e-01, v27  }
0xf2: {  	vm10 =	vgt.f32 v8, $0.0e+00  }
0xf3: {  	v8 =	vsel vm10, v27, v28  }
0xf4: {  	v8 =	vmul.f32 $1.442695020e+00, v8;
	_ =	sdelay $0x1  }
0xf5: {  	(erf) = vpow2.f32 v8;
	_ =	sdelay $0x5  }
0xf6: {  	v29 =	vadd.s32 $0x2800, v6  }
0xf7: {  	v30 =	vadd.s32 $0x2710, v7;
	v6 =	vsel vm10, v6, v29  }
0xf8: {  	[tilespmem:s17+$0x70] =	vst v6;
	v6 =	vsel vm10, v7, v30  }
0xf9: {  	[tilespmem:s17+$0x2780] =	vst v6;
	v7 =	vpop (erf)  }
0xfa: {  	[tilespmem:v3+s6+$0x0] =	vst.idx.msk $0xffff, v7  }
0xfb: {  	v6 =	vld [tilespmem:s17+$0x80]  }
0xfc: {  	v7 =	vld [tilespmem:s17+$0x2790];
	_ =	sdelay $0x6  }
0xfd: {  	v31 =	vld.idx.msk [tilespmem:v6+s30+$0x0], $0xffff  }
0xfe: {  	v32 =	vld.idx.msk [tilespmem:v7+s31+$0x0], $0xffff;
	_ =	sdelay $0x4  }
0xff: {  	v8 =	vadd.f32 v32, v31  }
0x100: {  	v33 =	vmul.f32 $2.000000030e-01, v32  }
0x101: {  	vm11 =	vgt.f32 v8, $0.0e+00  }
0x102: {  	v8 =	vsel vm11, v32, v33  }
0x103: {  	v8 =	vmul.f32 $1.442695020e+00, v8;
	_ =	sdelay $0x1  }
0x104: {  	(erf) = vpow2.f32 v8;
	_ =	sdelay $0x5  }
0x105: {  	v34 =	vadd.s32 $0x2800, v6  }
0x106: {  	v35 =	vadd.s32 $0x2710, v7;
	v6 =	vsel vm11, v6, v34  }
0x107: {  	[tilespmem:s17+$0x80] =	vst v6;
	v6 =	vsel vm11, v7, v35  }
0x108: {  	[tilespmem:s17+$0x2790] =	vst v6;
	v7 =	vpop (erf)  }
0x109: {  	[tilespmem:v4+s6+$0x0] =	vst.idx.msk $0xffff, v7  }
0x10a: {  	v6 =	vld [tilespmem:s17+$0x90]  }
0x10b: {  	v7 =	vld [tilespmem:s17+$0x27A0];
	_ =	sdelay $0x6  }
0x10c: {  	v36 =	vld.idx.msk [tilespmem:v6+s30+$0x0], $0xffff  }
0x10d: {  	v37 =	vld.idx.msk [tilespmem:v7+s31+$0x0], $0xffff;
	_ =	sdelay $0x4  }
0x10e: {  	v8 =	vadd.f32 v37, v36  }
0x10f: {  	v38 =	vmul.f32 $2.000000030e-01, v37  }
0x110: {  	vm12 =	vgt.f32 v8, $0.0e+00  }
0x111: {  	v8 =	vsel vm12, v37, v38  }
0x112: {  	v8 =	vmul.f32 $1.442695020e+00, v8;
	_ =	sdelay $0x1  }
0x113: {  	(erf) = vpow2.f32 v8;
	_ =	sdelay $0x5  }
0x114: {  	v39 =	vadd.s32 $0x2800, v6  }
0x115: {  	v40 =	vadd.s32 $0x2710, v7;
	v6 =	vsel vm12, v6, v39  }
0x116: {  	[tilespmem:s17+$0x90] =	vst v6;
	v6 =	vsel vm12, v7, v40  }
0x117: {  	[tilespmem:s17+$0x27A0] =	vst v6;
	v7 =	vpop (erf)  }
0x118: {  	s18 =	sadd.s32 $0x50, s17;
	[tilespmem:v5+s6+$0x0] =	vst.idx.msk $0xffff, v7  }
0x119: {  	[spmem:s2] =	stream.indirect.scatter.add.f32 [tilespmem:s6], [sflag:$0x3], $0x10, s18, s5, $0xb8;
	[tilespmem:$0x10040] =	vst v63  }
0x11a: {  	s18 =	simm.s32 @!p0 $0x4  }
0x11b: {  	_ =	swait.ge @!p0 [sflag:s18], $0x500  }
0x11c: {  	[sflag:s18] =	ssyncset.done @!p0 $0x0  }
0x11d: {  	[sflag:s18] =	ssyncadd.s32 @!p0 $0xFFFFFB00  }
0x11e: {  	v6 =	vld [tilespmem:s17+$0xA0]  }
0x11f: {  	v7 =	vld [tilespmem:s17+$0x27B0];
	_ =	sdelay $0x6  }
0x120: {  	v41 =	vld.idx.msk [tilespmem:v6+s30+$0x0], $0xffff  }
0x121: {  	v42 =	vld.idx.msk [tilespmem:v7+s31+$0x0], $0xffff;
	_ =	sdelay $0x4  }
0x122: {  	v8 =	vadd.f32 v42, v41  }
0x123: {  	v43 =	vmul.f32 $2.000000030e-01, v42  }
0x124: {  	vm13 =	vgt.f32 v8, $0.0e+00  }
0x125: {  	v8 =	vsel vm13, v42, v43  }
0x126: {  	v8 =	vmul.f32 $1.442695020e+00, v8;
	_ =	sdelay $0x1  }
0x127: {  	(erf) = vpow2.f32 v8;
	_ =	sdelay $0x5  }
0x128: {  	v44 =	vadd.s32 $0x2800, v6  }
0x129: {  	v45 =	vadd.s32 $0x2710, v7;
	v6 =	vsel vm13, v6, v44  }
0x12a: {  	[tilespmem:s17+$0xA0] =	vst v6;
	v6 =	vsel vm13, v7, v45  }
0x12b: {  	[tilespmem:s17+$0x27B0] =	vst v6;
	v7 =	vpop (erf)  }
0x12c: {  	[tilespmem:v0+s8+$0x0] =	vst.idx.msk $0xffff, v7  }
0x12d: {  	v6 =	vld [tilespmem:s17+$0xB0]  }
0x12e: {  	v7 =	vld [tilespmem:s17+$0x27C0];
	_ =	sdelay $0x6  }
0x12f: {  	v46 =	vld.idx.msk [tilespmem:v6+s30+$0x0], $0xffff  }
0x130: {  	v47 =	vld.idx.msk [tilespmem:v7+s31+$0x0], $0xffff;
	_ =	sdelay $0x4  }
0x131: {  	v8 =	vadd.f32 v47, v46  }
0x132: {  	v48 =	vmul.f32 $2.000000030e-01, v47  }
0x133: {  	vm14 =	vgt.f32 v8, $0.0e+00  }
0x134: {  	v8 =	vsel vm14, v47, v48  }
0x135: {  	v8 =	vmul.f32 $1.442695020e+00, v8;
	_ =	sdelay $0x1  }
0x136: {  	(erf) = vpow2.f32 v8;
	_ =	sdelay $0x5  }
0x137: {  	v49 =	vadd.s32 $0x2800, v6  }
0x138: {  	v50 =	vadd.s32 $0x2710, v7;
	v6 =	vsel vm14, v6, v49  }
0x139: {  	[tilespmem:s17+$0xB0] =	vst v6;
	v6 =	vsel vm14, v7, v50  }
0x13a: {  	[tilespmem:s17+$0x27C0] =	vst v6;
	v7 =	vpop (erf)  }
0x13b: {  	[tilespmem:v2+s8+$0x0] =	vst.idx.msk $0xffff, v7  }
0x13c: {  	v6 =	vld [tilespmem:s17+$0xC0]  }
0x13d: {  	v7 =	vld [tilespmem:s17+$0x27D0];
	_ =	sdelay $0x6  }
0x13e: {  	v51 =	vld.idx.msk [tilespmem:v6+s30+$0x0], $0xffff  }
0x13f: {  	v52 =	vld.idx.msk [tilespmem:v7+s31+$0x0], $0xffff;
	_ =	sdelay $0x4  }
0x140: {  	v8 =	vadd.f32 v52, v51  }
0x141: {  	v53 =	vmul.f32 $2.000000030e-01, v52  }
0x142: {  	vm15 =	vgt.f32 v8, $0.0e+00  }
0x143: {  	v8 =	vsel vm15, v52, v53  }
0x144: {  	v8 =	vmul.f32 $1.442695020e+00, v8;
	_ =	sdelay $0x1  }
0x145: {  	(erf) = vpow2.f32 v8;
	_ =	sdelay $0x5  }
0x146: {  	v54 =	vadd.s32 $0x2800, v6  }
0x147: {  	v55 =	vadd.s32 $0x2710, v7;
	v6 =	vsel vm15, v6, v54  }
0x148: {  	[tilespmem:s17+$0xC0] =	vst v6;
	v6 =	vsel vm15, v7, v55  }
0x149: {  	[tilespmem:s17+$0x27D0] =	vst v6;
	v7 =	vpop (erf)  }
0x14a: {  	[tilespmem:v3+s8+$0x0] =	vst.idx.msk $0xffff, v7  }
0x14b: {  	v6 =	vld [tilespmem:s17+$0xD0]  }
0x14c: {  	v7 =	vld [tilespmem:s17+$0x27E0];
	_ =	sdelay $0x6  }
0x14d: {  	v56 =	vld.idx.msk [tilespmem:v6+s30+$0x0], $0xffff  }
0x14e: {  	v57 =	vld.idx.msk [tilespmem:v7+s31+$0x0], $0xffff;
	_ =	sdelay $0x4  }
0x14f: {  	v8 =	vadd.f32 v57, v56  }
0x150: {  	v58 =	vmul.f32 $2.000000030e-01, v57  }
0x151: {  	vm4 =	vgt.f32 v8, $0.0e+00  }
0x152: {  	v8 =	vsel vm4, v57, v58  }
0x153: {  	v8 =	vmul.f32 $1.442695020e+00, v8;
	_ =	sdelay $0x1  }
0x154: {  	(erf) = vpow2.f32 v8;
	_ =	sdelay $0x5  }
0x155: {  	v59 =	vadd.s32 $0x2800, v6  }
0x156: {  	v60 =	vadd.s32 $0x2710, v7;
	v6 =	vsel vm4, v6, v59  }
0x157: {  	[tilespmem:s17+$0xD0] =	vst v6;
	v6 =	vsel vm4, v7, v60  }
0x158: {  	[tilespmem:s17+$0x27E0] =	vst v6;
	v7 =	vpop (erf)  }
0x159: {  	[tilespmem:v4+s8+$0x0] =	vst.idx.msk $0xffff, v7  }
0x15a: {  	v6 =	vld [tilespmem:s17+$0xE0]  }
0x15b: {  	v7 =	vld [tilespmem:s17+$0x27F0];
	_ =	sdelay $0x6  }
0x15c: {  	v61 =	vld.idx.msk [tilespmem:v6+s30+$0x0], $0xffff  }
0x15d: {  	v62 =	vld.idx.msk [tilespmem:v7+s31+$0x0], $0xffff;
	_ =	sdelay $0x4  }
0x15e: {  	v8 =	vadd.f32 v62, v61  }
0x15f: {  	v63 =	vmul.f32 $2.000000030e-01, v62  }
0x160: {  	vm5 =	vgt.f32 v8, $0.0e+00  }
0x161: {  	v8 =	vsel vm5, v62, v63  }
0x162: {  	v8 =	vmul.f32 $1.442695020e+00, v8;
	_ =	sdelay $0x1  }
0x163: {  	(erf) = vpow2.f32 v8;
	_ =	sdelay $0x5  }
0x164: {  	v12 =	vadd.s32 $0x2800, v6  }
0x165: {  	v13 =	vadd.s32 $0x2710, v7;
	v6 =	vsel vm5, v6, v12  }
0x166: {  	[tilespmem:s17+$0xE0] =	vst v6;
	v6 =	vsel vm5, v7, v13  }
0x167: {  	[tilespmem:s17+$0x27F0] =	vst v6;
	v7 =	vpop (erf)  }
0x168: {  	p1 =	slt.u32 s16, $0x5;
	s18 =	sadd.s32 $0xA0, s17;
	[tilespmem:v5+s8+$0x0] =	vst.idx.msk $0xffff, v7  }
0x169: {  	[spmem:s2] =	stream.indirect.scatter.add.f32 [tilespmem:s8], [sflag:$0x4], $0x10, s18, s5, $0xb8;
	[tilespmem:$0x10040] =	vst v63  }
0x16a: {  	s18 =	simm.s32 @!p1 $0x5  }
0x16b: {  	_ =	swait.ge @!p1 [sflag:s18], $0x500  }
0x16c: {  	[sflag:s18] =	ssyncset.done @!p1 $0x0  }
0x16d: {  	[sflag:s18] =	ssyncadd.s32 @!p1 $0xFFFFFB00  }
0x16e: {  	v6 =	vld [tilespmem:s17+$0xF0]  }
0x16f: {  	v7 =	vld [tilespmem:s17+$0x2800];
	_ =	sdelay $0x6  }
0x170: {  	v14 =	vld.idx.msk [tilespmem:v6+s30+$0x0], $0xffff  }
0x171: {  	v15 =	vld.idx.msk [tilespmem:v7+s31+$0x0], $0xffff;
	_ =	sdelay $0x4  }
0x172: {  	v8 =	vadd.f32 v15, v14  }
0x173: {  	v16 =	vmul.f32 $2.000000030e-01, v15  }
0x174: {  	vm6 =	vgt.f32 v8, $0.0e+00  }
0x175: {  	v8 =	vsel vm6, v15, v16  }
0x176: {  	v8 =	vmul.f32 $1.442695020e+00, v8;
	_ =	sdelay $0x1  }
0x177: {  	(erf) = vpow2.f32 v8;
	_ =	sdelay $0x5  }
0x178: {  	v17 =	vadd.s32 $0x2800, v6  }
0x179: {  	v18 =	vadd.s32 $0x2710, v7;
	v6 =	vsel vm6, v6, v17  }
0x17a: {  	[tilespmem:s17+$0xF0] =	vst v6;
	v6 =	vsel vm6, v7, v18  }
0x17b: {  	[tilespmem:s17+$0x2800] =	vst v6;
	v7 =	vpop (erf)  }
0x17c: {  	[tilespmem:v0+s9+$0x0] =	vst.idx.msk $0xffff, v7  }
0x17d: {  	v6 =	vld [tilespmem:s17+$0x100]  }
0x17e: {  	v7 =	vld [tilespmem:s17+$0x2810];
	_ =	sdelay $0x6  }
0x17f: {  	v19 =	vld.idx.msk [tilespmem:v6+s30+$0x0], $0xffff  }
0x180: {  	v20 =	vld.idx.msk [tilespmem:v7+s31+$0x0], $0xffff;
	_ =	sdelay $0x4  }
0x181: {  	v8 =	vadd.f32 v20, v19  }
0x182: {  	v21 =	vmul.f32 $2.000000030e-01, v20  }
0x183: {  	vm7 =	vgt.f32 v8, $0.0e+00  }
0x184: {  	v8 =	vsel vm7, v20, v21  }
0x185: {  	v8 =	vmul.f32 $1.442695020e+00, v8;
	_ =	sdelay $0x1  }
0x186: {  	(erf) = vpow2.f32 v8;
	_ =	sdelay $0x5  }
0x187: {  	v22 =	vadd.s32 $0x2800, v6  }
0x188: {  	v23 =	vadd.s32 $0x2710, v7;
	v6 =	vsel vm7, v6, v22  }
0x189: {  	[tilespmem:s17+$0x100] =	vst v6;
	v6 =	vsel vm7, v7, v23  }
0x18a: {  	[tilespmem:s17+$0x2810] =	vst v6;
	v7 =	vpop (erf)  }
0x18b: {  	[tilespmem:v2+s9+$0x0] =	vst.idx.msk $0xffff, v7  }
0x18c: {  	v6 =	vld [tilespmem:s17+$0x110]  }
0x18d: {  	v7 =	vld [tilespmem:s17+$0x2820];
	_ =	sdelay $0x6  }
0x18e: {  	v24 =	vld.idx.msk [tilespmem:v6+s30+$0x0], $0xffff  }
0x18f: {  	v25 =	vld.idx.msk [tilespmem:v7+s31+$0x0], $0xffff;
	_ =	sdelay $0x4  }
0x190: {  	v8 =	vadd.f32 v25, v24  }
0x191: {  	v26 =	vmul.f32 $2.000000030e-01, v25  }
0x192: {  	vm8 =	vgt.f32 v8, $0.0e+00  }
0x193: {  	v8 =	vsel vm8, v25, v26  }
0x194: {  	v8 =	vmul.f32 $1.442695020e+00, v8;
	_ =	sdelay $0x1  }
0x195: {  	(erf) = vpow2.f32 v8;
	_ =	sdelay $0x5  }
0x196: {  	v27 =	vadd.s32 $0x2800, v6  }
0x197: {  	v28 =	vadd.s32 $0x2710, v7;
	v6 =	vsel vm8, v6, v27  }
0x198: {  	[tilespmem:s17+$0x110] =	vst v6;
	v6 =	vsel vm8, v7, v28  }
0x199: {  	[tilespmem:s17+$0x2820] =	vst v6;
	v7 =	vpop (erf)  }
0x19a: {  	[tilespmem:v3+s9+$0x0] =	vst.idx.msk $0xffff, v7  }
0x19b: {  	v6 =	vld [tilespmem:s17+$0x120]  }
0x19c: {  	v7 =	vld [tilespmem:s17+$0x2830];
	_ =	sdelay $0x6  }
0x19d: {  	v29 =	vld.idx.msk [tilespmem:v6+s30+$0x0], $0xffff  }
0x19e: {  	v30 =	vld.idx.msk [tilespmem:v7+s31+$0x0], $0xffff;
	_ =	sdelay $0x4  }
0x19f: {  	v8 =	vadd.f32 v30, v29  }
0x1a0: {  	v31 =	vmul.f32 $2.000000030e-01, v30  }
0x1a1: {  	vm9 =	vgt.f32 v8, $0.0e+00  }
0x1a2: {  	v8 =	vsel vm9, v30, v31  }
0x1a3: {  	v8 =	vmul.f32 $1.442695020e+00, v8;
	_ =	sdelay $0x1  }
0x1a4: {  	(erf) = vpow2.f32 v8;
	_ =	sdelay $0x5  }
0x1a5: {  	v32 =	vadd.s32 $0x2800, v6  }
0x1a6: {  	v33 =	vadd.s32 $0x2710, v7;
	v6 =	vsel vm9, v6, v32  }
0x1a7: {  	[tilespmem:s17+$0x120] =	vst v6;
	v6 =	vsel vm9, v7, v33  }
0x1a8: {  	[tilespmem:s17+$0x2830] =	vst v6;
	v7 =	vpop (erf)  }
0x1a9: {  	[tilespmem:v4+s9+$0x0] =	vst.idx.msk $0xffff, v7  }
0x1aa: {  	v6 =	vld [tilespmem:s17+$0x130]  }
0x1ab: {  	v7 =	vld [tilespmem:s17+$0x2840];
	_ =	sdelay $0x6  }
0x1ac: {  	v34 =	vld.idx.msk [tilespmem:v6+s30+$0x0], $0xffff  }
0x1ad: {  	v35 =	vld.idx.msk [tilespmem:v7+s31+$0x0], $0xffff;
	_ =	sdelay $0x4  }
0x1ae: {  	v8 =	vadd.f32 v35, v34  }
0x1af: {  	v36 =	vmul.f32 $2.000000030e-01, v35  }
0x1b0: {  	vm10 =	vgt.f32 v8, $0.0e+00  }
0x1b1: {  	v8 =	vsel vm10, v35, v36  }
0x1b2: {  	v8 =	vmul.f32 $1.442695020e+00, v8;
	_ =	sdelay $0x1  }
0x1b3: {  	(erf) = vpow2.f32 v8;
	_ =	sdelay $0x5  }
0x1b4: {  	v37 =	vadd.s32 $0x2800, v6  }
0x1b5: {  	v38 =	vadd.s32 $0x2710, v7;
	v6 =	vsel vm10, v6, v37  }
0x1b6: {  	[tilespmem:s17+$0x130] =	vst v6;
	v6 =	vsel vm10, v7, v38  }
0x1b7: {  	[tilespmem:s17+$0x2840] =	vst v6;
	v7 =	vpop (erf)  }
0x1b8: {  	s18 =	sadd.s32 $0xF0, s17;
	[tilespmem:v5+s9+$0x0] =	vst.idx.msk $0xffff, v7  }
0x1b9: {  	[spmem:s2] =	stream.indirect.scatter.add.f32 [tilespmem:s9], [sflag:$0x5], $0x10, s18, s5, $0xb8;
	[tilespmem:$0x10040] =	vst v63  }
0x1ba: {  	s18 =	simm.s32 @!p0 $0x2  }
0x1bb: {  	_ =	swait.ge @!p0 [sflag:s18], $0x500  }
0x1bc: {  	[sflag:s18] =	ssyncset.done @!p0 $0x0  }
0x1bd: {  	[sflag:s18] =	ssyncadd.s32 @!p0 $0xFFFFFB00  }
0x1be: {  	v6 =	vld [tilespmem:s17+$0x140]  }
0x1bf: {  	v7 =	vld [tilespmem:s17+$0x2850];
	_ =	sdelay $0x6  }
0x1c0: {  	v39 =	vld.idx.msk [tilespmem:v6+s30+$0x0], $0xffff  }
0x1c1: {  	v40 =	vld.idx.msk [tilespmem:v7+s31+$0x0], $0xffff;
	_ =	sdelay $0x4  }
0x1c2: {  	v8 =	vadd.f32 v40, v39  }
0x1c3: {  	v41 =	vmul.f32 $2.000000030e-01, v40  }
0x1c4: {  	vm11 =	vgt.f32 v8, $0.0e+00  }
0x1c5: {  	v8 =	vsel vm11, v40, v41  }
0x1c6: {  	v8 =	vmul.f32 $1.442695020e+00, v8;
	_ =	sdelay $0x1  }
0x1c7: {  	(erf) = vpow2.f32 v8;
	_ =	sdelay $0x5  }
0x1c8: {  	v42 =	vadd.s32 $0x2800, v6  }
0x1c9: {  	v43 =	vadd.s32 $0x2710, v7;
	v6 =	vsel vm11, v6, v42  }
0x1ca: {  	[tilespmem:s17+$0x140] =	vst v6;
	v6 =	vsel vm11, v7, v43  }
0x1cb: {  	[tilespmem:s17+$0x2850] =	vst v6;
	v7 =	vpop (erf)  }
0x1cc: {  	[tilespmem:v0+s0+$0x0] =	vst.idx.msk $0xffff, v7  }
0x1cd: {  	v6 =	vld [tilespmem:s17+$0x150]  }
0x1ce: {  	v7 =	vld [tilespmem:s17+$0x2860];
	_ =	sdelay $0x6  }
0x1cf: {  	v44 =	vld.idx.msk [tilespmem:v6+s30+$0x0], $0xffff  }
0x1d0: {  	v45 =	vld.idx.msk [tilespmem:v7+s31+$0x0], $0xffff;
	_ =	sdelay $0x4  }
0x1d1: {  	v8 =	vadd.f32 v45, v44  }
0x1d2: {  	v46 =	vmul.f32 $2.000000030e-01, v45  }
0x1d3: {  	vm12 =	vgt.f32 v8, $0.0e+00  }
0x1d4: {  	v8 =	vsel vm12, v45, v46  }
0x1d5: {  	v8 =	vmul.f32 $1.442695020e+00, v8;
	_ =	sdelay $0x1  }
0x1d6: {  	(erf) = vpow2.f32 v8;
	_ =	sdelay $0x5  }
0x1d7: {  	v47 =	vadd.s32 $0x2800, v6  }
0x1d8: {  	v48 =	vadd.s32 $0x2710, v7;
	v6 =	vsel vm12, v6, v47  }
0x1d9: {  	[tilespmem:s17+$0x150] =	vst v6;
	v6 =	vsel vm12, v7, v48  }
0x1da: {  	[tilespmem:s17+$0x2860] =	vst v6;
	v7 =	vpop (erf)  }
0x1db: {  	[tilespmem:v2+s0+$0x0] =	vst.idx.msk $0xffff, v7  }
0x1dc: {  	v6 =	vld [tilespmem:s17+$0x160]  }
0x1dd: {  	v7 =	vld [tilespmem:s17+$0x2870];
	_ =	sdelay $0x6  }
0x1de: {  	v49 =	vld.idx.msk [tilespmem:v6+s30+$0x0], $0xffff  }
0x1df: {  	v50 =	vld.idx.msk [tilespmem:v7+s31+$0x0], $0xffff;
	_ =	sdelay $0x4  }
0x1e0: {  	v8 =	vadd.f32 v50, v49  }
0x1e1: {  	v51 =	vmul.f32 $2.000000030e-01, v50  }
0x1e2: {  	vm13 =	vgt.f32 v8, $0.0e+00  }
0x1e3: {  	v8 =	vsel vm13, v50, v51  }
0x1e4: {  	v8 =	vmul.f32 $1.442695020e+00, v8;
	_ =	sdelay $0x1  }
0x1e5: {  	(erf) = vpow2.f32 v8;
	_ =	sdelay $0x5  }
0x1e6: {  	v52 =	vadd.s32 $0x2800, v6  }
0x1e7: {  	v53 =	vadd.s32 $0x2710, v7;
	v6 =	vsel vm13, v6, v52  }
0x1e8: {  	[tilespmem:s17+$0x160] =	vst v6;
	v6 =	vsel vm13, v7, v53  }
0x1e9: {  	[tilespmem:s17+$0x2870] =	vst v6;
	v7 =	vpop (erf)  }
0x1ea: {  	[tilespmem:v3+s0+$0x0] =	vst.idx.msk $0xffff, v7  }
0x1eb: {  	v6 =	vld [tilespmem:s17+$0x170]  }
0x1ec: {  	v7 =	vld [tilespmem:s17+$0x2880];
	_ =	sdelay $0x6  }
0x1ed: {  	v54 =	vld.idx.msk [tilespmem:v6+s30+$0x0], $0xffff  }
0x1ee: {  	v55 =	vld.idx.msk [tilespmem:v7+s31+$0x0], $0xffff;
	_ =	sdelay $0x4  }
0x1ef: {  	v8 =	vadd.f32 v55, v54  }
0x1f0: {  	v56 =	vmul.f32 $2.000000030e-01, v55  }
0x1f1: {  	vm14 =	vgt.f32 v8, $0.0e+00  }
0x1f2: {  	v8 =	vsel vm14, v55, v56  }
0x1f3: {  	v8 =	vmul.f32 $1.442695020e+00, v8;
	_ =	sdelay $0x1  }
0x1f4: {  	(erf) = vpow2.f32 v8;
	_ =	sdelay $0x5  }
0x1f5: {  	v57 =	vadd.s32 $0x2800, v6  }
0x1f6: {  	v58 =	vadd.s32 $0x2710, v7;
	v6 =	vsel vm14, v6, v57  }
0x1f7: {  	[tilespmem:s17+$0x170] =	vst v6;
	v6 =	vsel vm14, v7, v58  }
0x1f8: {  	[tilespmem:s17+$0x2880] =	vst v6;
	v7 =	vpop (erf)  }
0x1f9: {  	[tilespmem:v4+s0+$0x0] =	vst.idx.msk $0xffff, v7  }
0x1fa: {  	v6 =	vld [tilespmem:s17+$0x180]  }
0x1fb: {  	v7 =	vld [tilespmem:s17+$0x2890];
	_ =	sdelay $0x6  }
0x1fc: {  	v59 =	vld.idx.msk [tilespmem:v6+s30+$0x0], $0xffff  }
0x1fd: {  	v60 =	vld.idx.msk [tilespmem:v7+s31+$0x0], $0xffff;
	_ =	sdelay $0x4  }
0x1fe: {  	v8 =	vadd.f32 v60, v59  }
0x1ff: {  	v61 =	vmul.f32 $2.000000030e-01, v60  }
0x200: {  	vm15 =	vgt.f32 v8, $0.0e+00  }
0x201: {  	v8 =	vsel vm15, v60, v61  }
0x202: {  	v8 =	vmul.f32 $1.442695020e+00, v8;
	_ =	sdelay $0x1  }
0x203: {  	(erf) = vpow2.f32 v8;
	_ =	sdelay $0x4  }
0x204: {  	s15 =	sadd.s32 $0x500, s15  }
0x205: {  	p0 =	sne.s32 s15, $0x9B00;
	v62 =	vadd.s32 $0x2800, v6  }
.Ltmp1:
0x206: {  	v63 =	vadd.s32 $0x2710, v7;
	v6 =	vsel vm15, v6, v62;
	(pc) =	sbr.rel @p0 .LBB2_4-.Ltmp1, $4  }
0x207: {  	[tilespmem:s17+$0x180] =	vst v6;
	v6 =	vsel vm15, v7, v63  }
0x208: {  	[tilespmem:s17+$0x2890] =	vst v6;
	v7 =	vpop (erf)  }
0x209: {  	s16 =	sadd.s32 $0x4, s16;
	s17 =	sadd.s32 $0x140, s17;
	[tilespmem:v5+s0+$0x0] =	vst.idx.msk $0xffff, v7  }
0x20a: {  	[spmem:s2] =	stream.indirect.scatter.add.f32 [tilespmem:s0], [sflag:$0x2], $0x10, s17, s5, $0xb8;
	[tilespmem:$0x10040] =	vst v63  }
0x20b: {  	_ =	swait.ge [sflag:s10], $0x500  }
0x20c: {  	[sflag:s10] =	ssyncset.done $0x0  }
0x20d: {  	[sflag:s10] =	ssyncadd.s32 $0xFFFFFB00  }
0x20e: {  	_ =	swait.ge [sflag:s11], $0x500  }
0x20f: {  	[sflag:s11] =	ssyncset.done $0x0  }
0x210: {  	[sflag:s11] =	ssyncadd.s32 $0xFFFFFB00  }
0x211: {  	_ =	swait.ge [sflag:s12], $0x500  }
0x212: {  	[sflag:s12] =	ssyncset.done $0x0  }
0x213: {  	[sflag:s12] =	ssyncadd.s32 $0xFFFFFB00  }
0x214: {  	_ =	swait.ge [sflag:s13], $0x500  }
0x215: {  	s15 =	stileid.u32;
	[sflag:s13] =	ssyncset.done $0x0  }
0x216: {  	s15 =	sshll.u32 s15, $0x6;
	[sflag:s13] =	ssyncadd.s32 $0xFFFFFB00  }
0x217: {  	s16 =	sshrl.u32 s7, $0x3;
	s15 =	sor.u32 $0x1C06, s15;
	[bflag:$0x0] =	sbarrier.arrive $0xFFFF  }
0x218: {  	[hbm:s21], [sflag:s15] =	dma.local [spmem:s16], $0xA00  }
0x219: {  	_ =	swait.ge [sflag:s1], $0xA00  }
0x21a: {  	[sflag:s1] =	ssyncset.done $0x0  }
0x21b: {  	[sflag:s1] =	ssyncadd.s32 $0xFFFFF600  }
0x21c: {  	[hbm4b:s25+s3] =	stream.linear.scatter [tilespmem:s29], [sflag:$0x6], $0x2710, $0x38;
	[tilespmem:$0x10040] =	vst v63  }
0x21d: {  	s14 =	sadd.s32 $0x1, s14;
	_ =	swait.ge [sflag:s1], $0x2710  }
0x21e: {  	p0 =	sne.s32 s14, s28;
	[sflag:s1] =	ssyncset.done $0x0  }
.Ltmp2:
0x21f: {  	[sflag:s1] =	ssyncadd.s32 $0xFFFFD8F0;
	(pc) =	sbr.rel @p0 .LBB2_1-.Ltmp2, $4  }
0x220: {  	[hbm4b:s26+s3] =	stream.linear.scatter [tilespmem:s3], [sflag:$0x6], $0x2710, $0x38;
	[tilespmem:$0x10040] =	vst v63  }
0x221: {  	_ =	swait.ge [sflag:s1], $0x2710  }
0x222: {  	[sflag:s1] =	ssyncset.done $0x0  }
0x223: {  	[sflag:s1] =	ssyncadd.s32 $0xFFFFD8F0  }
0x224: {  	_ =	sfence.sel $0x180000  }
0x225: {  	[bflag:$0x0] =	sbarrier.arrive $0xFFFF  }
0x226: {  	_ =	strace $0x90000047  }
0x227: {  	s0 =	stileid.u32;
	[bflag:$0x2] =	sbarrier.arrive $0xFFFF  }
0x228: {  	p0 =	sne.s32 s0, $0x0;
	s0 =	rddreg [dreg:$0x3]  }
0x229: {  	s0 =	sadd.s32 @!p0 $0x100000, s0  }
0x22a: {  	[sflag:s0] =	ssyncadd.tile.s32 @!p0 $0x1;
	_ =	shalt  }
.Lfunc_end2:
_tile_overlayer_lowered:
.L_overlay_start_2:
0x22b: {  	(tag) =	ssettag $0x2  }
0x22c: {  	s0 =	rddreg [dreg:$0x0];
	s2 =	stileid.u32  }
0x22d: {  	s1 =	rddreg [dreg:$0x1];
	p0 =	sne.s32 s2, $0x0  }
0x22e: {  	s3 =	rddreg [dreg:$0x2];
	[bflag:$0x3] =	sbarrier.arrive $0xFFFF;
	s2 =	simm.s32 @!p0 $0x1C06  }
0x22f: {  	[timem:s3], [sflag:s2] =	dma.local @!p0 [hbm:s0], s1  }
0x230: {  	s0 =	simm.s32 @!p0 $0x6  }
0x231: {  	_ =	swait.ge @!p0 [sflag:s0], s1  }
0x232: {  	s1 =	ssub.s32 @!p0 $0x0, s1;
	[sflag:s0] =	ssyncset.done @!p0 $0x0  }
0x233: {  	[sflag:s0] =	ssyncadd.s32 @!p0 s1  }
0x234: {  	[bflag:$0x3] =	sbarrier.arrive $0xFFFF  }
0x235: {  	_ =	shalt  }

// kernel: kernel.9.cloned.1.call-start
scs
__scs_entry_jumppad:
0x0: {  	(pc) =	sbr.rel $0x88, $3  }
0x1: {  	(tag) =	ssettag $0x0;
	lr =	simm.s32 $0x1  }
0x2: {  	[smem:$0x3F9C] =	sst lr;
	_ =	strace $0xD0000000  }
0x3: {  	_ = 	snop  }
0x4: {  	_ = 	snop  }
0x5: {  	_ = 	snop  }
0x6: {  	_ = 	snop  }
0x7: {  	_ = 	snop  }
__scs_overlays_trampoline_lowered:
0x8: {  	[smem:$0x3FAB] =	sst s0  }
0x9: {  	[smem:$0x3FAC] =	sst s1  }
0xa: {  	[smem:$0x3FAD] =	sst s2  }
0xb: {  	[smem:$0x3FAE] =	sst s3  }
0xc: {  	[smem:$0x3FAF] =	sst s4  }
0xd: {  	[smem:$0x3FB0] =	sst s5  }
0xe: {  	[smem:$0x3FB1] =	sst s6  }
0xf: {  	[smem:$0x3FB2] =	sst s7  }
0x10: {  	[smem:$0x3FB3] =	sst s8  }
0x11: {  	[smem:$0x3FB4] =	sst s9;
	s0 =	simm.s32 @!p0 $0x0  }
0x12: {  	s1 =	sld [smem:$0x3F9A];
	s0 =	simm.s32 @p0 $0x1  }
0x13: {  	[smem:$0x3FB5] =	sst s0;
	s0 =	simm.s32 @!p1 $0x0  }
0x14: {  	s2 =	sld [smem:$0x3F99];
	s0 =	simm.s32 @p1 $0x1  }
0x15: {  	[smem:$0x3FB6] =	sst s0;
	s0 =	simm.s32 @!p2 $0x0  }
0x16: {  	s3 =	sld [smem:$0x3FDB];
	s0 =	simm.s32 @p2 $0x1  }
0x17: {  	s4 =	simm.s32 $0x1BF5;
	[smem:$0x3FB8] =	sst s0  }
0x18: {  	s0 =	sld [smem:$0x3F9B];
	_ =	swait.ge [sflag:s4], $0x0  }
0x19: {  	s7 =	sld [smem:$0x3F9C]  }
0x1a: {  	s8 =	sadd.s32 $0xFFFFE003, lr  }
0x1b: {  	s9 =	sadd.s32 $0xFFFFFEF7, lr;
	s5 =	simm.s32 $0xFFFFFFFF;
	p2 =	slt.u32 s8, $0xFFFFF086  }
0x1c: {  	p1 =	slt.u32 s9, $0xF7A;
	s5 =	simm.s32 @!p2 $0x0  }
0x1d: {  	s5 =	simm.s32 @p1 $0x1;
	p0 =	seq.s32 s7, s2  }
0x1e: {  	s7 =	smul.u32 @!p0 $0xF7A, s2;
	p2 =	seq.s32 @!p0 s5, $0x0  }
0x1f: {  	s9 =	smul.u32 $0xF7A, s1;
	s8 =	simm.s32 @!p0 $0x1BF5;
	p2 =	por !p2, p0  }
0x20: {  	[sflag:s8] =	ssyncset.s32 @!p0 $0xFFFFF086;
	s6 =	sadd.s32 @!p0 s3, s7;
	s7 =	simm.s32 @!p0 $0x108  }
0x21: {  	s3 =	sadd.s32 s3, s9;
	s6 =	sadd.s32 @!p0 $0x88, s6;
	s7 =	simm.s32 @p2 $0x1082  }
0x22: {  	[simem:s7], [sflag:s8] =	dma.local @!p0 [hbm:s6], $0xF7A  }
0x23: {  	s9 =	sor.u32 $0xD0000000, s2;
	s6 =	simm.s32 $0x108;
	_ =	swait.ge @!p0 [sflag:s8], $0x0  }
0x24: {  	s3 =	sadd.s32 $0x88, s3;
	s6 =	simm.s32 @!p1 $0x1082;
	[sflag:s4] =	ssyncset.s32 $0xFFFFF086  }
0x25: {  	[simem:s6], [sflag:s4] =	dma.local [hbm:s3], $0xF7A  }
0x26: {  	[smem:$0x3F9C] =	sst s1;
	(tag) =	ssettag s2;
	_ =	strace s9  }
0x27: {  	s1 =	sld [smem:$0x3FAC]  }
0x28: {  	s2 =	sld [smem:$0x3FAD]  }
0x29: {  	s4 =	sld [smem:$0x3FAF]  }
0x2a: {  	p0 =	seq.s32 s5, $0x0;
	s5 =	sld [smem:$0x3FB0]  }
0x2b: {  	s6 =	sld [smem:$0x3FB1]  }
0x2c: {  	s7 =	sld [smem:$0x3FB2]  }
0x2d: {  	s3 =	simm.s32 $0x108;
	s8 =	sld [smem:$0x3FB3]  }
0x2e: {  	s3 =	simm.s32 @!p0 $0x1082;
	s9 =	sld [smem:$0x3FB4]  }
0x2f: {  	lr =	sadd.s32 s0, s3;
	s0 =	sld [smem:$0x3FAB]  }
0x30: {  	s3 =	sld [smem:$0x3FAE]  }
0x31: {  	[smem:$0x3FB7] =	sst s10  }
0x32: {  	s10 =	sld [smem:$0x3FB5];
	_ =	sdelay $0x3  }
0x33: {  	p0 =	seq.s32 s10, $0x1;
	s10 =	sld [smem:$0x3FB7];
	_ =	sdelay $0x3  }
0x34: {  	[smem:$0x3FB7] =	sst s10  }
0x35: {  	s10 =	sld [smem:$0x3FB6];
	_ =	sdelay $0x3  }
0x36: {  	p1 =	seq.s32 s10, $0x1;
	s10 =	sld [smem:$0x3FB7];
	_ =	sdelay $0x3  }
0x37: {  	[smem:$0x3FB7] =	sst s10  }
0x38: {  	s10 =	sld [smem:$0x3FB8]  }
0x39: {  	_ = 	snop;
	(pc) =	sbr.ind lr, $3  }
0x3a: {  	_ = 	snop  }
0x3b: {  	_ = 	snop  }
0x3c: {  	p2 =	seq.s32 s10, $0x1;
	s10 =	sld [smem:$0x3FB7]  }
0x3d: {  	_ =	shalt  }
0x3e: {  	_ =	shalt  }
0x3f: {  	_ =	shalt  }
0x40: {  	_ =	shalt  }
0x41: {  	_ =	shalt  }
0x42: {  	_ =	shalt  }
0x43: {  	_ =	shalt  }
0x44: {  	_ =	shalt  }
0x45: {  	_ =	shalt  }
0x46: {  	_ =	shalt  }
0x47: {  	_ =	shalt  }
0x48: {  	_ =	shalt  }
0x49: {  	_ =	shalt  }
0x4a: {  	_ =	shalt  }
0x4b: {  	_ =	shalt  }
0x4c: {  	_ =	shalt  }
0x4d: {  	_ =	shalt  }
0x4e: {  	_ =	shalt  }
0x4f: {  	_ =	shalt  }
0x50: {  	_ =	shalt  }
0x51: {  	_ =	shalt  }
0x52: {  	_ =	shalt  }
0x53: {  	_ =	shalt  }
0x54: {  	_ =	shalt  }
0x55: {  	_ =	shalt  }
0x56: {  	_ =	shalt  }
0x57: {  	_ =	shalt  }
0x58: {  	_ =	shalt  }
0x59: {  	_ =	shalt  }
0x5a: {  	_ =	shalt  }
0x5b: {  	_ =	shalt  }
0x5c: {  	_ =	shalt  }
0x5d: {  	_ =	shalt  }
0x5e: {  	_ =	shalt  }
0x5f: {  	_ =	shalt  }
0x60: {  	_ =	shalt  }
0x61: {  	_ =	shalt  }
0x62: {  	_ =	shalt  }
0x63: {  	_ =	shalt  }
0x64: {  	_ =	shalt  }
0x65: {  	_ =	shalt  }
0x66: {  	_ =	shalt  }
0x67: {  	_ =	shalt  }
0x68: {  	_ =	shalt  }
0x69: {  	_ =	shalt  }
0x6a: {  	_ =	shalt  }
0x6b: {  	_ =	shalt  }
0x6c: {  	_ =	shalt  }
0x6d: {  	_ =	shalt  }
0x6e: {  	_ =	shalt  }
0x6f: {  	_ =	shalt  }
0x70: {  	_ =	shalt  }
0x71: {  	_ =	shalt  }
0x72: {  	_ =	shalt  }
0x73: {  	_ =	shalt  }
0x74: {  	_ =	shalt  }
0x75: {  	_ =	shalt  }
0x76: {  	_ =	shalt  }
0x77: {  	_ =	shalt  }
0x78: {  	_ =	shalt  }
0x79: {  	_ =	shalt  }
0x7a: {  	_ =	shalt  }
0x7b: {  	_ =	shalt  }
0x7c: {  	_ =	shalt  }
0x7d: {  	_ =	shalt  }
0x7e: {  	_ =	shalt  }
0x7f: {  	_ =	shalt  }
0x80: {  	_ =	shalt  }
0x81: {  	_ =	shalt  }
0x82: {  	_ =	shalt  }
0x83: {  	_ =	shalt  }
0x84: {  	_ =	shalt  }
0x85: {  	_ =	shalt  }
0x86: {  	_ =	shalt  }
0x87: {  	_ =	shalt  }
.Lfunc_end0:
.L_simem_size_0:
called_computation.1_lowered:
.L_overlay_start_0:
0x88: {  	s2 =	sld [smem:$0x3FD9]  }
0x89: {  	s3 =	sld [smem:$0x3FFE];
	_ =	sdelay $0x1  }
0x8a: {  	s1 =	srdreg.scid  }
0x8b: {  	s0 =	sand.u32 $0x1, s1  }
0x8c: {  	s16 =	sshll.u32 s0, $0xA;
	s2 =	sadd.s32 s3, s2  }
0x8d: {  	s2 =	sadd.s32 s2, s16  }
0x8e: {  	[smem:$0x3FC3] =	sst s2  }
0x8f: {  	_ = 	snop  }
0x90: {  	(tm) =	ssettm $0x1  }
0x91: {  	s17 =	sld [smem:$0x3FFB];
	_ =	sdelay $0x3  }
0x92: {  	_ =	strace s17  }
0x93: {  	s2 =	sld [smem:$0x3FFC];
	_ =	sdelay $0x3  }
0x94: {  	_ =	strace s2  }
0x95: {  	s2 =	sld [smem:$0x3FFD];
	_ =	sdelay $0x3  }
0x96: {  	_ =	strace s2  }
0x97: {  	_ =	strace $0x8FFFFFFF  }
0x98: {  	s18 =	sld [smem:$0x3FDB];
	_ =	sdelay $0x1  }
0x99: {  	s19 =	simm.s32 $_scs_section_size  }
0x9a: {  	s4 =	simm.s32 $_size__tile_overlayer_lowered;
	s5 =	simm.s32 $_tile_overlayer_lowered  }
0x9b: {  	s22 =	simm.s32 $0x1BFF;
	s21 =	sshll.u32 s5, $0x1;
	s2 =	sadd.s32 s19, s18  }
0x9c: {  	s6 =	simm.s32 $0x0;
	s20 =	sshll.u32 s4, $0x1;
	s4 =	sadd.s32 s21, s2  }
0x9d: {  	[timem:s6], [sflag:s22] =	dma.local [hbm:s4], s20  }
0x9e: {  	_ =	swait.ge [sflag:s22], s20  }
0x9f: {  	s3 =	ssub.s32 $0x0, s20;
	[sflag:s22] =	ssyncset.done $0x0  }
0xa0: {  	[sflag:s22] =	ssyncadd.s32 s3;
	_ =	sdelay $0x1  }
0xa1: {  	s23 =	simm.s32 $0x1B8B  }
0xa2: {  	_ =	swait.ge [sflag:s23], $0x1  }
0xa3: {  	[sflag:s23] =	ssyncset.done $0x0  }
0xa4: {  	s25 =	simm.s32 $0x1B8E;
	s24 =	sld [smem:$0x3FFE];
	[sflag:s23] =	ssyncadd.s32 $0xFFFFFFFF  }
0xa5: {  	s26 =	simm.s32 $execute0_lowered;
	[smem:$0x3FD2] =	sst s25  }
0xa6: {  	s4 =	sshll.u32 s26, $0x1;
	_ =	strace $0x80000049;
	[dreg:$0x1] =	wrdreg $0xFFFFFFFF  }
0xa7: {  	s28 =	simm.s32 $_size_execute0_lowered;
	s2 =	sadd.s32 s2, s4;
	[dreg:$0x0] =	wrdreg $0x0  }
0xa8: {  	s4 =	sshll.u32 s28, $0x1;
	[dreg:$0x2] =	wrdreg s2  }
0xa9: {  	[dreg:$0x3] =	wrdreg s4  }
0xaa: {  	[dreg:$0x4] =	wrdreg $0xC0  }
0xab: {  	_ =	task [dreg:s6], $0x5FFFF  }
0xac: {  	[dreg:$0x1] =	wrdreg $0xFFFFFFFF  }
0xad: {  	[dreg:$0x0] =	wrdreg $0x60  }
0xae: {  	[dreg:$0x2] =	wrdreg s24  }
0xaf: {  	[dreg:$0x3] =	wrdreg $0xB2200  }
0xb0: {  	[dreg:$0x4] =	wrdreg $0x9  }
0xb1: {  	_ =	task.clear_ibuf [dreg:s6], $0x5FFFF;
	_ =	strace $0x90000049  }
0xb2: {  	s29 =	simm.s32 $0x9;
	_ =	strace $0x8000004B  }
0xb3: {  	_ =	swait.ge [sflag:s29], $0x1  }
0xb4: {  	[sflag:s29] =	ssyncadd.s32 $0xFFFFFFFF  }
0xb5: {  	_ =	strace $0x9000004B  }
0xb6: {  	_ =	sfence  }
0xb7: {  	s30 =	sld [smem:$0x0];
	_ =	sdelay $0x2  }
0xb8: {  	s31 =	sshll.u32 s1, $0xD;
	s1 =	sshrl.u32 s1, $0x2  }
0xb9: {  	s3 =	sand.u32 $0x4000, s31;
	s1 =	sadd.s32 s1, s30  }
0xba: {  	s0 =	sor.u32 s3, s0;
	s1 =	sshll.u32 s1, $0x11  }
0xbb: {  	s0 =	sor.u32 s1, s0  }
0xbc: {  	s0 =	sadd.s32 $0x8F2B, s0  }
0xbd: {  	[sflag:s0] =	ssyncadd.remote.s32 $0x1  }
0xbe: {  	_ =	sfence.sel $0xFFFF  }
0xbf: {  	[dreg:$0x0] =	wrdreg $0xFFFFFFFF;
	(pc) =	sbr.abs _section_cstart, $3  }
0xc0: {  	[dreg:$0x1] =	wrdreg $0xFFFFFFFF  }
0xc1: {  	_ =	task.clear_ibuf [dreg:s6], $0x2FFFF;
	_ =	strace $0x9FFFFFFF  }
0xc2: {  	(tm) =	ssettm $0x7FFFFFFF  }
0xc3: {  	_ =	shalt  }
tec
execute0_lowered:
.L_overlay_start_1:
0x0: {  	(tag) =	ssettag $0x1  }
0x1: {  	s0 =	rddreg [dreg:$0x0]  }
0x2: {  	s1 =	rddreg [dreg:$0x1];
	s11 =	stileid.u32  }
0x3: {  	s2 =	srdreg.scid;
	s5 =	smul.u32 $0x14000, s11  }
0x4: {  	s3 =	simm.s32 $0x0;
	s28 =	simm.s32 $0x4E20;
	s9 =	smul.u32 $0x50000, s11  }
0x5: {  	s29 =	simm.s32 $0xC;
	s2 =	sand.u32 $0x1, s2;
	s18 =	smul.u32 $0x9C4, s11  }
0x6: {  	s30 =	simm.s32 $0x2710;
	s31 =	simm.s32 $0x1;
	s6 =	smul.u32 $0x140000, s2  }
0x7: {  	[smem:$0x7FF] =	sst s3;
	s7 =	sadd.s32 $0xB1400, s0;
	s9 =	sshrl.u32 s9, $0x2  }
0x8: {  	s22 =	sadd.s32 s7, s18;
	s23 =	sadd.s32 s5, s6;
	s6 =	sadd.s32 s9, s1  }
0x9: {  	_ =	strace $0x8000004A;
	[dreg:$0xf] =	wrdreg s22;
	s25 =	sadd.s32 $0x1400, s6  }
0xa: {  	s8 =	sadd.s32 $0xBB200, s0;
	s26 =	sadd.s32 $0x2800, s6;
	[dreg:$0x3] =	wrdreg s25  }
0xb: {  	s16 =	smul.u32 $0x4E20, s11;
	s9 =	sadd.s32 $0x3C00, s6;
	[dreg:$0x4] =	wrdreg s26  }
0xc: {  	s11 =	simm.s32 $0x9E20;
	s12 =	sadd.s32 $0x5000, s6;
	[dreg:$0x5] =	wrdreg s9  }
0xd: {  	s4 =	smul.u32 $0x27100, s2;
	s13 =	sadd.s32 $0x6400, s6;
	[dreg:$0x6] =	wrdreg s12  }
0xe: {  	s2 =	ssub.s32 $0x2, s2;
	s14 =	sadd.s32 $0x7800, s6;
	[dreg:$0x7] =	wrdreg s13  }
0xf: {  	s24 =	sshrl.u32 s2, $0x1;
	s15 =	sadd.s32 $0x8C00, s6;
	[dreg:$0x8] =	wrdreg s14  }
0x10: {  	s10 =	sadd.s32 s4, s0;
	s17 =	sadd.s32 $0xB400, s6;
	[dreg:$0x9] =	wrdreg s15  }
0x11: {  	s2 =	ssub.s32 s2, s24;
	s19 =	sadd.s32 $0xC800, s6;
	[dreg:$0xb] =	wrdreg s17  }
0x12: {  	s22 =	simm.s32 $0x4DD0;
	s20 =	sadd.s32 $0xDC00, s6;
	[dreg:$0xc] =	wrdreg s19  }
0x13: {  	s4 =	sshrl.u32 s23, $0x3;
	s21 =	sadd.s32 $0xF000, s6;
	[dreg:$0xd] =	wrdreg s20  }
0x14: {  	s23 =	sadd.s32 $0x10400, s6;
	s24 =	sadd.s32 $0x11800, s6;
	[dreg:$0xe] =	wrdreg s21  }
0x15: {  	s0 =	sadd.s32 s4, s0;
	s4 =	sadd.s32 s5, s1;
	[dreg:$0x13] =	wrdreg s23  }
0x16: {  	s9 =	sadd.s32 $0xA000, s6;
	s5 =	sshrl.u32 s16, $0x3;
	[dreg:$0x14] =	wrdreg s24  }
0x17: {  	s25 =	sadd.s32 $0x12C00, s6;
	s24 =	sadd.s32 $0xC5000, s10;
	s26 =	smax.u32 s2, $0x1  }
0x18: {  	s2 =	simm.s32 $0x2;
	s12 =	simm.s32 $0x3;
	s15 =	simm.s32 $0x4  }
0x19: {  	s17 =	simm.s32 $0x8;
	s19 =	simm.s32 $0x5;
	s21 =	simm.s32 $0x9  }
0x1a: {  	s23 =	simm.s32 $0x6;
	s10 =	simm.s32 $0xB;
	s13 =	simm.s32 $0x2D0  }
0x1b: {  	s14 =	simm.s32 $0x7;
	s16 =	simm.s32 $0x4CE0;
	[dreg:$0xa] =	wrdreg s9  }
0x1c: {  	s20 =	simm.s32 $0x4D80;
	s5 =	sadd.s32 $0x4E2, s5;
	[dreg:$0x15] =	wrdreg s25  }
0x1d: {  	s9 =	sadd.s32 s8, s18;
	s0 =	sadd.s32 $0xA00, s0;
	[dreg:$0x17] =	wrdreg s26  }
0x1e: {  	s25 =	simm.s32 $0xA;
	s18 =	simm.s32 $0x4D30;
	[dreg:$0x10] =	wrdreg s9  }
0x1f: {  	s7 =	sadd.s32 s7, s5;
	s5 =	sadd.s32 s8, s5;
	[dreg:$0x16] =	wrdreg s0  }
0x20: {  	s0 =	simm.s32 $0x50;
	s9 =	simm.s32 $0x8A20;
	[dreg:$0x11] =	wrdreg s7  }
0x21: {  	v0 =	vimm.f32 $0.0e+00;
	[dreg:$0x12] =	wrdreg s5;
	s5 =	simm.s32 $0x6220;
	s7 =	simm.s32 $0x7620  }
.LBB2_1:
0x22: {  	s26 =	simm.s32 $0x100;
	s6 =	simm.s32 $0x0  }
.LBB2_2:
0x23: {  	p0 =	sne.s32 s26, $0x4F00;
	[tilespmem:s6+$0x4E50] =	vst v0;
	s8 =	smov.u32 s26;
	s26 =	sadd.s32 $0x100, s26  }
.Ltmp0:
0x24: {  	[tilespmem:s6+$0x4E40] =	vst v0;
	(pc) =	sbr.rel @p0 .LBB2_2-.Ltmp0, $3  }
0x25: {  	[tilespmem:s6+$0x4E20] =	vst v0  }
0x26: {  	[tilespmem:s6+$0x4E30] =	vst v0;
	_ =	sdelay $0x1  }
0x27: {  	s6 =	sshra.s32 s8, $0x2  }
0x28: {  	[tilespmem:s6+$0x4E50] =	vst v0  }
0x29: {  	[tilespmem:s6+$0x4E40] =	vst v0  }
0x2a: {  	[tilespmem:s6+$0x4E20] =	vst v0  }
0x2b: {  	[tilespmem:s6+$0x4E30] =	vst v0  }
0x2c: {  	[spmem:s4] =	stream.linear.scatter [tilespmem:s28], [sflag:$0xC], $0x1400, $0x38;
	[tilespmem:$0x1F220] =	vst v63  }
0x2d: {  	_ =	swait.ge [sflag:s29], $0x1400  }
0x2e: {  	[sflag:s29] =	ssyncset.done $0x0  }
0x2f: {  	s8 =	rddreg [dreg:$0x3];
	[sflag:s29] =	ssyncadd.s32 $0xFFFFEC00  }
0x30: {  	[spmem:s8] =	stream.linear.scatter [tilespmem:s28], [sflag:$0xC], $0x1400, $0x38;
	[tilespmem:$0x1F220] =	vst v63  }
0x31: {  	_ =	swait.ge [sflag:s29], $0x1400  }
0x32: {  	[sflag:s29] =	ssyncset.done $0x0  }
0x33: {  	s26 =	rddreg [dreg:$0x4];
	[sflag:s29] =	ssyncadd.s32 $0xFFFFEC00  }
0x34: {  	[spmem:s26] =	stream.linear.scatter [tilespmem:s28], [sflag:$0xC], $0x1400, $0x38;
	[tilespmem:$0x1F220] =	vst v63  }
0x35: {  	_ =	swait.ge [sflag:s29], $0x1400  }
0x36: {  	[sflag:s29] =	ssyncset.done $0x0  }
0x37: {  	s8 =	rddreg [dreg:$0x5];
	[sflag:s29] =	ssyncadd.s32 $0xFFFFEC00  }
0x38: {  	[spmem:s8] =	stream.linear.scatter [tilespmem:s28], [sflag:$0xC], $0x1400, $0x38;
	[tilespmem:$0x1F220] =	vst v63  }
0x39: {  	_ =	swait.ge [sflag:s29], $0x1400  }
0x3a: {  	[sflag:s29] =	ssyncset.done $0x0  }
0x3b: {  	s26 =	rddreg [dreg:$0x6];
	[sflag:s29] =	ssyncadd.s32 $0xFFFFEC00  }
0x3c: {  	[spmem:s26] =	stream.linear.scatter [tilespmem:s28], [sflag:$0xC], $0x1400, $0x38;
	[tilespmem:$0x1F220] =	vst v63  }
0x3d: {  	_ =	swait.ge [sflag:s29], $0x1400  }
0x3e: {  	[sflag:s29] =	ssyncset.done $0x0  }
0x3f: {  	s8 =	rddreg [dreg:$0x7];
	[sflag:s29] =	ssyncadd.s32 $0xFFFFEC00  }
0x40: {  	[spmem:s8] =	stream.linear.scatter [tilespmem:s28], [sflag:$0xC], $0x1400, $0x38;
	[tilespmem:$0x1F220] =	vst v63  }
0x41: {  	_ =	swait.ge [sflag:s29], $0x1400  }
0x42: {  	[sflag:s29] =	ssyncset.done $0x0  }
0x43: {  	s26 =	rddreg [dreg:$0x8];
	[sflag:s29] =	ssyncadd.s32 $0xFFFFEC00  }
0x44: {  	[spmem:s26] =	stream.linear.scatter [tilespmem:s28], [sflag:$0xC], $0x1400, $0x38;
	[tilespmem:$0x1F220] =	vst v63  }
0x45: {  	_ =	swait.ge [sflag:s29], $0x1400  }
0x46: {  	[sflag:s29] =	ssyncset.done $0x0  }
0x47: {  	s8 =	rddreg [dreg:$0x9];
	[sflag:s29] =	ssyncadd.s32 $0xFFFFEC00  }
0x48: {  	[spmem:s8] =	stream.linear.scatter [tilespmem:s28], [sflag:$0xC], $0x1400, $0x38;
	[tilespmem:$0x1F220] =	vst v63  }
0x49: {  	_ =	swait.ge [sflag:s29], $0x1400  }
0x4a: {  	[sflag:s29] =	ssyncset.done $0x0  }
0x4b: {  	s26 =	rddreg [dreg:$0xa];
	[sflag:s29] =	ssyncadd.s32 $0xFFFFEC00  }
0x4c: {  	[spmem:s26] =	stream.linear.scatter [tilespmem:s28], [sflag:$0xC], $0x1400, $0x38;
	[tilespmem:$0x1F220] =	vst v63  }
0x4d: {  	_ =	swait.ge [sflag:s29], $0x1400  }
0x4e: {  	[sflag:s29] =	ssyncset.done $0x0  }
0x4f: {  	s8 =	rddreg [dreg:$0xb];
	[sflag:s29] =	ssyncadd.s32 $0xFFFFEC00  }
0x50: {  	[spmem:s8] =	stream.linear.scatter [tilespmem:s28], [sflag:$0xC], $0x1400, $0x38;
	[tilespmem:$0x1F220] =	vst v63  }
0x51: {  	_ =	swait.ge [sflag:s29], $0x1400  }
0x52: {  	[sflag:s29] =	ssyncset.done $0x0  }
0x53: {  	s26 =	rddreg [dreg:$0xc];
	[sflag:s29] =	ssyncadd.s32 $0xFFFFEC00  }
0x54: {  	[spmem:s26] =	stream.linear.scatter [tilespmem:s28], [sflag:$0xC], $0x1400, $0x38;
	[tilespmem:$0x1F220] =	vst v63  }
0x55: {  	_ =	swait.ge [sflag:s29], $0x1400  }
0x56: {  	[sflag:s29] =	ssyncset.done $0x0  }
0x57: {  	s8 =	rddreg [dreg:$0xd];
	[sflag:s29] =	ssyncadd.s32 $0xFFFFEC00  }
0x58: {  	[spmem:s8] =	stream.linear.scatter [tilespmem:s28], [sflag:$0xC], $0x1400, $0x38;
	[tilespmem:$0x1F220] =	vst v63  }
0x59: {  	_ =	swait.ge [sflag:s29], $0x1400  }
0x5a: {  	[sflag:s29] =	ssyncset.done $0x0  }
0x5b: {  	s26 =	rddreg [dreg:$0xe];
	[sflag:s29] =	ssyncadd.s32 $0xFFFFEC00  }
0x5c: {  	[spmem:s26] =	stream.linear.scatter [tilespmem:s28], [sflag:$0xC], $0x1400, $0x38;
	[tilespmem:$0x1F220] =	vst v63  }
0x5d: {  	_ =	swait.ge [sflag:s29], $0x1400  }
0x5e: {  	[sflag:s29] =	ssyncset.done $0x0  }
0x5f: {  	s8 =	rddreg [dreg:$0x13];
	[sflag:s29] =	ssyncadd.s32 $0xFFFFEC00  }
0x60: {  	[spmem:s8] =	stream.linear.scatter [tilespmem:s28], [sflag:$0xC], $0x1400, $0x38;
	[tilespmem:$0x1F220] =	vst v63  }
0x61: {  	_ =	swait.ge [sflag:s29], $0x1400  }
0x62: {  	[sflag:s29] =	ssyncset.done $0x0  }
0x63: {  	s26 =	rddreg [dreg:$0x14];
	[sflag:s29] =	ssyncadd.s32 $0xFFFFEC00  }
0x64: {  	[spmem:s26] =	stream.linear.scatter [tilespmem:s28], [sflag:$0xC], $0x1400, $0x38;
	[tilespmem:$0x1F220] =	vst v63  }
0x65: {  	_ =	swait.ge [sflag:s29], $0x1400  }
0x66: {  	[sflag:s29] =	ssyncset.done $0x0  }
0x67: {  	s8 =	rddreg [dreg:$0x15];
	[sflag:s29] =	ssyncadd.s32 $0xFFFFEC00  }
0x68: {  	[spmem:s8] =	stream.linear.scatter [tilespmem:s28], [sflag:$0xC], $0x1400, $0x38;
	[tilespmem:$0x1F220] =	vst v63  }
0x69: {  	_ =	swait.ge [sflag:s29], $0x1400  }
0x6a: {  	[sflag:s29] =	ssyncset.done $0x0  }
0x6b: {  	[sflag:s29] =	ssyncadd.s32 $0xFFFFEC00  }
0x6c: {  	[bflag:$0x0] =	sbarrier.arrive $0xFFFF  }
0x6d: {  	s6 =	simm.s32 $0x0;
	s8 =	rddreg [dreg:$0xf]  }
0x6e: {  	[tilespmem:s6], [sflag:$0x1] =	stream.linear.gather [hbm4b:s8+s6], $0x2710, $0x38;
	[tilespmem:$0x1F220] =	vst v63  }
0x6f: {  	s26 =	rddreg [dreg:$0x10]  }
0x70: {  	[tilespmem:s30], [sflag:$0x1] =	stream.linear.gather [hbm4b:s26+s6], $0x2710, $0x38;
	[tilespmem:$0x1F220] =	vst v63  }
0x71: {  	_ =	swait.ge [sflag:s31], $0x2710  }
0x72: {  	[sflag:s31] =	ssyncset.done $0x0  }
0x73: {  	[sflag:s31] =	ssyncadd.s32 $0xFFFFD8F0  }
0x74: {  	_ =	swait.ge [sflag:s31], $0x2710  }
0x75: {  	[sflag:s31] =	ssyncset.done $0x0  }
0x76: {  	[sflag:s31] =	ssyncadd.s32 $0xFFFFD8F0  }
0x77: {  	[tilespmem:s28], [sflag:$0x2] =	stream.indirect.gather [hbm4b:s24+s0], $0x40, s6, s0, $0xb8;
	[tilespmem:$0x1F220] =	vst v63  }
0x78: {  	_ =	swait.ge [sflag:s2], $0x1400  }
0x79: {  	[sflag:s2] =	ssyncset.done $0x0  }
0x7a: {  	[sflag:s2] =	ssyncadd.s32 $0xFFFFEC00  }
0x7b: {  	[spmem:s1] =	stream.indirect.scatter.add.f32 [tilespmem:s28], [sflag:$0xC], $0x40, s30, s0, $0xb8;
	[tilespmem:$0x1F220] =	vst v63  }
0x7c: {  	_ =	swait.ge [sflag:s29], $0x1400  }
0x7d: {  	[sflag:s29] =	ssyncset.done $0x0  }
0x7e: {  	[sflag:s29] =	ssyncadd.s32 $0xFFFFEC00  }
0x7f: {  	[tilespmem:s5], [sflag:$0x3] =	stream.indirect.gather [hbm4b:s24+s0], $0x40, s0, s0, $0xb8;
	[tilespmem:$0x1F220] =	vst v63  }
0x80: {  	s26 =	simm.s32 $0xA0  }
0x81: {  	[tilespmem:s7], [sflag:$0x4] =	stream.indirect.gather [hbm4b:s24+s0], $0x40, s26, s0, $0xb8;
	[tilespmem:$0x1F220] =	vst v63  }
0x82: {  	s8 =	simm.s32 $0xF0  }
0x83: {  	[tilespmem:s9], [sflag:$0x5] =	stream.indirect.gather [hbm4b:s24+s0], $0x40, s8, s0, $0xb8;
	[tilespmem:$0x1F220] =	vst v63  }
0x84: {  	s26 =	simm.s32 $0x140  }
0x85: {  	[tilespmem:s11], [sflag:$0x6] =	stream.indirect.gather [hbm4b:s24+s0], $0x40, s26, s0, $0xb8;
	[tilespmem:$0x1F220] =	vst v63  }
0x86: {  	_ =	swait.ge [sflag:s12], $0x1400  }
0x87: {  	[sflag:s12] =	ssyncset.done $0x0  }
0x88: {  	s8 =	simm.s32 $0x2760;
	[sflag:s12] =	ssyncadd.s32 $0xFFFFEC00  }
0x89: {  	[spmem:s1] =	stream.indirect.scatter.add.f32 [tilespmem:s5], [sflag:$0x8], $0x40, s8, s0, $0xb8;
	[tilespmem:$0x1F220] =	vst v63  }
0x8a: {  	s26 =	simm.s32 $0x190  }
0x8b: {  	[tilespmem:s28], [sflag:$0x2] =	stream.indirect.gather [hbm4b:s24+s0], $0x40, s26, s0, $0xb8;
	[tilespmem:$0x1F220] =	vst v63  }
0x8c: {  	_ =	swait.ge [sflag:s15], $0x1400  }
0x8d: {  	[sflag:s15] =	ssyncset.done $0x0  }
0x8e: {  	s8 =	simm.s32 $0x27B0;
	[sflag:s15] =	ssyncadd.s32 $0xFFFFEC00  }
0x8f: {  	[spmem:s1] =	stream.indirect.scatter.add.f32 [tilespmem:s7], [sflag:$0x9], $0x40, s8, s0, $0xb8;
	[tilespmem:$0x1F220] =	vst v63  }
0x90: {  	_ =	swait.ge [sflag:s17], $0x1400  }
0x91: {  	[sflag:s17] =	ssyncset.done $0x0  }
0x92: {  	s26 =	simm.s32 $0x1E0;
	[sflag:s17] =	ssyncadd.s32 $0xFFFFEC00  }
0x93: {  	[tilespmem:s5], [sflag:$0x3] =	stream.indirect.gather [hbm4b:s24+s0], $0x40, s26, s0, $0xb8;
	[tilespmem:$0x1F220] =	vst v63  }
0x94: {  	_ =	swait.ge [sflag:s19], $0x1400  }
0x95: {  	[sflag:s19] =	ssyncset.done $0x0  }
0x96: {  	s8 =	simm.s32 $0x2800;
	[sflag:s19] =	ssyncadd.s32 $0xFFFFEC00  }
0x97: {  	[spmem:s1] =	stream.indirect.scatter.add.f32 [tilespmem:s9], [sflag:$0xA], $0x40, s8, s0, $0xb8;
	[tilespmem:$0x1F220] =	vst v63  }
0x98: {  	_ =	swait.ge [sflag:s21], $0x1400  }
0x99: {  	[sflag:s21] =	ssyncset.done $0x0  }
0x9a: {  	s26 =	simm.s32 $0x230;
	[sflag:s21] =	ssyncadd.s32 $0xFFFFEC00  }
0x9b: {  	[tilespmem:s7], [sflag:$0x4] =	stream.indirect.gather [hbm4b:s24+s0], $0x40, s26, s0, $0xb8;
	[tilespmem:$0x1F220] =	vst v63  }
0x9c: {  	_ =	swait.ge [sflag:s23], $0x1400  }
0x9d: {  	[sflag:s23] =	ssyncset.done $0x0  }
0x9e: {  	s8 =	simm.s32 $0x2850;
	[sflag:s23] =	ssyncadd.s32 $0xFFFFEC00  }
0x9f: {  	[spmem:s1] =	stream.indirect.scatter.add.f32 [tilespmem:s11], [sflag:$0xB], $0x40, s8, s0, $0xb8;
	[tilespmem:$0x1F220] =	vst v63  }
0xa0: {  	_ =	swait.ge [sflag:s25], $0x1400  }
0xa1: {  	[sflag:s25] =	ssyncset.done $0x0  }
0xa2: {  	s26 =	simm.s32 $0x280;
	[sflag:s25] =	ssyncadd.s32 $0xFFFFEC00  }
0xa3: {  	[tilespmem:s9], [sflag:$0x5] =	stream.indirect.gather [hbm4b:s24+s0], $0x40, s26, s0, $0xb8;
	[tilespmem:$0x1F220] =	vst v63  }
0xa4: {  	_ =	swait.ge [sflag:s2], $0x1400  }
0xa5: {  	[sflag:s2] =	ssyncset.done $0x0  }
0xa6: {  	s8 =	simm.s32 $0x28A0;
	[sflag:s2] =	ssyncadd.s32 $0xFFFFEC00  }
0xa7: {  	[spmem:s1] =	stream.indirect.scatter.add.f32 [tilespmem:s28], [sflag:$0x7], $0x40, s8, s0, $0xb8;
	[tilespmem:$0x1F220] =	vst v63  }
0xa8: {  	_ =	swait.ge [sflag:s10], $0x1400  }
0xa9: {  	[sflag:s10] =	ssyncset.done $0x0  }
0xaa: {  	[sflag:s10] =	ssyncadd.s32 $0xFFFFEC00  }
0xab: {  	[tilespmem:s11], [sflag:$0x6] =	stream.indirect.gather [hbm4b:s24+s0], $0x40, s13, s0, $0xb8;
	[tilespmem:$0x1F220] =	vst v63  }
0xac: {  	_ =	swait.ge [sflag:s12], $0x1400  }
0xad: {  	[sflag:s12] =	ssyncset.done $0x0  }
0xae: {  	s26 =	simm.s32 $0x28F0;
	[sflag:s12] =	ssyncadd.s32 $0xFFFFEC00  }
0xaf: {  	[spmem:s1] =	stream.indirect.scatter.add.f32 [tilespmem:s5], [sflag:$0x8], $0x40, s26, s0, $0xb8;
	[tilespmem:$0x1F220] =	vst v63  }
0xb0: {  	_ =	swait.ge [sflag:s14], $0x1400  }
0xb1: {  	[sflag:s14] =	ssyncset.done $0x0  }
0xb2: {  	s8 =	simm.s32 $0x320;
	[sflag:s14] =	ssyncadd.s32 $0xFFFFEC00  }
0xb3: {  	[tilespmem:s28], [sflag:$0x2] =	stream.indirect.gather [hbm4b:s24+s0], $0x40, s8, s0, $0xb8;
	[tilespmem:$0x1F220] =	vst v63  }
0xb4: {  	_ =	swait.ge [sflag:s15], $0x1400  }
0xb5: {  	[sflag:s15] =	ssyncset.done $0x0  }
0xb6: {  	s26 =	simm.s32 $0x2940;
	[sflag:s15] =	ssyncadd.s32 $0xFFFFEC00  }
0xb7: {  	[spmem:s1] =	stream.indirect.scatter.add.f32 [tilespmem:s7], [sflag:$0x9], $0x40, s26, s0, $0xb8;
	[tilespmem:$0x1F220] =	vst v63  }
0xb8: {  	_ =	swait.ge [sflag:s17], $0x1400  }
0xb9: {  	[sflag:s17] =	ssyncset.done $0x0  }
0xba: {  	s8 =	simm.s32 $0x370;
	[sflag:s17] =	ssyncadd.s32 $0xFFFFEC00  }
0xbb: {  	[tilespmem:s5], [sflag:$0x3] =	stream.indirect.gather [hbm4b:s24+s0], $0x40, s8, s0, $0xb8;
	[tilespmem:$0x1F220] =	vst v63  }
0xbc: {  	_ =	swait.ge [sflag:s19], $0x1400  }
0xbd: {  	[sflag:s19] =	ssyncset.done $0x0  }
0xbe: {  	s26 =	simm.s32 $0x2990;
	[sflag:s19] =	ssyncadd.s32 $0xFFFFEC00  }
0xbf: {  	[spmem:s1] =	stream.indirect.scatter.add.f32 [tilespmem:s9], [sflag:$0xA], $0x40, s26, s0, $0xb8;
	[tilespmem:$0x1F220] =	vst v63  }
0xc0: {  	_ =	swait.ge [sflag:s21], $0x1400  }
0xc1: {  	[sflag:s21] =	ssyncset.done $0x0  }
0xc2: {  	s8 =	simm.s32 $0x3C0;
	[sflag:s21] =	ssyncadd.s32 $0xFFFFEC00  }
0xc3: {  	[tilespmem:s7], [sflag:$0x4] =	stream.indirect.gather [hbm4b:s24+s0], $0x40, s8, s0, $0xb8;
	[tilespmem:$0x1F220] =	vst v63  }
0xc4: {  	_ =	swait.ge [sflag:s23], $0x1400  }
0xc5: {  	[sflag:s23] =	ssyncset.done $0x0  }
0xc6: {  	s26 =	simm.s32 $0x29E0;
	[sflag:s23] =	ssyncadd.s32 $0xFFFFEC00  }
0xc7: {  	[spmem:s1] =	stream.indirect.scatter.add.f32 [tilespmem:s11], [sflag:$0xB], $0x40, s26, s0, $0xb8;
	[tilespmem:$0x1F220] =	vst v63  }
0xc8: {  	_ =	swait.ge [sflag:s25], $0x1400  }
0xc9: {  	[sflag:s25] =	ssyncset.done $0x0  }
0xca: {  	s8 =	simm.s32 $0x410;
	[sflag:s25] =	ssyncadd.s32 $0xFFFFEC00  }
0xcb: {  	[tilespmem:s9], [sflag:$0x5] =	stream.indirect.gather [hbm4b:s24+s0], $0x40, s8, s0, $0xb8;
	[tilespmem:$0x1F220] =	vst v63  }
0xcc: {  	_ =	swait.ge [sflag:s2], $0x1400  }
0xcd: {  	[sflag:s2] =	ssyncset.done $0x0  }
0xce: {  	s26 =	simm.s32 $0x2A30;
	[sflag:s2] =	ssyncadd.s32 $0xFFFFEC00  }
0xcf: {  	[spmem:s1] =	stream.indirect.scatter.add.f32 [tilespmem:s28], [sflag:$0x7], $0x40, s26, s0, $0xb8;
	[tilespmem:$0x1F220] =	vst v63  }
0xd0: {  	_ =	swait.ge [sflag:s10], $0x1400  }
0xd1: {  	[sflag:s10] =	ssyncset.done $0x0  }
0xd2: {  	s6 =	simm.s32 $0x640;
	s26 =	simm.s32 $0x460;
	[sflag:s10] =	ssyncadd.s32 $0xFFFFEC00  }
.LBB2_4:
0xd3: {  	[tilespmem:s11], [sflag:$0x6] =	stream.indirect.gather [hbm4b:s24+s0], $0x40, s26, s0, $0xb8;
	[tilespmem:$0x1F220] =	vst v63  }
0xd4: {  	s8 =	smov.u32 s6  }
0xd5: {  	p0 =	sne.s32 s6, $0x8980;
	s6 =	sadd.s32 $0x640, s6;
	_ =	swait.ge [sflag:s12], $0x1400  }
0xd6: {  	s26 =	sshra.s32 s8, $0x2;
	[sflag:s12] =	ssyncset.done $0x0  }
0xd7: {  	s8 =	sadd.s32 $0x28F0, s26;
	[sflag:s12] =	ssyncadd.s32 $0xFFFFEC00  }
0xd8: {  	[spmem:s1] =	stream.indirect.scatter.add.f32 [tilespmem:s5], [sflag:$0x8], $0x40, s8, s0, $0xb8;
	[tilespmem:$0x1F220] =	vst v63  }
0xd9: {  	_ =	swait.ge [sflag:s14], $0x1400  }
0xda: {  	[sflag:s14] =	ssyncset.done $0x0  }
0xdb: {  	s8 =	sadd.s32 $0x320, s26;
	[sflag:s14] =	ssyncadd.s32 $0xFFFFEC00  }
0xdc: {  	[tilespmem:s28], [sflag:$0x2] =	stream.indirect.gather [hbm4b:s24+s0], $0x40, s8, s0, $0xb8;
	[tilespmem:$0x1F220] =	vst v63  }
0xdd: {  	_ =	swait.ge [sflag:s15], $0x1400  }
0xde: {  	[sflag:s15] =	ssyncset.done $0x0  }
0xdf: {  	s8 =	sadd.s32 $0x2940, s26;
	[sflag:s15] =	ssyncadd.s32 $0xFFFFEC00  }
0xe0: {  	[spmem:s1] =	stream.indirect.scatter.add.f32 [tilespmem:s7], [sflag:$0x9], $0x40, s8, s0, $0xb8;
	[tilespmem:$0x1F220] =	vst v63  }
0xe1: {  	_ =	swait.ge [sflag:s17], $0x1400  }
0xe2: {  	[sflag:s17] =	ssyncset.done $0x0  }
0xe3: {  	s8 =	sadd.s32 $0x370, s26;
	[sflag:s17] =	ssyncadd.s32 $0xFFFFEC00  }
0xe4: {  	[tilespmem:s5], [sflag:$0x3] =	stream.indirect.gather [hbm4b:s24+s0], $0x40, s8, s0, $0xb8;
	[tilespmem:$0x1F220] =	vst v63  }
0xe5: {  	_ =	swait.ge [sflag:s19], $0x1400  }
0xe6: {  	[sflag:s19] =	ssyncset.done $0x0  }
0xe7: {  	s8 =	sadd.s32 $0x2990, s26;
	[sflag:s19] =	ssyncadd.s32 $0xFFFFEC00  }
0xe8: {  	[spmem:s1] =	stream.indirect.scatter.add.f32 [tilespmem:s9], [sflag:$0xA], $0x40, s8, s0, $0xb8;
	[tilespmem:$0x1F220] =	vst v63  }
0xe9: {  	_ =	swait.ge [sflag:s21], $0x1400  }
0xea: {  	[sflag:s21] =	ssyncset.done $0x0  }
0xeb: {  	s8 =	sadd.s32 $0x3C0, s26;
	[sflag:s21] =	ssyncadd.s32 $0xFFFFEC00  }
0xec: {  	[tilespmem:s7], [sflag:$0x4] =	stream.indirect.gather [hbm4b:s24+s0], $0x40, s8, s0, $0xb8;
	[tilespmem:$0x1F220] =	vst v63  }
0xed: {  	_ =	swait.ge [sflag:s23], $0x1400  }
0xee: {  	[sflag:s23] =	ssyncset.done $0x0  }
0xef: {  	s8 =	sadd.s32 $0x29E0, s26;
	[sflag:s23] =	ssyncadd.s32 $0xFFFFEC00  }
0xf0: {  	[spmem:s1] =	stream.indirect.scatter.add.f32 [tilespmem:s11], [sflag:$0xB], $0x40, s8, s0, $0xb8;
	[tilespmem:$0x1F220] =	vst v63  }
0xf1: {  	_ =	swait.ge [sflag:s25], $0x1400  }
0xf2: {  	[sflag:s25] =	ssyncset.done $0x0  }
0xf3: {  	s8 =	sadd.s32 $0x410, s26;
	[sflag:s25] =	ssyncadd.s32 $0xFFFFEC00  }
0xf4: {  	[tilespmem:s9], [sflag:$0x5] =	stream.indirect.gather [hbm4b:s24+s0], $0x40, s8, s0, $0xb8;
	[tilespmem:$0x1F220] =	vst v63  }
0xf5: {  	_ =	swait.ge [sflag:s2], $0x1400  }
0xf6: {  	[sflag:s2] =	ssyncset.done $0x0  }
.Ltmp1:
0xf7: {  	s8 =	sadd.s32 $0x2A30, s26;
	[sflag:s2] =	ssyncadd.s32 $0xFFFFEC00;
	(pc) =	sbr.rel @p0 .LBB2_4-.Ltmp1, $4  }
0xf8: {  	[spmem:s1] =	stream.indirect.scatter.add.f32 [tilespmem:s28], [sflag:$0x7], $0x40, s8, s0, $0xb8;
	[tilespmem:$0x1F220] =	vst v63  }
0xf9: {  	_ =	swait.ge [sflag:s10], $0x1400  }
0xfa: {  	[sflag:s10] =	ssyncset.done $0x0  }
0xfb: {  	s26 =	sadd.s32 $0x460, s26;
	[sflag:s10] =	ssyncadd.s32 $0xFFFFEC00  }
0xfc: {  	[tilespmem:s11], [sflag:$0x6] =	stream.indirect.gather [hbm4b:s24+s0], $0x40, s26, s0, $0xb8;
	[tilespmem:$0x1F220] =	vst v63  }
0xfd: {  	_ =	swait.ge [sflag:s12], $0x1400  }
0xfe: {  	[sflag:s12] =	ssyncset.done $0x0  }
0xff: {  	[sflag:s12] =	ssyncadd.s32 $0xFFFFEC00  }
0x100: {  	[spmem:s1] =	stream.indirect.scatter.add.f32 [tilespmem:s5], [sflag:$0x8], $0x40, s16, s0, $0xb8;
	[tilespmem:$0x1F220] =	vst v63  }
0x101: {  	_ =	swait.ge [sflag:s15], $0x1400  }
0x102: {  	[sflag:s15] =	ssyncset.done $0x0  }
0x103: {  	[sflag:s15] =	ssyncadd.s32 $0xFFFFEC00  }
0x104: {  	[spmem:s1] =	stream.indirect.scatter.add.f32 [tilespmem:s7], [sflag:$0x9], $0x40, s18, s0, $0xb8;
	[tilespmem:$0x1F220] =	vst v63  }
0x105: {  	_ =	swait.ge [sflag:s19], $0x1400  }
0x106: {  	[sflag:s19] =	ssyncset.done $0x0  }
0x107: {  	[sflag:s19] =	ssyncadd.s32 $0xFFFFEC00  }
0x108: {  	[spmem:s1] =	stream.indirect.scatter.add.f32 [tilespmem:s9], [sflag:$0xA], $0x40, s20, s0, $0xb8;
	[tilespmem:$0x1F220] =	vst v63  }
0x109: {  	_ =	swait.ge [sflag:s23], $0x1400  }
0x10a: {  	[sflag:s23] =	ssyncset.done $0x0  }
0x10b: {  	[sflag:s23] =	ssyncadd.s32 $0xFFFFEC00  }
0x10c: {  	[spmem:s1] =	stream.indirect.scatter.add.f32 [tilespmem:s11], [sflag:$0xB], $0x40, s22, s0, $0xb8;
	[tilespmem:$0x1F220] =	vst v63  }
0x10d: {  	_ =	swait.ge [sflag:s14], $0x1400  }
0x10e: {  	[sflag:s14] =	ssyncset.done $0x0  }
0x10f: {  	[sflag:s14] =	ssyncadd.s32 $0xFFFFEC00  }
0x110: {  	_ =	swait.ge [sflag:s17], $0x1400  }
0x111: {  	[sflag:s17] =	ssyncset.done $0x0  }
0x112: {  	[sflag:s17] =	ssyncadd.s32 $0xFFFFEC00  }
0x113: {  	_ =	swait.ge [sflag:s21], $0x1400  }
0x114: {  	[sflag:s21] =	ssyncset.done $0x0  }
0x115: {  	[sflag:s21] =	ssyncadd.s32 $0xFFFFEC00  }
0x116: {  	_ =	swait.ge [sflag:s25], $0x1400  }
0x117: {  	[sflag:s25] =	ssyncset.done $0x0  }
0x118: {  	[sflag:s25] =	ssyncadd.s32 $0xFFFFEC00  }
0x119: {  	_ =	swait.ge [sflag:s10], $0x1400  }
0x11a: {  	[sflag:s10] =	ssyncset.done $0x0  }
0x11b: {  	s6 =	simm.s32 $0x0;
	s8 =	rddreg [dreg:$0x11];
	[sflag:s10] =	ssyncadd.s32 $0xFFFFEC00  }
0x11c: {  	[tilespmem:s6], [sflag:$0x1] =	stream.linear.gather [hbm4b:s8+s6], $0x2710, $0x38;
	[tilespmem:$0x1F220] =	vst v63  }
0x11d: {  	s26 =	rddreg [dreg:$0x12]  }
0x11e: {  	[tilespmem:s30], [sflag:$0x1] =	stream.linear.gather [hbm4b:s26+s6], $0x2710, $0x38;
	[tilespmem:$0x1F220] =	vst v63  }
0x11f: {  	_ =	swait.ge [sflag:s31], $0x2710  }
0x120: {  	[sflag:s31] =	ssyncset.done $0x0  }
0x121: {  	[sflag:s31] =	ssyncadd.s32 $0xFFFFD8F0  }
0x122: {  	_ =	swait.ge [sflag:s31], $0x2710  }
0x123: {  	[sflag:s31] =	ssyncset.done $0x0  }
0x124: {  	[sflag:s31] =	ssyncadd.s32 $0xFFFFD8F0  }
0x125: {  	[tilespmem:s28], [sflag:$0x2] =	stream.indirect.gather [hbm4b:s24+s0], $0x40, s6, s0, $0xb8;
	[tilespmem:$0x1F220] =	vst v63  }
0x126: {  	_ =	swait.ge [sflag:s2], $0x1400  }
0x127: {  	[sflag:s2] =	ssyncset.done $0x0  }
0x128: {  	[sflag:s2] =	ssyncadd.s32 $0xFFFFEC00  }
0x129: {  	[spmem:s1] =	stream.indirect.scatter.add.f32 [tilespmem:s28], [sflag:$0xC], $0x40, s30, s0, $0xb8;
	[tilespmem:$0x1F220] =	vst v63  }
0x12a: {  	_ =	swait.ge [sflag:s29], $0x1400  }
0x12b: {  	[sflag:s29] =	ssyncset.done $0x0  }
0x12c: {  	[sflag:s29] =	ssyncadd.s32 $0xFFFFEC00  }
0x12d: {  	[tilespmem:s5], [sflag:$0x3] =	stream.indirect.gather [hbm4b:s24+s0], $0x40, s0, s0, $0xb8;
	[tilespmem:$0x1F220] =	vst v63  }
0x12e: {  	s26 =	simm.s32 $0xA0  }
0x12f: {  	[tilespmem:s7], [sflag:$0x4] =	stream.indirect.gather [hbm4b:s24+s0], $0x40, s26, s0, $0xb8;
	[tilespmem:$0x1F220] =	vst v63  }
0x130: {  	s8 =	simm.s32 $0xF0  }
0x131: {  	[tilespmem:s9], [sflag:$0x5] =	stream.indirect.gather [hbm4b:s24+s0], $0x40, s8, s0, $0xb8;
	[tilespmem:$0x1F220] =	vst v63  }
0x132: {  	s26 =	simm.s32 $0x140  }
0x133: {  	[tilespmem:s11], [sflag:$0x6] =	stream.indirect.gather [hbm4b:s24+s0], $0x40, s26, s0, $0xb8;
	[tilespmem:$0x1F220] =	vst v63  }
0x134: {  	_ =	swait.ge [sflag:s12], $0x1400  }
0x135: {  	[sflag:s12] =	ssyncset.done $0x0  }
0x136: {  	s8 =	simm.s32 $0x2760;
	[sflag:s12] =	ssyncadd.s32 $0xFFFFEC00  }
0x137: {  	[spmem:s1] =	stream.indirect.scatter.add.f32 [tilespmem:s5], [sflag:$0x8], $0x40, s8, s0, $0xb8;
	[tilespmem:$0x1F220] =	vst v63  }
0x138: {  	s26 =	simm.s32 $0x190  }
0x139: {  	[tilespmem:s28], [sflag:$0x2] =	stream.indirect.gather [hbm4b:s24+s0], $0x40, s26, s0, $0xb8;
	[tilespmem:$0x1F220] =	vst v63  }
0x13a: {  	_ =	swait.ge [sflag:s15], $0x1400  }
0x13b: {  	[sflag:s15] =	ssyncset.done $0x0  }
0x13c: {  	s8 =	simm.s32 $0x27B0;
	[sflag:s15] =	ssyncadd.s32 $0xFFFFEC00  }
0x13d: {  	[spmem:s1] =	stream.indirect.scatter.add.f32 [tilespmem:s7], [sflag:$0x9], $0x40, s8, s0, $0xb8;
	[tilespmem:$0x1F220] =	vst v63  }
0x13e: {  	_ =	swait.ge [sflag:s17], $0x1400  }
0x13f: {  	[sflag:s17] =	ssyncset.done $0x0  }
0x140: {  	s26 =	simm.s32 $0x1E0;
	[sflag:s17] =	ssyncadd.s32 $0xFFFFEC00  }
0x141: {  	[tilespmem:s5], [sflag:$0x3] =	stream.indirect.gather [hbm4b:s24+s0], $0x40, s26, s0, $0xb8;
	[tilespmem:$0x1F220] =	vst v63  }
0x142: {  	_ =	swait.ge [sflag:s19], $0x1400  }
0x143: {  	[sflag:s19] =	ssyncset.done $0x0  }
0x144: {  	s8 =	simm.s32 $0x2800;
	[sflag:s19] =	ssyncadd.s32 $0xFFFFEC00  }
0x145: {  	[spmem:s1] =	stream.indirect.scatter.add.f32 [tilespmem:s9], [sflag:$0xA], $0x40, s8, s0, $0xb8;
	[tilespmem:$0x1F220] =	vst v63  }
0x146: {  	_ =	swait.ge [sflag:s21], $0x1400  }
0x147: {  	[sflag:s21] =	ssyncset.done $0x0  }
0x148: {  	s26 =	simm.s32 $0x230;
	[sflag:s21] =	ssyncadd.s32 $0xFFFFEC00  }
0x149: {  	[tilespmem:s7], [sflag:$0x4] =	stream.indirect.gather [hbm4b:s24+s0], $0x40, s26, s0, $0xb8;
	[tilespmem:$0x1F220] =	vst v63  }
0x14a: {  	_ =	swait.ge [sflag:s23], $0x1400  }
0x14b: {  	[sflag:s23] =	ssyncset.done $0x0  }
0x14c: {  	s8 =	simm.s32 $0x2850;
	[sflag:s23] =	ssyncadd.s32 $0xFFFFEC00  }
0x14d: {  	[spmem:s1] =	stream.indirect.scatter.add.f32 [tilespmem:s11], [sflag:$0xB], $0x40, s8, s0, $0xb8;
	[tilespmem:$0x1F220] =	vst v63  }
0x14e: {  	_ =	swait.ge [sflag:s25], $0x1400  }
0x14f: {  	[sflag:s25] =	ssyncset.done $0x0  }
0x150: {  	s26 =	simm.s32 $0x280;
	[sflag:s25] =	ssyncadd.s32 $0xFFFFEC00  }
0x151: {  	[tilespmem:s9], [sflag:$0x5] =	stream.indirect.gather [hbm4b:s24+s0], $0x40, s26, s0, $0xb8;
	[tilespmem:$0x1F220] =	vst v63  }
0x152: {  	_ =	swait.ge [sflag:s2], $0x1400  }
0x153: {  	[sflag:s2] =	ssyncset.done $0x0  }
0x154: {  	s8 =	simm.s32 $0x28A0;
	[sflag:s2] =	ssyncadd.s32 $0xFFFFEC00  }
0x155: {  	[spmem:s1] =	stream.indirect.scatter.add.f32 [tilespmem:s28], [sflag:$0x7], $0x40, s8, s0, $0xb8;
	[tilespmem:$0x1F220] =	vst v63  }
0x156: {  	_ =	swait.ge [sflag:s10], $0x1400  }
0x157: {  	[sflag:s10] =	ssyncset.done $0x0  }
0x158: {  	[sflag:s10] =	ssyncadd.s32 $0xFFFFEC00  }
0x159: {  	[tilespmem:s11], [sflag:$0x6] =	stream.indirect.gather [hbm4b:s24+s0], $0x40, s13, s0, $0xb8;
	[tilespmem:$0x1F220] =	vst v63  }
0x15a: {  	_ =	swait.ge [sflag:s12], $0x1400  }
0x15b: {  	[sflag:s12] =	ssyncset.done $0x0  }
0x15c: {  	s26 =	simm.s32 $0x28F0;
	[sflag:s12] =	ssyncadd.s32 $0xFFFFEC00  }
0x15d: {  	[spmem:s1] =	stream.indirect.scatter.add.f32 [tilespmem:s5], [sflag:$0x8], $0x40, s26, s0, $0xb8;
	[tilespmem:$0x1F220] =	vst v63  }
0x15e: {  	_ =	swait.ge [sflag:s14], $0x1400  }
0x15f: {  	[sflag:s14] =	ssyncset.done $0x0  }
0x160: {  	s8 =	simm.s32 $0x320;
	[sflag:s14] =	ssyncadd.s32 $0xFFFFEC00  }
0x161: {  	[tilespmem:s28], [sflag:$0x2] =	stream.indirect.gather [hbm4b:s24+s0], $0x40, s8, s0, $0xb8;
	[tilespmem:$0x1F220] =	vst v63  }
0x162: {  	_ =	swait.ge [sflag:s15], $0x1400  }
0x163: {  	[sflag:s15] =	ssyncset.done $0x0  }
0x164: {  	s26 =	simm.s32 $0x2940;
	[sflag:s15] =	ssyncadd.s32 $0xFFFFEC00  }
0x165: {  	[spmem:s1] =	stream.indirect.scatter.add.f32 [tilespmem:s7], [sflag:$0x9], $0x40, s26, s0, $0xb8;
	[tilespmem:$0x1F220] =	vst v63  }
0x166: {  	_ =	swait.ge [sflag:s17], $0x1400  }
0x167: {  	[sflag:s17] =	ssyncset.done $0x0  }
0x168: {  	s8 =	simm.s32 $0x370;
	[sflag:s17] =	ssyncadd.s32 $0xFFFFEC00  }
0x169: {  	[tilespmem:s5], [sflag:$0x3] =	stream.indirect.gather [hbm4b:s24+s0], $0x40, s8, s0, $0xb8;
	[tilespmem:$0x1F220] =	vst v63  }
0x16a: {  	_ =	swait.ge [sflag:s19], $0x1400  }
0x16b: {  	[sflag:s19] =	ssyncset.done $0x0  }
0x16c: {  	s26 =	simm.s32 $0x2990;
	[sflag:s19] =	ssyncadd.s32 $0xFFFFEC00  }
0x16d: {  	[spmem:s1] =	stream.indirect.scatter.add.f32 [tilespmem:s9], [sflag:$0xA], $0x40, s26, s0, $0xb8;
	[tilespmem:$0x1F220] =	vst v63  }
0x16e: {  	_ =	swait.ge [sflag:s21], $0x1400  }
0x16f: {  	[sflag:s21] =	ssyncset.done $0x0  }
0x170: {  	s8 =	simm.s32 $0x3C0;
	[sflag:s21] =	ssyncadd.s32 $0xFFFFEC00  }
0x171: {  	[tilespmem:s7], [sflag:$0x4] =	stream.indirect.gather [hbm4b:s24+s0], $0x40, s8, s0, $0xb8;
	[tilespmem:$0x1F220] =	vst v63  }
0x172: {  	_ =	swait.ge [sflag:s23], $0x1400  }
0x173: {  	[sflag:s23] =	ssyncset.done $0x0  }
0x174: {  	s26 =	simm.s32 $0x29E0;
	[sflag:s23] =	ssyncadd.s32 $0xFFFFEC00  }
0x175: {  	[spmem:s1] =	stream.indirect.scatter.add.f32 [tilespmem:s11], [sflag:$0xB], $0x40, s26, s0, $0xb8;
	[tilespmem:$0x1F220] =	vst v63  }
0x176: {  	_ =	swait.ge [sflag:s25], $0x1400  }
0x177: {  	[sflag:s25] =	ssyncset.done $0x0  }
0x178: {  	s8 =	simm.s32 $0x410;
	[sflag:s25] =	ssyncadd.s32 $0xFFFFEC00  }
0x179: {  	[tilespmem:s9], [sflag:$0x5] =	stream.indirect.gather [hbm4b:s24+s0], $0x40, s8, s0, $0xb8;
	[tilespmem:$0x1F220] =	vst v63  }
0x17a: {  	_ =	swait.ge [sflag:s2], $0x1400  }
0x17b: {  	[sflag:s2] =	ssyncset.done $0x0  }
0x17c: {  	s26 =	simm.s32 $0x2A30;
	[sflag:s2] =	ssyncadd.s32 $0xFFFFEC00  }
0x17d: {  	[spmem:s1] =	stream.indirect.scatter.add.f32 [tilespmem:s28], [sflag:$0x7], $0x40, s26, s0, $0xb8;
	[tilespmem:$0x1F220] =	vst v63  }
0x17e: {  	_ =	swait.ge [sflag:s10], $0x1400  }
0x17f: {  	[sflag:s10] =	ssyncset.done $0x0  }
0x180: {  	s6 =	simm.s32 $0x640;
	s26 =	simm.s32 $0x460;
	[sflag:s10] =	ssyncadd.s32 $0xFFFFEC00  }
.LBB2_6:
0x181: {  	[tilespmem:s11], [sflag:$0x6] =	stream.indirect.gather [hbm4b:s24+s0], $0x40, s26, s0, $0xb8;
	[tilespmem:$0x1F220] =	vst v63  }
0x182: {  	s8 =	smov.u32 s6  }
0x183: {  	p0 =	sne.s32 s6, $0x8980;
	s6 =	sadd.s32 $0x640, s6;
	_ =	swait.ge [sflag:s12], $0x1400  }
0x184: {  	s26 =	sshra.s32 s8, $0x2;
	[sflag:s12] =	ssyncset.done $0x0  }
0x185: {  	s8 =	sadd.s32 $0x28F0, s26;
	[sflag:s12] =	ssyncadd.s32 $0xFFFFEC00  }
0x186: {  	[spmem:s1] =	stream.indirect.scatter.add.f32 [tilespmem:s5], [sflag:$0x8], $0x40, s8, s0, $0xb8;
	[tilespmem:$0x1F220] =	vst v63  }
0x187: {  	_ =	swait.ge [sflag:s14], $0x1400  }
0x188: {  	[sflag:s14] =	ssyncset.done $0x0  }
0x189: {  	s8 =	sadd.s32 $0x320, s26;
	[sflag:s14] =	ssyncadd.s32 $0xFFFFEC00  }
0x18a: {  	[tilespmem:s28], [sflag:$0x2] =	stream.indirect.gather [hbm4b:s24+s0], $0x40, s8, s0, $0xb8;
	[tilespmem:$0x1F220] =	vst v63  }
0x18b: {  	_ =	swait.ge [sflag:s15], $0x1400  }
0x18c: {  	[sflag:s15] =	ssyncset.done $0x0  }
0x18d: {  	s8 =	sadd.s32 $0x2940, s26;
	[sflag:s15] =	ssyncadd.s32 $0xFFFFEC00  }
0x18e: {  	[spmem:s1] =	stream.indirect.scatter.add.f32 [tilespmem:s7], [sflag:$0x9], $0x40, s8, s0, $0xb8;
	[tilespmem:$0x1F220] =	vst v63  }
0x18f: {  	_ =	swait.ge [sflag:s17], $0x1400  }
0x190: {  	[sflag:s17] =	ssyncset.done $0x0  }
0x191: {  	s8 =	sadd.s32 $0x370, s26;
	[sflag:s17] =	ssyncadd.s32 $0xFFFFEC00  }
0x192: {  	[tilespmem:s5], [sflag:$0x3] =	stream.indirect.gather [hbm4b:s24+s0], $0x40, s8, s0, $0xb8;
	[tilespmem:$0x1F220] =	vst v63  }
0x193: {  	_ =	swait.ge [sflag:s19], $0x1400  }
0x194: {  	[sflag:s19] =	ssyncset.done $0x0  }
0x195: {  	s8 =	sadd.s32 $0x2990, s26;
	[sflag:s19] =	ssyncadd.s32 $0xFFFFEC00  }
0x196: {  	[spmem:s1] =	stream.indirect.scatter.add.f32 [tilespmem:s9], [sflag:$0xA], $0x40, s8, s0, $0xb8;
	[tilespmem:$0x1F220] =	vst v63  }
0x197: {  	_ =	swait.ge [sflag:s21], $0x1400  }
0x198: {  	[sflag:s21] =	ssyncset.done $0x0  }
0x199: {  	s8 =	sadd.s32 $0x3C0, s26;
	[sflag:s21] =	ssyncadd.s32 $0xFFFFEC00  }
0x19a: {  	[tilespmem:s7], [sflag:$0x4] =	stream.indirect.gather [hbm4b:s24+s0], $0x40, s8, s0, $0xb8;
	[tilespmem:$0x1F220] =	vst v63  }
0x19b: {  	_ =	swait.ge [sflag:s23], $0x1400  }
0x19c: {  	[sflag:s23] =	ssyncset.done $0x0  }
0x19d: {  	s8 =	sadd.s32 $0x29E0, s26;
	[sflag:s23] =	ssyncadd.s32 $0xFFFFEC00  }
0x19e: {  	[spmem:s1] =	stream.indirect.scatter.add.f32 [tilespmem:s11], [sflag:$0xB], $0x40, s8, s0, $0xb8;
	[tilespmem:$0x1F220] =	vst v63  }
0x19f: {  	_ =	swait.ge [sflag:s25], $0x1400  }
0x1a0: {  	[sflag:s25] =	ssyncset.done $0x0  }
0x1a1: {  	s8 =	sadd.s32 $0x410, s26;
	[sflag:s25] =	ssyncadd.s32 $0xFFFFEC00  }
0x1a2: {  	[tilespmem:s9], [sflag:$0x5] =	stream.indirect.gather [hbm4b:s24+s0], $0x40, s8, s0, $0xb8;
	[tilespmem:$0x1F220] =	vst v63  }
0x1a3: {  	_ =	swait.ge [sflag:s2], $0x1400  }
0x1a4: {  	[sflag:s2] =	ssyncset.done $0x0  }
.Ltmp2:
0x1a5: {  	s8 =	sadd.s32 $0x2A30, s26;
	[sflag:s2] =	ssyncadd.s32 $0xFFFFEC00;
	(pc) =	sbr.rel @p0 .LBB2_6-.Ltmp2, $4  }
0x1a6: {  	[spmem:s1] =	stream.indirect.scatter.add.f32 [tilespmem:s28], [sflag:$0x7], $0x40, s8, s0, $0xb8;
	[tilespmem:$0x1F220] =	vst v63  }
0x1a7: {  	_ =	swait.ge [sflag:s10], $0x1400  }
0x1a8: {  	[sflag:s10] =	ssyncset.done $0x0  }
0x1a9: {  	s26 =	sadd.s32 $0x460, s26;
	[sflag:s10] =	ssyncadd.s32 $0xFFFFEC00  }
0x1aa: {  	[tilespmem:s11], [sflag:$0x6] =	stream.indirect.gather [hbm4b:s24+s0], $0x40, s26, s0, $0xb8;
	[tilespmem:$0x1F220] =	vst v63  }
0x1ab: {  	_ =	swait.ge [sflag:s12], $0x1400  }
0x1ac: {  	[sflag:s12] =	ssyncset.done $0x0  }
0x1ad: {  	[sflag:s12] =	ssyncadd.s32 $0xFFFFEC00  }
0x1ae: {  	[spmem:s1] =	stream.indirect.scatter.add.f32 [tilespmem:s5], [sflag:$0x8], $0x40, s16, s0, $0xb8;
	[tilespmem:$0x1F220] =	vst v63  }
0x1af: {  	_ =	swait.ge [sflag:s15], $0x1400  }
0x1b0: {  	[sflag:s15] =	ssyncset.done $0x0  }
0x1b1: {  	[sflag:s15] =	ssyncadd.s32 $0xFFFFEC00  }
0x1b2: {  	[spmem:s1] =	stream.indirect.scatter.add.f32 [tilespmem:s7], [sflag:$0x9], $0x40, s18, s0, $0xb8;
	[tilespmem:$0x1F220] =	vst v63  }
0x1b3: {  	_ =	swait.ge [sflag:s19], $0x1400  }
0x1b4: {  	[sflag:s19] =	ssyncset.done $0x0  }
0x1b5: {  	[sflag:s19] =	ssyncadd.s32 $0xFFFFEC00  }
0x1b6: {  	[spmem:s1] =	stream.indirect.scatter.add.f32 [tilespmem:s9], [sflag:$0xA], $0x40, s20, s0, $0xb8;
	[tilespmem:$0x1F220] =	vst v63  }
0x1b7: {  	_ =	swait.ge [sflag:s23], $0x1400  }
0x1b8: {  	[sflag:s23] =	ssyncset.done $0x0  }
0x1b9: {  	[sflag:s23] =	ssyncadd.s32 $0xFFFFEC00  }
0x1ba: {  	[spmem:s1] =	stream.indirect.scatter.add.f32 [tilespmem:s11], [sflag:$0xB], $0x40, s22, s0, $0xb8;
	[tilespmem:$0x1F220] =	vst v63  }
0x1bb: {  	_ =	swait.ge [sflag:s14], $0x1400  }
0x1bc: {  	[sflag:s14] =	ssyncset.done $0x0  }
0x1bd: {  	[sflag:s14] =	ssyncadd.s32 $0xFFFFEC00  }
0x1be: {  	_ =	swait.ge [sflag:s17], $0x1400  }
0x1bf: {  	[sflag:s17] =	ssyncset.done $0x0  }
0x1c0: {  	[sflag:s17] =	ssyncadd.s32 $0xFFFFEC00  }
0x1c1: {  	_ =	swait.ge [sflag:s21], $0x1400  }
0x1c2: {  	[sflag:s21] =	ssyncset.done $0x0  }
0x1c3: {  	[sflag:s21] =	ssyncadd.s32 $0xFFFFEC00  }
0x1c4: {  	_ =	swait.ge [sflag:s25], $0x1400  }
0x1c5: {  	[sflag:s25] =	ssyncset.done $0x0  }
0x1c6: {  	[sflag:s25] =	ssyncadd.s32 $0xFFFFEC00  }
0x1c7: {  	_ =	swait.ge [sflag:s10], $0x1400  }
0x1c8: {  	[sflag:s10] =	ssyncset.done $0x0  }
0x1c9: {  	s6 =	stileid.u32;
	[sflag:s10] =	ssyncadd.s32 $0xFFFFEC00  }
0x1ca: {  	s6 =	sshll.u32 s6, $0x6;
	[bflag:$0x0] =	sbarrier.arrive $0xFFFF  }
0x1cb: {  	s8 =	sshrl.u32 s4, $0x3;
	s6 =	sor.u32 $0x1C0C, s6;
	s26 =	rddreg [dreg:$0x16]  }
0x1cc: {  	[hbm:s26], [sflag:s6] =	dma.local [spmem:s8], $0x2800  }
0x1cd: {  	_ =	swait.ge [sflag:s29], $0x2800  }
0x1ce: {  	s3 =	sadd.s32 $0x1, s3;
	s26 =	rddreg [dreg:$0x17]  }
0x1cf: {  	p0 =	sne.s32 s3, s26  }
.Ltmp3:
0x1d0: {  	_ = 	snop;
	(pc) =	sbr.rel @p0 .LBB2_1-.Ltmp3, $3  }
0x1d1: {  	_ =	sdelay $0x1  }
0x1d2: {  	[sflag:s29] =	ssyncset.done $0x0  }
0x1d3: {  	[sflag:s29] =	ssyncadd.s32 $0xFFFFD800  }
0x1d4: {  	_ =	sfence.sel $0x180000  }
0x1d5: {  	[bflag:$0x0] =	sbarrier.arrive $0xFFFF  }
0x1d6: {  	_ =	strace $0x9000004A  }
0x1d7: {  	s0 =	stileid.u32;
	[bflag:$0x2] =	sbarrier.arrive $0xFFFF  }
0x1d8: {  	p0 =	sne.s32 s0, $0x0;
	s0 =	rddreg [dreg:$0x2]  }
0x1d9: {  	s0 =	sadd.s32 @!p0 $0x100000, s0  }
0x1da: {  	[sflag:s0] =	ssyncadd.tile.s32 @!p0 $0x1;
	_ =	shalt  }
.Lfunc_end2:
_tile_overlayer_lowered:
.L_overlay_start_2:
0x1db: {  	(tag) =	ssettag $0x2  }
0x1dc: {  	s0 =	rddreg [dreg:$0x0];
	s2 =	stileid.u32  }
0x1dd: {  	s1 =	rddreg [dreg:$0x1];
	p0 =	sne.s32 s2, $0x0  }
0x1de: {  	s3 =	rddreg [dreg:$0x2];
	[bflag:$0x3] =	sbarrier.arrive $0xFFFF;
	s2 =	simm.s32 @!p0 $0x1C0C  }
0x1df: {  	[timem:s3], [sflag:s2] =	dma.local @!p0 [hbm:s0], s1  }
0x1e0: {  	s0 =	simm.s32 @!p0 $0xC  }
0x1e1: {  	_ =	swait.ge @!p0 [sflag:s0], s1  }
0x1e2: {  	s1 =	ssub.s32 @!p0 $0x0, s1;
	[sflag:s0] =	ssyncset.done @!p0 $0x0  }
0x1e3: {  	[sflag:s0] =	ssyncadd.s32 @!p0 s1  }
0x1e4: {  	[bflag:$0x3] =	sbarrier.arrive $0xFFFF  }
0x1e5: {  	_ =	shalt  }

</sc_bundles>
